<compile_context>
chip_gen: v7x
topology: tpu7x:2x2x1
jax: 0.10.2.dev20260603
libtpu: 0.0.44.dev20260713+nightly
codegen_flags: <defaults>
</compile_context>

<pallas_src>
import jax
import jax.numpy as jnp
from jax import lax
from jax.experimental import pallas as pl
from jax.experimental.pallas import tpu as pltpu
from jax.experimental.pallas import tpu_sc as plsc

_RANK = 16
_LAMBD = 0.01
_BATCH = 16384
_NC, _NS, _L = 2, 16, 16
_NW = _NC * _NS
_BPW = _BATCH // _NW
_NB = 16
_NG = _BPW // _NB


def _sc_body(idx0_hbm, idx1_hbm, idx2_hbm, y_hbm, f0_hbm, f1_hbm, f2_hbm,
             out_hbm, idx0_v, idx1_v, idx2_v, y_v, slabs_v, out_v, dummy_hbm,
             sems):
    wid = lax.axis_index("s") * _NC + lax.axis_index("c")
    base = wid * _BPW
    c0 = pltpu.async_copy(idx0_hbm.at[pl.ds(base, _BPW)], idx0_v, sems.at[0])
    c1 = pltpu.async_copy(idx1_hbm.at[pl.ds(base, _BPW)], idx1_v, sems.at[1])
    c2 = pltpu.async_copy(idx2_hbm.at[pl.ds(base, _BPW)], idx2_v, sems.at[2])
    c3 = pltpu.async_copy(y_hbm.at[pl.ds(base, _BPW)], y_v, sems.at[3])
    c0.wait()
    c1.wait()
    c2.wait()
    c3.wait()

    tables = (f0_hbm, f1_hbm, f2_hbm)
    lane = lax.iota(jnp.int32, _L)

    def fire(j, ivs):
        for t in range(3):
            i = ivs[t][j]
            off = pl.multiple_of(
                lax.shift_left(lax.shift_right_logical(i, 7), 7), 128)
            pltpu.async_copy(
                tables[t].at[:, pl.ds(off, 128)],
                slabs_v.at[pl.ds((j * 3 + t) * _L, _L)],
                sems.at[j])

    def drain(j):
        pltpu.make_async_copy(
            dummy_hbm,
            slabs_v.at[pl.ds(j * 3 * _L, 3 * _L)],
            sems.at[j]).wait()

    def load_block_indices(g):
        return (idx0_v[pl.ds(g * _NB, _NB)],
                idx1_v[pl.ds(g * _NB, _NB)],
                idx2_v[pl.ds(g * _NB, _NB)])

    ivs0 = load_block_indices(0)
    for j in range(_NB):
        fire(j, ivs0)

    def body(g, carry):
        acc, reg = carry
        ivs = load_block_indices(g)
        yv = y_v[pl.ds(g * _NB, _NB)]
        nxt = jnp.minimum(g + 1, _NG - 1)
        nivs = load_block_indices(nxt)
        svec = jnp.zeros((_L,), jnp.float32)
        for j in range(_NB):
            drain(j)
            v = []
            for t in range(3):
                col = jnp.broadcast_to(jnp.bitwise_and(ivs[t][j], 127), (_L,))
                row = (j * 3 + t) * _L + lane
                v.append(plsc.load_gather(slabs_v, [row, col]))
            p = v[0] * v[1] * v[2]
            svec = jnp.where(lane == j, jnp.sum(p), svec)
            reg = reg + v[0] * v[0] + v[1] * v[1] + v[2] * v[2]

            @pl.when(g < _NG - 1)
            def _():
                fire(j, nivs)

        e = svec - yv
        return acc + e * e, reg

    zero = jnp.zeros((_L,), jnp.float32)
    acc, reg = lax.fori_loop(0, _NG, body, (zero, zero))
    out_v[...] = _LAMBD * reg + acc
    pltpu.sync_copy(out_v, out_hbm.at[wid])


@jax.jit
def _partials(idx0, idx1, idx2, y, f0t, f1t, f2t):
    mesh = plsc.VectorSubcoreMesh(core_axis_name="c", subcore_axis_name="s")
    return pl.kernel(
        _sc_body,
        out_type=jax.ShapeDtypeStruct((_NW, _L), jnp.float32),
        mesh=mesh,
        compiler_params=pltpu.CompilerParams(needs_layout_passes=False),
        scratch_types=[
            pltpu.VMEM((_BPW,), jnp.int32),
            pltpu.VMEM((_BPW,), jnp.int32),
            pltpu.VMEM((_BPW,), jnp.int32),
            pltpu.VMEM((_BPW,), jnp.float32),
            pltpu.VMEM((_NB * 3 * _L, 128), jnp.float32),
            pltpu.VMEM((_L,), jnp.float32),
            pltpu.HBM((3 * _L, 128), jnp.float32),
            pltpu.SemaphoreType.DMA((_NB,)),
        ],
    )(idx0, idx1, idx2, y, f0t, f1t, f2t)


def kernel(indices, y, factor0, factor1, factor2):
    idx0 = indices[:, 0]
    idx1 = indices[:, 1]
    idx2 = indices[:, 2]
    parts = _partials(idx0, idx1, idx2, y,
                      factor0.T, factor1.T, factor2.T)
    return jnp.sum(parts)

# --- scband reference (transcript-rebuilt; emitter-appended) ---
"""Pipeline reference for scband-cpdecomp-pytorch3-d-47175920779587 (READ-ONLY COPY).

The authoritative reference and input builder live on the scoring server;
editing this copy changes nothing except your own understanding.
"""

import jax, jax.numpy as jnp
import numpy as np

DIMS = [1000000, 1000000, 1000000]
RANK = 16
LAMBD = 0.01
BATCH = 16384


def setup_inputs(seed: int = 0) -> dict:
    key = jax.random.key(seed)
    k0, k1, k2, k3, k4 = jax.random.split(key, 5)
    indices = jax.random.randint(k0, (BATCH, 3), 0, DIMS[0], dtype=jnp.int32)
    y = jax.random.normal(k1, (BATCH,), dtype=jnp.float32)
    factor0 = jax.random.normal(k2, (DIMS[0], RANK), dtype=jnp.float32) * 0.1
    factor1 = jax.random.normal(k3, (DIMS[1], RANK), dtype=jnp.float32) * 0.1
    factor2 = jax.random.normal(k4, (DIMS[2], RANK), dtype=jnp.float32) * 0.1
    return {"indices": indices, "y": y, "factor0": factor0, "factor1": factor1, "factor2": factor2}


def reference(indices, y, factor0, factor1, factor2):
    # Faithful translation of CPDecompPytorch3D.loss_fun:
    # per-dim embedding gathers, elementwise (Hadamard) product accumulation,
    # L2 regularization on gathered rows, squared-error data term.
    v0 = jnp.take(factor0, indices[:, 0], axis=0)  # [B, R]
    v1 = jnp.take(factor1, indices[:, 1], axis=0)
    v2 = jnp.take(factor2, indices[:, 2], axis=0)
    inners = jnp.ones((indices.shape[0], RANK), dtype=jnp.float32)
    loss = 0.0
    for v in (v0, v1, v2):
        inners = inners * v
        loss = loss + LAMBD * jnp.sum(v ** 2)
    loss = loss + jnp.sum((jnp.sum(inners, axis=1) - y) ** 2)
    return loss

if __name__ == "__main__":
    import jax
    _d = setup_inputs()
    print(jax.jit(kernel)(*tuple(_d.values())))

</pallas_src>

<mosaic_0001>
#map = affine_map<(d0, d1) -> (0)>
#map1 = affine_map<(d0, d1) -> (0, 0)>
module attributes {stable_mosaic.version = 14 : i64} {
  func.func @_sc_body(%arg0: i32, %arg1: i32, %arg2: memref<16384xi32, #tpu.memory_space<hbm>>, %arg3: memref<16384xi32, #tpu.memory_space<hbm>>, %arg4: memref<16384xi32, #tpu.memory_space<hbm>>, %arg5: memref<16384xf32, #tpu.memory_space<hbm>>, %arg6: memref<16x1000000xf32, #tpu.memory_space<hbm>>, %arg7: memref<16x1000000xf32, #tpu.memory_space<hbm>>, %arg8: memref<16x1000000xf32, #tpu.memory_space<hbm>>, %arg9: memref<32x16xf32, #tpu.memory_space<hbm>>, %arg10: memref<512xi32, #tpu.memory_space<vmem>>, %arg11: memref<512xi32, #tpu.memory_space<vmem>>, %arg12: memref<512xi32, #tpu.memory_space<vmem>>, %arg13: memref<512xf32, #tpu.memory_space<vmem>>, %arg14: memref<768x128xf32, #tpu.memory_space<vmem>>, %arg15: memref<16xf32, #tpu.memory_space<vmem>>, %arg16: memref<48x128xf32, #tpu.memory_space<hbm>>, %arg17: memref<16x!tpu.dma_semaphore, #tpu.memory_space<semaphore_mem>>) attributes {dimension_semantics = [#tpu.dimension_semantics<core_parallel>, #tpu.dimension_semantics<subcore_parallel>], iteration_bounds = array<i64: 2, 16>, scalar_prefetch = 0 : i64, scratch_operands = 8 : i64, tpu.core_type = #tpu.core_type<sc_vector_subcore>, window_params = [{transform_indices = #map}, {transform_indices = #map}, {transform_indices = #map}, {transform_indices = #map}, {transform_indices = #map1}, {transform_indices = #map1}, {transform_indices = #map1}, {transform_indices = #map1}]} {
    %mul3A = arith.constant 2 : i32
    %mul3A_0 = arith.muli %arg1, %mul3A : i32
    %add3A = arith.addi %mul3A_0, %arg0 : i32
    %mul3A_1 = arith.constant 512 : i32
    %mul3A_2 = arith.muli %add3A, %mul3A_1 : i32
    %dma_start3A = arith.constant 0 : i32
    %dma_start3A_3 = tpu.memref_slice %arg2[%mul3A_2] : memref<16384xi32, #tpu.memory_space<hbm>> -> memref<512xi32, #tpu.memory_space<hbm>>
    %dma_start3A_4 = tpu.memref_slice %arg17[%dma_start3A] : memref<16x!tpu.dma_semaphore, #tpu.memory_space<semaphore_mem>> -> memref<1x!tpu.dma_semaphore, #tpu.memory_space<semaphore_mem>>
    %dma_start3A_5 = tpu.memref_squeeze %dma_start3A_4 : memref<1x!tpu.dma_semaphore, #tpu.memory_space<semaphore_mem>> -> memref<!tpu.dma_semaphore, #tpu.memory_space<semaphore_mem>>
    %dma_start3A_6 = tpu.memref_slice %arg2[%mul3A_2] : memref<16384xi32, #tpu.memory_space<hbm>> -> memref<512xi32, #tpu.memory_space<hbm>>
    tpu.enqueue_dma source(%dma_start3A_6 : memref<512xi32, #tpu.memory_space<hbm>>) target(%arg10 : memref<512xi32, #tpu.memory_space<vmem>>) target_semaphore(%dma_start3A_5 : memref<!tpu.dma_semaphore, #tpu.memory_space<semaphore_mem>>)
    %dma_start3A_7 = arith.constant 1 : i32
    %dma_start3A_8 = tpu.memref_slice %arg3[%mul3A_2] : memref<16384xi32, #tpu.memory_space<hbm>> -> memref<512xi32, #tpu.memory_space<hbm>>
    %dma_start3A_9 = tpu.memref_slice %arg17[%dma_start3A_7] : memref<16x!tpu.dma_semaphore, #tpu.memory_space<semaphore_mem>> -> memref<1x!tpu.dma_semaphore, #tpu.memory_space<semaphore_mem>>
    %dma_start3A_10 = tpu.memref_squeeze %dma_start3A_9 : memref<1x!tpu.dma_semaphore, #tpu.memory_space<semaphore_mem>> -> memref<!tpu.dma_semaphore, #tpu.memory_space<semaphore_mem>>
    %dma_start3A_11 = tpu.memref_slice %arg3[%mul3A_2] : memref<16384xi32, #tpu.memory_space<hbm>> -> memref<512xi32, #tpu.memory_space<hbm>>
    tpu.enqueue_dma source(%dma_start3A_11 : memref<512xi32, #tpu.memory_space<hbm>>) target(%arg11 : memref<512xi32, #tpu.memory_space<vmem>>) target_semaphore(%dma_start3A_10 : memref<!tpu.dma_semaphore, #tpu.memory_space<semaphore_mem>>)
    %dma_start3A_12 = arith.constant 2 : i32
    %dma_start3A_13 = tpu.memref_slice %arg4[%mul3A_2] : memref<16384xi32, #tpu.memory_space<hbm>> -> memref<512xi32, #tpu.memory_space<hbm>>
    %dma_start3A_14 = tpu.memref_slice %arg17[%dma_start3A_12] : memref<16x!tpu.dma_semaphore, #tpu.memory_space<semaphore_mem>> -> memref<1x!tpu.dma_semaphore, #tpu.memory_space<semaphore_mem>>
    %dma_start3A_15 = tpu.memref_squeeze %dma_start3A_14 : memref<1x!tpu.dma_semaphore, #tpu.memory_space<semaphore_mem>> -> memref<!tpu.dma_semaphore, #tpu.memory_space<semaphore_mem>>
    %dma_start3A_16 = tpu.memref_slice %arg4[%mul3A_2] : memref<16384xi32, #tpu.memory_space<hbm>> -> memref<512xi32, #tpu.memory_space<hbm>>
    tpu.enqueue_dma source(%dma_start3A_16 : memref<512xi32, #tpu.memory_space<hbm>>) target(%arg12 : memref<512xi32, #tpu.memory_space<vmem>>) target_semaphore(%dma_start3A_15 : memref<!tpu.dma_semaphore, #tpu.memory_space<semaphore_mem>>)
    %dma_start3A_17 = arith.constant 3 : i32
    %dma_start3A_18 = tpu.memref_slice %arg5[%mul3A_2] : memref<16384xf32, #tpu.memory_space<hbm>> -> memref<512xf32, #tpu.memory_space<hbm>>
    %dma_start3A_19 = tpu.memref_slice %arg17[%dma_start3A_17] : memref<16x!tpu.dma_semaphore, #tpu.memory_space<semaphore_mem>> -> memref<1x!tpu.dma_semaphore, #tpu.memory_space<semaphore_mem>>
    %dma_start3A_20 = tpu.memref_squeeze %dma_start3A_19 : memref<1x!tpu.dma_semaphore, #tpu.memory_space<semaphore_mem>> -> memref<!tpu.dma_semaphore, #tpu.memory_space<semaphore_mem>>
    %dma_start3A_21 = tpu.memref_slice %arg5[%mul3A_2] : memref<16384xf32, #tpu.memory_space<hbm>> -> memref<512xf32, #tpu.memory_space<hbm>>
    tpu.enqueue_dma source(%dma_start3A_21 : memref<512xf32, #tpu.memory_space<hbm>>) target(%arg13 : memref<512xf32, #tpu.memory_space<vmem>>) target_semaphore(%dma_start3A_20 : memref<!tpu.dma_semaphore, #tpu.memory_space<semaphore_mem>>)
    %dma_wait3A = arith.constant 0 : i32
    %dma_wait3A_22 = tpu.memref_slice %arg2[%mul3A_2] : memref<16384xi32, #tpu.memory_space<hbm>> -> memref<512xi32, #tpu.memory_space<hbm>>
    %dma_wait3A_23 = tpu.memref_slice %arg17[%dma_wait3A] : memref<16x!tpu.dma_semaphore, #tpu.memory_space<semaphore_mem>> -> memref<1x!tpu.dma_semaphore, #tpu.memory_space<semaphore_mem>>
    %dma_wait3A_24 = tpu.memref_squeeze %dma_wait3A_23 : memref<1x!tpu.dma_semaphore, #tpu.memory_space<semaphore_mem>> -> memref<!tpu.dma_semaphore, #tpu.memory_space<semaphore_mem>>
    %dma_wait3A_25 = tpu.memref_slice %arg2[%mul3A_2] : memref<16384xi32, #tpu.memory_space<hbm>> -> memref<512xi32, #tpu.memory_space<hbm>>
    tpu.wait_dma2 semaphore(%dma_wait3A_24 : memref<!tpu.dma_semaphore, #tpu.memory_space<semaphore_mem>>) src(%dma_wait3A_25 : memref<512xi32, #tpu.memory_space<hbm>>) dst(%arg10 : memref<512xi32, #tpu.memory_space<vmem>>)
    %dma_wait3A_26 = arith.constant 1 : i32
    %dma_wait3A_27 = tpu.memref_slice %arg3[%mul3A_2] : memref<16384xi32, #tpu.memory_space<hbm>> -> memref<512xi32, #tpu.memory_space<hbm>>
    %dma_wait3A_28 = tpu.memref_slice %arg17[%dma_wait3A_26] : memref<16x!tpu.dma_semaphore, #tpu.memory_space<semaphore_mem>> -> memref<1x!tpu.dma_semaphore, #tpu.memory_space<semaphore_mem>>
    %dma_wait3A_29 = tpu.memref_squeeze %dma_wait3A_28 : memref<1x!tpu.dma_semaphore, #tpu.memory_space<semaphore_mem>> -> memref<!tpu.dma_semaphore, #tpu.memory_space<semaphore_mem>>
    %dma_wait3A_30 = tpu.memref_slice %arg3[%mul3A_2] : memref<16384xi32, #tpu.memory_space<hbm>> -> memref<512xi32, #tpu.memory_space<hbm>>
    tpu.wait_dma2 semaphore(%dma_wait3A_29 : memref<!tpu.dma_semaphore, #tpu.memory_space<semaphore_mem>>) src(%dma_wait3A_30 : memref<512xi32, #tpu.memory_space<hbm>>) dst(%arg11 : memref<512xi32, #tpu.memory_space<vmem>>)
    %dma_wait3A_31 = arith.constant 2 : i32
    %dma_wait3A_32 = tpu.memref_slice %arg4[%mul3A_2] : memref<16384xi32, #tpu.memory_space<hbm>> -> memref<512xi32, #tpu.memory_space<hbm>>
    %dma_wait3A_33 = tpu.memref_slice %arg17[%dma_wait3A_31] : memref<16x!tpu.dma_semaphore, #tpu.memory_space<semaphore_mem>> -> memref<1x!tpu.dma_semaphore, #tpu.memory_space<semaphore_mem>>
    %dma_wait3A_34 = tpu.memref_squeeze %dma_wait3A_33 : memref<1x!tpu.dma_semaphore, #tpu.memory_space<semaphore_mem>> -> memref<!tpu.dma_semaphore, #tpu.memory_space<semaphore_mem>>
    %dma_wait3A_35 = tpu.memref_slice %arg4[%mul3A_2] : memref<16384xi32, #tpu.memory_space<hbm>> -> memref<512xi32, #tpu.memory_space<hbm>>
    tpu.wait_dma2 semaphore(%dma_wait3A_34 : memref<!tpu.dma_semaphore, #tpu.memory_space<semaphore_mem>>) src(%dma_wait3A_35 : memref<512xi32, #tpu.memory_space<hbm>>) dst(%arg12 : memref<512xi32, #tpu.memory_space<vmem>>)
    %dma_wait3A_36 = arith.constant 3 : i32
    %dma_wait3A_37 = tpu.memref_slice %arg5[%mul3A_2] : memref<16384xf32, #tpu.memory_space<hbm>> -> memref<512xf32, #tpu.memory_space<hbm>>
    %dma_wait3A_38 = tpu.memref_slice %arg17[%dma_wait3A_36] : memref<16x!tpu.dma_semaphore, #tpu.memory_space<semaphore_mem>> -> memref<1x!tpu.dma_semaphore, #tpu.memory_space<semaphore_mem>>
    %dma_wait3A_39 = tpu.memref_squeeze %dma_wait3A_38 : memref<1x!tpu.dma_semaphore, #tpu.memory_space<semaphore_mem>> -> memref<!tpu.dma_semaphore, #tpu.memory_space<semaphore_mem>>
    %dma_wait3A_40 = tpu.memref_slice %arg5[%mul3A_2] : memref<16384xf32, #tpu.memory_space<hbm>> -> memref<512xf32, #tpu.memory_space<hbm>>
    tpu.wait_dma2 semaphore(%dma_wait3A_39 : memref<!tpu.dma_semaphore, #tpu.memory_space<semaphore_mem>>) src(%dma_wait3A_40 : memref<512xf32, #tpu.memory_space<hbm>>) dst(%arg13 : memref<512xf32, #tpu.memory_space<vmem>>)
    %iota3A = tpu.iota {dimensions = array<i32: 0>} : vector<16xi32>
    %get3A = arith.constant 0 : index
    %get3A_41 = tpu.vector_load %arg10[%get3A] {strides = array<i32>} : memref<512xi32, #tpu.memory_space<vmem>>, vector<16xi32>,
    %get3A_42 = arith.constant 0 : index
    %get3A_43 = tpu.vector_load %arg11[%get3A_42] {strides = array<i32>} : memref<512xi32, #tpu.memory_space<vmem>>, vector<16xi32>,
    %get3A_44 = arith.constant 0 : index
    %get3A_45 = tpu.vector_load %arg12[%get3A_44] {strides = array<i32>} : memref<512xi32, #tpu.memory_space<vmem>>, vector<16xi32>,
    %slice3A = vector.extract_strided_slice %get3A_41 {offsets = [0], sizes = [1], strides = [1]} : vector<16xi32> to vector<1xi32>
    %squeeze3A = vector.extract %slice3A[0] : i32 from vector<1xi32>
    %shift_right_logical3A = arith.constant 7 : i32
    %shift_right_logical3A_46 = arith.shrui %squeeze3A, %shift_right_logical3A : i32
    %shift_left3A = arith.constant 7 : i32
    %shift_left3A_47 = arith.shli %shift_right_logical3A_46, %shift_left3A : i32
    %multiple_of3A = tpu.assume_multiple %shift_left3A_47, 128 : i32
    %dma_start3A_48 = arith.constant 0 : i32
    %dma_start3A_49 = arith.constant 0 : i32
    %dma_start3A_50 = arith.constant 0 : i32
    %dma_start3A_51 = tpu.memref_slice %arg14[%dma_start3A_49, %dma_start3A_50] : memref<768x128xf32, #tpu.memory_space<vmem>> -> memref<16x128xf32, #tpu.memory_space<vmem>>
    %dma_start3A_52 = arith.constant 0 : i32
    %dma_start3A_53 = tpu.memref_slice %arg6[%dma_start3A_52, %multiple_of3A] : memref<16x1000000xf32, #tpu.memory_space<hbm>> -> memref<16x128xf32, #tpu.memory_space<hbm>>
    %dma_start3A_54 = tpu.memref_slice %arg17[%dma_start3A_48] : memref<16x!tpu.dma_semaphore, #tpu.memory_space<semaphore_mem>> -> memref<1x!tpu.dma_semaphore, #tpu.memory_space<semaphore_mem>>
    %dma_start3A_55 = tpu.memref_squeeze %dma_start3A_54 : memref<1x!tpu.dma_semaphore, #tpu.memory_space<semaphore_mem>> -> memref<!tpu.dma_semaphore, #tpu.memory_space<semaphore_mem>>
    %dma_start3A_56 = arith.constant 0 : i32
    %dma_start3A_57 = arith.constant 0 : i32
    %dma_start3A_58 = tpu.memref_slice %arg14[%dma_start3A_56, %dma_start3A_57] : memref<768x128xf32, #tpu.memory_space<vmem>> -> memref<16x128xf32, #tpu.memory_space<vmem>>
    %dma_start3A_59 = arith.constant 0 : i32
    %dma_start3A_60 = tpu.memref_slice %arg6[%dma_start3A_59, %multiple_of3A] : memref<16x1000000xf32, #tpu.memory_space<hbm>> -> memref<16x128xf32, #tpu.memory_space<hbm>>
    tpu.enqueue_dma source(%dma_start3A_60 : memref<16x128xf32, #tpu.memory_space<hbm>>) target(%dma_start3A_58 : memref<16x128xf32, #tpu.memory_space<vmem>>) target_semaphore(%dma_start3A_55 : memref<!tpu.dma_semaphore, #tpu.memory_space<semaphore_mem>>)
    %slice3A_61 = vector.extract_strided_slice %get3A_43 {offsets = [0], sizes = [1], strides = [1]} : vector<16xi32> to vector<1xi32>
    %squeeze3A_62 = vector.extract %slice3A_61[0] : i32 from vector<1xi32>
    %shift_right_logical3A_63 = arith.constant 7 : i32
    %shift_right_logical3A_64 = arith.shrui %squeeze3A_62, %shift_right_logical3A_63 : i32
    %shift_left3A_65 = arith.constant 7 : i32
    %shift_left3A_66 = arith.shli %shift_right_logical3A_64, %shift_left3A_65 : i32
    %multiple_of3A_67 = tpu.assume_multiple %shift_left3A_66, 128 : i32
    %dma_start3A_68 = arith.constant 0 : i32
    %dma_start3A_69 = arith.constant 16 : i32
    %dma_start3A_70 = arith.constant 0 : i32
    %dma_start3A_71 = tpu.memref_slice %arg14[%dma_start3A_69, %dma_start3A_70] : memref<768x128xf32, #tpu.memory_space<vmem>> -> memref<16x128xf32, #tpu.memory_space<vmem>>
    %dma_start3A_72 = arith.constant 0 : i32
    %dma_start3A_73 = tpu.memref_slice %arg7[%dma_start3A_72, %multiple_of3A_67] : memref<16x1000000xf32, #tpu.memory_space<hbm>> -> memref<16x128xf32, #tpu.memory_space<hbm>>
    %dma_start3A_74 = tpu.memref_slice %arg17[%dma_start3A_68] : memref<16x!tpu.dma_semaphore, #tpu.memory_space<semaphore_mem>> -> memref<1x!tpu.dma_semaphore, #tpu.memory_space<semaphore_mem>>
    %dma_start3A_75 = tpu.memref_squeeze %dma_start3A_74 : memref<1x!tpu.dma_semaphore, #tpu.memory_space<semaphore_mem>> -> memref<!tpu.dma_semaphore, #tpu.memory_space<semaphore_mem>>
    %dma_start3A_76 = arith.constant 16 : i32
    %dma_start3A_77 = arith.constant 0 : i32
    %dma_start3A_78 = tpu.memref_slice %arg14[%dma_start3A_76, %dma_start3A_77] : memref<768x128xf32, #tpu.memory_space<vmem>> -> memref<16x128xf32, #tpu.memory_space<vmem>>
    %dma_start3A_79 = arith.constant 0 : i32
    %dma_start3A_80 = tpu.memref_slice %arg7[%dma_start3A_79, %multiple_of3A_67] : memref<16x1000000xf32, #tpu.memory_space<hbm>> -> memref<16x128xf32, #tpu.memory_space<hbm>>
    tpu.enqueue_dma source(%dma_start3A_80 : memref<16x128xf32, #tpu.memory_space<hbm>>) target(%dma_start3A_78 : memref<16x128xf32, #tpu.memory_space<vmem>>) target_semaphore(%dma_start3A_75 : memref<!tpu.dma_semaphore, #tpu.memory_space<semaphore_mem>>)
    %slice3A_81 = vector.extract_strided_slice %get3A_45 {offsets = [0], sizes = [1], strides = [1]} : vector<16xi32> to vector<1xi32>
    %squeeze3A_82 = vector.extract %slice3A_81[0] : i32 from vector<1xi32>
    %shift_right_logical3A_83 = arith.constant 7 : i32
    %shift_right_logical3A_84 = arith.shrui %squeeze3A_82, %shift_right_logical3A_83 : i32
    %shift_left3A_85 = arith.constant 7 : i32
    %shift_left3A_86 = arith.shli %shift_right_logical3A_84, %shift_left3A_85 : i32
    %multiple_of3A_87 = tpu.assume_multiple %shift_left3A_86, 128 : i32
    %dma_start3A_88 = arith.constant 0 : i32
    %dma_start3A_89 = arith.constant 32 : i32
    %dma_start3A_90 = arith.constant 0 : i32
    %dma_start3A_91 = tpu.memref_slice %arg14[%dma_start3A_89, %dma_start3A_90] : memref<768x128xf32, #tpu.memory_space<vmem>> -> memref<16x128xf32, #tpu.memory_space<vmem>>
    %dma_start3A_92 = arith.constant 0 : i32
    %dma_start3A_93 = tpu.memref_slice %arg8[%dma_start3A_92, %multiple_of3A_87] : memref<16x1000000xf32, #tpu.memory_space<hbm>> -> memref<16x128xf32, #tpu.memory_space<hbm>>
    %dma_start3A_94 = tpu.memref_slice %arg17[%dma_start3A_88] : memref<16x!tpu.dma_semaphore, #tpu.memory_space<semaphore_mem>> -> memref<1x!tpu.dma_semaphore, #tpu.memory_space<semaphore_mem>>
    %dma_start3A_95 = tpu.memref_squeeze %dma_start3A_94 : memref<1x!tpu.dma_semaphore, #tpu.memory_space<semaphore_mem>> -> memref<!tpu.dma_semaphore, #tpu.memory_space<semaphore_mem>>
    %dma_start3A_96 = arith.constant 32 : i32
    %dma_start3A_97 = arith.constant 0 : i32
    %dma_start3A_98 = tpu.memref_slice %arg14[%dma_start3A_96, %dma_start3A_97] : memref<768x128xf32, #tpu.memory_space<vmem>> -> memref<16x128xf32, #tpu.memory_space<vmem>>
    %dma_start3A_99 = arith.constant 0 : i32
    %dma_start3A_100 = tpu.memref_slice %arg8[%dma_start3A_99, %multiple_of3A_87] : memref<16x1000000xf32, #tpu.memory_space<hbm>> -> memref<16x128xf32, #tpu.memory_space<hbm>>
    tpu.enqueue_dma source(%dma_start3A_100 : memref<16x128xf32, #tpu.memory_space<hbm>>) target(%dma_start3A_98 : memref<16x128xf32, #tpu.memory_space<vmem>>) target_semaphore(%dma_start3A_95 : memref<!tpu.dma_semaphore, #tpu.memory_space<semaphore_mem>>)
    %slice3A_101 = vector.extract_strided_slice %get3A_41 {offsets = [1], sizes = [1], strides = [1]} : vector<16xi32> to vector<1xi32>
    %squeeze3A_102 = vector.extract %slice3A_101[0] : i32 from vector<1xi32>
    %shift_right_logical3A_103 = arith.constant 7 : i32
    %shift_right_logical3A_104 = arith.shrui %squeeze3A_102, %shift_right_logical3A_103 : i32
    %shift_left3A_105 = arith.constant 7 : i32
    %shift_left3A_106 = arith.shli %shift_right_logical3A_104, %shift_left3A_105 : i32
    %multiple_of3A_107 = tpu.assume_multiple %shift_left3A_106, 128 : i32
    %dma_start3A_108 = arith.constant 1 : i32
    %dma_start3A_109 = arith.constant 48 : i32
    %dma_start3A_110 = arith.constant 0 : i32
    %dma_start3A_111 = tpu.memref_slice %arg14[%dma_start3A_109, %dma_start3A_110] : memref<768x128xf32, #tpu.memory_space<vmem>> -> memref<16x128xf32, #tpu.memory_space<vmem>>
    %dma_start3A_112 = arith.constant 0 : i32
    %dma_start3A_113 = tpu.memref_slice %arg6[%dma_start3A_112, %multiple_of3A_107] : memref<16x1000000xf32, #tpu.memory_space<hbm>> -> memref<16x128xf32, #tpu.memory_space<hbm>>
    %dma_start3A_114 = tpu.memref_slice %arg17[%dma_start3A_108] : memref<16x!tpu.dma_semaphore, #tpu.memory_space<semaphore_mem>> -> memref<1x!tpu.dma_semaphore, #tpu.memory_space<semaphore_mem>>
    %dma_start3A_115 = tpu.memref_squeeze %dma_start3A_114 : memref<1x!tpu.dma_semaphore, #tpu.memory_space<semaphore_mem>> -> memref<!tpu.dma_semaphore, #tpu.memory_space<semaphore_mem>>
    %dma_start3A_116 = arith.constant 48 : i32
    %dma_start3A_117 = arith.constant 0 : i32
    %dma_start3A_118 = tpu.memref_slice %arg14[%dma_start3A_116, %dma_start3A_117] : memref<768x128xf32, #tpu.memory_space<vmem>> -> memref<16x128xf32, #tpu.memory_space<vmem>>
    %dma_start3A_119 = arith.constant 0 : i32
    %dma_start3A_120 = tpu.memref_slice %arg6[%dma_start3A_119, %multiple_of3A_107] : memref<16x1000000xf32, #tpu.memory_space<hbm>> -> memref<16x128xf32, #tpu.memory_space<hbm>>
    tpu.enqueue_dma source(%dma_start3A_120 : memref<16x128xf32, #tpu.memory_space<hbm>>) target(%dma_start3A_118 : memref<16x128xf32, #tpu.memory_space<vmem>>) target_semaphore(%dma_start3A_115 : memref<!tpu.dma_semaphore, #tpu.memory_space<semaphore_mem>>)
    %slice3A_121 = vector.extract_strided_slice %get3A_43 {offsets = [1], sizes = [1], strides = [1]} : vector<16xi32> to vector<1xi32>
    %squeeze3A_122 = vector.extract %slice3A_121[0] : i32 from vector<1xi32>
    %shift_right_logical3A_123 = arith.constant 7 : i32
    %shift_right_logical3A_124 = arith.shrui %squeeze3A_122, %shift_right_logical3A_123 : i32
    %shift_left3A_125 = arith.constant 7 : i32
    %shift_left3A_126 = arith.shli %shift_right_logical3A_124, %shift_left3A_125 : i32
    %multiple_of3A_127 = tpu.assume_multiple %shift_left3A_126, 128 : i32
    %dma_start3A_128 = arith.constant 1 : i32
    %dma_start3A_129 = arith.constant 64 : i32
    %dma_start3A_130 = arith.constant 0 : i32
    %dma_start3A_131 = tpu.memref_slice %arg14[%dma_start3A_129, %dma_start3A_130] : memref<768x128xf32, #tpu.memory_space<vmem>> -> memref<16x128xf32, #tpu.memory_space<vmem>>
    %dma_start3A_132 = arith.constant 0 : i32
    %dma_start3A_133 = tpu.memref_slice %arg7[%dma_start3A_132, %multiple_of3A_127] : memref<16x1000000xf32, #tpu.memory_space<hbm>> -> memref<16x128xf32, #tpu.memory_space<hbm>>
    %dma_start3A_134 = tpu.memref_slice %arg17[%dma_start3A_128] : memref<16x!tpu.dma_semaphore, #tpu.memory_space<semaphore_mem>> -> memref<1x!tpu.dma_semaphore, #tpu.memory_space<semaphore_mem>>
    %dma_start3A_135 = tpu.memref_squeeze %dma_start3A_134 : memref<1x!tpu.dma_semaphore, #tpu.memory_space<semaphore_mem>> -> memref<!tpu.dma_semaphore, #tpu.memory_space<semaphore_mem>>
    %dma_start3A_136 = arith.constant 64 : i32
    %dma_start3A_137 = arith.constant 0 : i32
    %dma_start3A_138 = tpu.memref_slice %arg14[%dma_start3A_136, %dma_start3A_137] : memref<768x128xf32, #tpu.memory_space<vmem>> -> memref<16x128xf32, #tpu.memory_space<vmem>>
    %dma_start3A_139 = arith.constant 0 : i32
    %dma_start3A_140 = tpu.memref_slice %arg7[%dma_start3A_139, %multiple_of3A_127] : memref<16x1000000xf32, #tpu.memory_space<hbm>> -> memref<16x128xf32, #tpu.memory_space<hbm>>
    tpu.enqueue_dma source(%dma_start3A_140 : memref<16x128xf32, #tpu.memory_space<hbm>>) target(%dma_start3A_138 : memref<16x128xf32, #tpu.memory_space<vmem>>) target_semaphore(%dma_start3A_135 : memref<!tpu.dma_semaphore, #tpu.memory_space<semaphore_mem>>)
    %slice3A_141 = vector.extract_strided_slice %get3A_45 {offsets = [1], sizes = [1], strides = [1]} : vector<16xi32> to vector<1xi32>
    %squeeze3A_142 = vector.extract %slice3A_141[0] : i32 from vector<1xi32>
    %shift_right_logical3A_143 = arith.constant 7 : i32
    %shift_right_logical3A_144 = arith.shrui %squeeze3A_142, %shift_right_logical3A_143 : i32
    %shift_left3A_145 = arith.constant 7 : i32
    %shift_left3A_146 = arith.shli %shift_right_logical3A_144, %shift_left3A_145 : i32
    %multiple_of3A_147 = tpu.assume_multiple %shift_left3A_146, 128 : i32
    %dma_start3A_148 = arith.constant 1 : i32
    %dma_start3A_149 = arith.constant 80 : i32
    %dma_start3A_150 = arith.constant 0 : i32
    %dma_start3A_151 = tpu.memref_slice %arg14[%dma_start3A_149, %dma_start3A_150] : memref<768x128xf32, #tpu.memory_space<vmem>> -> memref<16x128xf32, #tpu.memory_space<vmem>>
    %dma_start3A_152 = arith.constant 0 : i32
    %dma_start3A_153 = tpu.memref_slice %arg8[%dma_start3A_152, %multiple_of3A_147] : memref<16x1000000xf32, #tpu.memory_space<hbm>> -> memref<16x128xf32, #tpu.memory_space<hbm>>
    %dma_start3A_154 = tpu.memref_slice %arg17[%dma_start3A_148] : memref<16x!tpu.dma_semaphore, #tpu.memory_space<semaphore_mem>> -> memref<1x!tpu.dma_semaphore, #tpu.memory_space<semaphore_mem>>
    %dma_start3A_155 = tpu.memref_squeeze %dma_start3A_154 : memref<1x!tpu.dma_semaphore, #tpu.memory_space<semaphore_mem>> -> memref<!tpu.dma_semaphore, #tpu.memory_space<semaphore_mem>>
    %dma_start3A_156 = arith.constant 80 : i32
    %dma_start3A_157 = arith.constant 0 : i32
    %dma_start3A_158 = tpu.memref_slice %arg14[%dma_start3A_156, %dma_start3A_157] : memref<768x128xf32, #tpu.memory_space<vmem>> -> memref<16x128xf32, #tpu.memory_space<vmem>>
    %dma_start3A_159 = arith.constant 0 : i32
    %dma_start3A_160 = tpu.memref_slice %arg8[%dma_start3A_159, %multiple_of3A_147] : memref<16x1000000xf32, #tpu.memory_space<hbm>> -> memref<16x128xf32, #tpu.memory_space<hbm>>
    tpu.enqueue_dma source(%dma_start3A_160 : memref<16x128xf32, #tpu.memory_space<hbm>>) target(%dma_start3A_158 : memref<16x128xf32, #tpu.memory_space<vmem>>) target_semaphore(%dma_start3A_155 : memref<!tpu.dma_semaphore, #tpu.memory_space<semaphore_mem>>)
    %slice3A_161 = vector.extract_strided_slice %get3A_41 {offsets = [2], sizes = [1], strides = [1]} : vector<16xi32> to vector<1xi32>
    %squeeze3A_162 = vector.extract %slice3A_161[0] : i32 from vector<1xi32>
    %shift_right_logical3A_163 = arith.constant 7 : i32
    %shift_right_logical3A_164 = arith.shrui %squeeze3A_162, %shift_right_logical3A_163 : i32
    %shift_left3A_165 = arith.constant 7 : i32
    %shift_left3A_166 = arith.shli %shift_right_logical3A_164, %shift_left3A_165 : i32
    %multiple_of3A_167 = tpu.assume_multiple %shift_left3A_166, 128 : i32
    %dma_start3A_168 = arith.constant 2 : i32
    %dma_start3A_169 = arith.constant 96 : i32
    %dma_start3A_170 = arith.constant 0 : i32
    %dma_start3A_171 = tpu.memref_slice %arg14[%dma_start3A_169, %dma_start3A_170] : memref<768x128xf32, #tpu.memory_space<vmem>> -> memref<16x128xf32, #tpu.memory_space<vmem>>
    %dma_start3A_172 = arith.constant 0 : i32
    %dma_start3A_173 = tpu.memref_slice %arg6[%dma_start3A_172, %multiple_of3A_167] : memref<16x1000000xf32, #tpu.memory_space<hbm>> -> memref<16x128xf32, #tpu.memory_space<hbm>>
    %dma_start3A_174 = tpu.memref_slice %arg17[%dma_start3A_168] : memref<16x!tpu.dma_semaphore, #tpu.memory_space<semaphore_mem>> -> memref<1x!tpu.dma_semaphore, #tpu.memory_space<semaphore_mem>>
    %dma_start3A_175 = tpu.memref_squeeze %dma_start3A_174 : memref<1x!tpu.dma_semaphore, #tpu.memory_space<semaphore_mem>> -> memref<!tpu.dma_semaphore, #tpu.memory_space<semaphore_mem>>
    %dma_start3A_176 = arith.constant 96 : i32
    %dma_start3A_177 = arith.constant 0 : i32
    %dma_start3A_178 = tpu.memref_slice %arg14[%dma_start3A_176, %dma_start3A_177] : memref<768x128xf32, #tpu.memory_space<vmem>> -> memref<16x128xf32, #tpu.memory_space<vmem>>
    %dma_start3A_179 = arith.constant 0 : i32
    %dma_start3A_180 = tpu.memref_slice %arg6[%dma_start3A_179, %multiple_of3A_167] : memref<16x1000000xf32, #tpu.memory_space<hbm>> -> memref<16x128xf32, #tpu.memory_space<hbm>>
    tpu.enqueue_dma source(%dma_start3A_180 : memref<16x128xf32, #tpu.memory_space<hbm>>) target(%dma_start3A_178 : memref<16x128xf32, #tpu.memory_space<vmem>>) target_semaphore(%dma_start3A_175 : memref<!tpu.dma_semaphore, #tpu.memory_space<semaphore_mem>>)
    %slice3A_181 = vector.extract_strided_slice %get3A_43 {offsets = [2], sizes = [1], strides = [1]} : vector<16xi32> to vector<1xi32>
    %squeeze3A_182 = vector.extract %slice3A_181[0] : i32 from vector<1xi32>
    %shift_right_logical3A_183 = arith.constant 7 : i32
    %shift_right_logical3A_184 = arith.shrui %squeeze3A_182, %shift_right_logical3A_183 : i32
    %shift_left3A_185 = arith.constant 7 : i32
    %shift_left3A_186 = arith.shli %shift_right_logical3A_184, %shift_left3A_185 : i32
    %multiple_of3A_187 = tpu.assume_multiple %shift_left3A_186, 128 : i32
    %dma_start3A_188 = arith.constant 2 : i32
    %dma_start3A_189 = arith.constant 112 : i32
    %dma_start3A_190 = arith.constant 0 : i32
    %dma_start3A_191 = tpu.memref_slice %arg14[%dma_start3A_189, %dma_start3A_190] : memref<768x128xf32, #tpu.memory_space<vmem>> -> memref<16x128xf32, #tpu.memory_space<vmem>>
    %dma_start3A_192 = arith.constant 0 : i32
    %dma_start3A_193 = tpu.memref_slice %arg7[%dma_start3A_192, %multiple_of3A_187] : memref<16x1000000xf32, #tpu.memory_space<hbm>> -> memref<16x128xf32, #tpu.memory_space<hbm>>
    %dma_start3A_194 = tpu.memref_slice %arg17[%dma_start3A_188] : memref<16x!tpu.dma_semaphore, #tpu.memory_space<semaphore_mem>> -> memref<1x!tpu.dma_semaphore, #tpu.memory_space<semaphore_mem>>
    %dma_start3A_195 = tpu.memref_squeeze %dma_start3A_194 : memref<1x!tpu.dma_semaphore, #tpu.memory_space<semaphore_mem>> -> memref<!tpu.dma_semaphore, #tpu.memory_space<semaphore_mem>>
    %dma_start3A_196 = arith.constant 112 : i32
    %dma_start3A_197 = arith.constant 0 : i32
    %dma_start3A_198 = tpu.memref_slice %arg14[%dma_start3A_196, %dma_start3A_197] : memref<768x128xf32, #tpu.memory_space<vmem>> -> memref<16x128xf32, #tpu.memory_space<vmem>>
    %dma_start3A_199 = arith.constant 0 : i32
    %dma_start3A_200 = tpu.memref_slice %arg7[%dma_start3A_199, %multiple_of3A_187] : memref<16x1000000xf32, #tpu.memory_space<hbm>> -> memref<16x128xf32, #tpu.memory_space<hbm>>
    tpu.enqueue_dma source(%dma_start3A_200 : memref<16x128xf32, #tpu.memory_space<hbm>>) target(%dma_start3A_198 : memref<16x128xf32, #tpu.memory_space<vmem>>) target_semaphore(%dma_start3A_195 : memref<!tpu.dma_semaphore, #tpu.memory_space<semaphore_mem>>)
    %slice3A_201 = vector.extract_strided_slice %get3A_45 {offsets = [2], sizes = [1], strides = [1]} : vector<16xi32> to vector<1xi32>
    %squeeze3A_202 = vector.extract %slice3A_201[0] : i32 from vector<1xi32>
    %shift_right_logical3A_203 = arith.constant 7 : i32
    %shift_right_logical3A_204 = arith.shrui %squeeze3A_202, %shift_right_logical3A_203 : i32
    %shift_left3A_205 = arith.constant 7 : i32
    %shift_left3A_206 = arith.shli %shift_right_logical3A_204, %shift_left3A_205 : i32
    %multiple_of3A_207 = tpu.assume_multiple %shift_left3A_206, 128 : i32
    %dma_start3A_208 = arith.constant 2 : i32
    %dma_start3A_209 = arith.constant 128 : i32
    %dma_start3A_210 = arith.constant 0 : i32
    %dma_start3A_211 = tpu.memref_slice %arg14[%dma_start3A_209, %dma_start3A_210] : memref<768x128xf32, #tpu.memory_space<vmem>> -> memref<16x128xf32, #tpu.memory_space<vmem>>
    %dma_start3A_212 = arith.constant 0 : i32
    %dma_start3A_213 = tpu.memref_slice %arg8[%dma_start3A_212, %multiple_of3A_207] : memref<16x1000000xf32, #tpu.memory_space<hbm>> -> memref<16x128xf32, #tpu.memory_space<hbm>>
    %dma_start3A_214 = tpu.memref_slice %arg17[%dma_start3A_208] : memref<16x!tpu.dma_semaphore, #tpu.memory_space<semaphore_mem>> -> memref<1x!tpu.dma_semaphore, #tpu.memory_space<semaphore_mem>>
    %dma_start3A_215 = tpu.memref_squeeze %dma_start3A_214 : memref<1x!tpu.dma_semaphore, #tpu.memory_space<semaphore_mem>> -> memref<!tpu.dma_semaphore, #tpu.memory_space<semaphore_mem>>
    %dma_start3A_216 = arith.constant 128 : i32
    %dma_start3A_217 = arith.constant 0 : i32
    %dma_start3A_218 = tpu.memref_slice %arg14[%dma_start3A_216, %dma_start3A_217] : memref<768x128xf32, #tpu.memory_space<vmem>> -> memref<16x128xf32, #tpu.memory_space<vmem>>
    %dma_start3A_219 = arith.constant 0 : i32
    %dma_start3A_220 = tpu.memref_slice %arg8[%dma_start3A_219, %multiple_of3A_207] : memref<16x1000000xf32, #tpu.memory_space<hbm>> -> memref<16x128xf32, #tpu.memory_space<hbm>>
    tpu.enqueue_dma source(%dma_start3A_220 : memref<16x128xf32, #tpu.memory_space<hbm>>) target(%dma_start3A_218 : memref<16x128xf32, #tpu.memory_space<vmem>>) target_semaphore(%dma_start3A_215 : memref<!tpu.dma_semaphore, #tpu.memory_space<semaphore_mem>>)
    %slice3A_221 = vector.extract_strided_slice %get3A_41 {offsets = [3], sizes = [1], strides = [1]} : vector<16xi32> to vector<1xi32>
    %squeeze3A_222 = vector.extract %slice3A_221[0] : i32 from vector<1xi32>
    %shift_right_logical3A_223 = arith.constant 7 : i32
    %shift_right_logical3A_224 = arith.shrui %squeeze3A_222, %shift_right_logical3A_223 : i32
    %shift_left3A_225 = arith.constant 7 : i32
    %shift_left3A_226 = arith.shli %shift_right_logical3A_224, %shift_left3A_225 : i32
    %multiple_of3A_227 = tpu.assume_multiple %shift_left3A_226, 128 : i32
    %dma_start3A_228 = arith.constant 3 : i32
    %dma_start3A_229 = arith.constant 144 : i32
    %dma_start3A_230 = arith.constant 0 : i32
    %dma_start3A_231 = tpu.memref_slice %arg14[%dma_start3A_229, %dma_start3A_230] : memref<768x128xf32, #tpu.memory_space<vmem>> -> memref<16x128xf32, #tpu.memory_space<vmem>>
    %dma_start3A_232 = arith.constant 0 : i32
    %dma_start3A_233 = tpu.memref_slice %arg6[%dma_start3A_232, %multiple_of3A_227] : memref<16x1000000xf32, #tpu.memory_space<hbm>> -> memref<16x128xf32, #tpu.memory_space<hbm>>
    %dma_start3A_234 = tpu.memref_slice %arg17[%dma_start3A_228] : memref<16x!tpu.dma_semaphore, #tpu.memory_space<semaphore_mem>> -> memref<1x!tpu.dma_semaphore, #tpu.memory_space<semaphore_mem>>
    %dma_start3A_235 = tpu.memref_squeeze %dma_start3A_234 : memref<1x!tpu.dma_semaphore, #tpu.memory_space<semaphore_mem>> -> memref<!tpu.dma_semaphore, #tpu.memory_space<semaphore_mem>>
    %dma_start3A_236 = arith.constant 144 : i32
    %dma_start3A_237 = arith.constant 0 : i32
    %dma_start3A_238 = tpu.memref_slice %arg14[%dma_start3A_236, %dma_start3A_237] : memref<768x128xf32, #tpu.memory_space<vmem>> -> memref<16x128xf32, #tpu.memory_space<vmem>>
    %dma_start3A_239 = arith.constant 0 : i32
    %dma_start3A_240 = tpu.memref_slice %arg6[%dma_start3A_239, %multiple_of3A_227] : memref<16x1000000xf32, #tpu.memory_space<hbm>> -> memref<16x128xf32, #tpu.memory_space<hbm>>
    tpu.enqueue_dma source(%dma_start3A_240 : memref<16x128xf32, #tpu.memory_space<hbm>>) target(%dma_start3A_238 : memref<16x128xf32, #tpu.memory_space<vmem>>) target_semaphore(%dma_start3A_235 : memref<!tpu.dma_semaphore, #tpu.memory_space<semaphore_mem>>)
    %slice3A_241 = vector.extract_strided_slice %get3A_43 {offsets = [3], sizes = [1], strides = [1]} : vector<16xi32> to vector<1xi32>
    %squeeze3A_242 = vector.extract %slice3A_241[0] : i32 from vector<1xi32>
    %shift_right_logical3A_243 = arith.constant 7 : i32
    %shift_right_logical3A_244 = arith.shrui %squeeze3A_242, %shift_right_logical3A_243 : i32
    %shift_left3A_245 = arith.constant 7 : i32
    %shift_left3A_246 = arith.shli %shift_right_logical3A_244, %shift_left3A_245 : i32
    %multiple_of3A_247 = tpu.assume_multiple %shift_left3A_246, 128 : i32
    %dma_start3A_248 = arith.constant 3 : i32
    %dma_start3A_249 = arith.constant 160 : i32
    %dma_start3A_250 = arith.constant 0 : i32
    %dma_start3A_251 = tpu.memref_slice %arg14[%dma_start3A_249, %dma_start3A_250] : memref<768x128xf32, #tpu.memory_space<vmem>> -> memref<16x128xf32, #tpu.memory_space<vmem>>
    %dma_start3A_252 = arith.constant 0 : i32
    %dma_start3A_253 = tpu.memref_slice %arg7[%dma_start3A_252, %multiple_of3A_247] : memref<16x1000000xf32, #tpu.memory_space<hbm>> -> memref<16x128xf32, #tpu.memory_space<hbm>>
    %dma_start3A_254 = tpu.memref_slice %arg17[%dma_start3A_248] : memref<16x!tpu.dma_semaphore, #tpu.memory_space<semaphore_mem>> -> memref<1x!tpu.dma_semaphore, #tpu.memory_space<semaphore_mem>>
    %dma_start3A_255 = tpu.memref_squeeze %dma_start3A_254 : memref<1x!tpu.dma_semaphore, #tpu.memory_space<semaphore_mem>> -> memref<!tpu.dma_semaphore, #tpu.memory_space<semaphore_mem>>
    %dma_start3A_256 = arith.constant 160 : i32
    %dma_start3A_257 = arith.constant 0 : i32
    %dma_start3A_258 = tpu.memref_slice %arg14[%dma_start3A_256, %dma_start3A_257] : memref<768x128xf32, #tpu.memory_space<vmem>> -> memref<16x128xf32, #tpu.memory_space<vmem>>
    %dma_start3A_259 = arith.constant 0 : i32
    %dma_start3A_260 = tpu.memref_slice %arg7[%dma_start3A_259, %multiple_of3A_247] : memref<16x1000000xf32, #tpu.memory_space<hbm>> -> memref<16x128xf32, #tpu.memory_space<hbm>>
    tpu.enqueue_dma source(%dma_start3A_260 : memref<16x128xf32, #tpu.memory_space<hbm>>) target(%dma_start3A_258 : memref<16x128xf32, #tpu.memory_space<vmem>>) target_semaphore(%dma_start3A_255 : memref<!tpu.dma_semaphore, #tpu.memory_space<semaphore_mem>>)
    %slice3A_261 = vector.extract_strided_slice %get3A_45 {offsets = [3], sizes = [1], strides = [1]} : vector<16xi32> to vector<1xi32>
    %squeeze3A_262 = vector.extract %slice3A_261[0] : i32 from vector<1xi32>
    %shift_right_logical3A_263 = arith.constant 7 : i32
    %shift_right_logical3A_264 = arith.shrui %squeeze3A_262, %shift_right_logical3A_263 : i32
    %shift_left3A_265 = arith.constant 7 : i32
    %shift_left3A_266 = arith.shli %shift_right_logical3A_264, %shift_left3A_265 : i32
    %multiple_of3A_267 = tpu.assume_multiple %shift_left3A_266, 128 : i32
    %dma_start3A_268 = arith.constant 3 : i32
    %dma_start3A_269 = arith.constant 176 : i32
    %dma_start3A_270 = arith.constant 0 : i32
    %dma_start3A_271 = tpu.memref_slice %arg14[%dma_start3A_269, %dma_start3A_270] : memref<768x128xf32, #tpu.memory_space<vmem>> -> memref<16x128xf32, #tpu.memory_space<vmem>>
    %dma_start3A_272 = arith.constant 0 : i32
    %dma_start3A_273 = tpu.memref_slice %arg8[%dma_start3A_272, %multiple_of3A_267] : memref<16x1000000xf32, #tpu.memory_space<hbm>> -> memref<16x128xf32, #tpu.memory_space<hbm>>
    %dma_start3A_274 = tpu.memref_slice %arg17[%dma_start3A_268] : memref<16x!tpu.dma_semaphore, #tpu.memory_space<semaphore_mem>> -> memref<1x!tpu.dma_semaphore, #tpu.memory_space<semaphore_mem>>
    %dma_start3A_275 = tpu.memref_squeeze %dma_start3A_274 : memref<1x!tpu.dma_semaphore, #tpu.memory_space<semaphore_mem>> -> memref<!tpu.dma_semaphore, #tpu.memory_space<semaphore_mem>>
    %dma_start3A_276 = arith.constant 176 : i32
    %dma_start3A_277 = arith.constant 0 : i32
    %dma_start3A_278 = tpu.memref_slice %arg14[%dma_start3A_276, %dma_start3A_277] : memref<768x128xf32, #tpu.memory_space<vmem>> -> memref<16x128xf32, #tpu.memory_space<vmem>>
    %dma_start3A_279 = arith.constant 0 : i32
    %dma_start3A_280 = tpu.memref_slice %arg8[%dma_start3A_279, %multiple_of3A_267] : memref<16x1000000xf32, #tpu.memory_space<hbm>> -> memref<16x128xf32, #tpu.memory_space<hbm>>
    tpu.enqueue_dma source(%dma_start3A_280 : memref<16x128xf32, #tpu.memory_space<hbm>>) target(%dma_start3A_278 : memref<16x128xf32, #tpu.memory_space<vmem>>) target_semaphore(%dma_start3A_275 : memref<!tpu.dma_semaphore, #tpu.memory_space<semaphore_mem>>)
    %slice3A_281 = vector.extract_strided_slice %get3A_41 {offsets = [4], sizes = [1], strides = [1]} : vector<16xi32> to vector<1xi32>
    %squeeze3A_282 = vector.extract %slice3A_281[0] : i32 from vector<1xi32>
    %shift_right_logical3A_283 = arith.constant 7 : i32
    %shift_right_logical3A_284 = arith.shrui %squeeze3A_282, %shift_right_logical3A_283 : i32
    %shift_left3A_285 = arith.constant 7 : i32
    %shift_left3A_286 = arith.shli %shift_right_logical3A_284, %shift_left3A_285 : i32
    %multiple_of3A_287 = tpu.assume_multiple %shift_left3A_286, 128 : i32
    %dma_start3A_288 = arith.constant 4 : i32
    %dma_start3A_289 = arith.constant 192 : i32
    %dma_start3A_290 = arith.constant 0 : i32
    %dma_start3A_291 = tpu.memref_slice %arg14[%dma_start3A_289, %dma_start3A_290] : memref<768x128xf32, #tpu.memory_space<vmem>> -> memref<16x128xf32, #tpu.memory_space<vmem>>
    %dma_start3A_292 = arith.constant 0 : i32
    %dma_start3A_293 = tpu.memref_slice %arg6[%dma_start3A_292, %multiple_of3A_287] : memref<16x1000000xf32, #tpu.memory_space<hbm>> -> memref<16x128xf32, #tpu.memory_space<hbm>>
    %dma_start3A_294 = tpu.memref_slice %arg17[%dma_start3A_288] : memref<16x!tpu.dma_semaphore, #tpu.memory_space<semaphore_mem>> -> memref<1x!tpu.dma_semaphore, #tpu.memory_space<semaphore_mem>>
    %dma_start3A_295 = tpu.memref_squeeze %dma_start3A_294 : memref<1x!tpu.dma_semaphore, #tpu.memory_space<semaphore_mem>> -> memref<!tpu.dma_semaphore, #tpu.memory_space<semaphore_mem>>
    %dma_start3A_296 = arith.constant 192 : i32
    %dma_start3A_297 = arith.constant 0 : i32
    %dma_start3A_298 = tpu.memref_slice %arg14[%dma_start3A_296, %dma_start3A_297] : memref<768x128xf32, #tpu.memory_space<vmem>> -> memref<16x128xf32, #tpu.memory_space<vmem>>
    %dma_start3A_299 = arith.constant 0 : i32
    %dma_start3A_300 = tpu.memref_slice %arg6[%dma_start3A_299, %multiple_of3A_287] : memref<16x1000000xf32, #tpu.memory_space<hbm>> -> memref<16x128xf32, #tpu.memory_space<hbm>>
    tpu.enqueue_dma source(%dma_start3A_300 : memref<16x128xf32, #tpu.memory_space<hbm>>) target(%dma_start3A_298 : memref<16x128xf32, #tpu.memory_space<vmem>>) target_semaphore(%dma_start3A_295 : memref<!tpu.dma_semaphore, #tpu.memory_space<semaphore_mem>>)
    %slice3A_301 = vector.extract_strided_slice %get3A_43 {offsets = [4], sizes = [1], strides = [1]} : vector<16xi32> to vector<1xi32>
    %squeeze3A_302 = vector.extract %slice3A_301[0] : i32 from vector<1xi32>
    %shift_right_logical3A_303 = arith.constant 7 : i32
    %shift_right_logical3A_304 = arith.shrui %squeeze3A_302, %shift_right_logical3A_303 : i32
    %shift_left3A_305 = arith.constant 7 : i32
    %shift_left3A_306 = arith.shli %shift_right_logical3A_304, %shift_left3A_305 : i32
    %multiple_of3A_307 = tpu.assume_multiple %shift_left3A_306, 128 : i32
    %dma_start3A_308 = arith.constant 4 : i32
    %dma_start3A_309 = arith.constant 208 : i32
    %dma_start3A_310 = arith.constant 0 : i32
    %dma_start3A_311 = tpu.memref_slice %arg14[%dma_start3A_309, %dma_start3A_310] : memref<768x128xf32, #tpu.memory_space<vmem>> -> memref<16x128xf32, #tpu.memory_space<vmem>>
    %dma_start3A_312 = arith.constant 0 : i32
    %dma_start3A_313 = tpu.memref_slice %arg7[%dma_start3A_312, %multiple_of3A_307] : memref<16x1000000xf32, #tpu.memory_space<hbm>> -> memref<16x128xf32, #tpu.memory_space<hbm>>
    %dma_start3A_314 = tpu.memref_slice %arg17[%dma_start3A_308] : memref<16x!tpu.dma_semaphore, #tpu.memory_space<semaphore_mem>> -> memref<1x!tpu.dma_semaphore, #tpu.memory_space<semaphore_mem>>
    %dma_start3A_315 = tpu.memref_squeeze %dma_start3A_314 : memref<1x!tpu.dma_semaphore, #tpu.memory_space<semaphore_mem>> -> memref<!tpu.dma_semaphore, #tpu.memory_space<semaphore_mem>>
    %dma_start3A_316 = arith.constant 208 : i32
    %dma_start3A_317 = arith.constant 0 : i32
    %dma_start3A_318 = tpu.memref_slice %arg14[%dma_start3A_316, %dma_start3A_317] : memref<768x128xf32, #tpu.memory_space<vmem>> -> memref<16x128xf32, #tpu.memory_space<vmem>>
    %dma_start3A_319 = arith.constant 0 : i32
    %dma_start3A_320 = tpu.memref_slice %arg7[%dma_start3A_319, %multiple_of3A_307] : memref<16x1000000xf32, #tpu.memory_space<hbm>> -> memref<16x128xf32, #tpu.memory_space<hbm>>
    tpu.enqueue_dma source(%dma_start3A_320 : memref<16x128xf32, #tpu.memory_space<hbm>>) target(%dma_start3A_318 : memref<16x128xf32, #tpu.memory_space<vmem>>) target_semaphore(%dma_start3A_315 : memref<!tpu.dma_semaphore, #tpu.memory_space<semaphore_mem>>)
    %slice3A_321 = vector.extract_strided_slice %get3A_45 {offsets = [4], sizes = [1], strides = [1]} : vector<16xi32> to vector<1xi32>
    %squeeze3A_322 = vector.extract %slice3A_321[0] : i32 from vector<1xi32>
    %shift_right_logical3A_323 = arith.constant 7 : i32
    %shift_right_logical3A_324 = arith.shrui %squeeze3A_322, %shift_right_logical3A_323 : i32
    %shift_left3A_325 = arith.constant 7 : i32
    %shift_left3A_326 = arith.shli %shift_right_logical3A_324, %shift_left3A_325 : i32
    %multiple_of3A_327 = tpu.assume_multiple %shift_left3A_326, 128 : i32
    %dma_start3A_328 = arith.constant 4 : i32
    %dma_start3A_329 = arith.constant 224 : i32
    %dma_start3A_330 = arith.constant 0 : i32
    %dma_start3A_331 = tpu.memref_slice %arg14[%dma_start3A_329, %dma_start3A_330] : memref<768x128xf32, #tpu.memory_space<vmem>> -> memref<16x128xf32, #tpu.memory_space<vmem>>
    %dma_start3A_332 = arith.constant 0 : i32
    %dma_start3A_333 = tpu.memref_slice %arg8[%dma_start3A_332, %multiple_of3A_327] : memref<16x1000000xf32, #tpu.memory_space<hbm>> -> memref<16x128xf32, #tpu.memory_space<hbm>>
    %dma_start3A_334 = tpu.memref_slice %arg17[%dma_start3A_328] : memref<16x!tpu.dma_semaphore, #tpu.memory_space<semaphore_mem>> -> memref<1x!tpu.dma_semaphore, #tpu.memory_space<semaphore_mem>>
    %dma_start3A_335 = tpu.memref_squeeze %dma_start3A_334 : memref<1x!tpu.dma_semaphore, #tpu.memory_space<semaphore_mem>> -> memref<!tpu.dma_semaphore, #tpu.memory_space<semaphore_mem>>
    %dma_start3A_336 = arith.constant 224 : i32
    %dma_start3A_337 = arith.constant 0 : i32
    %dma_start3A_338 = tpu.memref_slice %arg14[%dma_start3A_336, %dma_start3A_337] : memref<768x128xf32, #tpu.memory_space<vmem>> -> memref<16x128xf32, #tpu.memory_space<vmem>>
    %dma_start3A_339 = arith.constant 0 : i32
    %dma_start3A_340 = tpu.memref_slice %arg8[%dma_start3A_339, %multiple_of3A_327] : memref<16x1000000xf32, #tpu.memory_space<hbm>> -> memref<16x128xf32, #tpu.memory_space<hbm>>
    tpu.enqueue_dma source(%dma_start3A_340 : memref<16x128xf32, #tpu.memory_space<hbm>>) target(%dma_start3A_338 : memref<16x128xf32, #tpu.memory_space<vmem>>) target_semaphore(%dma_start3A_335 : memref<!tpu.dma_semaphore, #tpu.memory_space<semaphore_mem>>)
    %slice3A_341 = vector.extract_strided_slice %get3A_41 {offsets = [5], sizes = [1], strides = [1]} : vector<16xi32> to vector<1xi32>
    %squeeze3A_342 = vector.extract %slice3A_341[0] : i32 from vector<1xi32>
    %shift_right_logical3A_343 = arith.constant 7 : i32
    %shift_right_logical3A_344 = arith.shrui %squeeze3A_342, %shift_right_logical3A_343 : i32
    %shift_left3A_345 = arith.constant 7 : i32
    %shift_left3A_346 = arith.shli %shift_right_logical3A_344, %shift_left3A_345 : i32
    %multiple_of3A_347 = tpu.assume_multiple %shift_left3A_346, 128 : i32
    %dma_start3A_348 = arith.constant 5 : i32
    %dma_start3A_349 = arith.constant 240 : i32
    %dma_start3A_350 = arith.constant 0 : i32
    %dma_start3A_351 = tpu.memref_slice %arg14[%dma_start3A_349, %dma_start3A_350] : memref<768x128xf32, #tpu.memory_space<vmem>> -> memref<16x128xf32, #tpu.memory_space<vmem>>
    %dma_start3A_352 = arith.constant 0 : i32
    %dma_start3A_353 = tpu.memref_slice %arg6[%dma_start3A_352, %multiple_of3A_347] : memref<16x1000000xf32, #tpu.memory_space<hbm>> -> memref<16x128xf32, #tpu.memory_space<hbm>>
    %dma_start3A_354 = tpu.memref_slice %arg17[%dma_start3A_348] : memref<16x!tpu.dma_semaphore, #tpu.memory_space<semaphore_mem>> -> memref<1x!tpu.dma_semaphore, #tpu.memory_space<semaphore_mem>>
    %dma_start3A_355 = tpu.memref_squeeze %dma_start3A_354 : memref<1x!tpu.dma_semaphore, #tpu.memory_space<semaphore_mem>> -> memref<!tpu.dma_semaphore, #tpu.memory_space<semaphore_mem>>
    %dma_start3A_356 = arith.constant 240 : i32
    %dma_start3A_357 = arith.constant 0 : i32
    %dma_start3A_358 = tpu.memref_slice %arg14[%dma_start3A_356, %dma_start3A_357] : memref<768x128xf32, #tpu.memory_space<vmem>> -> memref<16x128xf32, #tpu.memory_space<vmem>>
    %dma_start3A_359 = arith.constant 0 : i32
    %dma_start3A_360 = tpu.memref_slice %arg6[%dma_start3A_359, %multiple_of3A_347] : memref<16x1000000xf32, #tpu.memory_space<hbm>> -> memref<16x128xf32, #tpu.memory_space<hbm>>
    tpu.enqueue_dma source(%dma_start3A_360 : memref<16x128xf32, #tpu.memory_space<hbm>>) target(%dma_start3A_358 : memref<16x128xf32, #tpu.memory_space<vmem>>) target_semaphore(%dma_start3A_355 : memref<!tpu.dma_semaphore, #tpu.memory_space<semaphore_mem>>)
    %slice3A_361 = vector.extract_strided_slice %get3A_43 {offsets = [5], sizes = [1], strides = [1]} : vector<16xi32> to vector<1xi32>
    %squeeze3A_362 = vector.extract %slice3A_361[0] : i32 from vector<1xi32>
    %shift_right_logical3A_363 = arith.constant 7 : i32
    %shift_right_logical3A_364 = arith.shrui %squeeze3A_362, %shift_right_logical3A_363 : i32
    %shift_left3A_365 = arith.constant 7 : i32
    %shift_left3A_366 = arith.shli %shift_right_logical3A_364, %shift_left3A_365 : i32
    %multiple_of3A_367 = tpu.assume_multiple %shift_left3A_366, 128 : i32
    %dma_start3A_368 = arith.constant 5 : i32
    %dma_start3A_369 = arith.constant 256 : i32
    %dma_start3A_370 = arith.constant 0 : i32
    %dma_start3A_371 = tpu.memref_slice %arg14[%dma_start3A_369, %dma_start3A_370] : memref<768x128xf32, #tpu.memory_space<vmem>> -> memref<16x128xf32, #tpu.memory_space<vmem>>
    %dma_start3A_372 = arith.constant 0 : i32
    %dma_start3A_373 = tpu.memref_slice %arg7[%dma_start3A_372, %multiple_of3A_367] : memref<16x1000000xf32, #tpu.memory_space<hbm>> -> memref<16x128xf32, #tpu.memory_space<hbm>>
    %dma_start3A_374 = tpu.memref_slice %arg17[%dma_start3A_368] : memref<16x!tpu.dma_semaphore, #tpu.memory_space<semaphore_mem>> -> memref<1x!tpu.dma_semaphore, #tpu.memory_space<semaphore_mem>>
    %dma_start3A_375 = tpu.memref_squeeze %dma_start3A_374 : memref<1x!tpu.dma_semaphore, #tpu.memory_space<semaphore_mem>> -> memref<!tpu.dma_semaphore, #tpu.memory_space<semaphore_mem>>
    %dma_start3A_376 = arith.constant 256 : i32
    %dma_start3A_377 = arith.constant 0 : i32
    %dma_start3A_378 = tpu.memref_slice %arg14[%dma_start3A_376, %dma_start3A_377] : memref<768x128xf32, #tpu.memory_space<vmem>> -> memref<16x128xf32, #tpu.memory_space<vmem>>
    %dma_start3A_379 = arith.constant 0 : i32
    %dma_start3A_380 = tpu.memref_slice %arg7[%dma_start3A_379, %multiple_of3A_367] : memref<16x1000000xf32, #tpu.memory_space<hbm>> -> memref<16x128xf32, #tpu.memory_space<hbm>>
    tpu.enqueue_dma source(%dma_start3A_380 : memref<16x128xf32, #tpu.memory_space<hbm>>) target(%dma_start3A_378 : memref<16x128xf32, #tpu.memory_space<vmem>>) target_semaphore(%dma_start3A_375 : memref<!tpu.dma_semaphore, #tpu.memory_space<semaphore_mem>>)
    %slice3A_381 = vector.extract_strided_slice %get3A_45 {offsets = [5], sizes = [1], strides = [1]} : vector<16xi32> to vector<1xi32>
    %squeeze3A_382 = vector.extract %slice3A_381[0] : i32 from vector<1xi32>
    %shift_right_logical3A_383 = arith.constant 7 : i32
    %shift_right_logical3A_384 = arith.shrui %squeeze3A_382, %shift_right_logical3A_383 : i32
    %shift_left3A_385 = arith.constant 7 : i32
    %shift_left3A_386 = arith.shli %shift_right_logical3A_384, %shift_left3A_385 : i32
    %multiple_of3A_387 = tpu.assume_multiple %shift_left3A_386, 128 : i32
    %dma_start3A_388 = arith.constant 5 : i32
    %dma_start3A_389 = arith.constant 272 : i32
    %dma_start3A_390 = arith.constant 0 : i32
    %dma_start3A_391 = tpu.memref_slice %arg14[%dma_start3A_389, %dma_start3A_390] : memref<768x128xf32, #tpu.memory_space<vmem>> -> memref<16x128xf32, #tpu.memory_space<vmem>>
    %dma_start3A_392 = arith.constant 0 : i32
    %dma_start3A_393 = tpu.memref_slice %arg8[%dma_start3A_392, %multiple_of3A_387] : memref<16x1000000xf32, #tpu.memory_space<hbm>> -> memref<16x128xf32, #tpu.memory_space<hbm>>
    %dma_start3A_394 = tpu.memref_slice %arg17[%dma_start3A_388] : memref<16x!tpu.dma_semaphore, #tpu.memory_space<semaphore_mem>> -> memref<1x!tpu.dma_semaphore, #tpu.memory_space<semaphore_mem>>
    %dma_start3A_395 = tpu.memref_squeeze %dma_start3A_394 : memref<1x!tpu.dma_semaphore, #tpu.memory_space<semaphore_mem>> -> memref<!tpu.dma_semaphore, #tpu.memory_space<semaphore_mem>>
    %dma_start3A_396 = arith.constant 272 : i32
    %dma_start3A_397 = arith.constant 0 : i32
    %dma_start3A_398 = tpu.memref_slice %arg14[%dma_start3A_396, %dma_start3A_397] : memref<768x128xf32, #tpu.memory_space<vmem>> -> memref<16x128xf32, #tpu.memory_space<vmem>>
    %dma_start3A_399 = arith.constant 0 : i32
    %dma_start3A_400 = tpu.memref_slice %arg8[%dma_start3A_399, %multiple_of3A_387] : memref<16x1000000xf32, #tpu.memory_space<hbm>> -> memref<16x128xf32, #tpu.memory_space<hbm>>
    tpu.enqueue_dma source(%dma_start3A_400 : memref<16x128xf32, #tpu.memory_space<hbm>>) target(%dma_start3A_398 : memref<16x128xf32, #tpu.memory_space<vmem>>) target_semaphore(%dma_start3A_395 : memref<!tpu.dma_semaphore, #tpu.memory_space<semaphore_mem>>)
    %slice3A_401 = vector.extract_strided_slice %get3A_41 {offsets = [6], sizes = [1], strides = [1]} : vector<16xi32> to vector<1xi32>
    %squeeze3A_402 = vector.extract %slice3A_401[0] : i32 from vector<1xi32>
    %shift_right_logical3A_403 = arith.constant 7 : i32
    %shift_right_logical3A_404 = arith.shrui %squeeze3A_402, %shift_right_logical3A_403 : i32
    %shift_left3A_405 = arith.constant 7 : i32
    %shift_left3A_406 = arith.shli %shift_right_logical3A_404, %shift_left3A_405 : i32
    %multiple_of3A_407 = tpu.assume_multiple %shift_left3A_406, 128 : i32
    %dma_start3A_408 = arith.constant 6 : i32
    %dma_start3A_409 = arith.constant 288 : i32
    %dma_start3A_410 = arith.constant 0 : i32
    %dma_start3A_411 = tpu.memref_slice %arg14[%dma_start3A_409, %dma_start3A_410] : memref<768x128xf32, #tpu.memory_space<vmem>> -> memref<16x128xf32, #tpu.memory_space<vmem>>
    %dma_start3A_412 = arith.constant 0 : i32
    %dma_start3A_413 = tpu.memref_slice %arg6[%dma_start3A_412, %multiple_of3A_407] : memref<16x1000000xf32, #tpu.memory_space<hbm>> -> memref<16x128xf32, #tpu.memory_space<hbm>>
    %dma_start3A_414 = tpu.memref_slice %arg17[%dma_start3A_408] : memref<16x!tpu.dma_semaphore, #tpu.memory_space<semaphore_mem>> -> memref<1x!tpu.dma_semaphore, #tpu.memory_space<semaphore_mem>>
    %dma_start3A_415 = tpu.memref_squeeze %dma_start3A_414 : memref<1x!tpu.dma_semaphore, #tpu.memory_space<semaphore_mem>> -> memref<!tpu.dma_semaphore, #tpu.memory_space<semaphore_mem>>
    %dma_start3A_416 = arith.constant 288 : i32
    %dma_start3A_417 = arith.constant 0 : i32
    %dma_start3A_418 = tpu.memref_slice %arg14[%dma_start3A_416, %dma_start3A_417] : memref<768x128xf32, #tpu.memory_space<vmem>> -> memref<16x128xf32, #tpu.memory_space<vmem>>
    %dma_start3A_419 = arith.constant 0 : i32
    %dma_start3A_420 = tpu.memref_slice %arg6[%dma_start3A_419, %multiple_of3A_407] : memref<16x1000000xf32, #tpu.memory_space<hbm>> -> memref<16x128xf32, #tpu.memory_space<hbm>>
    tpu.enqueue_dma source(%dma_start3A_420 : memref<16x128xf32, #tpu.memory_space<hbm>>) target(%dma_start3A_418 : memref<16x128xf32, #tpu.memory_space<vmem>>) target_semaphore(%dma_start3A_415 : memref<!tpu.dma_semaphore, #tpu.memory_space<semaphore_mem>>)
    %slice3A_421 = vector.extract_strided_slice %get3A_43 {offsets = [6], sizes = [1], strides = [1]} : vector<16xi32> to vector<1xi32>
    %squeeze3A_422 = vector.extract %slice3A_421[0] : i32 from vector<1xi32>
    %shift_right_logical3A_423 = arith.constant 7 : i32
    %shift_right_logical3A_424 = arith.shrui %squeeze3A_422, %shift_right_logical3A_423 : i32
    %shift_left3A_425 = arith.constant 7 : i32
    %shift_left3A_426 = arith.shli %shift_right_logical3A_424, %shift_left3A_425 : i32
    %multiple_of3A_427 = tpu.assume_multiple %shift_left3A_426, 128 : i32
    %dma_start3A_428 = arith.constant 6 : i32
    %dma_start3A_429 = arith.constant 304 : i32
    %dma_start3A_430 = arith.constant 0 : i32
    %dma_start3A_431 = tpu.memref_slice %arg14[%dma_start3A_429, %dma_start3A_430] : memref<768x128xf32, #tpu.memory_space<vmem>> -> memref<16x128xf32, #tpu.memory_space<vmem>>
    %dma_start3A_432 = arith.constant 0 : i32
    %dma_start3A_433 = tpu.memref_slice %arg7[%dma_start3A_432, %multiple_of3A_427] : memref<16x1000000xf32, #tpu.memory_space<hbm>> -> memref<16x128xf32, #tpu.memory_space<hbm>>
    %dma_start3A_434 = tpu.memref_slice %arg17[%dma_start3A_428] : memref<16x!tpu.dma_semaphore, #tpu.memory_space<semaphore_mem>> -> memref<1x!tpu.dma_semaphore, #tpu.memory_space<semaphore_mem>>
    %dma_start3A_435 = tpu.memref_squeeze %dma_start3A_434 : memref<1x!tpu.dma_semaphore, #tpu.memory_space<semaphore_mem>> -> memref<!tpu.dma_semaphore, #tpu.memory_space<semaphore_mem>>
    %dma_start3A_436 = arith.constant 304 : i32
    %dma_start3A_437 = arith.constant 0 : i32
    %dma_start3A_438 = tpu.memref_slice %arg14[%dma_start3A_436, %dma_start3A_437] : memref<768x128xf32, #tpu.memory_space<vmem>> -> memref<16x128xf32, #tpu.memory_space<vmem>>
    %dma_start3A_439 = arith.constant 0 : i32
    %dma_start3A_440 = tpu.memref_slice %arg7[%dma_start3A_439, %multiple_of3A_427] : memref<16x1000000xf32, #tpu.memory_space<hbm>> -> memref<16x128xf32, #tpu.memory_space<hbm>>
    tpu.enqueue_dma source(%dma_start3A_440 : memref<16x128xf32, #tpu.memory_space<hbm>>) target(%dma_start3A_438 : memref<16x128xf32, #tpu.memory_space<vmem>>) target_semaphore(%dma_start3A_435 : memref<!tpu.dma_semaphore, #tpu.memory_space<semaphore_mem>>)
    %slice3A_441 = vector.extract_strided_slice %get3A_45 {offsets = [6], sizes = [1], strides = [1]} : vector<16xi32> to vector<1xi32>
    %squeeze3A_442 = vector.extract %slice3A_441[0] : i32 from vector<1xi32>
    %shift_right_logical3A_443 = arith.constant 7 : i32
    %shift_right_logical3A_444 = arith.shrui %squeeze3A_442, %shift_right_logical3A_443 : i32
    %shift_left3A_445 = arith.constant 7 : i32
    %shift_left3A_446 = arith.shli %shift_right_logical3A_444, %shift_left3A_445 : i32
    %multiple_of3A_447 = tpu.assume_multiple %shift_left3A_446, 128 : i32
    %dma_start3A_448 = arith.constant 6 : i32
    %dma_start3A_449 = arith.constant 320 : i32
    %dma_start3A_450 = arith.constant 0 : i32
    %dma_start3A_451 = tpu.memref_slice %arg14[%dma_start3A_449, %dma_start3A_450] : memref<768x128xf32, #tpu.memory_space<vmem>> -> memref<16x128xf32, #tpu.memory_space<vmem>>
    %dma_start3A_452 = arith.constant 0 : i32
    %dma_start3A_453 = tpu.memref_slice %arg8[%dma_start3A_452, %multiple_of3A_447] : memref<16x1000000xf32, #tpu.memory_space<hbm>> -> memref<16x128xf32, #tpu.memory_space<hbm>>
    %dma_start3A_454 = tpu.memref_slice %arg17[%dma_start3A_448] : memref<16x!tpu.dma_semaphore, #tpu.memory_space<semaphore_mem>> -> memref<1x!tpu.dma_semaphore, #tpu.memory_space<semaphore_mem>>
    %dma_start3A_455 = tpu.memref_squeeze %dma_start3A_454 : memref<1x!tpu.dma_semaphore, #tpu.memory_space<semaphore_mem>> -> memref<!tpu.dma_semaphore, #tpu.memory_space<semaphore_mem>>
    %dma_start3A_456 = arith.constant 320 : i32
    %dma_start3A_457 = arith.constant 0 : i32
    %dma_start3A_458 = tpu.memref_slice %arg14[%dma_start3A_456, %dma_start3A_457] : memref<768x128xf32, #tpu.memory_space<vmem>> -> memref<16x128xf32, #tpu.memory_space<vmem>>
    %dma_start3A_459 = arith.constant 0 : i32
    %dma_start3A_460 = tpu.memref_slice %arg8[%dma_start3A_459, %multiple_of3A_447] : memref<16x1000000xf32, #tpu.memory_space<hbm>> -> memref<16x128xf32, #tpu.memory_space<hbm>>
    tpu.enqueue_dma source(%dma_start3A_460 : memref<16x128xf32, #tpu.memory_space<hbm>>) target(%dma_start3A_458 : memref<16x128xf32, #tpu.memory_space<vmem>>) target_semaphore(%dma_start3A_455 : memref<!tpu.dma_semaphore, #tpu.memory_space<semaphore_mem>>)
    %slice3A_461 = vector.extract_strided_slice %get3A_41 {offsets = [7], sizes = [1], strides = [1]} : vector<16xi32> to vector<1xi32>
    %squeeze3A_462 = vector.extract %slice3A_461[0] : i32 from vector<1xi32>
    %shift_right_logical3A_463 = arith.constant 7 : i32
    %shift_right_logical3A_464 = arith.shrui %squeeze3A_462, %shift_right_logical3A_463 : i32
    %shift_left3A_465 = arith.constant 7 : i32
    %shift_left3A_466 = arith.shli %shift_right_logical3A_464, %shift_left3A_465 : i32
    %multiple_of3A_467 = tpu.assume_multiple %shift_left3A_466, 128 : i32
    %dma_start3A_468 = arith.constant 7 : i32
    %dma_start3A_469 = arith.constant 336 : i32
    %dma_start3A_470 = arith.constant 0 : i32
    %dma_start3A_471 = tpu.memref_slice %arg14[%dma_start3A_469, %dma_start3A_470] : memref<768x128xf32, #tpu.memory_space<vmem>> -> memref<16x128xf32, #tpu.memory_space<vmem>>
    %dma_start3A_472 = arith.constant 0 : i32
    %dma_start3A_473 = tpu.memref_slice %arg6[%dma_start3A_472, %multiple_of3A_467] : memref<16x1000000xf32, #tpu.memory_space<hbm>> -> memref<16x128xf32, #tpu.memory_space<hbm>>
    %dma_start3A_474 = tpu.memref_slice %arg17[%dma_start3A_468] : memref<16x!tpu.dma_semaphore, #tpu.memory_space<semaphore_mem>> -> memref<1x!tpu.dma_semaphore, #tpu.memory_space<semaphore_mem>>
    %dma_start3A_475 = tpu.memref_squeeze %dma_start3A_474 : memref<1x!tpu.dma_semaphore, #tpu.memory_space<semaphore_mem>> -> memref<!tpu.dma_semaphore, #tpu.memory_space<semaphore_mem>>
    %dma_start3A_476 = arith.constant 336 : i32
    %dma_start3A_477 = arith.constant 0 : i32
    %dma_start3A_478 = tpu.memref_slice %arg14[%dma_start3A_476, %dma_start3A_477] : memref<768x128xf32, #tpu.memory_space<vmem>> -> memref<16x128xf32, #tpu.memory_space<vmem>>
    %dma_start3A_479 = arith.constant 0 : i32
    %dma_start3A_480 = tpu.memref_slice %arg6[%dma_start3A_479, %multiple_of3A_467] : memref<16x1000000xf32, #tpu.memory_space<hbm>> -> memref<16x128xf32, #tpu.memory_space<hbm>>
    tpu.enqueue_dma source(%dma_start3A_480 : memref<16x128xf32, #tpu.memory_space<hbm>>) target(%dma_start3A_478 : memref<16x128xf32, #tpu.memory_space<vmem>>) target_semaphore(%dma_start3A_475 : memref<!tpu.dma_semaphore, #tpu.memory_space<semaphore_mem>>)
    %slice3A_481 = vector.extract_strided_slice %get3A_43 {offsets = [7], sizes = [1], strides = [1]} : vector<16xi32> to vector<1xi32>
    %squeeze3A_482 = vector.extract %slice3A_481[0] : i32 from vector<1xi32>
    %shift_right_logical3A_483 = arith.constant 7 : i32
    %shift_right_logical3A_484 = arith.shrui %squeeze3A_482, %shift_right_logical3A_483 : i32
    %shift_left3A_485 = arith.constant 7 : i32
    %shift_left3A_486 = arith.shli %shift_right_logical3A_484, %shift_left3A_485 : i32
    %multiple_of3A_487 = tpu.assume_multiple %shift_left3A_486, 128 : i32
    %dma_start3A_488 = arith.constant 7 : i32
    %dma_start3A_489 = arith.constant 352 : i32
    %dma_start3A_490 = arith.constant 0 : i32
    %dma_start3A_491 = tpu.memref_slice %arg14[%dma_start3A_489, %dma_start3A_490] : memref<768x128xf32, #tpu.memory_space<vmem>> -> memref<16x128xf32, #tpu.memory_space<vmem>>
    %dma_start3A_492 = arith.constant 0 : i32
    %dma_start3A_493 = tpu.memref_slice %arg7[%dma_start3A_492, %multiple_of3A_487] : memref<16x1000000xf32, #tpu.memory_space<hbm>> -> memref<16x128xf32, #tpu.memory_space<hbm>>
    %dma_start3A_494 = tpu.memref_slice %arg17[%dma_start3A_488] : memref<16x!tpu.dma_semaphore, #tpu.memory_space<semaphore_mem>> -> memref<1x!tpu.dma_semaphore, #tpu.memory_space<semaphore_mem>>
    %dma_start3A_495 = tpu.memref_squeeze %dma_start3A_494 : memref<1x!tpu.dma_semaphore, #tpu.memory_space<semaphore_mem>> -> memref<!tpu.dma_semaphore, #tpu.memory_space<semaphore_mem>>
    %dma_start3A_496 = arith.constant 352 : i32
    %dma_start3A_497 = arith.constant 0 : i32
    %dma_start3A_498 = tpu.memref_slice %arg14[%dma_start3A_496, %dma_start3A_497] : memref<768x128xf32, #tpu.memory_space<vmem>> -> memref<16x128xf32, #tpu.memory_space<vmem>>
    %dma_start3A_499 = arith.constant 0 : i32
    %dma_start3A_500 = tpu.memref_slice %arg7[%dma_start3A_499, %multiple_of3A_487] : memref<16x1000000xf32, #tpu.memory_space<hbm>> -> memref<16x128xf32, #tpu.memory_space<hbm>>
    tpu.enqueue_dma source(%dma_start3A_500 : memref<16x128xf32, #tpu.memory_space<hbm>>) target(%dma_start3A_498 : memref<16x128xf32, #tpu.memory_space<vmem>>) target_semaphore(%dma_start3A_495 : memref<!tpu.dma_semaphore, #tpu.memory_space<semaphore_mem>>)
    %slice3A_501 = vector.extract_strided_slice %get3A_45 {offsets = [7], sizes = [1], strides = [1]} : vector<16xi32> to vector<1xi32>
    %squeeze3A_502 = vector.extract %slice3A_501[0] : i32 from vector<1xi32>
    %shift_right_logical3A_503 = arith.constant 7 : i32
    %shift_right_logical3A_504 = arith.shrui %squeeze3A_502, %shift_right_logical3A_503 : i32
    %shift_left3A_505 = arith.constant 7 : i32
    %shift_left3A_506 = arith.shli %shift_right_logical3A_504, %shift_left3A_505 : i32
    %multiple_of3A_507 = tpu.assume_multiple %shift_left3A_506, 128 : i32
    %dma_start3A_508 = arith.constant 7 : i32
    %dma_start3A_509 = arith.constant 368 : i32
    %dma_start3A_510 = arith.constant 0 : i32
    %dma_start3A_511 = tpu.memref_slice %arg14[%dma_start3A_509, %dma_start3A_510] : memref<768x128xf32, #tpu.memory_space<vmem>> -> memref<16x128xf32, #tpu.memory_space<vmem>>
    %dma_start3A_512 = arith.constant 0 : i32
    %dma_start3A_513 = tpu.memref_slice %arg8[%dma_start3A_512, %multiple_of3A_507] : memref<16x1000000xf32, #tpu.memory_space<hbm>> -> memref<16x128xf32, #tpu.memory_space<hbm>>
    %dma_start3A_514 = tpu.memref_slice %arg17[%dma_start3A_508] : memref<16x!tpu.dma_semaphore, #tpu.memory_space<semaphore_mem>> -> memref<1x!tpu.dma_semaphore, #tpu.memory_space<semaphore_mem>>
    %dma_start3A_515 = tpu.memref_squeeze %dma_start3A_514 : memref<1x!tpu.dma_semaphore, #tpu.memory_space<semaphore_mem>> -> memref<!tpu.dma_semaphore, #tpu.memory_space<semaphore_mem>>
    %dma_start3A_516 = arith.constant 368 : i32
    %dma_start3A_517 = arith.constant 0 : i32
    %dma_start3A_518 = tpu.memref_slice %arg14[%dma_start3A_516, %dma_start3A_517] : memref<768x128xf32, #tpu.memory_space<vmem>> -> memref<16x128xf32, #tpu.memory_space<vmem>>
    %dma_start3A_519 = arith.constant 0 : i32
    %dma_start3A_520 = tpu.memref_slice %arg8[%dma_start3A_519, %multiple_of3A_507] : memref<16x1000000xf32, #tpu.memory_space<hbm>> -> memref<16x128xf32, #tpu.memory_space<hbm>>
    tpu.enqueue_dma source(%dma_start3A_520 : memref<16x128xf32, #tpu.memory_space<hbm>>) target(%dma_start3A_518 : memref<16x128xf32, #tpu.memory_space<vmem>>) target_semaphore(%dma_start3A_515 : memref<!tpu.dma_semaphore, #tpu.memory_space<semaphore_mem>>)
    %slice3A_521 = vector.extract_strided_slice %get3A_41 {offsets = [8], sizes = [1], strides = [1]} : vector<16xi32> to vector<1xi32>
    %squeeze3A_522 = vector.extract %slice3A_521[0] : i32 from vector<1xi32>
    %shift_right_logical3A_523 = arith.constant 7 : i32
    %shift_right_logical3A_524 = arith.shrui %squeeze3A_522, %shift_right_logical3A_523 : i32
    %shift_left3A_525 = arith.constant 7 : i32
    %shift_left3A_526 = arith.shli %shift_right_logical3A_524, %shift_left3A_525 : i32
    %multiple_of3A_527 = tpu.assume_multiple %shift_left3A_526, 128 : i32
    %dma_start3A_528 = arith.constant 8 : i32
    %dma_start3A_529 = arith.constant 384 : i32
    %dma_start3A_530 = arith.constant 0 : i32
    %dma_start3A_531 = tpu.memref_slice %arg14[%dma_start3A_529, %dma_start3A_530] : memref<768x128xf32, #tpu.memory_space<vmem>> -> memref<16x128xf32, #tpu.memory_space<vmem>>
    %dma_start3A_532 = arith.constant 0 : i32
    %dma_start3A_533 = tpu.memref_slice %arg6[%dma_start3A_532, %multiple_of3A_527] : memref<16x1000000xf32, #tpu.memory_space<hbm>> -> memref<16x128xf32, #tpu.memory_space<hbm>>
    %dma_start3A_534 = tpu.memref_slice %arg17[%dma_start3A_528] : memref<16x!tpu.dma_semaphore, #tpu.memory_space<semaphore_mem>> -> memref<1x!tpu.dma_semaphore, #tpu.memory_space<semaphore_mem>>
    %dma_start3A_535 = tpu.memref_squeeze %dma_start3A_534 : memref<1x!tpu.dma_semaphore, #tpu.memory_space<semaphore_mem>> -> memref<!tpu.dma_semaphore, #tpu.memory_space<semaphore_mem>>
    %dma_start3A_536 = arith.constant 384 : i32
    %dma_start3A_537 = arith.constant 0 : i32
    %dma_start3A_538 = tpu.memref_slice %arg14[%dma_start3A_536, %dma_start3A_537] : memref<768x128xf32, #tpu.memory_space<vmem>> -> memref<16x128xf32, #tpu.memory_space<vmem>>
    %dma_start3A_539 = arith.constant 0 : i32
    %dma_start3A_540 = tpu.memref_slice %arg6[%dma_start3A_539, %multiple_of3A_527] : memref<16x1000000xf32, #tpu.memory_space<hbm>> -> memref<16x128xf32, #tpu.memory_space<hbm>>
    tpu.enqueue_dma source(%dma_start3A_540 : memref<16x128xf32, #tpu.memory_space<hbm>>) target(%dma_start3A_538 : memref<16x128xf32, #tpu.memory_space<vmem>>) target_semaphore(%dma_start3A_535 : memref<!tpu.dma_semaphore, #tpu.memory_space<semaphore_mem>>)
    %slice3A_541 = vector.extract_strided_slice %get3A_43 {offsets = [8], sizes = [1], strides = [1]} : vector<16xi32> to vector<1xi32>
    %squeeze3A_542 = vector.extract %slice3A_541[0] : i32 from vector<1xi32>
    %shift_right_logical3A_543 = arith.constant 7 : i32
    %shift_right_logical3A_544 = arith.shrui %squeeze3A_542, %shift_right_logical3A_543 : i32
    %shift_left3A_545 = arith.constant 7 : i32
    %shift_left3A_546 = arith.shli %shift_right_logical3A_544, %shift_left3A_545 : i32
    %multiple_of3A_547 = tpu.assume_multiple %shift_left3A_546, 128 : i32
    %dma_start3A_548 = arith.constant 8 : i32
    %dma_start3A_549 = arith.constant 400 : i32
    %dma_start3A_550 = arith.constant 0 : i32
    %dma_start3A_551 = tpu.memref_slice %arg14[%dma_start3A_549, %dma_start3A_550] : memref<768x128xf32, #tpu.memory_space<vmem>> -> memref<16x128xf32, #tpu.memory_space<vmem>>
    %dma_start3A_552 = arith.constant 0 : i32
    %dma_start3A_553 = tpu.memref_slice %arg7[%dma_start3A_552, %multiple_of3A_547] : memref<16x1000000xf32, #tpu.memory_space<hbm>> -> memref<16x128xf32, #tpu.memory_space<hbm>>
    %dma_start3A_554 = tpu.memref_slice %arg17[%dma_start3A_548] : memref<16x!tpu.dma_semaphore, #tpu.memory_space<semaphore_mem>> -> memref<1x!tpu.dma_semaphore, #tpu.memory_space<semaphore_mem>>
    %dma_start3A_555 = tpu.memref_squeeze %dma_start3A_554 : memref<1x!tpu.dma_semaphore, #tpu.memory_space<semaphore_mem>> -> memref<!tpu.dma_semaphore, #tpu.memory_space<semaphore_mem>>
    %dma_start3A_556 = arith.constant 400 : i32
    %dma_start3A_557 = arith.constant 0 : i32
    %dma_start3A_558 = tpu.memref_slice %arg14[%dma_start3A_556, %dma_start3A_557] : memref<768x128xf32, #tpu.memory_space<vmem>> -> memref<16x128xf32, #tpu.memory_space<vmem>>
    %dma_start3A_559 = arith.constant 0 : i32
    %dma_start3A_560 = tpu.memref_slice %arg7[%dma_start3A_559, %multiple_of3A_547] : memref<16x1000000xf32, #tpu.memory_space<hbm>> -> memref<16x128xf32, #tpu.memory_space<hbm>>
    tpu.enqueue_dma source(%dma_start3A_560 : memref<16x128xf32, #tpu.memory_space<hbm>>) target(%dma_start3A_558 : memref<16x128xf32, #tpu.memory_space<vmem>>) target_semaphore(%dma_start3A_555 : memref<!tpu.dma_semaphore, #tpu.memory_space<semaphore_mem>>)
    %slice3A_561 = vector.extract_strided_slice %get3A_45 {offsets = [8], sizes = [1], strides = [1]} : vector<16xi32> to vector<1xi32>
    %squeeze3A_562 = vector.extract %slice3A_561[0] : i32 from vector<1xi32>
    %shift_right_logical3A_563 = arith.constant 7 : i32
    %shift_right_logical3A_564 = arith.shrui %squeeze3A_562, %shift_right_logical3A_563 : i32
    %shift_left3A_565 = arith.constant 7 : i32
    %shift_left3A_566 = arith.shli %shift_right_logical3A_564, %shift_left3A_565 : i32
    %multiple_of3A_567 = tpu.assume_multiple %shift_left3A_566, 128 : i32
    %dma_start3A_568 = arith.constant 8 : i32
    %dma_start3A_569 = arith.constant 416 : i32
    %dma_start3A_570 = arith.constant 0 : i32
    %dma_start3A_571 = tpu.memref_slice %arg14[%dma_start3A_569, %dma_start3A_570] : memref<768x128xf32, #tpu.memory_space<vmem>> -> memref<16x128xf32, #tpu.memory_space<vmem>>
    %dma_start3A_572 = arith.constant 0 : i32
    %dma_start3A_573 = tpu.memref_slice %arg8[%dma_start3A_572, %multiple_of3A_567] : memref<16x1000000xf32, #tpu.memory_space<hbm>> -> memref<16x128xf32, #tpu.memory_space<hbm>>
    %dma_start3A_574 = tpu.memref_slice %arg17[%dma_start3A_568] : memref<16x!tpu.dma_semaphore, #tpu.memory_space<semaphore_mem>> -> memref<1x!tpu.dma_semaphore, #tpu.memory_space<semaphore_mem>>
    %dma_start3A_575 = tpu.memref_squeeze %dma_start3A_574 : memref<1x!tpu.dma_semaphore, #tpu.memory_space<semaphore_mem>> -> memref<!tpu.dma_semaphore, #tpu.memory_space<semaphore_mem>>
    %dma_start3A_576 = arith.constant 416 : i32
    %dma_start3A_577 = arith.constant 0 : i32
    %dma_start3A_578 = tpu.memref_slice %arg14[%dma_start3A_576, %dma_start3A_577] : memref<768x128xf32, #tpu.memory_space<vmem>> -> memref<16x128xf32, #tpu.memory_space<vmem>>
    %dma_start3A_579 = arith.constant 0 : i32
    %dma_start3A_580 = tpu.memref_slice %arg8[%dma_start3A_579, %multiple_of3A_567] : memref<16x1000000xf32, #tpu.memory_space<hbm>> -> memref<16x128xf32, #tpu.memory_space<hbm>>
    tpu.enqueue_dma source(%dma_start3A_580 : memref<16x128xf32, #tpu.memory_space<hbm>>) target(%dma_start3A_578 : memref<16x128xf32, #tpu.memory_space<vmem>>) target_semaphore(%dma_start3A_575 : memref<!tpu.dma_semaphore, #tpu.memory_space<semaphore_mem>>)
    %slice3A_581 = vector.extract_strided_slice %get3A_41 {offsets = [9], sizes = [1], strides = [1]} : vector<16xi32> to vector<1xi32>
    %squeeze3A_582 = vector.extract %slice3A_581[0] : i32 from vector<1xi32>
    %shift_right_logical3A_583 = arith.constant 7 : i32
    %shift_right_logical3A_584 = arith.shrui %squeeze3A_582, %shift_right_logical3A_583 : i32
    %shift_left3A_585 = arith.constant 7 : i32
    %shift_left3A_586 = arith.shli %shift_right_logical3A_584, %shift_left3A_585 : i32
    %multiple_of3A_587 = tpu.assume_multiple %shift_left3A_586, 128 : i32
    %dma_start3A_588 = arith.constant 9 : i32
    %dma_start3A_589 = arith.constant 432 : i32
    %dma_start3A_590 = arith.constant 0 : i32
    %dma_start3A_591 = tpu.memref_slice %arg14[%dma_start3A_589, %dma_start3A_590] : memref<768x128xf32, #tpu.memory_space<vmem>> -> memref<16x128xf32, #tpu.memory_space<vmem>>
    %dma_start3A_592 = arith.constant 0 : i32
    %dma_start3A_593 = tpu.memref_slice %arg6[%dma_start3A_592, %multiple_of3A_587] : memref<16x1000000xf32, #tpu.memory_space<hbm>> -> memref<16x128xf32, #tpu.memory_space<hbm>>
    %dma_start3A_594 = tpu.memref_slice %arg17[%dma_start3A_588] : memref<16x!tpu.dma_semaphore, #tpu.memory_space<semaphore_mem>> -> memref<1x!tpu.dma_semaphore, #tpu.memory_space<semaphore_mem>>
    %dma_start3A_595 = tpu.memref_squeeze %dma_start3A_594 : memref<1x!tpu.dma_semaphore, #tpu.memory_space<semaphore_mem>> -> memref<!tpu.dma_semaphore, #tpu.memory_space<semaphore_mem>>
    %dma_start3A_596 = arith.constant 432 : i32
    %dma_start3A_597 = arith.constant 0 : i32
    %dma_start3A_598 = tpu.memref_slice %arg14[%dma_start3A_596, %dma_start3A_597] : memref<768x128xf32, #tpu.memory_space<vmem>> -> memref<16x128xf32, #tpu.memory_space<vmem>>
    %dma_start3A_599 = arith.constant 0 : i32
    %dma_start3A_600 = tpu.memref_slice %arg6[%dma_start3A_599, %multiple_of3A_587] : memref<16x1000000xf32, #tpu.memory_space<hbm>> -> memref<16x128xf32, #tpu.memory_space<hbm>>
    tpu.enqueue_dma source(%dma_start3A_600 : memref<16x128xf32, #tpu.memory_space<hbm>>) target(%dma_start3A_598 : memref<16x128xf32, #tpu.memory_space<vmem>>) target_semaphore(%dma_start3A_595 : memref<!tpu.dma_semaphore, #tpu.memory_space<semaphore_mem>>)
    %slice3A_601 = vector.extract_strided_slice %get3A_43 {offsets = [9], sizes = [1], strides = [1]} : vector<16xi32> to vector<1xi32>
    %squeeze3A_602 = vector.extract %slice3A_601[0] : i32 from vector<1xi32>
    %shift_right_logical3A_603 = arith.constant 7 : i32
    %shift_right_logical3A_604 = arith.shrui %squeeze3A_602, %shift_right_logical3A_603 : i32
    %shift_left3A_605 = arith.constant 7 : i32
    %shift_left3A_606 = arith.shli %shift_right_logical3A_604, %shift_left3A_605 : i32
    %multiple_of3A_607 = tpu.assume_multiple %shift_left3A_606, 128 : i32
    %dma_start3A_608 = arith.constant 9 : i32
    %dma_start3A_609 = arith.constant 448 : i32
    %dma_start3A_610 = arith.constant 0 : i32
    %dma_start3A_611 = tpu.memref_slice %arg14[%dma_start3A_609, %dma_start3A_610] : memref<768x128xf32, #tpu.memory_space<vmem>> -> memref<16x128xf32, #tpu.memory_space<vmem>>
    %dma_start3A_612 = arith.constant 0 : i32
    %dma_start3A_613 = tpu.memref_slice %arg7[%dma_start3A_612, %multiple_of3A_607] : memref<16x1000000xf32, #tpu.memory_space<hbm>> -> memref<16x128xf32, #tpu.memory_space<hbm>>
    %dma_start3A_614 = tpu.memref_slice %arg17[%dma_start3A_608] : memref<16x!tpu.dma_semaphore, #tpu.memory_space<semaphore_mem>> -> memref<1x!tpu.dma_semaphore, #tpu.memory_space<semaphore_mem>>
    %dma_start3A_615 = tpu.memref_squeeze %dma_start3A_614 : memref<1x!tpu.dma_semaphore, #tpu.memory_space<semaphore_mem>> -> memref<!tpu.dma_semaphore, #tpu.memory_space<semaphore_mem>>
    %dma_start3A_616 = arith.constant 448 : i32
    %dma_start3A_617 = arith.constant 0 : i32
    %dma_start3A_618 = tpu.memref_slice %arg14[%dma_start3A_616, %dma_start3A_617] : memref<768x128xf32, #tpu.memory_space<vmem>> -> memref<16x128xf32, #tpu.memory_space<vmem>>
    %dma_start3A_619 = arith.constant 0 : i32
    %dma_start3A_620 = tpu.memref_slice %arg7[%dma_start3A_619, %multiple_of3A_607] : memref<16x1000000xf32, #tpu.memory_space<hbm>> -> memref<16x128xf32, #tpu.memory_space<hbm>>
    tpu.enqueue_dma source(%dma_start3A_620 : memref<16x128xf32, #tpu.memory_space<hbm>>) target(%dma_start3A_618 : memref<16x128xf32, #tpu.memory_space<vmem>>) target_semaphore(%dma_start3A_615 : memref<!tpu.dma_semaphore, #tpu.memory_space<semaphore_mem>>)
    %slice3A_621 = vector.extract_strided_slice %get3A_45 {offsets = [9], sizes = [1], strides = [1]} : vector<16xi32> to vector<1xi32>
    %squeeze3A_622 = vector.extract %slice3A_621[0] : i32 from vector<1xi32>
    %shift_right_logical3A_623 = arith.constant 7 : i32
    %shift_right_logical3A_624 = arith.shrui %squeeze3A_622, %shift_right_logical3A_623 : i32
    %shift_left3A_625 = arith.constant 7 : i32
    %shift_left3A_626 = arith.shli %shift_right_logical3A_624, %shift_left3A_625 : i32
    %multiple_of3A_627 = tpu.assume_multiple %shift_left3A_626, 128 : i32
    %dma_start3A_628 = arith.constant 9 : i32
    %dma_start3A_629 = arith.constant 464 : i32
    %dma_start3A_630 = arith.constant 0 : i32
    %dma_start3A_631 = tpu.memref_slice %arg14[%dma_start3A_629, %dma_start3A_630] : memref<768x128xf32, #tpu.memory_space<vmem>> -> memref<16x128xf32, #tpu.memory_space<vmem>>
    %dma_start3A_632 = arith.constant 0 : i32
    %dma_start3A_633 = tpu.memref_slice %arg8[%dma_start3A_632, %multiple_of3A_627] : memref<16x1000000xf32, #tpu.memory_space<hbm>> -> memref<16x128xf32, #tpu.memory_space<hbm>>
    %dma_start3A_634 = tpu.memref_slice %arg17[%dma_start3A_628] : memref<16x!tpu.dma_semaphore, #tpu.memory_space<semaphore_mem>> -> memref<1x!tpu.dma_semaphore, #tpu.memory_space<semaphore_mem>>
    %dma_start3A_635 = tpu.memref_squeeze %dma_start3A_634 : memref<1x!tpu.dma_semaphore, #tpu.memory_space<semaphore_mem>> -> memref<!tpu.dma_semaphore, #tpu.memory_space<semaphore_mem>>
    %dma_start3A_636 = arith.constant 464 : i32
    %dma_start3A_637 = arith.constant 0 : i32
    %dma_start3A_638 = tpu.memref_slice %arg14[%dma_start3A_636, %dma_start3A_637] : memref<768x128xf32, #tpu.memory_space<vmem>> -> memref<16x128xf32, #tpu.memory_space<vmem>>
    %dma_start3A_639 = arith.constant 0 : i32
    %dma_start3A_640 = tpu.memref_slice %arg8[%dma_start3A_639, %multiple_of3A_627] : memref<16x1000000xf32, #tpu.memory_space<hbm>> -> memref<16x128xf32, #tpu.memory_space<hbm>>
    tpu.enqueue_dma source(%dma_start3A_640 : memref<16x128xf32, #tpu.memory_space<hbm>>) target(%dma_start3A_638 : memref<16x128xf32, #tpu.memory_space<vmem>>) target_semaphore(%dma_start3A_635 : memref<!tpu.dma_semaphore, #tpu.memory_space<semaphore_mem>>)
    %slice3A_641 = vector.extract_strided_slice %get3A_41 {offsets = [10], sizes = [1], strides = [1]} : vector<16xi32> to vector<1xi32>
    %squeeze3A_642 = vector.extract %slice3A_641[0] : i32 from vector<1xi32>
    %shift_right_logical3A_643 = arith.constant 7 : i32
    %shift_right_logical3A_644 = arith.shrui %squeeze3A_642, %shift_right_logical3A_643 : i32
    %shift_left3A_645 = arith.constant 7 : i32
    %shift_left3A_646 = arith.shli %shift_right_logical3A_644, %shift_left3A_645 : i32
    %multiple_of3A_647 = tpu.assume_multiple %shift_left3A_646, 128 : i32
    %dma_start3A_648 = arith.constant 10 : i32
    %dma_start3A_649 = arith.constant 480 : i32
    %dma_start3A_650 = arith.constant 0 : i32
    %dma_start3A_651 = tpu.memref_slice %arg14[%dma_start3A_649, %dma_start3A_650] : memref<768x128xf32, #tpu.memory_space<vmem>> -> memref<16x128xf32, #tpu.memory_space<vmem>>
    %dma_start3A_652 = arith.constant 0 : i32
    %dma_start3A_653 = tpu.memref_slice %arg6[%dma_start3A_652, %multiple_of3A_647] : memref<16x1000000xf32, #tpu.memory_space<hbm>> -> memref<16x128xf32, #tpu.memory_space<hbm>>
    %dma_start3A_654 = tpu.memref_slice %arg17[%dma_start3A_648] : memref<16x!tpu.dma_semaphore, #tpu.memory_space<semaphore_mem>> -> memref<1x!tpu.dma_semaphore, #tpu.memory_space<semaphore_mem>>
    %dma_start3A_655 = tpu.memref_squeeze %dma_start3A_654 : memref<1x!tpu.dma_semaphore, #tpu.memory_space<semaphore_mem>> -> memref<!tpu.dma_semaphore, #tpu.memory_space<semaphore_mem>>
    %dma_start3A_656 = arith.constant 480 : i32
    %dma_start3A_657 = arith.constant 0 : i32
    %dma_start3A_658 = tpu.memref_slice %arg14[%dma_start3A_656, %dma_start3A_657] : memref<768x128xf32, #tpu.memory_space<vmem>> -> memref<16x128xf32, #tpu.memory_space<vmem>>
    %dma_start3A_659 = arith.constant 0 : i32
    %dma_start3A_660 = tpu.memref_slice %arg6[%dma_start3A_659, %multiple_of3A_647] : memref<16x1000000xf32, #tpu.memory_space<hbm>> -> memref<16x128xf32, #tpu.memory_space<hbm>>
    tpu.enqueue_dma source(%dma_start3A_660 : memref<16x128xf32, #tpu.memory_space<hbm>>) target(%dma_start3A_658 : memref<16x128xf32, #tpu.memory_space<vmem>>) target_semaphore(%dma_start3A_655 : memref<!tpu.dma_semaphore, #tpu.memory_space<semaphore_mem>>)
    %slice3A_661 = vector.extract_strided_slice %get3A_43 {offsets = [10], sizes = [1], strides = [1]} : vector<16xi32> to vector<1xi32>
    %squeeze3A_662 = vector.extract %slice3A_661[0] : i32 from vector<1xi32>
    %shift_right_logical3A_663 = arith.constant 7 : i32
    %shift_right_logical3A_664 = arith.shrui %squeeze3A_662, %shift_right_logical3A_663 : i32
    %shift_left3A_665 = arith.constant 7 : i32
    %shift_left3A_666 = arith.shli %shift_right_logical3A_664, %shift_left3A_665 : i32
    %multiple_of3A_667 = tpu.assume_multiple %shift_left3A_666, 128 : i32
    %dma_start3A_668 = arith.constant 10 : i32
    %dma_start3A_669 = arith.constant 496 : i32
    %dma_start3A_670 = arith.constant 0 : i32
    %dma_start3A_671 = tpu.memref_slice %arg14[%dma_start3A_669, %dma_start3A_670] : memref<768x128xf32, #tpu.memory_space<vmem>> -> memref<16x128xf32, #tpu.memory_space<vmem>>
    %dma_start3A_672 = arith.constant 0 : i32
    %dma_start3A_673 = tpu.memref_slice %arg7[%dma_start3A_672, %multiple_of3A_667] : memref<16x1000000xf32, #tpu.memory_space<hbm>> -> memref<16x128xf32, #tpu.memory_space<hbm>>
    %dma_start3A_674 = tpu.memref_slice %arg17[%dma_start3A_668] : memref<16x!tpu.dma_semaphore, #tpu.memory_space<semaphore_mem>> -> memref<1x!tpu.dma_semaphore, #tpu.memory_space<semaphore_mem>>
    %dma_start3A_675 = tpu.memref_squeeze %dma_start3A_674 : memref<1x!tpu.dma_semaphore, #tpu.memory_space<semaphore_mem>> -> memref<!tpu.dma_semaphore, #tpu.memory_space<semaphore_mem>>
    %dma_start3A_676 = arith.constant 496 : i32
    %dma_start3A_677 = arith.constant 0 : i32
    %dma_start3A_678 = tpu.memref_slice %arg14[%dma_start3A_676, %dma_start3A_677] : memref<768x128xf32, #tpu.memory_space<vmem>> -> memref<16x128xf32, #tpu.memory_space<vmem>>
    %dma_start3A_679 = arith.constant 0 : i32
    %dma_start3A_680 = tpu.memref_slice %arg7[%dma_start3A_679, %multiple_of3A_667] : memref<16x1000000xf32, #tpu.memory_space<hbm>> -> memref<16x128xf32, #tpu.memory_space<hbm>>
    tpu.enqueue_dma source(%dma_start3A_680 : memref<16x128xf32, #tpu.memory_space<hbm>>) target(%dma_start3A_678 : memref<16x128xf32, #tpu.memory_space<vmem>>) target_semaphore(%dma_start3A_675 : memref<!tpu.dma_semaphore, #tpu.memory_space<semaphore_mem>>)
    %slice3A_681 = vector.extract_strided_slice %get3A_45 {offsets = [10], sizes = [1], strides = [1]} : vector<16xi32> to vector<1xi32>
    %squeeze3A_682 = vector.extract %slice3A_681[0] : i32 from vector<1xi32>
    %shift_right_logical3A_683 = arith.constant 7 : i32
    %shift_right_logical3A_684 = arith.shrui %squeeze3A_682, %shift_right_logical3A_683 : i32
    %shift_left3A_685 = arith.constant 7 : i32
    %shift_left3A_686 = arith.shli %shift_right_logical3A_684, %shift_left3A_685 : i32
    %multiple_of3A_687 = tpu.assume_multiple %shift_left3A_686, 128 : i32
    %dma_start3A_688 = arith.constant 10 : i32
    %dma_start3A_689 = arith.constant 512 : i32
    %dma_start3A_690 = arith.constant 0 : i32
    %dma_start3A_691 = tpu.memref_slice %arg14[%dma_start3A_689, %dma_start3A_690] : memref<768x128xf32, #tpu.memory_space<vmem>> -> memref<16x128xf32, #tpu.memory_space<vmem>>
    %dma_start3A_692 = arith.constant 0 : i32
    %dma_start3A_693 = tpu.memref_slice %arg8[%dma_start3A_692, %multiple_of3A_687] : memref<16x1000000xf32, #tpu.memory_space<hbm>> -> memref<16x128xf32, #tpu.memory_space<hbm>>
    %dma_start3A_694 = tpu.memref_slice %arg17[%dma_start3A_688] : memref<16x!tpu.dma_semaphore, #tpu.memory_space<semaphore_mem>> -> memref<1x!tpu.dma_semaphore, #tpu.memory_space<semaphore_mem>>
    %dma_start3A_695 = tpu.memref_squeeze %dma_start3A_694 : memref<1x!tpu.dma_semaphore, #tpu.memory_space<semaphore_mem>> -> memref<!tpu.dma_semaphore, #tpu.memory_space<semaphore_mem>>
    %dma_start3A_696 = arith.constant 512 : i32
    %dma_start3A_697 = arith.constant 0 : i32
    %dma_start3A_698 = tpu.memref_slice %arg14[%dma_start3A_696, %dma_start3A_697] : memref<768x128xf32, #tpu.memory_space<vmem>> -> memref<16x128xf32, #tpu.memory_space<vmem>>
    %dma_start3A_699 = arith.constant 0 : i32
    %dma_start3A_700 = tpu.memref_slice %arg8[%dma_start3A_699, %multiple_of3A_687] : memref<16x1000000xf32, #tpu.memory_space<hbm>> -> memref<16x128xf32, #tpu.memory_space<hbm>>
    tpu.enqueue_dma source(%dma_start3A_700 : memref<16x128xf32, #tpu.memory_space<hbm>>) target(%dma_start3A_698 : memref<16x128xf32, #tpu.memory_space<vmem>>) target_semaphore(%dma_start3A_695 : memref<!tpu.dma_semaphore, #tpu.memory_space<semaphore_mem>>)
    %slice3A_701 = vector.extract_strided_slice %get3A_41 {offsets = [11], sizes = [1], strides = [1]} : vector<16xi32> to vector<1xi32>
    %squeeze3A_702 = vector.extract %slice3A_701[0] : i32 from vector<1xi32>
    %shift_right_logical3A_703 = arith.constant 7 : i32
    %shift_right_logical3A_704 = arith.shrui %squeeze3A_702, %shift_right_logical3A_703 : i32
    %shift_left3A_705 = arith.constant 7 : i32
    %shift_left3A_706 = arith.shli %shift_right_logical3A_704, %shift_left3A_705 : i32
    %multiple_of3A_707 = tpu.assume_multiple %shift_left3A_706, 128 : i32
    %dma_start3A_708 = arith.constant 11 : i32
    %dma_start3A_709 = arith.constant 528 : i32
    %dma_start3A_710 = arith.constant 0 : i32
    %dma_start3A_711 = tpu.memref_slice %arg14[%dma_start3A_709, %dma_start3A_710] : memref<768x128xf32, #tpu.memory_space<vmem>> -> memref<16x128xf32, #tpu.memory_space<vmem>>
    %dma_start3A_712 = arith.constant 0 : i32
    %dma_start3A_713 = tpu.memref_slice %arg6[%dma_start3A_712, %multiple_of3A_707] : memref<16x1000000xf32, #tpu.memory_space<hbm>> -> memref<16x128xf32, #tpu.memory_space<hbm>>
    %dma_start3A_714 = tpu.memref_slice %arg17[%dma_start3A_708] : memref<16x!tpu.dma_semaphore, #tpu.memory_space<semaphore_mem>> -> memref<1x!tpu.dma_semaphore, #tpu.memory_space<semaphore_mem>>
    %dma_start3A_715 = tpu.memref_squeeze %dma_start3A_714 : memref<1x!tpu.dma_semaphore, #tpu.memory_space<semaphore_mem>> -> memref<!tpu.dma_semaphore, #tpu.memory_space<semaphore_mem>>
    %dma_start3A_716 = arith.constant 528 : i32
    %dma_start3A_717 = arith.constant 0 : i32
    %dma_start3A_718 = tpu.memref_slice %arg14[%dma_start3A_716, %dma_start3A_717] : memref<768x128xf32, #tpu.memory_space<vmem>> -> memref<16x128xf32, #tpu.memory_space<vmem>>
    %dma_start3A_719 = arith.constant 0 : i32
    %dma_start3A_720 = tpu.memref_slice %arg6[%dma_start3A_719, %multiple_of3A_707] : memref<16x1000000xf32, #tpu.memory_space<hbm>> -> memref<16x128xf32, #tpu.memory_space<hbm>>
    tpu.enqueue_dma source(%dma_start3A_720 : memref<16x128xf32, #tpu.memory_space<hbm>>) target(%dma_start3A_718 : memref<16x128xf32, #tpu.memory_space<vmem>>) target_semaphore(%dma_start3A_715 : memref<!tpu.dma_semaphore, #tpu.memory_space<semaphore_mem>>)
    %slice3A_721 = vector.extract_strided_slice %get3A_43 {offsets = [11], sizes = [1], strides = [1]} : vector<16xi32> to vector<1xi32>
    %squeeze3A_722 = vector.extract %slice3A_721[0] : i32 from vector<1xi32>
    %shift_right_logical3A_723 = arith.constant 7 : i32
    %shift_right_logical3A_724 = arith.shrui %squeeze3A_722, %shift_right_logical3A_723 : i32
    %shift_left3A_725 = arith.constant 7 : i32
    %shift_left3A_726 = arith.shli %shift_right_logical3A_724, %shift_left3A_725 : i32
    %multiple_of3A_727 = tpu.assume_multiple %shift_left3A_726, 128 : i32
    %dma_start3A_728 = arith.constant 11 : i32
    %dma_start3A_729 = arith.constant 544 : i32
    %dma_start3A_730 = arith.constant 0 : i32
    %dma_start3A_731 = tpu.memref_slice %arg14[%dma_start3A_729, %dma_start3A_730] : memref<768x128xf32, #tpu.memory_space<vmem>> -> memref<16x128xf32, #tpu.memory_space<vmem>>
    %dma_start3A_732 = arith.constant 0 : i32
    %dma_start3A_733 = tpu.memref_slice %arg7[%dma_start3A_732, %multiple_of3A_727] : memref<16x1000000xf32, #tpu.memory_space<hbm>> -> memref<16x128xf32, #tpu.memory_space<hbm>>
    %dma_start3A_734 = tpu.memref_slice %arg17[%dma_start3A_728] : memref<16x!tpu.dma_semaphore, #tpu.memory_space<semaphore_mem>> -> memref<1x!tpu.dma_semaphore, #tpu.memory_space<semaphore_mem>>
    %dma_start3A_735 = tpu.memref_squeeze %dma_start3A_734 : memref<1x!tpu.dma_semaphore, #tpu.memory_space<semaphore_mem>> -> memref<!tpu.dma_semaphore, #tpu.memory_space<semaphore_mem>>
    %dma_start3A_736 = arith.constant 544 : i32
    %dma_start3A_737 = arith.constant 0 : i32
    %dma_start3A_738 = tpu.memref_slice %arg14[%dma_start3A_736, %dma_start3A_737] : memref<768x128xf32, #tpu.memory_space<vmem>> -> memref<16x128xf32, #tpu.memory_space<vmem>>
    %dma_start3A_739 = arith.constant 0 : i32
    %dma_start3A_740 = tpu.memref_slice %arg7[%dma_start3A_739, %multiple_of3A_727] : memref<16x1000000xf32, #tpu.memory_space<hbm>> -> memref<16x128xf32, #tpu.memory_space<hbm>>
    tpu.enqueue_dma source(%dma_start3A_740 : memref<16x128xf32, #tpu.memory_space<hbm>>) target(%dma_start3A_738 : memref<16x128xf32, #tpu.memory_space<vmem>>) target_semaphore(%dma_start3A_735 : memref<!tpu.dma_semaphore, #tpu.memory_space<semaphore_mem>>)
    %slice3A_741 = vector.extract_strided_slice %get3A_45 {offsets = [11], sizes = [1], strides = [1]} : vector<16xi32> to vector<1xi32>
    %squeeze3A_742 = vector.extract %slice3A_741[0] : i32 from vector<1xi32>
    %shift_right_logical3A_743 = arith.constant 7 : i32
    %shift_right_logical3A_744 = arith.shrui %squeeze3A_742, %shift_right_logical3A_743 : i32
    %shift_left3A_745 = arith.constant 7 : i32
    %shift_left3A_746 = arith.shli %shift_right_logical3A_744, %shift_left3A_745 : i32
    %multiple_of3A_747 = tpu.assume_multiple %shift_left3A_746, 128 : i32
    %dma_start3A_748 = arith.constant 11 : i32
    %dma_start3A_749 = arith.constant 560 : i32
    %dma_start3A_750 = arith.constant 0 : i32
    %dma_start3A_751 = tpu.memref_slice %arg14[%dma_start3A_749, %dma_start3A_750] : memref<768x128xf32, #tpu.memory_space<vmem>> -> memref<16x128xf32, #tpu.memory_space<vmem>>
    %dma_start3A_752 = arith.constant 0 : i32
    %dma_start3A_753 = tpu.memref_slice %arg8[%dma_start3A_752, %multiple_of3A_747] : memref<16x1000000xf32, #tpu.memory_space<hbm>> -> memref<16x128xf32, #tpu.memory_space<hbm>>
    %dma_start3A_754 = tpu.memref_slice %arg17[%dma_start3A_748] : memref<16x!tpu.dma_semaphore, #tpu.memory_space<semaphore_mem>> -> memref<1x!tpu.dma_semaphore, #tpu.memory_space<semaphore_mem>>
    %dma_start3A_755 = tpu.memref_squeeze %dma_start3A_754 : memref<1x!tpu.dma_semaphore, #tpu.memory_space<semaphore_mem>> -> memref<!tpu.dma_semaphore, #tpu.memory_space<semaphore_mem>>
    %dma_start3A_756 = arith.constant 560 : i32
    %dma_start3A_757 = arith.constant 0 : i32
    %dma_start3A_758 = tpu.memref_slice %arg14[%dma_start3A_756, %dma_start3A_757] : memref<768x128xf32, #tpu.memory_space<vmem>> -> memref<16x128xf32, #tpu.memory_space<vmem>>
    %dma_start3A_759 = arith.constant 0 : i32
    %dma_start3A_760 = tpu.memref_slice %arg8[%dma_start3A_759, %multiple_of3A_747] : memref<16x1000000xf32, #tpu.memory_space<hbm>> -> memref<16x128xf32, #tpu.memory_space<hbm>>
    tpu.enqueue_dma source(%dma_start3A_760 : memref<16x128xf32, #tpu.memory_space<hbm>>) target(%dma_start3A_758 : memref<16x128xf32, #tpu.memory_space<vmem>>) target_semaphore(%dma_start3A_755 : memref<!tpu.dma_semaphore, #tpu.memory_space<semaphore_mem>>)
    %slice3A_761 = vector.extract_strided_slice %get3A_41 {offsets = [12], sizes = [1], strides = [1]} : vector<16xi32> to vector<1xi32>
    %squeeze3A_762 = vector.extract %slice3A_761[0] : i32 from vector<1xi32>
    %shift_right_logical3A_763 = arith.constant 7 : i32
    %shift_right_logical3A_764 = arith.shrui %squeeze3A_762, %shift_right_logical3A_763 : i32
    %shift_left3A_765 = arith.constant 7 : i32
    %shift_left3A_766 = arith.shli %shift_right_logical3A_764, %shift_left3A_765 : i32
    %multiple_of3A_767 = tpu.assume_multiple %shift_left3A_766, 128 : i32
    %dma_start3A_768 = arith.constant 12 : i32
    %dma_start3A_769 = arith.constant 576 : i32
    %dma_start3A_770 = arith.constant 0 : i32
    %dma_start3A_771 = tpu.memref_slice %arg14[%dma_start3A_769, %dma_start3A_770] : memref<768x128xf32, #tpu.memory_space<vmem>> -> memref<16x128xf32, #tpu.memory_space<vmem>>
    %dma_start3A_772 = arith.constant 0 : i32
    %dma_start3A_773 = tpu.memref_slice %arg6[%dma_start3A_772, %multiple_of3A_767] : memref<16x1000000xf32, #tpu.memory_space<hbm>> -> memref<16x128xf32, #tpu.memory_space<hbm>>
    %dma_start3A_774 = tpu.memref_slice %arg17[%dma_start3A_768] : memref<16x!tpu.dma_semaphore, #tpu.memory_space<semaphore_mem>> -> memref<1x!tpu.dma_semaphore, #tpu.memory_space<semaphore_mem>>
    %dma_start3A_775 = tpu.memref_squeeze %dma_start3A_774 : memref<1x!tpu.dma_semaphore, #tpu.memory_space<semaphore_mem>> -> memref<!tpu.dma_semaphore, #tpu.memory_space<semaphore_mem>>
    %dma_start3A_776 = arith.constant 576 : i32
    %dma_start3A_777 = arith.constant 0 : i32
    %dma_start3A_778 = tpu.memref_slice %arg14[%dma_start3A_776, %dma_start3A_777] : memref<768x128xf32, #tpu.memory_space<vmem>> -> memref<16x128xf32, #tpu.memory_space<vmem>>
    %dma_start3A_779 = arith.constant 0 : i32
    %dma_start3A_780 = tpu.memref_slice %arg6[%dma_start3A_779, %multiple_of3A_767] : memref<16x1000000xf32, #tpu.memory_space<hbm>> -> memref<16x128xf32, #tpu.memory_space<hbm>>
    tpu.enqueue_dma source(%dma_start3A_780 : memref<16x128xf32, #tpu.memory_space<hbm>>) target(%dma_start3A_778 : memref<16x128xf32, #tpu.memory_space<vmem>>) target_semaphore(%dma_start3A_775 : memref<!tpu.dma_semaphore, #tpu.memory_space<semaphore_mem>>)
    %slice3A_781 = vector.extract_strided_slice %get3A_43 {offsets = [12], sizes = [1], strides = [1]} : vector<16xi32> to vector<1xi32>
    %squeeze3A_782 = vector.extract %slice3A_781[0] : i32 from vector<1xi32>
    %shift_right_logical3A_783 = arith.constant 7 : i32
    %shift_right_logical3A_784 = arith.shrui %squeeze3A_782, %shift_right_logical3A_783 : i32
    %shift_left3A_785 = arith.constant 7 : i32
    %shift_left3A_786 = arith.shli %shift_right_logical3A_784, %shift_left3A_785 : i32
    %multiple_of3A_787 = tpu.assume_multiple %shift_left3A_786, 128 : i32
    %dma_start3A_788 = arith.constant 12 : i32
    %dma_start3A_789 = arith.constant 592 : i32
    %dma_start3A_790 = arith.constant 0 : i32
    %dma_start3A_791 = tpu.memref_slice %arg14[%dma_start3A_789, %dma_start3A_790] : memref<768x128xf32, #tpu.memory_space<vmem>> -> memref<16x128xf32, #tpu.memory_space<vmem>>
    %dma_start3A_792 = arith.constant 0 : i32
    %dma_start3A_793 = tpu.memref_slice %arg7[%dma_start3A_792, %multiple_of3A_787] : memref<16x1000000xf32, #tpu.memory_space<hbm>> -> memref<16x128xf32, #tpu.memory_space<hbm>>
    %dma_start3A_794 = tpu.memref_slice %arg17[%dma_start3A_788] : memref<16x!tpu.dma_semaphore, #tpu.memory_space<semaphore_mem>> -> memref<1x!tpu.dma_semaphore, #tpu.memory_space<semaphore_mem>>
    %dma_start3A_795 = tpu.memref_squeeze %dma_start3A_794 : memref<1x!tpu.dma_semaphore, #tpu.memory_space<semaphore_mem>> -> memref<!tpu.dma_semaphore, #tpu.memory_space<semaphore_mem>>
    %dma_start3A_796 = arith.constant 592 : i32
    %dma_start3A_797 = arith.constant 0 : i32
    %dma_start3A_798 = tpu.memref_slice %arg14[%dma_start3A_796, %dma_start3A_797] : memref<768x128xf32, #tpu.memory_space<vmem>> -> memref<16x128xf32, #tpu.memory_space<vmem>>
    %dma_start3A_799 = arith.constant 0 : i32
    %dma_start3A_800 = tpu.memref_slice %arg7[%dma_start3A_799, %multiple_of3A_787] : memref<16x1000000xf32, #tpu.memory_space<hbm>> -> memref<16x128xf32, #tpu.memory_space<hbm>>
    tpu.enqueue_dma source(%dma_start3A_800 : memref<16x128xf32, #tpu.memory_space<hbm>>) target(%dma_start3A_798 : memref<16x128xf32, #tpu.memory_space<vmem>>) target_semaphore(%dma_start3A_795 : memref<!tpu.dma_semaphore, #tpu.memory_space<semaphore_mem>>)
    %slice3A_801 = vector.extract_strided_slice %get3A_45 {offsets = [12], sizes = [1], strides = [1]} : vector<16xi32> to vector<1xi32>
    %squeeze3A_802 = vector.extract %slice3A_801[0] : i32 from vector<1xi32>
    %shift_right_logical3A_803 = arith.constant 7 : i32
    %shift_right_logical3A_804 = arith.shrui %squeeze3A_802, %shift_right_logical3A_803 : i32
    %shift_left3A_805 = arith.constant 7 : i32
    %shift_left3A_806 = arith.shli %shift_right_logical3A_804, %shift_left3A_805 : i32
    %multiple_of3A_807 = tpu.assume_multiple %shift_left3A_806, 128 : i32
    %dma_start3A_808 = arith.constant 12 : i32
    %dma_start3A_809 = arith.constant 608 : i32
    %dma_start3A_810 = arith.constant 0 : i32
    %dma_start3A_811 = tpu.memref_slice %arg14[%dma_start3A_809, %dma_start3A_810] : memref<768x128xf32, #tpu.memory_space<vmem>> -> memref<16x128xf32, #tpu.memory_space<vmem>>
    %dma_start3A_812 = arith.constant 0 : i32
    %dma_start3A_813 = tpu.memref_slice %arg8[%dma_start3A_812, %multiple_of3A_807] : memref<16x1000000xf32, #tpu.memory_space<hbm>> -> memref<16x128xf32, #tpu.memory_space<hbm>>
    %dma_start3A_814 = tpu.memref_slice %arg17[%dma_start3A_808] : memref<16x!tpu.dma_semaphore, #tpu.memory_space<semaphore_mem>> -> memref<1x!tpu.dma_semaphore, #tpu.memory_space<semaphore_mem>>
    %dma_start3A_815 = tpu.memref_squeeze %dma_start3A_814 : memref<1x!tpu.dma_semaphore, #tpu.memory_space<semaphore_mem>> -> memref<!tpu.dma_semaphore, #tpu.memory_space<semaphore_mem>>
    %dma_start3A_816 = arith.constant 608 : i32
    %dma_start3A_817 = arith.constant 0 : i32
    %dma_start3A_818 = tpu.memref_slice %arg14[%dma_start3A_816, %dma_start3A_817] : memref<768x128xf32, #tpu.memory_space<vmem>> -> memref<16x128xf32, #tpu.memory_space<vmem>>
    %dma_start3A_819 = arith.constant 0 : i32
    %dma_start3A_820 = tpu.memref_slice %arg8[%dma_start3A_819, %multiple_of3A_807] : memref<16x1000000xf32, #tpu.memory_space<hbm>> -> memref<16x128xf32, #tpu.memory_space<hbm>>
    tpu.enqueue_dma source(%dma_start3A_820 : memref<16x128xf32, #tpu.memory_space<hbm>>) target(%dma_start3A_818 : memref<16x128xf32, #tpu.memory_space<vmem>>) target_semaphore(%dma_start3A_815 : memref<!tpu.dma_semaphore, #tpu.memory_space<semaphore_mem>>)
    %slice3A_821 = vector.extract_strided_slice %get3A_41 {offsets = [13], sizes = [1], strides = [1]} : vector<16xi32> to vector<1xi32>
    %squeeze3A_822 = vector.extract %slice3A_821[0] : i32 from vector<1xi32>
    %shift_right_logical3A_823 = arith.constant 7 : i32
    %shift_right_logical3A_824 = arith.shrui %squeeze3A_822, %shift_right_logical3A_823 : i32
    %shift_left3A_825 = arith.constant 7 : i32
    %shift_left3A_826 = arith.shli %shift_right_logical3A_824, %shift_left3A_825 : i32
    %multiple_of3A_827 = tpu.assume_multiple %shift_left3A_826, 128 : i32
    %dma_start3A_828 = arith.constant 13 : i32
    %dma_start3A_829 = arith.constant 624 : i32
    %dma_start3A_830 = arith.constant 0 : i32
    %dma_start3A_831 = tpu.memref_slice %arg14[%dma_start3A_829, %dma_start3A_830] : memref<768x128xf32, #tpu.memory_space<vmem>> -> memref<16x128xf32, #tpu.memory_space<vmem>>
    %dma_start3A_832 = arith.constant 0 : i32
    %dma_start3A_833 = tpu.memref_slice %arg6[%dma_start3A_832, %multiple_of3A_827] : memref<16x1000000xf32, #tpu.memory_space<hbm>> -> memref<16x128xf32, #tpu.memory_space<hbm>>
    %dma_start3A_834 = tpu.memref_slice %arg17[%dma_start3A_828] : memref<16x!tpu.dma_semaphore, #tpu.memory_space<semaphore_mem>> -> memref<1x!tpu.dma_semaphore, #tpu.memory_space<semaphore_mem>>
    %dma_start3A_835 = tpu.memref_squeeze %dma_start3A_834 : memref<1x!tpu.dma_semaphore, #tpu.memory_space<semaphore_mem>> -> memref<!tpu.dma_semaphore, #tpu.memory_space<semaphore_mem>>
    %dma_start3A_836 = arith.constant 624 : i32
    %dma_start3A_837 = arith.constant 0 : i32
    %dma_start3A_838 = tpu.memref_slice %arg14[%dma_start3A_836, %dma_start3A_837] : memref<768x128xf32, #tpu.memory_space<vmem>> -> memref<16x128xf32, #tpu.memory_space<vmem>>
    %dma_start3A_839 = arith.constant 0 : i32
    %dma_start3A_840 = tpu.memref_slice %arg6[%dma_start3A_839, %multiple_of3A_827] : memref<16x1000000xf32, #tpu.memory_space<hbm>> -> memref<16x128xf32, #tpu.memory_space<hbm>>
    tpu.enqueue_dma source(%dma_start3A_840 : memref<16x128xf32, #tpu.memory_space<hbm>>) target(%dma_start3A_838 : memref<16x128xf32, #tpu.memory_space<vmem>>) target_semaphore(%dma_start3A_835 : memref<!tpu.dma_semaphore, #tpu.memory_space<semaphore_mem>>)
    %slice3A_841 = vector.extract_strided_slice %get3A_43 {offsets = [13], sizes = [1], strides = [1]} : vector<16xi32> to vector<1xi32>
    %squeeze3A_842 = vector.extract %slice3A_841[0] : i32 from vector<1xi32>
    %shift_right_logical3A_843 = arith.constant 7 : i32
    %shift_right_logical3A_844 = arith.shrui %squeeze3A_842, %shift_right_logical3A_843 : i32
    %shift_left3A_845 = arith.constant 7 : i32
    %shift_left3A_846 = arith.shli %shift_right_logical3A_844, %shift_left3A_845 : i32
    %multiple_of3A_847 = tpu.assume_multiple %shift_left3A_846, 128 : i32
    %dma_start3A_848 = arith.constant 13 : i32
    %dma_start3A_849 = arith.constant 640 : i32
    %dma_start3A_850 = arith.constant 0 : i32
    %dma_start3A_851 = tpu.memref_slice %arg14[%dma_start3A_849, %dma_start3A_850] : memref<768x128xf32, #tpu.memory_space<vmem>> -> memref<16x128xf32, #tpu.memory_space<vmem>>
    %dma_start3A_852 = arith.constant 0 : i32
    %dma_start3A_853 = tpu.memref_slice %arg7[%dma_start3A_852, %multiple_of3A_847] : memref<16x1000000xf32, #tpu.memory_space<hbm>> -> memref<16x128xf32, #tpu.memory_space<hbm>>
    %dma_start3A_854 = tpu.memref_slice %arg17[%dma_start3A_848] : memref<16x!tpu.dma_semaphore, #tpu.memory_space<semaphore_mem>> -> memref<1x!tpu.dma_semaphore, #tpu.memory_space<semaphore_mem>>
    %dma_start3A_855 = tpu.memref_squeeze %dma_start3A_854 : memref<1x!tpu.dma_semaphore, #tpu.memory_space<semaphore_mem>> -> memref<!tpu.dma_semaphore, #tpu.memory_space<semaphore_mem>>
    %dma_start3A_856 = arith.constant 640 : i32
    %dma_start3A_857 = arith.constant 0 : i32
    %dma_start3A_858 = tpu.memref_slice %arg14[%dma_start3A_856, %dma_start3A_857] : memref<768x128xf32, #tpu.memory_space<vmem>> -> memref<16x128xf32, #tpu.memory_space<vmem>>
    %dma_start3A_859 = arith.constant 0 : i32
    %dma_start3A_860 = tpu.memref_slice %arg7[%dma_start3A_859, %multiple_of3A_847] : memref<16x1000000xf32, #tpu.memory_space<hbm>> -> memref<16x128xf32, #tpu.memory_space<hbm>>
    tpu.enqueue_dma source(%dma_start3A_860 : memref<16x128xf32, #tpu.memory_space<hbm>>) target(%dma_start3A_858 : memref<16x128xf32, #tpu.memory_space<vmem>>) target_semaphore(%dma_start3A_855 : memref<!tpu.dma_semaphore, #tpu.memory_space<semaphore_mem>>)
    %slice3A_861 = vector.extract_strided_slice %get3A_45 {offsets = [13], sizes = [1], strides = [1]} : vector<16xi32> to vector<1xi32>
    %squeeze3A_862 = vector.extract %slice3A_861[0] : i32 from vector<1xi32>
    %shift_right_logical3A_863 = arith.constant 7 : i32
    %shift_right_logical3A_864 = arith.shrui %squeeze3A_862, %shift_right_logical3A_863 : i32
    %shift_left3A_865 = arith.constant 7 : i32
    %shift_left3A_866 = arith.shli %shift_right_logical3A_864, %shift_left3A_865 : i32
    %multiple_of3A_867 = tpu.assume_multiple %shift_left3A_866, 128 : i32
    %dma_start3A_868 = arith.constant 13 : i32
    %dma_start3A_869 = arith.constant 656 : i32
    %dma_start3A_870 = arith.constant 0 : i32
    %dma_start3A_871 = tpu.memref_slice %arg14[%dma_start3A_869, %dma_start3A_870] : memref<768x128xf32, #tpu.memory_space<vmem>> -> memref<16x128xf32, #tpu.memory_space<vmem>>
    %dma_start3A_872 = arith.constant 0 : i32
    %dma_start3A_873 = tpu.memref_slice %arg8[%dma_start3A_872, %multiple_of3A_867] : memref<16x1000000xf32, #tpu.memory_space<hbm>> -> memref<16x128xf32, #tpu.memory_space<hbm>>
    %dma_start3A_874 = tpu.memref_slice %arg17[%dma_start3A_868] : memref<16x!tpu.dma_semaphore, #tpu.memory_space<semaphore_mem>> -> memref<1x!tpu.dma_semaphore, #tpu.memory_space<semaphore_mem>>
    %dma_start3A_875 = tpu.memref_squeeze %dma_start3A_874 : memref<1x!tpu.dma_semaphore, #tpu.memory_space<semaphore_mem>> -> memref<!tpu.dma_semaphore, #tpu.memory_space<semaphore_mem>>
    %dma_start3A_876 = arith.constant 656 : i32
    %dma_start3A_877 = arith.constant 0 : i32
    %dma_start3A_878 = tpu.memref_slice %arg14[%dma_start3A_876, %dma_start3A_877] : memref<768x128xf32, #tpu.memory_space<vmem>> -> memref<16x128xf32, #tpu.memory_space<vmem>>
    %dma_start3A_879 = arith.constant 0 : i32
    %dma_start3A_880 = tpu.memref_slice %arg8[%dma_start3A_879, %multiple_of3A_867] : memref<16x1000000xf32, #tpu.memory_space<hbm>> -> memref<16x128xf32, #tpu.memory_space<hbm>>
    tpu.enqueue_dma source(%dma_start3A_880 : memref<16x128xf32, #tpu.memory_space<hbm>>) target(%dma_start3A_878 : memref<16x128xf32, #tpu.memory_space<vmem>>) target_semaphore(%dma_start3A_875 : memref<!tpu.dma_semaphore, #tpu.memory_space<semaphore_mem>>)
    %slice3A_881 = vector.extract_strided_slice %get3A_41 {offsets = [14], sizes = [1], strides = [1]} : vector<16xi32> to vector<1xi32>
    %squeeze3A_882 = vector.extract %slice3A_881[0] : i32 from vector<1xi32>
    %shift_right_logical3A_883 = arith.constant 7 : i32
    %shift_right_logical3A_884 = arith.shrui %squeeze3A_882, %shift_right_logical3A_883 : i32
    %shift_left3A_885 = arith.constant 7 : i32
    %shift_left3A_886 = arith.shli %shift_right_logical3A_884, %shift_left3A_885 : i32
    %multiple_of3A_887 = tpu.assume_multiple %shift_left3A_886, 128 : i32
    %dma_start3A_888 = arith.constant 14 : i32
    %dma_start3A_889 = arith.constant 672 : i32
    %dma_start3A_890 = arith.constant 0 : i32
    %dma_start3A_891 = tpu.memref_slice %arg14[%dma_start3A_889, %dma_start3A_890] : memref<768x128xf32, #tpu.memory_space<vmem>> -> memref<16x128xf32, #tpu.memory_space<vmem>>
    %dma_start3A_892 = arith.constant 0 : i32
    %dma_start3A_893 = tpu.memref_slice %arg6[%dma_start3A_892, %multiple_of3A_887] : memref<16x1000000xf32, #tpu.memory_space<hbm>> -> memref<16x128xf32, #tpu.memory_space<hbm>>
    %dma_start3A_894 = tpu.memref_slice %arg17[%dma_start3A_888] : memref<16x!tpu.dma_semaphore, #tpu.memory_space<semaphore_mem>> -> memref<1x!tpu.dma_semaphore, #tpu.memory_space<semaphore_mem>>
    %dma_start3A_895 = tpu.memref_squeeze %dma_start3A_894 : memref<1x!tpu.dma_semaphore, #tpu.memory_space<semaphore_mem>> -> memref<!tpu.dma_semaphore, #tpu.memory_space<semaphore_mem>>
    %dma_start3A_896 = arith.constant 672 : i32
    %dma_start3A_897 = arith.constant 0 : i32
    %dma_start3A_898 = tpu.memref_slice %arg14[%dma_start3A_896, %dma_start3A_897] : memref<768x128xf32, #tpu.memory_space<vmem>> -> memref<16x128xf32, #tpu.memory_space<vmem>>
    %dma_start3A_899 = arith.constant 0 : i32
    %dma_start3A_900 = tpu.memref_slice %arg6[%dma_start3A_899, %multiple_of3A_887] : memref<16x1000000xf32, #tpu.memory_space<hbm>> -> memref<16x128xf32, #tpu.memory_space<hbm>>
    tpu.enqueue_dma source(%dma_start3A_900 : memref<16x128xf32, #tpu.memory_space<hbm>>) target(%dma_start3A_898 : memref<16x128xf32, #tpu.memory_space<vmem>>) target_semaphore(%dma_start3A_895 : memref<!tpu.dma_semaphore, #tpu.memory_space<semaphore_mem>>)
    %slice3A_901 = vector.extract_strided_slice %get3A_43 {offsets = [14], sizes = [1], strides = [1]} : vector<16xi32> to vector<1xi32>
    %squeeze3A_902 = vector.extract %slice3A_901[0] : i32 from vector<1xi32>
    %shift_right_logical3A_903 = arith.constant 7 : i32
    %shift_right_logical3A_904 = arith.shrui %squeeze3A_902, %shift_right_logical3A_903 : i32
    %shift_left3A_905 = arith.constant 7 : i32
    %shift_left3A_906 = arith.shli %shift_right_logical3A_904, %shift_left3A_905 : i32
    %multiple_of3A_907 = tpu.assume_multiple %shift_left3A_906, 128 : i32
    %dma_start3A_908 = arith.constant 14 : i32
    %dma_start3A_909 = arith.constant 688 : i32
    %dma_start3A_910 = arith.constant 0 : i32
    %dma_start3A_911 = tpu.memref_slice %arg14[%dma_start3A_909, %dma_start3A_910] : memref<768x128xf32, #tpu.memory_space<vmem>> -> memref<16x128xf32, #tpu.memory_space<vmem>>
    %dma_start3A_912 = arith.constant 0 : i32
    %dma_start3A_913 = tpu.memref_slice %arg7[%dma_start3A_912, %multiple_of3A_907] : memref<16x1000000xf32, #tpu.memory_space<hbm>> -> memref<16x128xf32, #tpu.memory_space<hbm>>
    %dma_start3A_914 = tpu.memref_slice %arg17[%dma_start3A_908] : memref<16x!tpu.dma_semaphore, #tpu.memory_space<semaphore_mem>> -> memref<1x!tpu.dma_semaphore, #tpu.memory_space<semaphore_mem>>
    %dma_start3A_915 = tpu.memref_squeeze %dma_start3A_914 : memref<1x!tpu.dma_semaphore, #tpu.memory_space<semaphore_mem>> -> memref<!tpu.dma_semaphore, #tpu.memory_space<semaphore_mem>>
    %dma_start3A_916 = arith.constant 688 : i32
    %dma_start3A_917 = arith.constant 0 : i32
    %dma_start3A_918 = tpu.memref_slice %arg14[%dma_start3A_916, %dma_start3A_917] : memref<768x128xf32, #tpu.memory_space<vmem>> -> memref<16x128xf32, #tpu.memory_space<vmem>>
    %dma_start3A_919 = arith.constant 0 : i32
    %dma_start3A_920 = tpu.memref_slice %arg7[%dma_start3A_919, %multiple_of3A_907] : memref<16x1000000xf32, #tpu.memory_space<hbm>> -> memref<16x128xf32, #tpu.memory_space<hbm>>
    tpu.enqueue_dma source(%dma_start3A_920 : memref<16x128xf32, #tpu.memory_space<hbm>>) target(%dma_start3A_918 : memref<16x128xf32, #tpu.memory_space<vmem>>) target_semaphore(%dma_start3A_915 : memref<!tpu.dma_semaphore, #tpu.memory_space<semaphore_mem>>)
    %slice3A_921 = vector.extract_strided_slice %get3A_45 {offsets = [14], sizes = [1], strides = [1]} : vector<16xi32> to vector<1xi32>
    %squeeze3A_922 = vector.extract %slice3A_921[0] : i32 from vector<1xi32>
    %shift_right_logical3A_923 = arith.constant 7 : i32
    %shift_right_logical3A_924 = arith.shrui %squeeze3A_922, %shift_right_logical3A_923 : i32
    %shift_left3A_925 = arith.constant 7 : i32
    %shift_left3A_926 = arith.shli %shift_right_logical3A_924, %shift_left3A_925 : i32
    %multiple_of3A_927 = tpu.assume_multiple %shift_left3A_926, 128 : i32
    %dma_start3A_928 = arith.constant 14 : i32
    %dma_start3A_929 = arith.constant 704 : i32
    %dma_start3A_930 = arith.constant 0 : i32
    %dma_start3A_931 = tpu.memref_slice %arg14[%dma_start3A_929, %dma_start3A_930] : memref<768x128xf32, #tpu.memory_space<vmem>> -> memref<16x128xf32, #tpu.memory_space<vmem>>
    %dma_start3A_932 = arith.constant 0 : i32
    %dma_start3A_933 = tpu.memref_slice %arg8[%dma_start3A_932, %multiple_of3A_927] : memref<16x1000000xf32, #tpu.memory_space<hbm>> -> memref<16x128xf32, #tpu.memory_space<hbm>>
    %dma_start3A_934 = tpu.memref_slice %arg17[%dma_start3A_928] : memref<16x!tpu.dma_semaphore, #tpu.memory_space<semaphore_mem>> -> memref<1x!tpu.dma_semaphore, #tpu.memory_space<semaphore_mem>>
    %dma_start3A_935 = tpu.memref_squeeze %dma_start3A_934 : memref<1x!tpu.dma_semaphore, #tpu.memory_space<semaphore_mem>> -> memref<!tpu.dma_semaphore, #tpu.memory_space<semaphore_mem>>
    %dma_start3A_936 = arith.constant 704 : i32
    %dma_start3A_937 = arith.constant 0 : i32
    %dma_start3A_938 = tpu.memref_slice %arg14[%dma_start3A_936, %dma_start3A_937] : memref<768x128xf32, #tpu.memory_space<vmem>> -> memref<16x128xf32, #tpu.memory_space<vmem>>
    %dma_start3A_939 = arith.constant 0 : i32
    %dma_start3A_940 = tpu.memref_slice %arg8[%dma_start3A_939, %multiple_of3A_927] : memref<16x1000000xf32, #tpu.memory_space<hbm>> -> memref<16x128xf32, #tpu.memory_space<hbm>>
    tpu.enqueue_dma source(%dma_start3A_940 : memref<16x128xf32, #tpu.memory_space<hbm>>) target(%dma_start3A_938 : memref<16x128xf32, #tpu.memory_space<vmem>>) target_semaphore(%dma_start3A_935 : memref<!tpu.dma_semaphore, #tpu.memory_space<semaphore_mem>>)
    %slice3A_941 = vector.extract_strided_slice %get3A_41 {offsets = [15], sizes = [1], strides = [1]} : vector<16xi32> to vector<1xi32>
    %squeeze3A_942 = vector.extract %slice3A_941[0] : i32 from vector<1xi32>
    %shift_right_logical3A_943 = arith.constant 7 : i32
    %shift_right_logical3A_944 = arith.shrui %squeeze3A_942, %shift_right_logical3A_943 : i32
    %shift_left3A_945 = arith.constant 7 : i32
    %shift_left3A_946 = arith.shli %shift_right_logical3A_944, %shift_left3A_945 : i32
    %multiple_of3A_947 = tpu.assume_multiple %shift_left3A_946, 128 : i32
    %dma_start3A_948 = arith.constant 15 : i32
    %dma_start3A_949 = arith.constant 720 : i32
    %dma_start3A_950 = arith.constant 0 : i32
    %dma_start3A_951 = tpu.memref_slice %arg14[%dma_start3A_949, %dma_start3A_950] : memref<768x128xf32, #tpu.memory_space<vmem>> -> memref<16x128xf32, #tpu.memory_space<vmem>>
    %dma_start3A_952 = arith.constant 0 : i32
    %dma_start3A_953 = tpu.memref_slice %arg6[%dma_start3A_952, %multiple_of3A_947] : memref<16x1000000xf32, #tpu.memory_space<hbm>> -> memref<16x128xf32, #tpu.memory_space<hbm>>
    %dma_start3A_954 = tpu.memref_slice %arg17[%dma_start3A_948] : memref<16x!tpu.dma_semaphore, #tpu.memory_space<semaphore_mem>> -> memref<1x!tpu.dma_semaphore, #tpu.memory_space<semaphore_mem>>
    %dma_start3A_955 = tpu.memref_squeeze %dma_start3A_954 : memref<1x!tpu.dma_semaphore, #tpu.memory_space<semaphore_mem>> -> memref<!tpu.dma_semaphore, #tpu.memory_space<semaphore_mem>>
    %dma_start3A_956 = arith.constant 720 : i32
    %dma_start3A_957 = arith.constant 0 : i32
    %dma_start3A_958 = tpu.memref_slice %arg14[%dma_start3A_956, %dma_start3A_957] : memref<768x128xf32, #tpu.memory_space<vmem>> -> memref<16x128xf32, #tpu.memory_space<vmem>>
    %dma_start3A_959 = arith.constant 0 : i32
    %dma_start3A_960 = tpu.memref_slice %arg6[%dma_start3A_959, %multiple_of3A_947] : memref<16x1000000xf32, #tpu.memory_space<hbm>> -> memref<16x128xf32, #tpu.memory_space<hbm>>
    tpu.enqueue_dma source(%dma_start3A_960 : memref<16x128xf32, #tpu.memory_space<hbm>>) target(%dma_start3A_958 : memref<16x128xf32, #tpu.memory_space<vmem>>) target_semaphore(%dma_start3A_955 : memref<!tpu.dma_semaphore, #tpu.memory_space<semaphore_mem>>)
    %slice3A_961 = vector.extract_strided_slice %get3A_43 {offsets = [15], sizes = [1], strides = [1]} : vector<16xi32> to vector<1xi32>
    %squeeze3A_962 = vector.extract %slice3A_961[0] : i32 from vector<1xi32>
    %shift_right_logical3A_963 = arith.constant 7 : i32
    %shift_right_logical3A_964 = arith.shrui %squeeze3A_962, %shift_right_logical3A_963 : i32
    %shift_left3A_965 = arith.constant 7 : i32
    %shift_left3A_966 = arith.shli %shift_right_logical3A_964, %shift_left3A_965 : i32
    %multiple_of3A_967 = tpu.assume_multiple %shift_left3A_966, 128 : i32
    %dma_start3A_968 = arith.constant 15 : i32
    %dma_start3A_969 = arith.constant 736 : i32
    %dma_start3A_970 = arith.constant 0 : i32
    %dma_start3A_971 = tpu.memref_slice %arg14[%dma_start3A_969, %dma_start3A_970] : memref<768x128xf32, #tpu.memory_space<vmem>> -> memref<16x128xf32, #tpu.memory_space<vmem>>
    %dma_start3A_972 = arith.constant 0 : i32
    %dma_start3A_973 = tpu.memref_slice %arg7[%dma_start3A_972, %multiple_of3A_967] : memref<16x1000000xf32, #tpu.memory_space<hbm>> -> memref<16x128xf32, #tpu.memory_space<hbm>>
    %dma_start3A_974 = tpu.memref_slice %arg17[%dma_start3A_968] : memref<16x!tpu.dma_semaphore, #tpu.memory_space<semaphore_mem>> -> memref<1x!tpu.dma_semaphore, #tpu.memory_space<semaphore_mem>>
    %dma_start3A_975 = tpu.memref_squeeze %dma_start3A_974 : memref<1x!tpu.dma_semaphore, #tpu.memory_space<semaphore_mem>> -> memref<!tpu.dma_semaphore, #tpu.memory_space<semaphore_mem>>
    %dma_start3A_976 = arith.constant 736 : i32
    %dma_start3A_977 = arith.constant 0 : i32
    %dma_start3A_978 = tpu.memref_slice %arg14[%dma_start3A_976, %dma_start3A_977] : memref<768x128xf32, #tpu.memory_space<vmem>> -> memref<16x128xf32, #tpu.memory_space<vmem>>
    %dma_start3A_979 = arith.constant 0 : i32
    %dma_start3A_980 = tpu.memref_slice %arg7[%dma_start3A_979, %multiple_of3A_967] : memref<16x1000000xf32, #tpu.memory_space<hbm>> -> memref<16x128xf32, #tpu.memory_space<hbm>>
    tpu.enqueue_dma source(%dma_start3A_980 : memref<16x128xf32, #tpu.memory_space<hbm>>) target(%dma_start3A_978 : memref<16x128xf32, #tpu.memory_space<vmem>>) target_semaphore(%dma_start3A_975 : memref<!tpu.dma_semaphore, #tpu.memory_space<semaphore_mem>>)
    %slice3A_981 = vector.extract_strided_slice %get3A_45 {offsets = [15], sizes = [1], strides = [1]} : vector<16xi32> to vector<1xi32>
    %squeeze3A_982 = vector.extract %slice3A_981[0] : i32 from vector<1xi32>
    %shift_right_logical3A_983 = arith.constant 7 : i32
    %shift_right_logical3A_984 = arith.shrui %squeeze3A_982, %shift_right_logical3A_983 : i32
    %shift_left3A_985 = arith.constant 7 : i32
    %shift_left3A_986 = arith.shli %shift_right_logical3A_984, %shift_left3A_985 : i32
    %multiple_of3A_987 = tpu.assume_multiple %shift_left3A_986, 128 : i32
    %dma_start3A_988 = arith.constant 15 : i32
    %dma_start3A_989 = arith.constant 752 : i32
    %dma_start3A_990 = arith.constant 0 : i32
    %dma_start3A_991 = tpu.memref_slice %arg14[%dma_start3A_989, %dma_start3A_990] : memref<768x128xf32, #tpu.memory_space<vmem>> -> memref<16x128xf32, #tpu.memory_space<vmem>>
    %dma_start3A_992 = arith.constant 0 : i32
    %dma_start3A_993 = tpu.memref_slice %arg8[%dma_start3A_992, %multiple_of3A_987] : memref<16x1000000xf32, #tpu.memory_space<hbm>> -> memref<16x128xf32, #tpu.memory_space<hbm>>
    %dma_start3A_994 = tpu.memref_slice %arg17[%dma_start3A_988] : memref<16x!tpu.dma_semaphore, #tpu.memory_space<semaphore_mem>> -> memref<1x!tpu.dma_semaphore, #tpu.memory_space<semaphore_mem>>
    %dma_start3A_995 = tpu.memref_squeeze %dma_start3A_994 : memref<1x!tpu.dma_semaphore, #tpu.memory_space<semaphore_mem>> -> memref<!tpu.dma_semaphore, #tpu.memory_space<semaphore_mem>>
    %dma_start3A_996 = arith.constant 752 : i32
    %dma_start3A_997 = arith.constant 0 : i32
    %dma_start3A_998 = tpu.memref_slice %arg14[%dma_start3A_996, %dma_start3A_997] : memref<768x128xf32, #tpu.memory_space<vmem>> -> memref<16x128xf32, #tpu.memory_space<vmem>>
    %dma_start3A_999 = arith.constant 0 : i32
    %dma_start3A_1000 = tpu.memref_slice %arg8[%dma_start3A_999, %multiple_of3A_987] : memref<16x1000000xf32, #tpu.memory_space<hbm>> -> memref<16x128xf32, #tpu.memory_space<hbm>>
    tpu.enqueue_dma source(%dma_start3A_1000 : memref<16x128xf32, #tpu.memory_space<hbm>>) target(%dma_start3A_998 : memref<16x128xf32, #tpu.memory_space<vmem>>) target_semaphore(%dma_start3A_995 : memref<!tpu.dma_semaphore, #tpu.memory_space<semaphore_mem>>)
    %broadcast_in_dim3A = arith.constant 0.000000e+00 : f32
    %broadcast_in_dim3A_1001 = vector.broadcast %broadcast_in_dim3A : f32 to vector<16xf32>
    %scan3A = arith.constant 0 : i32
    %scan3A_1002 = arith.constant 32 : i32
    %scan3A_1003 = arith.addi %scan3A, %scan3A_1002 : i32
    %scan3A_1004 = arith.constant 1 : i32
    %scan3A_1005:2 = scf.for %scan3A_1012 = %scan3A to %scan3A_1003 step %scan3A_1004 iter_args(%scan3A_1013 = %broadcast_in_dim3A_1001, %scan3A_1014 = %broadcast_in_dim3A_1001) -> (vector<16xf32>, vector<16xf32>)  : i32 {
      %mul3A_1015 = arith.constant 16 : i32
      %mul3A_1016 = arith.muli %scan3A_1012, %mul3A_1015 : i32
      %get3A_1017 = arith.index_cast %mul3A_1016 : i32 to index
      %get3A_1018 = tpu.vector_load %arg10[%get3A_1017] {strides = array<i32>} : memref<512xi32, #tpu.memory_space<vmem>>, vector<16xi32>,
      %mul3A_1019 = arith.constant 16 : i32
      %mul3A_1020 = arith.muli %scan3A_1012, %mul3A_1019 : i32
      %get3A_1021 = arith.index_cast %mul3A_1020 : i32 to index
      %get3A_1022 = tpu.vector_load %arg11[%get3A_1021] {strides = array<i32>} : memref<512xi32, #tpu.memory_space<vmem>>, vector<16xi32>,
      %mul3A_1023 = arith.constant 16 : i32
      %mul3A_1024 = arith.muli %scan3A_1012, %mul3A_1023 : i32
      %get3A_1025 = arith.index_cast %mul3A_1024 : i32 to index
      %get3A_1026 = tpu.vector_load %arg12[%get3A_1025] {strides = array<i32>} : memref<512xi32, #tpu.memory_space<vmem>>, vector<16xi32>,
      %mul3A_1027 = arith.constant 16 : i32
      %mul3A_1028 = arith.muli %scan3A_1012, %mul3A_1027 : i32
      %get3A_1029 = arith.index_cast %mul3A_1028 : i32 to index
      %get3A_1030 = tpu.vector_load %arg13[%get3A_1029] {strides = array<i32>} : memref<512xf32, #tpu.memory_space<vmem>>, vector<16xf32>,
      %add3A_1031 = arith.constant 1 : i32
      %add3A_1032 = arith.addi %scan3A_1012, %add3A_1031 : i32
      %min3A = arith.constant 31 : i32
      %min3A_1033 = arith.minsi %add3A_1032, %min3A : i32
      %mul3A_1034 = arith.constant 16 : i32
      %mul3A_1035 = arith.muli %min3A_1033, %mul3A_1034 : i32
      %get3A_1036 = arith.index_cast %mul3A_1035 : i32 to index
      %get3A_1037 = tpu.vector_load %arg10[%get3A_1036] {strides = array<i32>} : memref<512xi32, #tpu.memory_space<vmem>>, vector<16xi32>,
      %mul3A_1038 = arith.constant 16 : i32
      %mul3A_1039 = arith.muli %min3A_1033, %mul3A_1038 : i32
      %get3A_1040 = arith.index_cast %mul3A_1039 : i32 to index
      %get3A_1041 = tpu.vector_load %arg11[%get3A_1040] {strides = array<i32>} : memref<512xi32, #tpu.memory_space<vmem>>, vector<16xi32>,
      %mul3A_1042 = arith.constant 16 : i32
      %mul3A_1043 = arith.muli %min3A_1033, %mul3A_1042 : i32
      %get3A_1044 = arith.index_cast %mul3A_1043 : i32 to index
      %get3A_1045 = tpu.vector_load %arg12[%get3A_1044] {strides = array<i32>} : memref<512xi32, #tpu.memory_space<vmem>>, vector<16xi32>,
      %broadcast_in_dim3A_1046 = arith.constant 0.000000e+00 : f32
      %broadcast_in_dim3A_1047 = vector.broadcast %broadcast_in_dim3A_1046 : f32 to vector<16xf32>
      %dma_wait3A_1048 = arith.constant 0 : i32
      %dma_wait3A_1049 = arith.constant 0 : i32
      %dma_wait3A_1050 = arith.constant 0 : i32
      %dma_wait3A_1051 = tpu.memref_slice %arg14[%dma_wait3A_1049, %dma_wait3A_1050] : memref<768x128xf32, #tpu.memory_space<vmem>> -> memref<48x128xf32, #tpu.memory_space<vmem>>
      %dma_wait3A_1052 = tpu.memref_slice %arg17[%dma_wait3A_1048] : memref<16x!tpu.dma_semaphore, #tpu.memory_space<semaphore_mem>> -> memref<1x!tpu.dma_semaphore, #tpu.memory_space<semaphore_mem>>
      %dma_wait3A_1053 = tpu.memref_squeeze %dma_wait3A_1052 : memref<1x!tpu.dma_semaphore, #tpu.memory_space<semaphore_mem>> -> memref<!tpu.dma_semaphore, #tpu.memory_space<semaphore_mem>>
      %dma_wait3A_1054 = arith.constant 0 : i32
      %dma_wait3A_1055 = arith.constant 0 : i32
      %dma_wait3A_1056 = tpu.memref_slice %arg14[%dma_wait3A_1054, %dma_wait3A_1055] : memref<768x128xf32, #tpu.memory_space<vmem>> -> memref<48x128xf32, #tpu.memory_space<vmem>>
      tpu.wait_dma2 semaphore(%dma_wait3A_1053 : memref<!tpu.dma_semaphore, #tpu.memory_space<semaphore_mem>>) src(%arg16 : memref<48x128xf32, #tpu.memory_space<hbm>>) dst(%dma_wait3A_1056 : memref<48x128xf32, #tpu.memory_space<vmem>>)
      %slice3A_1057 = vector.extract_strided_slice %get3A_1018 {offsets = [0], sizes = [1], strides = [1]} : vector<16xi32> to vector<1xi32>
      %squeeze3A_1058 = vector.extract %slice3A_1057[0] : i32 from vector<1xi32>
      %and3A = arith.constant 127 : i32
      %and3A_1059 = arith.andi %squeeze3A_1058, %and3A : i32
      %broadcast_in_dim3A_1060 = vector.broadcast %and3A_1059 : i32 to vector<16xi32>
      %add3A_1061 = arith.constant 0 : i32
      %add3A_1062 = vector.broadcast %add3A_1061 : i32 to vector<16xi32>
      %add3A_1063 = arith.addi %add3A_1062, %iota3A : vector<16xi32>
      %gather3A = tpu.vector_load_idx %arg14[%add3A_1063, %broadcast_in_dim3A_1060] : memref<768x128xf32, #tpu.memory_space<vmem>>[vector<16xi32>, vector<16xi32>], vector<16xf32>,
      %slice3A_1064 = vector.extract_strided_slice %get3A_1022 {offsets = [0], sizes = [1], strides = [1]} : vector<16xi32> to vector<1xi32>
      %squeeze3A_1065 = vector.extract %slice3A_1064[0] : i32 from vector<1xi32>
      %and3A_1066 = arith.constant 127 : i32
      %and3A_1067 = arith.andi %squeeze3A_1065, %and3A_1066 : i32
      %broadcast_in_dim3A_1068 = vector.broadcast %and3A_1067 : i32 to vector<16xi32>
      %add3A_1069 = arith.constant 16 : i32
      %add3A_1070 = vector.broadcast %add3A_1069 : i32 to vector<16xi32>
      %add3A_1071 = arith.addi %add3A_1070, %iota3A : vector<16xi32>
      %gather3A_1072 = tpu.vector_load_idx %arg14[%add3A_1071, %broadcast_in_dim3A_1068] : memref<768x128xf32, #tpu.memory_space<vmem>>[vector<16xi32>, vector<16xi32>], vector<16xf32>,
      %slice3A_1073 = vector.extract_strided_slice %get3A_1026 {offsets = [0], sizes = [1], strides = [1]} : vector<16xi32> to vector<1xi32>
      %squeeze3A_1074 = vector.extract %slice3A_1073[0] : i32 from vector<1xi32>
      %and3A_1075 = arith.constant 127 : i32
      %and3A_1076 = arith.andi %squeeze3A_1074, %and3A_1075 : i32
      %broadcast_in_dim3A_1077 = vector.broadcast %and3A_1076 : i32 to vector<16xi32>
      %add3A_1078 = arith.constant 32 : i32
      %add3A_1079 = vector.broadcast %add3A_1078 : i32 to vector<16xi32>
      %add3A_1080 = arith.addi %add3A_1079, %iota3A : vector<16xi32>
      %gather3A_1081 = tpu.vector_load_idx %arg14[%add3A_1080, %broadcast_in_dim3A_1077] : memref<768x128xf32, #tpu.memory_space<vmem>>[vector<16xi32>, vector<16xi32>], vector<16xf32>,
      %mul3A_1082 = arith.mulf %gather3A, %gather3A_1072 : vector<16xf32>
      %mul3A_1083 = arith.mulf %mul3A_1082, %gather3A_1081 : vector<16xf32>
      %eq3A = arith.constant 0 : i32
      %eq3A_1084 = vector.broadcast %eq3A : i32 to vector<16xi32>
      %eq3A_1085 = arith.cmpi eq, %iota3A, %eq3A_1084 : vector<16xi32>
      %reduce_sum3A = arith.constant true
      %reduce_sum3A_1086 = vector.broadcast %reduce_sum3A : i1 to vector<16xi1>
      %reduce_sum3A_1087 = tpu.scan <sum>, %mul3A_1083 masked %reduce_sum3A_1086 : vector<16xf32>, vector<16xi1> -> vector<16xf32>
      %reduce_sum3A_1088 = vector.extract %reduce_sum3A_1087[15] : f32 from vector<16xf32>
      %broadcast_in_dim3A_1089 = vector.broadcast %reduce_sum3A_1088 : f32 to vector<16xf32>
      %select_n3A = arith.select %eq3A_1085, %broadcast_in_dim3A_1089, %broadcast_in_dim3A_1047 : vector<16xi1>, vector<16xf32>
      %mul3A_1090 = arith.mulf %gather3A, %gather3A : vector<16xf32>
      %add3A_1091 = arith.addf %scan3A_1014, %mul3A_1090 : vector<16xf32>
      %mul3A_1092 = arith.mulf %gather3A_1072, %gather3A_1072 : vector<16xf32>
      %add3A_1093 = arith.addf %add3A_1091, %mul3A_1092 : vector<16xf32>
      %mul3A_1094 = arith.mulf %gather3A_1081, %gather3A_1081 : vector<16xf32>
      %add3A_1095 = arith.addf %add3A_1093, %mul3A_1094 : vector<16xf32>
      %lt3A = arith.constant 31 : i32
      %lt3A_1096 = arith.cmpi slt, %scan3A_1012, %lt3A : i32
      %convert_element_type3A = arith.extui %lt3A_1096 : i1 to i32
      %cond3A = arith.constant 0 : i32
      %cond3A_1097 = arith.cmpi ne, %convert_element_type3A, %cond3A : i32
      scf.if %cond3A_1097 {
        %slice3A_1970 = vector.extract_strided_slice %get3A_1037 {offsets = [0], sizes = [1], strides = [1]} : vector<16xi32> to vector<1xi32>
        %squeeze3A_1971 = vector.extract %slice3A_1970[0] : i32 from vector<1xi32>
        %shift_right_logical3A_1972 = arith.constant 7 : i32
        %shift_right_logical3A_1973 = arith.shrui %squeeze3A_1971, %shift_right_logical3A_1972 : i32
        %shift_left3A_1974 = arith.constant 7 : i32
        %shift_left3A_1975 = arith.shli %shift_right_logical3A_1973, %shift_left3A_1974 : i32
        %multiple_of3A_1976 = tpu.assume_multiple %shift_left3A_1975, 128 : i32
        %dma_start3A_1977 = arith.constant 0 : i32
        %dma_start3A_1978 = arith.constant 0 : i32
        %dma_start3A_1979 = arith.constant 0 : i32
        %dma_start3A_1980 = tpu.memref_slice %arg14[%dma_start3A_1978, %dma_start3A_1979] : memref<768x128xf32, #tpu.memory_space<vmem>> -> memref<16x128xf32, #tpu.memory_space<vmem>>
        %dma_start3A_1981 = arith.constant 0 : i32
        %dma_start3A_1982 = tpu.memref_slice %arg6[%dma_start3A_1981, %multiple_of3A_1976] : memref<16x1000000xf32, #tpu.memory_space<hbm>> -> memref<16x128xf32, #tpu.memory_space<hbm>>
        %dma_start3A_1983 = tpu.memref_slice %arg17[%dma_start3A_1977] : memref<16x!tpu.dma_semaphore, #tpu.memory_space<semaphore_mem>> -> memref<1x!tpu.dma_semaphore, #tpu.memory_space<semaphore_mem>>
        %dma_start3A_1984 = tpu.memref_squeeze %dma_start3A_1983 : memref<1x!tpu.dma_semaphore, #tpu.memory_space<semaphore_mem>> -> memref<!tpu.dma_semaphore, #tpu.memory_space<semaphore_mem>>
        %dma_start3A_1985 = arith.constant 0 : i32
        %dma_start3A_1986 = arith.constant 0 : i32
        %dma_start3A_1987 = tpu.memref_slice %arg14[%dma_start3A_1985, %dma_start3A_1986] : memref<768x128xf32, #tpu.memory_space<vmem>> -> memref<16x128xf32, #tpu.memory_space<vmem>>
        %dma_start3A_1988 = arith.constant 0 : i32
        %dma_start3A_1989 = tpu.memref_slice %arg6[%dma_start3A_1988, %multiple_of3A_1976] : memref<16x1000000xf32, #tpu.memory_space<hbm>> -> memref<16x128xf32, #tpu.memory_space<hbm>>
        tpu.enqueue_dma source(%dma_start3A_1989 : memref<16x128xf32, #tpu.memory_space<hbm>>) target(%dma_start3A_1987 : memref<16x128xf32, #tpu.memory_space<vmem>>) target_semaphore(%dma_start3A_1984 : memref<!tpu.dma_semaphore, #tpu.memory_space<semaphore_mem>>)
        %slice3A_1990 = vector.extract_strided_slice %get3A_1041 {offsets = [0], sizes = [1], strides = [1]} : vector<16xi32> to vector<1xi32>
        %squeeze3A_1991 = vector.extract %slice3A_1990[0] : i32 from vector<1xi32>
        %shift_right_logical3A_1992 = arith.constant 7 : i32
        %shift_right_logical3A_1993 = arith.shrui %squeeze3A_1991, %shift_right_logical3A_1992 : i32
        %shift_left3A_1994 = arith.constant 7 : i32
        %shift_left3A_1995 = arith.shli %shift_right_logical3A_1993, %shift_left3A_1994 : i32
        %multiple_of3A_1996 = tpu.assume_multiple %shift_left3A_1995, 128 : i32
        %dma_start3A_1997 = arith.constant 0 : i32
        %dma_start3A_1998 = arith.constant 16 : i32
        %dma_start3A_1999 = arith.constant 0 : i32
        %dma_start3A_2000 = tpu.memref_slice %arg14[%dma_start3A_1998, %dma_start3A_1999] : memref<768x128xf32, #tpu.memory_space<vmem>> -> memref<16x128xf32, #tpu.memory_space<vmem>>
        %dma_start3A_2001 = arith.constant 0 : i32
        %dma_start3A_2002 = tpu.memref_slice %arg7[%dma_start3A_2001, %multiple_of3A_1996] : memref<16x1000000xf32, #tpu.memory_space<hbm>> -> memref<16x128xf32, #tpu.memory_space<hbm>>
        %dma_start3A_2003 = tpu.memref_slice %arg17[%dma_start3A_1997] : memref<16x!tpu.dma_semaphore, #tpu.memory_space<semaphore_mem>> -> memref<1x!tpu.dma_semaphore, #tpu.memory_space<semaphore_mem>>
        %dma_start3A_2004 = tpu.memref_squeeze %dma_start3A_2003 : memref<1x!tpu.dma_semaphore, #tpu.memory_space<semaphore_mem>> -> memref<!tpu.dma_semaphore, #tpu.memory_space<semaphore_mem>>
        %dma_start3A_2005 = arith.constant 16 : i32
        %dma_start3A_2006 = arith.constant 0 : i32
        %dma_start3A_2007 = tpu.memref_slice %arg14[%dma_start3A_2005, %dma_start3A_2006] : memref<768x128xf32, #tpu.memory_space<vmem>> -> memref<16x128xf32, #tpu.memory_space<vmem>>
        %dma_start3A_2008 = arith.constant 0 : i32
        %dma_start3A_2009 = tpu.memref_slice %arg7[%dma_start3A_2008, %multiple_of3A_1996] : memref<16x1000000xf32, #tpu.memory_space<hbm>> -> memref<16x128xf32, #tpu.memory_space<hbm>>
        tpu.enqueue_dma source(%dma_start3A_2009 : memref<16x128xf32, #tpu.memory_space<hbm>>) target(%dma_start3A_2007 : memref<16x128xf32, #tpu.memory_space<vmem>>) target_semaphore(%dma_start3A_2004 : memref<!tpu.dma_semaphore, #tpu.memory_space<semaphore_mem>>)
        %slice3A_2010 = vector.extract_strided_slice %get3A_1045 {offsets = [0], sizes = [1], strides = [1]} : vector<16xi32> to vector<1xi32>
        %squeeze3A_2011 = vector.extract %slice3A_2010[0] : i32 from vector<1xi32>
        %shift_right_logical3A_2012 = arith.constant 7 : i32
        %shift_right_logical3A_2013 = arith.shrui %squeeze3A_2011, %shift_right_logical3A_2012 : i32
        %shift_left3A_2014 = arith.constant 7 : i32
        %shift_left3A_2015 = arith.shli %shift_right_logical3A_2013, %shift_left3A_2014 : i32
        %multiple_of3A_2016 = tpu.assume_multiple %shift_left3A_2015, 128 : i32
        %dma_start3A_2017 = arith.constant 0 : i32
        %dma_start3A_2018 = arith.constant 32 : i32
        %dma_start3A_2019 = arith.constant 0 : i32
        %dma_start3A_2020 = tpu.memref_slice %arg14[%dma_start3A_2018, %dma_start3A_2019] : memref<768x128xf32, #tpu.memory_space<vmem>> -> memref<16x128xf32, #tpu.memory_space<vmem>>
        %dma_start3A_2021 = arith.constant 0 : i32
        %dma_start3A_2022 = tpu.memref_slice %arg8[%dma_start3A_2021, %multiple_of3A_2016] : memref<16x1000000xf32, #tpu.memory_space<hbm>> -> memref<16x128xf32, #tpu.memory_space<hbm>>
        %dma_start3A_2023 = tpu.memref_slice %arg17[%dma_start3A_2017] : memref<16x!tpu.dma_semaphore, #tpu.memory_space<semaphore_mem>> -> memref<1x!tpu.dma_semaphore, #tpu.memory_space<semaphore_mem>>
        %dma_start3A_2024 = tpu.memref_squeeze %dma_start3A_2023 : memref<1x!tpu.dma_semaphore, #tpu.memory_space<semaphore_mem>> -> memref<!tpu.dma_semaphore, #tpu.memory_space<semaphore_mem>>
        %dma_start3A_2025 = arith.constant 32 : i32
        %dma_start3A_2026 = arith.constant 0 : i32
        %dma_start3A_2027 = tpu.memref_slice %arg14[%dma_start3A_2025, %dma_start3A_2026] : memref<768x128xf32, #tpu.memory_space<vmem>> -> memref<16x128xf32, #tpu.memory_space<vmem>>
        %dma_start3A_2028 = arith.constant 0 : i32
        %dma_start3A_2029 = tpu.memref_slice %arg8[%dma_start3A_2028, %multiple_of3A_2016] : memref<16x1000000xf32, #tpu.memory_space<hbm>> -> memref<16x128xf32, #tpu.memory_space<hbm>>
        tpu.enqueue_dma source(%dma_start3A_2029 : memref<16x128xf32, #tpu.memory_space<hbm>>) target(%dma_start3A_2027 : memref<16x128xf32, #tpu.memory_space<vmem>>) target_semaphore(%dma_start3A_2024 : memref<!tpu.dma_semaphore, #tpu.memory_space<semaphore_mem>>)
      } else {
      }
      %dma_wait3A_1098 = arith.constant 1 : i32
      %dma_wait3A_1099 = arith.constant 48 : i32
      %dma_wait3A_1100 = arith.constant 0 : i32
      %dma_wait3A_1101 = tpu.memref_slice %arg14[%dma_wait3A_1099, %dma_wait3A_1100] : memref<768x128xf32, #tpu.memory_space<vmem>> -> memref<48x128xf32, #tpu.memory_space<vmem>>
      %dma_wait3A_1102 = tpu.memref_slice %arg17[%dma_wait3A_1098] : memref<16x!tpu.dma_semaphore, #tpu.memory_space<semaphore_mem>> -> memref<1x!tpu.dma_semaphore, #tpu.memory_space<semaphore_mem>>
      %dma_wait3A_1103 = tpu.memref_squeeze %dma_wait3A_1102 : memref<1x!tpu.dma_semaphore, #tpu.memory_space<semaphore_mem>> -> memref<!tpu.dma_semaphore, #tpu.memory_space<semaphore_mem>>
      %dma_wait3A_1104 = arith.constant 48 : i32
      %dma_wait3A_1105 = arith.constant 0 : i32
      %dma_wait3A_1106 = tpu.memref_slice %arg14[%dma_wait3A_1104, %dma_wait3A_1105] : memref<768x128xf32, #tpu.memory_space<vmem>> -> memref<48x128xf32, #tpu.memory_space<vmem>>
      tpu.wait_dma2 semaphore(%dma_wait3A_1103 : memref<!tpu.dma_semaphore, #tpu.memory_space<semaphore_mem>>) src(%arg16 : memref<48x128xf32, #tpu.memory_space<hbm>>) dst(%dma_wait3A_1106 : memref<48x128xf32, #tpu.memory_space<vmem>>)
      %slice3A_1107 = vector.extract_strided_slice %get3A_1018 {offsets = [1], sizes = [1], strides = [1]} : vector<16xi32> to vector<1xi32>
      %squeeze3A_1108 = vector.extract %slice3A_1107[0] : i32 from vector<1xi32>
      %and3A_1109 = arith.constant 127 : i32
      %and3A_1110 = arith.andi %squeeze3A_1108, %and3A_1109 : i32
      %broadcast_in_dim3A_1111 = vector.broadcast %and3A_1110 : i32 to vector<16xi32>
      %add3A_1112 = arith.constant 48 : i32
      %add3A_1113 = vector.broadcast %add3A_1112 : i32 to vector<16xi32>
      %add3A_1114 = arith.addi %add3A_1113, %iota3A : vector<16xi32>
      %gather3A_1115 = tpu.vector_load_idx %arg14[%add3A_1114, %broadcast_in_dim3A_1111] : memref<768x128xf32, #tpu.memory_space<vmem>>[vector<16xi32>, vector<16xi32>], vector<16xf32>,
      %slice3A_1116 = vector.extract_strided_slice %get3A_1022 {offsets = [1], sizes = [1], strides = [1]} : vector<16xi32> to vector<1xi32>
      %squeeze3A_1117 = vector.extract %slice3A_1116[0] : i32 from vector<1xi32>
      %and3A_1118 = arith.constant 127 : i32
      %and3A_1119 = arith.andi %squeeze3A_1117, %and3A_1118 : i32
      %broadcast_in_dim3A_1120 = vector.broadcast %and3A_1119 : i32 to vector<16xi32>
      %add3A_1121 = arith.constant 64 : i32
      %add3A_1122 = vector.broadcast %add3A_1121 : i32 to vector<16xi32>
      %add3A_1123 = arith.addi %add3A_1122, %iota3A : vector<16xi32>
      %gather3A_1124 = tpu.vector_load_idx %arg14[%add3A_1123, %broadcast_in_dim3A_1120] : memref<768x128xf32, #tpu.memory_space<vmem>>[vector<16xi32>, vector<16xi32>], vector<16xf32>,
      %slice3A_1125 = vector.extract_strided_slice %get3A_1026 {offsets = [1], sizes = [1], strides = [1]} : vector<16xi32> to vector<1xi32>
      %squeeze3A_1126 = vector.extract %slice3A_1125[0] : i32 from vector<1xi32>
      %and3A_1127 = arith.constant 127 : i32
      %and3A_1128 = arith.andi %squeeze3A_1126, %and3A_1127 : i32
      %broadcast_in_dim3A_1129 = vector.broadcast %and3A_1128 : i32 to vector<16xi32>
      %add3A_1130 = arith.constant 80 : i32
      %add3A_1131 = vector.broadcast %add3A_1130 : i32 to vector<16xi32>
      %add3A_1132 = arith.addi %add3A_1131, %iota3A : vector<16xi32>
      %gather3A_1133 = tpu.vector_load_idx %arg14[%add3A_1132, %broadcast_in_dim3A_1129] : memref<768x128xf32, #tpu.memory_space<vmem>>[vector<16xi32>, vector<16xi32>], vector<16xf32>,
      %mul3A_1134 = arith.mulf %gather3A_1115, %gather3A_1124 : vector<16xf32>
      %mul3A_1135 = arith.mulf %mul3A_1134, %gather3A_1133 : vector<16xf32>
      %eq3A_1136 = arith.constant 1 : i32
      %eq3A_1137 = vector.broadcast %eq3A_1136 : i32 to vector<16xi32>
      %eq3A_1138 = arith.cmpi eq, %iota3A, %eq3A_1137 : vector<16xi32>
      %reduce_sum3A_1139 = arith.constant true
      %reduce_sum3A_1140 = vector.broadcast %reduce_sum3A_1139 : i1 to vector<16xi1>
      %reduce_sum3A_1141 = tpu.scan <sum>, %mul3A_1135 masked %reduce_sum3A_1140 : vector<16xf32>, vector<16xi1> -> vector<16xf32>
      %reduce_sum3A_1142 = vector.extract %reduce_sum3A_1141[15] : f32 from vector<16xf32>
      %broadcast_in_dim3A_1143 = vector.broadcast %reduce_sum3A_1142 : f32 to vector<16xf32>
      %select_n3A_1144 = arith.select %eq3A_1138, %broadcast_in_dim3A_1143, %select_n3A : vector<16xi1>, vector<16xf32>
      %mul3A_1145 = arith.mulf %gather3A_1115, %gather3A_1115 : vector<16xf32>
      %add3A_1146 = arith.addf %add3A_1095, %mul3A_1145 : vector<16xf32>
      %mul3A_1147 = arith.mulf %gather3A_1124, %gather3A_1124 : vector<16xf32>
      %add3A_1148 = arith.addf %add3A_1146, %mul3A_1147 : vector<16xf32>
      %mul3A_1149 = arith.mulf %gather3A_1133, %gather3A_1133 : vector<16xf32>
      %add3A_1150 = arith.addf %add3A_1148, %mul3A_1149 : vector<16xf32>
      %lt3A_1151 = arith.constant 31 : i32
      %lt3A_1152 = arith.cmpi slt, %scan3A_1012, %lt3A_1151 : i32
      %convert_element_type3A_1153 = arith.extui %lt3A_1152 : i1 to i32
      %cond3A_1154 = arith.constant 0 : i32
      %cond3A_1155 = arith.cmpi ne, %convert_element_type3A_1153, %cond3A_1154 : i32
      scf.if %cond3A_1155 {
        %slice3A_1970 = vector.extract_strided_slice %get3A_1037 {offsets = [1], sizes = [1], strides = [1]} : vector<16xi32> to vector<1xi32>
        %squeeze3A_1971 = vector.extract %slice3A_1970[0] : i32 from vector<1xi32>
        %shift_right_logical3A_1972 = arith.constant 7 : i32
        %shift_right_logical3A_1973 = arith.shrui %squeeze3A_1971, %shift_right_logical3A_1972 : i32
        %shift_left3A_1974 = arith.constant 7 : i32
        %shift_left3A_1975 = arith.shli %shift_right_logical3A_1973, %shift_left3A_1974 : i32
        %multiple_of3A_1976 = tpu.assume_multiple %shift_left3A_1975, 128 : i32
        %dma_start3A_1977 = arith.constant 1 : i32
        %dma_start3A_1978 = arith.constant 48 : i32
        %dma_start3A_1979 = arith.constant 0 : i32
        %dma_start3A_1980 = tpu.memref_slice %arg14[%dma_start3A_1978, %dma_start3A_1979] : memref<768x128xf32, #tpu.memory_space<vmem>> -> memref<16x128xf32, #tpu.memory_space<vmem>>
        %dma_start3A_1981 = arith.constant 0 : i32
        %dma_start3A_1982 = tpu.memref_slice %arg6[%dma_start3A_1981, %multiple_of3A_1976] : memref<16x1000000xf32, #tpu.memory_space<hbm>> -> memref<16x128xf32, #tpu.memory_space<hbm>>
        %dma_start3A_1983 = tpu.memref_slice %arg17[%dma_start3A_1977] : memref<16x!tpu.dma_semaphore, #tpu.memory_space<semaphore_mem>> -> memref<1x!tpu.dma_semaphore, #tpu.memory_space<semaphore_mem>>
        %dma_start3A_1984 = tpu.memref_squeeze %dma_start3A_1983 : memref<1x!tpu.dma_semaphore, #tpu.memory_space<semaphore_mem>> -> memref<!tpu.dma_semaphore, #tpu.memory_space<semaphore_mem>>
        %dma_start3A_1985 = arith.constant 48 : i32
        %dma_start3A_1986 = arith.constant 0 : i32
        %dma_start3A_1987 = tpu.memref_slice %arg14[%dma_start3A_1985, %dma_start3A_1986] : memref<768x128xf32, #tpu.memory_space<vmem>> -> memref<16x128xf32, #tpu.memory_space<vmem>>
        %dma_start3A_1988 = arith.constant 0 : i32
        %dma_start3A_1989 = tpu.memref_slice %arg6[%dma_start3A_1988, %multiple_of3A_1976] : memref<16x1000000xf32, #tpu.memory_space<hbm>> -> memref<16x128xf32, #tpu.memory_space<hbm>>
        tpu.enqueue_dma source(%dma_start3A_1989 : memref<16x128xf32, #tpu.memory_space<hbm>>) target(%dma_start3A_1987 : memref<16x128xf32, #tpu.memory_space<vmem>>) target_semaphore(%dma_start3A_1984 : memref<!tpu.dma_semaphore, #tpu.memory_space<semaphore_mem>>)
        %slice3A_1990 = vector.extract_strided_slice %get3A_1041 {offsets = [1], sizes = [1], strides = [1]} : vector<16xi32> to vector<1xi32>
        %squeeze3A_1991 = vector.extract %slice3A_1990[0] : i32 from vector<1xi32>
        %shift_right_logical3A_1992 = arith.constant 7 : i32
        %shift_right_logical3A_1993 = arith.shrui %squeeze3A_1991, %shift_right_logical3A_1992 : i32
        %shift_left3A_1994 = arith.constant 7 : i32
        %shift_left3A_1995 = arith.shli %shift_right_logical3A_1993, %shift_left3A_1994 : i32
        %multiple_of3A_1996 = tpu.assume_multiple %shift_left3A_1995, 128 : i32
        %dma_start3A_1997 = arith.constant 1 : i32
        %dma_start3A_1998 = arith.constant 64 : i32
        %dma_start3A_1999 = arith.constant 0 : i32
        %dma_start3A_2000 = tpu.memref_slice %arg14[%dma_start3A_1998, %dma_start3A_1999] : memref<768x128xf32, #tpu.memory_space<vmem>> -> memref<16x128xf32, #tpu.memory_space<vmem>>
        %dma_start3A_2001 = arith.constant 0 : i32
        %dma_start3A_2002 = tpu.memref_slice %arg7[%dma_start3A_2001, %multiple_of3A_1996] : memref<16x1000000xf32, #tpu.memory_space<hbm>> -> memref<16x128xf32, #tpu.memory_space<hbm>>
        %dma_start3A_2003 = tpu.memref_slice %arg17[%dma_start3A_1997] : memref<16x!tpu.dma_semaphore, #tpu.memory_space<semaphore_mem>> -> memref<1x!tpu.dma_semaphore, #tpu.memory_space<semaphore_mem>>
        %dma_start3A_2004 = tpu.memref_squeeze %dma_start3A_2003 : memref<1x!tpu.dma_semaphore, #tpu.memory_space<semaphore_mem>> -> memref<!tpu.dma_semaphore, #tpu.memory_space<semaphore_mem>>
        %dma_start3A_2005 = arith.constant 64 : i32
        %dma_start3A_2006 = arith.constant 0 : i32
        %dma_start3A_2007 = tpu.memref_slice %arg14[%dma_start3A_2005, %dma_start3A_2006] : memref<768x128xf32, #tpu.memory_space<vmem>> -> memref<16x128xf32, #tpu.memory_space<vmem>>
        %dma_start3A_2008 = arith.constant 0 : i32
        %dma_start3A_2009 = tpu.memref_slice %arg7[%dma_start3A_2008, %multiple_of3A_1996] : memref<16x1000000xf32, #tpu.memory_space<hbm>> -> memref<16x128xf32, #tpu.memory_space<hbm>>
        tpu.enqueue_dma source(%dma_start3A_2009 : memref<16x128xf32, #tpu.memory_space<hbm>>) target(%dma_start3A_2007 : memref<16x128xf32, #tpu.memory_space<vmem>>) target_semaphore(%dma_start3A_2004 : memref<!tpu.dma_semaphore, #tpu.memory_space<semaphore_mem>>)
        %slice3A_2010 = vector.extract_strided_slice %get3A_1045 {offsets = [1], sizes = [1], strides = [1]} : vector<16xi32> to vector<1xi32>
        %squeeze3A_2011 = vector.extract %slice3A_2010[0] : i32 from vector<1xi32>
        %shift_right_logical3A_2012 = arith.constant 7 : i32
        %shift_right_logical3A_2013 = arith.shrui %squeeze3A_2011, %shift_right_logical3A_2012 : i32
        %shift_left3A_2014 = arith.constant 7 : i32
        %shift_left3A_2015 = arith.shli %shift_right_logical3A_2013, %shift_left3A_2014 : i32
        %multiple_of3A_2016 = tpu.assume_multiple %shift_left3A_2015, 128 : i32
        %dma_start3A_2017 = arith.constant 1 : i32
        %dma_start3A_2018 = arith.constant 80 : i32
        %dma_start3A_2019 = arith.constant 0 : i32
        %dma_start3A_2020 = tpu.memref_slice %arg14[%dma_start3A_2018, %dma_start3A_2019] : memref<768x128xf32, #tpu.memory_space<vmem>> -> memref<16x128xf32, #tpu.memory_space<vmem>>
        %dma_start3A_2021 = arith.constant 0 : i32
        %dma_start3A_2022 = tpu.memref_slice %arg8[%dma_start3A_2021, %multiple_of3A_2016] : memref<16x1000000xf32, #tpu.memory_space<hbm>> -> memref<16x128xf32, #tpu.memory_space<hbm>>
        %dma_start3A_2023 = tpu.memref_slice %arg17[%dma_start3A_2017] : memref<16x!tpu.dma_semaphore, #tpu.memory_space<semaphore_mem>> -> memref<1x!tpu.dma_semaphore, #tpu.memory_space<semaphore_mem>>
        %dma_start3A_2024 = tpu.memref_squeeze %dma_start3A_2023 : memref<1x!tpu.dma_semaphore, #tpu.memory_space<semaphore_mem>> -> memref<!tpu.dma_semaphore, #tpu.memory_space<semaphore_mem>>
        %dma_start3A_2025 = arith.constant 80 : i32
        %dma_start3A_2026 = arith.constant 0 : i32
        %dma_start3A_2027 = tpu.memref_slice %arg14[%dma_start3A_2025, %dma_start3A_2026] : memref<768x128xf32, #tpu.memory_space<vmem>> -> memref<16x128xf32, #tpu.memory_space<vmem>>
        %dma_start3A_2028 = arith.constant 0 : i32
        %dma_start3A_2029 = tpu.memref_slice %arg8[%dma_start3A_2028, %multiple_of3A_2016] : memref<16x1000000xf32, #tpu.memory_space<hbm>> -> memref<16x128xf32, #tpu.memory_space<hbm>>
        tpu.enqueue_dma source(%dma_start3A_2029 : memref<16x128xf32, #tpu.memory_space<hbm>>) target(%dma_start3A_2027 : memref<16x128xf32, #tpu.memory_space<vmem>>) target_semaphore(%dma_start3A_2024 : memref<!tpu.dma_semaphore, #tpu.memory_space<semaphore_mem>>)
      } else {
      }
      %dma_wait3A_1156 = arith.constant 2 : i32
      %dma_wait3A_1157 = arith.constant 96 : i32
      %dma_wait3A_1158 = arith.constant 0 : i32
      %dma_wait3A_1159 = tpu.memref_slice %arg14[%dma_wait3A_1157, %dma_wait3A_1158] : memref<768x128xf32, #tpu.memory_space<vmem>> -> memref<48x128xf32, #tpu.memory_space<vmem>>
      %dma_wait3A_1160 = tpu.memref_slice %arg17[%dma_wait3A_1156] : memref<16x!tpu.dma_semaphore, #tpu.memory_space<semaphore_mem>> -> memref<1x!tpu.dma_semaphore, #tpu.memory_space<semaphore_mem>>
      %dma_wait3A_1161 = tpu.memref_squeeze %dma_wait3A_1160 : memref<1x!tpu.dma_semaphore, #tpu.memory_space<semaphore_mem>> -> memref<!tpu.dma_semaphore, #tpu.memory_space<semaphore_mem>>
      %dma_wait3A_1162 = arith.constant 96 : i32
      %dma_wait3A_1163 = arith.constant 0 : i32
      %dma_wait3A_1164 = tpu.memref_slice %arg14[%dma_wait3A_1162, %dma_wait3A_1163] : memref<768x128xf32, #tpu.memory_space<vmem>> -> memref<48x128xf32, #tpu.memory_space<vmem>>
      tpu.wait_dma2 semaphore(%dma_wait3A_1161 : memref<!tpu.dma_semaphore, #tpu.memory_space<semaphore_mem>>) src(%arg16 : memref<48x128xf32, #tpu.memory_space<hbm>>) dst(%dma_wait3A_1164 : memref<48x128xf32, #tpu.memory_space<vmem>>)
      %slice3A_1165 = vector.extract_strided_slice %get3A_1018 {offsets = [2], sizes = [1], strides = [1]} : vector<16xi32> to vector<1xi32>
      %squeeze3A_1166 = vector.extract %slice3A_1165[0] : i32 from vector<1xi32>
      %and3A_1167 = arith.constant 127 : i32
      %and3A_1168 = arith.andi %squeeze3A_1166, %and3A_1167 : i32
      %broadcast_in_dim3A_1169 = vector.broadcast %and3A_1168 : i32 to vector<16xi32>
      %add3A_1170 = arith.constant 96 : i32
      %add3A_1171 = vector.broadcast %add3A_1170 : i32 to vector<16xi32>
      %add3A_1172 = arith.addi %add3A_1171, %iota3A : vector<16xi32>
      %gather3A_1173 = tpu.vector_load_idx %arg14[%add3A_1172, %broadcast_in_dim3A_1169] : memref<768x128xf32, #tpu.memory_space<vmem>>[vector<16xi32>, vector<16xi32>], vector<16xf32>,
      %slice3A_1174 = vector.extract_strided_slice %get3A_1022 {offsets = [2], sizes = [1], strides = [1]} : vector<16xi32> to vector<1xi32>
      %squeeze3A_1175 = vector.extract %slice3A_1174[0] : i32 from vector<1xi32>
      %and3A_1176 = arith.constant 127 : i32
      %and3A_1177 = arith.andi %squeeze3A_1175, %and3A_1176 : i32
      %broadcast_in_dim3A_1178 = vector.broadcast %and3A_1177 : i32 to vector<16xi32>
      %add3A_1179 = arith.constant 112 : i32
      %add3A_1180 = vector.broadcast %add3A_1179 : i32 to vector<16xi32>
      %add3A_1181 = arith.addi %add3A_1180, %iota3A : vector<16xi32>
      %gather3A_1182 = tpu.vector_load_idx %arg14[%add3A_1181, %broadcast_in_dim3A_1178] : memref<768x128xf32, #tpu.memory_space<vmem>>[vector<16xi32>, vector<16xi32>], vector<16xf32>,
      %slice3A_1183 = vector.extract_strided_slice %get3A_1026 {offsets = [2], sizes = [1], strides = [1]} : vector<16xi32> to vector<1xi32>
      %squeeze3A_1184 = vector.extract %slice3A_1183[0] : i32 from vector<1xi32>
      %and3A_1185 = arith.constant 127 : i32
      %and3A_1186 = arith.andi %squeeze3A_1184, %and3A_1185 : i32
      %broadcast_in_dim3A_1187 = vector.broadcast %and3A_1186 : i32 to vector<16xi32>
      %add3A_1188 = arith.constant 128 : i32
      %add3A_1189 = vector.broadcast %add3A_1188 : i32 to vector<16xi32>
      %add3A_1190 = arith.addi %add3A_1189, %iota3A : vector<16xi32>
      %gather3A_1191 = tpu.vector_load_idx %arg14[%add3A_1190, %broadcast_in_dim3A_1187] : memref<768x128xf32, #tpu.memory_space<vmem>>[vector<16xi32>, vector<16xi32>], vector<16xf32>,
      %mul3A_1192 = arith.mulf %gather3A_1173, %gather3A_1182 : vector<16xf32>
      %mul3A_1193 = arith.mulf %mul3A_1192, %gather3A_1191 : vector<16xf32>
      %eq3A_1194 = arith.constant 2 : i32
      %eq3A_1195 = vector.broadcast %eq3A_1194 : i32 to vector<16xi32>
      %eq3A_1196 = arith.cmpi eq, %iota3A, %eq3A_1195 : vector<16xi32>
      %reduce_sum3A_1197 = arith.constant true
      %reduce_sum3A_1198 = vector.broadcast %reduce_sum3A_1197 : i1 to vector<16xi1>
      %reduce_sum3A_1199 = tpu.scan <sum>, %mul3A_1193 masked %reduce_sum3A_1198 : vector<16xf32>, vector<16xi1> -> vector<16xf32>
      %reduce_sum3A_1200 = vector.extract %reduce_sum3A_1199[15] : f32 from vector<16xf32>
      %broadcast_in_dim3A_1201 = vector.broadcast %reduce_sum3A_1200 : f32 to vector<16xf32>
      %select_n3A_1202 = arith.select %eq3A_1196, %broadcast_in_dim3A_1201, %select_n3A_1144 : vector<16xi1>, vector<16xf32>
      %mul3A_1203 = arith.mulf %gather3A_1173, %gather3A_1173 : vector<16xf32>
      %add3A_1204 = arith.addf %add3A_1150, %mul3A_1203 : vector<16xf32>
      %mul3A_1205 = arith.mulf %gather3A_1182, %gather3A_1182 : vector<16xf32>
      %add3A_1206 = arith.addf %add3A_1204, %mul3A_1205 : vector<16xf32>
      %mul3A_1207 = arith.mulf %gather3A_1191, %gather3A_1191 : vector<16xf32>
      %add3A_1208 = arith.addf %add3A_1206, %mul3A_1207 : vector<16xf32>
      %lt3A_1209 = arith.constant 31 : i32
      %lt3A_1210 = arith.cmpi slt, %scan3A_1012, %lt3A_1209 : i32
      %convert_element_type3A_1211 = arith.extui %lt3A_1210 : i1 to i32
      %cond3A_1212 = arith.constant 0 : i32
      %cond3A_1213 = arith.cmpi ne, %convert_element_type3A_1211, %cond3A_1212 : i32
      scf.if %cond3A_1213 {
        %slice3A_1970 = vector.extract_strided_slice %get3A_1037 {offsets = [2], sizes = [1], strides = [1]} : vector<16xi32> to vector<1xi32>
        %squeeze3A_1971 = vector.extract %slice3A_1970[0] : i32 from vector<1xi32>
        %shift_right_logical3A_1972 = arith.constant 7 : i32
        %shift_right_logical3A_1973 = arith.shrui %squeeze3A_1971, %shift_right_logical3A_1972 : i32
        %shift_left3A_1974 = arith.constant 7 : i32
        %shift_left3A_1975 = arith.shli %shift_right_logical3A_1973, %shift_left3A_1974 : i32
        %multiple_of3A_1976 = tpu.assume_multiple %shift_left3A_1975, 128 : i32
        %dma_start3A_1977 = arith.constant 2 : i32
        %dma_start3A_1978 = arith.constant 96 : i32
        %dma_start3A_1979 = arith.constant 0 : i32
        %dma_start3A_1980 = tpu.memref_slice %arg14[%dma_start3A_1978, %dma_start3A_1979] : memref<768x128xf32, #tpu.memory_space<vmem>> -> memref<16x128xf32, #tpu.memory_space<vmem>>
        %dma_start3A_1981 = arith.constant 0 : i32
        %dma_start3A_1982 = tpu.memref_slice %arg6[%dma_start3A_1981, %multiple_of3A_1976] : memref<16x1000000xf32, #tpu.memory_space<hbm>> -> memref<16x128xf32, #tpu.memory_space<hbm>>
        %dma_start3A_1983 = tpu.memref_slice %arg17[%dma_start3A_1977] : memref<16x!tpu.dma_semaphore, #tpu.memory_space<semaphore_mem>> -> memref<1x!tpu.dma_semaphore, #tpu.memory_space<semaphore_mem>>
        %dma_start3A_1984 = tpu.memref_squeeze %dma_start3A_1983 : memref<1x!tpu.dma_semaphore, #tpu.memory_space<semaphore_mem>> -> memref<!tpu.dma_semaphore, #tpu.memory_space<semaphore_mem>>
        %dma_start3A_1985 = arith.constant 96 : i32
        %dma_start3A_1986 = arith.constant 0 : i32
        %dma_start3A_1987 = tpu.memref_slice %arg14[%dma_start3A_1985, %dma_start3A_1986] : memref<768x128xf32, #tpu.memory_space<vmem>> -> memref<16x128xf32, #tpu.memory_space<vmem>>
        %dma_start3A_1988 = arith.constant 0 : i32
        %dma_start3A_1989 = tpu.memref_slice %arg6[%dma_start3A_1988, %multiple_of3A_1976] : memref<16x1000000xf32, #tpu.memory_space<hbm>> -> memref<16x128xf32, #tpu.memory_space<hbm>>
        tpu.enqueue_dma source(%dma_start3A_1989 : memref<16x128xf32, #tpu.memory_space<hbm>>) target(%dma_start3A_1987 : memref<16x128xf32, #tpu.memory_space<vmem>>) target_semaphore(%dma_start3A_1984 : memref<!tpu.dma_semaphore, #tpu.memory_space<semaphore_mem>>)
        %slice3A_1990 = vector.extract_strided_slice %get3A_1041 {offsets = [2], sizes = [1], strides = [1]} : vector<16xi32> to vector<1xi32>
        %squeeze3A_1991 = vector.extract %slice3A_1990[0] : i32 from vector<1xi32>
        %shift_right_logical3A_1992 = arith.constant 7 : i32
        %shift_right_logical3A_1993 = arith.shrui %squeeze3A_1991, %shift_right_logical3A_1992 : i32
        %shift_left3A_1994 = arith.constant 7 : i32
        %shift_left3A_1995 = arith.shli %shift_right_logical3A_1993, %shift_left3A_1994 : i32
        %multiple_of3A_1996 = tpu.assume_multiple %shift_left3A_1995, 128 : i32
        %dma_start3A_1997 = arith.constant 2 : i32
        %dma_start3A_1998 = arith.constant 112 : i32
        %dma_start3A_1999 = arith.constant 0 : i32
        %dma_start3A_2000 = tpu.memref_slice %arg14[%dma_start3A_1998, %dma_start3A_1999] : memref<768x128xf32, #tpu.memory_space<vmem>> -> memref<16x128xf32, #tpu.memory_space<vmem>>
        %dma_start3A_2001 = arith.constant 0 : i32
        %dma_start3A_2002 = tpu.memref_slice %arg7[%dma_start3A_2001, %multiple_of3A_1996] : memref<16x1000000xf32, #tpu.memory_space<hbm>> -> memref<16x128xf32, #tpu.memory_space<hbm>>
        %dma_start3A_2003 = tpu.memref_slice %arg17[%dma_start3A_1997] : memref<16x!tpu.dma_semaphore, #tpu.memory_space<semaphore_mem>> -> memref<1x!tpu.dma_semaphore, #tpu.memory_space<semaphore_mem>>
        %dma_start3A_2004 = tpu.memref_squeeze %dma_start3A_2003 : memref<1x!tpu.dma_semaphore, #tpu.memory_space<semaphore_mem>> -> memref<!tpu.dma_semaphore, #tpu.memory_space<semaphore_mem>>
        %dma_start3A_2005 = arith.constant 112 : i32
        %dma_start3A_2006 = arith.constant 0 : i32
        %dma_start3A_2007 = tpu.memref_slice %arg14[%dma_start3A_2005, %dma_start3A_2006] : memref<768x128xf32, #tpu.memory_space<vmem>> -> memref<16x128xf32, #tpu.memory_space<vmem>>
        %dma_start3A_2008 = arith.constant 0 : i32
        %dma_start3A_2009 = tpu.memref_slice %arg7[%dma_start3A_2008, %multiple_of3A_1996] : memref<16x1000000xf32, #tpu.memory_space<hbm>> -> memref<16x128xf32, #tpu.memory_space<hbm>>
        tpu.enqueue_dma source(%dma_start3A_2009 : memref<16x128xf32, #tpu.memory_space<hbm>>) target(%dma_start3A_2007 : memref<16x128xf32, #tpu.memory_space<vmem>>) target_semaphore(%dma_start3A_2004 : memref<!tpu.dma_semaphore, #tpu.memory_space<semaphore_mem>>)
        %slice3A_2010 = vector.extract_strided_slice %get3A_1045 {offsets = [2], sizes = [1], strides = [1]} : vector<16xi32> to vector<1xi32>
        %squeeze3A_2011 = vector.extract %slice3A_2010[0] : i32 from vector<1xi32>
        %shift_right_logical3A_2012 = arith.constant 7 : i32
        %shift_right_logical3A_2013 = arith.shrui %squeeze3A_2011, %shift_right_logical3A_2012 : i32
        %shift_left3A_2014 = arith.constant 7 : i32
        %shift_left3A_2015 = arith.shli %shift_right_logical3A_2013, %shift_left3A_2014 : i32
        %multiple_of3A_2016 = tpu.assume_multiple %shift_left3A_2015, 128 : i32
        %dma_start3A_2017 = arith.constant 2 : i32
        %dma_start3A_2018 = arith.constant 128 : i32
        %dma_start3A_2019 = arith.constant 0 : i32
        %dma_start3A_2020 = tpu.memref_slice %arg14[%dma_start3A_2018, %dma_start3A_2019] : memref<768x128xf32, #tpu.memory_space<vmem>> -> memref<16x128xf32, #tpu.memory_space<vmem>>
        %dma_start3A_2021 = arith.constant 0 : i32
        %dma_start3A_2022 = tpu.memref_slice %arg8[%dma_start3A_2021, %multiple_of3A_2016] : memref<16x1000000xf32, #tpu.memory_space<hbm>> -> memref<16x128xf32, #tpu.memory_space<hbm>>
        %dma_start3A_2023 = tpu.memref_slice %arg17[%dma_start3A_2017] : memref<16x!tpu.dma_semaphore, #tpu.memory_space<semaphore_mem>> -> memref<1x!tpu.dma_semaphore, #tpu.memory_space<semaphore_mem>>
        %dma_start3A_2024 = tpu.memref_squeeze %dma_start3A_2023 : memref<1x!tpu.dma_semaphore, #tpu.memory_space<semaphore_mem>> -> memref<!tpu.dma_semaphore, #tpu.memory_space<semaphore_mem>>
        %dma_start3A_2025 = arith.constant 128 : i32
        %dma_start3A_2026 = arith.constant 0 : i32
        %dma_start3A_2027 = tpu.memref_slice %arg14[%dma_start3A_2025, %dma_start3A_2026] : memref<768x128xf32, #tpu.memory_space<vmem>> -> memref<16x128xf32, #tpu.memory_space<vmem>>
        %dma_start3A_2028 = arith.constant 0 : i32
        %dma_start3A_2029 = tpu.memref_slice %arg8[%dma_start3A_2028, %multiple_of3A_2016] : memref<16x1000000xf32, #tpu.memory_space<hbm>> -> memref<16x128xf32, #tpu.memory_space<hbm>>
        tpu.enqueue_dma source(%dma_start3A_2029 : memref<16x128xf32, #tpu.memory_space<hbm>>) target(%dma_start3A_2027 : memref<16x128xf32, #tpu.memory_space<vmem>>) target_semaphore(%dma_start3A_2024 : memref<!tpu.dma_semaphore, #tpu.memory_space<semaphore_mem>>)
      } else {
      }
      %dma_wait3A_1214 = arith.constant 3 : i32
      %dma_wait3A_1215 = arith.constant 144 : i32
      %dma_wait3A_1216 = arith.constant 0 : i32
      %dma_wait3A_1217 = tpu.memref_slice %arg14[%dma_wait3A_1215, %dma_wait3A_1216] : memref<768x128xf32, #tpu.memory_space<vmem>> -> memref<48x128xf32, #tpu.memory_space<vmem>>
      %dma_wait3A_1218 = tpu.memref_slice %arg17[%dma_wait3A_1214] : memref<16x!tpu.dma_semaphore, #tpu.memory_space<semaphore_mem>> -> memref<1x!tpu.dma_semaphore, #tpu.memory_space<semaphore_mem>>
      %dma_wait3A_1219 = tpu.memref_squeeze %dma_wait3A_1218 : memref<1x!tpu.dma_semaphore, #tpu.memory_space<semaphore_mem>> -> memref<!tpu.dma_semaphore, #tpu.memory_space<semaphore_mem>>
      %dma_wait3A_1220 = arith.constant 144 : i32
      %dma_wait3A_1221 = arith.constant 0 : i32
      %dma_wait3A_1222 = tpu.memref_slice %arg14[%dma_wait3A_1220, %dma_wait3A_1221] : memref<768x128xf32, #tpu.memory_space<vmem>> -> memref<48x128xf32, #tpu.memory_space<vmem>>
      tpu.wait_dma2 semaphore(%dma_wait3A_1219 : memref<!tpu.dma_semaphore, #tpu.memory_space<semaphore_mem>>) src(%arg16 : memref<48x128xf32, #tpu.memory_space<hbm>>) dst(%dma_wait3A_1222 : memref<48x128xf32, #tpu.memory_space<vmem>>)
      %slice3A_1223 = vector.extract_strided_slice %get3A_1018 {offsets = [3], sizes = [1], strides = [1]} : vector<16xi32> to vector<1xi32>
      %squeeze3A_1224 = vector.extract %slice3A_1223[0] : i32 from vector<1xi32>
      %and3A_1225 = arith.constant 127 : i32
      %and3A_1226 = arith.andi %squeeze3A_1224, %and3A_1225 : i32
      %broadcast_in_dim3A_1227 = vector.broadcast %and3A_1226 : i32 to vector<16xi32>
      %add3A_1228 = arith.constant 144 : i32
      %add3A_1229 = vector.broadcast %add3A_1228 : i32 to vector<16xi32>
      %add3A_1230 = arith.addi %add3A_1229, %iota3A : vector<16xi32>
      %gather3A_1231 = tpu.vector_load_idx %arg14[%add3A_1230, %broadcast_in_dim3A_1227] : memref<768x128xf32, #tpu.memory_space<vmem>>[vector<16xi32>, vector<16xi32>], vector<16xf32>,
      %slice3A_1232 = vector.extract_strided_slice %get3A_1022 {offsets = [3], sizes = [1], strides = [1]} : vector<16xi32> to vector<1xi32>
      %squeeze3A_1233 = vector.extract %slice3A_1232[0] : i32 from vector<1xi32>
      %and3A_1234 = arith.constant 127 : i32
      %and3A_1235 = arith.andi %squeeze3A_1233, %and3A_1234 : i32
      %broadcast_in_dim3A_1236 = vector.broadcast %and3A_1235 : i32 to vector<16xi32>
      %add3A_1237 = arith.constant 160 : i32
      %add3A_1238 = vector.broadcast %add3A_1237 : i32 to vector<16xi32>
      %add3A_1239 = arith.addi %add3A_1238, %iota3A : vector<16xi32>
      %gather3A_1240 = tpu.vector_load_idx %arg14[%add3A_1239, %broadcast_in_dim3A_1236] : memref<768x128xf32, #tpu.memory_space<vmem>>[vector<16xi32>, vector<16xi32>], vector<16xf32>,
      %slice3A_1241 = vector.extract_strided_slice %get3A_1026 {offsets = [3], sizes = [1], strides = [1]} : vector<16xi32> to vector<1xi32>
      %squeeze3A_1242 = vector.extract %slice3A_1241[0] : i32 from vector<1xi32>
      %and3A_1243 = arith.constant 127 : i32
      %and3A_1244 = arith.andi %squeeze3A_1242, %and3A_1243 : i32
      %broadcast_in_dim3A_1245 = vector.broadcast %and3A_1244 : i32 to vector<16xi32>
      %add3A_1246 = arith.constant 176 : i32
      %add3A_1247 = vector.broadcast %add3A_1246 : i32 to vector<16xi32>
      %add3A_1248 = arith.addi %add3A_1247, %iota3A : vector<16xi32>
      %gather3A_1249 = tpu.vector_load_idx %arg14[%add3A_1248, %broadcast_in_dim3A_1245] : memref<768x128xf32, #tpu.memory_space<vmem>>[vector<16xi32>, vector<16xi32>], vector<16xf32>,
      %mul3A_1250 = arith.mulf %gather3A_1231, %gather3A_1240 : vector<16xf32>
      %mul3A_1251 = arith.mulf %mul3A_1250, %gather3A_1249 : vector<16xf32>
      %eq3A_1252 = arith.constant 3 : i32
      %eq3A_1253 = vector.broadcast %eq3A_1252 : i32 to vector<16xi32>
      %eq3A_1254 = arith.cmpi eq, %iota3A, %eq3A_1253 : vector<16xi32>
      %reduce_sum3A_1255 = arith.constant true
      %reduce_sum3A_1256 = vector.broadcast %reduce_sum3A_1255 : i1 to vector<16xi1>
      %reduce_sum3A_1257 = tpu.scan <sum>, %mul3A_1251 masked %reduce_sum3A_1256 : vector<16xf32>, vector<16xi1> -> vector<16xf32>
      %reduce_sum3A_1258 = vector.extract %reduce_sum3A_1257[15] : f32 from vector<16xf32>
      %broadcast_in_dim3A_1259 = vector.broadcast %reduce_sum3A_1258 : f32 to vector<16xf32>
      %select_n3A_1260 = arith.select %eq3A_1254, %broadcast_in_dim3A_1259, %select_n3A_1202 : vector<16xi1>, vector<16xf32>
      %mul3A_1261 = arith.mulf %gather3A_1231, %gather3A_1231 : vector<16xf32>
      %add3A_1262 = arith.addf %add3A_1208, %mul3A_1261 : vector<16xf32>
      %mul3A_1263 = arith.mulf %gather3A_1240, %gather3A_1240 : vector<16xf32>
      %add3A_1264 = arith.addf %add3A_1262, %mul3A_1263 : vector<16xf32>
      %mul3A_1265 = arith.mulf %gather3A_1249, %gather3A_1249 : vector<16xf32>
      %add3A_1266 = arith.addf %add3A_1264, %mul3A_1265 : vector<16xf32>
      %lt3A_1267 = arith.constant 31 : i32
      %lt3A_1268 = arith.cmpi slt, %scan3A_1012, %lt3A_1267 : i32
      %convert_element_type3A_1269 = arith.extui %lt3A_1268 : i1 to i32
      %cond3A_1270 = arith.constant 0 : i32
      %cond3A_1271 = arith.cmpi ne, %convert_element_type3A_1269, %cond3A_1270 : i32
      scf.if %cond3A_1271 {
        %slice3A_1970 = vector.extract_strided_slice %get3A_1037 {offsets = [3], sizes = [1], strides = [1]} : vector<16xi32> to vector<1xi32>
        %squeeze3A_1971 = vector.extract %slice3A_1970[0] : i32 from vector<1xi32>
        %shift_right_logical3A_1972 = arith.constant 7 : i32
        %shift_right_logical3A_1973 = arith.shrui %squeeze3A_1971, %shift_right_logical3A_1972 : i32
        %shift_left3A_1974 = arith.constant 7 : i32
        %shift_left3A_1975 = arith.shli %shift_right_logical3A_1973, %shift_left3A_1974 : i32
        %multiple_of3A_1976 = tpu.assume_multiple %shift_left3A_1975, 128 : i32
        %dma_start3A_1977 = arith.constant 3 : i32
        %dma_start3A_1978 = arith.constant 144 : i32
        %dma_start3A_1979 = arith.constant 0 : i32
        %dma_start3A_1980 = tpu.memref_slice %arg14[%dma_start3A_1978, %dma_start3A_1979] : memref<768x128xf32, #tpu.memory_space<vmem>> -> memref<16x128xf32, #tpu.memory_space<vmem>>
        %dma_start3A_1981 = arith.constant 0 : i32
        %dma_start3A_1982 = tpu.memref_slice %arg6[%dma_start3A_1981, %multiple_of3A_1976] : memref<16x1000000xf32, #tpu.memory_space<hbm>> -> memref<16x128xf32, #tpu.memory_space<hbm>>
        %dma_start3A_1983 = tpu.memref_slice %arg17[%dma_start3A_1977] : memref<16x!tpu.dma_semaphore, #tpu.memory_space<semaphore_mem>> -> memref<1x!tpu.dma_semaphore, #tpu.memory_space<semaphore_mem>>
        %dma_start3A_1984 = tpu.memref_squeeze %dma_start3A_1983 : memref<1x!tpu.dma_semaphore, #tpu.memory_space<semaphore_mem>> -> memref<!tpu.dma_semaphore, #tpu.memory_space<semaphore_mem>>
        %dma_start3A_1985 = arith.constant 144 : i32
        %dma_start3A_1986 = arith.constant 0 : i32
        %dma_start3A_1987 = tpu.memref_slice %arg14[%dma_start3A_1985, %dma_start3A_1986] : memref<768x128xf32, #tpu.memory_space<vmem>> -> memref<16x128xf32, #tpu.memory_space<vmem>>
        %dma_start3A_1988 = arith.constant 0 : i32
        %dma_start3A_1989 = tpu.memref_slice %arg6[%dma_start3A_1988, %multiple_of3A_1976] : memref<16x1000000xf32, #tpu.memory_space<hbm>> -> memref<16x128xf32, #tpu.memory_space<hbm>>
        tpu.enqueue_dma source(%dma_start3A_1989 : memref<16x128xf32, #tpu.memory_space<hbm>>) target(%dma_start3A_1987 : memref<16x128xf32, #tpu.memory_space<vmem>>) target_semaphore(%dma_start3A_1984 : memref<!tpu.dma_semaphore, #tpu.memory_space<semaphore_mem>>)
        %slice3A_1990 = vector.extract_strided_slice %get3A_1041 {offsets = [3], sizes = [1], strides = [1]} : vector<16xi32> to vector<1xi32>
        %squeeze3A_1991 = vector.extract %slice3A_1990[0] : i32 from vector<1xi32>
        %shift_right_logical3A_1992 = arith.constant 7 : i32
        %shift_right_logical3A_1993 = arith.shrui %squeeze3A_1991, %shift_right_logical3A_1992 : i32
        %shift_left3A_1994 = arith.constant 7 : i32
        %shift_left3A_1995 = arith.shli %shift_right_logical3A_1993, %shift_left3A_1994 : i32
        %multiple_of3A_1996 = tpu.assume_multiple %shift_left3A_1995, 128 : i32
        %dma_start3A_1997 = arith.constant 3 : i32
        %dma_start3A_1998 = arith.constant 160 : i32
        %dma_start3A_1999 = arith.constant 0 : i32
        %dma_start3A_2000 = tpu.memref_slice %arg14[%dma_start3A_1998, %dma_start3A_1999] : memref<768x128xf32, #tpu.memory_space<vmem>> -> memref<16x128xf32, #tpu.memory_space<vmem>>
        %dma_start3A_2001 = arith.constant 0 : i32
        %dma_start3A_2002 = tpu.memref_slice %arg7[%dma_start3A_2001, %multiple_of3A_1996] : memref<16x1000000xf32, #tpu.memory_space<hbm>> -> memref<16x128xf32, #tpu.memory_space<hbm>>
        %dma_start3A_2003 = tpu.memref_slice %arg17[%dma_start3A_1997] : memref<16x!tpu.dma_semaphore, #tpu.memory_space<semaphore_mem>> -> memref<1x!tpu.dma_semaphore, #tpu.memory_space<semaphore_mem>>
        %dma_start3A_2004 = tpu.memref_squeeze %dma_start3A_2003 : memref<1x!tpu.dma_semaphore, #tpu.memory_space<semaphore_mem>> -> memref<!tpu.dma_semaphore, #tpu.memory_space<semaphore_mem>>
        %dma_start3A_2005 = arith.constant 160 : i32
        %dma_start3A_2006 = arith.constant 0 : i32
        %dma_start3A_2007 = tpu.memref_slice %arg14[%dma_start3A_2005, %dma_start3A_2006] : memref<768x128xf32, #tpu.memory_space<vmem>> -> memref<16x128xf32, #tpu.memory_space<vmem>>
        %dma_start3A_2008 = arith.constant 0 : i32
        %dma_start3A_2009 = tpu.memref_slice %arg7[%dma_start3A_2008, %multiple_of3A_1996] : memref<16x1000000xf32, #tpu.memory_space<hbm>> -> memref<16x128xf32, #tpu.memory_space<hbm>>
        tpu.enqueue_dma source(%dma_start3A_2009 : memref<16x128xf32, #tpu.memory_space<hbm>>) target(%dma_start3A_2007 : memref<16x128xf32, #tpu.memory_space<vmem>>) target_semaphore(%dma_start3A_2004 : memref<!tpu.dma_semaphore, #tpu.memory_space<semaphore_mem>>)
        %slice3A_2010 = vector.extract_strided_slice %get3A_1045 {offsets = [3], sizes = [1], strides = [1]} : vector<16xi32> to vector<1xi32>
        %squeeze3A_2011 = vector.extract %slice3A_2010[0] : i32 from vector<1xi32>
        %shift_right_logical3A_2012 = arith.constant 7 : i32
        %shift_right_logical3A_2013 = arith.shrui %squeeze3A_2011, %shift_right_logical3A_2012 : i32
        %shift_left3A_2014 = arith.constant 7 : i32
        %shift_left3A_2015 = arith.shli %shift_right_logical3A_2013, %shift_left3A_2014 : i32
        %multiple_of3A_2016 = tpu.assume_multiple %shift_left3A_2015, 128 : i32
        %dma_start3A_2017 = arith.constant 3 : i32
        %dma_start3A_2018 = arith.constant 176 : i32
        %dma_start3A_2019 = arith.constant 0 : i32
        %dma_start3A_2020 = tpu.memref_slice %arg14[%dma_start3A_2018, %dma_start3A_2019] : memref<768x128xf32, #tpu.memory_space<vmem>> -> memref<16x128xf32, #tpu.memory_space<vmem>>
        %dma_start3A_2021 = arith.constant 0 : i32
        %dma_start3A_2022 = tpu.memref_slice %arg8[%dma_start3A_2021, %multiple_of3A_2016] : memref<16x1000000xf32, #tpu.memory_space<hbm>> -> memref<16x128xf32, #tpu.memory_space<hbm>>
        %dma_start3A_2023 = tpu.memref_slice %arg17[%dma_start3A_2017] : memref<16x!tpu.dma_semaphore, #tpu.memory_space<semaphore_mem>> -> memref<1x!tpu.dma_semaphore, #tpu.memory_space<semaphore_mem>>
        %dma_start3A_2024 = tpu.memref_squeeze %dma_start3A_2023 : memref<1x!tpu.dma_semaphore, #tpu.memory_space<semaphore_mem>> -> memref<!tpu.dma_semaphore, #tpu.memory_space<semaphore_mem>>
        %dma_start3A_2025 = arith.constant 176 : i32
        %dma_start3A_2026 = arith.constant 0 : i32
        %dma_start3A_2027 = tpu.memref_slice %arg14[%dma_start3A_2025, %dma_start3A_2026] : memref<768x128xf32, #tpu.memory_space<vmem>> -> memref<16x128xf32, #tpu.memory_space<vmem>>
        %dma_start3A_2028 = arith.constant 0 : i32
        %dma_start3A_2029 = tpu.memref_slice %arg8[%dma_start3A_2028, %multiple_of3A_2016] : memref<16x1000000xf32, #tpu.memory_space<hbm>> -> memref<16x128xf32, #tpu.memory_space<hbm>>
        tpu.enqueue_dma source(%dma_start3A_2029 : memref<16x128xf32, #tpu.memory_space<hbm>>) target(%dma_start3A_2027 : memref<16x128xf32, #tpu.memory_space<vmem>>) target_semaphore(%dma_start3A_2024 : memref<!tpu.dma_semaphore, #tpu.memory_space<semaphore_mem>>)
      } else {
      }
      %dma_wait3A_1272 = arith.constant 4 : i32
      %dma_wait3A_1273 = arith.constant 192 : i32
      %dma_wait3A_1274 = arith.constant 0 : i32
      %dma_wait3A_1275 = tpu.memref_slice %arg14[%dma_wait3A_1273, %dma_wait3A_1274] : memref<768x128xf32, #tpu.memory_space<vmem>> -> memref<48x128xf32, #tpu.memory_space<vmem>>
      %dma_wait3A_1276 = tpu.memref_slice %arg17[%dma_wait3A_1272] : memref<16x!tpu.dma_semaphore, #tpu.memory_space<semaphore_mem>> -> memref<1x!tpu.dma_semaphore, #tpu.memory_space<semaphore_mem>>
      %dma_wait3A_1277 = tpu.memref_squeeze %dma_wait3A_1276 : memref<1x!tpu.dma_semaphore, #tpu.memory_space<semaphore_mem>> -> memref<!tpu.dma_semaphore, #tpu.memory_space<semaphore_mem>>
      %dma_wait3A_1278 = arith.constant 192 : i32
      %dma_wait3A_1279 = arith.constant 0 : i32
      %dma_wait3A_1280 = tpu.memref_slice %arg14[%dma_wait3A_1278, %dma_wait3A_1279] : memref<768x128xf32, #tpu.memory_space<vmem>> -> memref<48x128xf32, #tpu.memory_space<vmem>>
      tpu.wait_dma2 semaphore(%dma_wait3A_1277 : memref<!tpu.dma_semaphore, #tpu.memory_space<semaphore_mem>>) src(%arg16 : memref<48x128xf32, #tpu.memory_space<hbm>>) dst(%dma_wait3A_1280 : memref<48x128xf32, #tpu.memory_space<vmem>>)
      %slice3A_1281 = vector.extract_strided_slice %get3A_1018 {offsets = [4], sizes = [1], strides = [1]} : vector<16xi32> to vector<1xi32>
      %squeeze3A_1282 = vector.extract %slice3A_1281[0] : i32 from vector<1xi32>
      %and3A_1283 = arith.constant 127 : i32
      %and3A_1284 = arith.andi %squeeze3A_1282, %and3A_1283 : i32
      %broadcast_in_dim3A_1285 = vector.broadcast %and3A_1284 : i32 to vector<16xi32>
      %add3A_1286 = arith.constant 192 : i32
      %add3A_1287 = vector.broadcast %add3A_1286 : i32 to vector<16xi32>
      %add3A_1288 = arith.addi %add3A_1287, %iota3A : vector<16xi32>
      %gather3A_1289 = tpu.vector_load_idx %arg14[%add3A_1288, %broadcast_in_dim3A_1285] : memref<768x128xf32, #tpu.memory_space<vmem>>[vector<16xi32>, vector<16xi32>], vector<16xf32>,
      %slice3A_1290 = vector.extract_strided_slice %get3A_1022 {offsets = [4], sizes = [1], strides = [1]} : vector<16xi32> to vector<1xi32>
      %squeeze3A_1291 = vector.extract %slice3A_1290[0] : i32 from vector<1xi32>
      %and3A_1292 = arith.constant 127 : i32
      %and3A_1293 = arith.andi %squeeze3A_1291, %and3A_1292 : i32
      %broadcast_in_dim3A_1294 = vector.broadcast %and3A_1293 : i32 to vector<16xi32>
      %add3A_1295 = arith.constant 208 : i32
      %add3A_1296 = vector.broadcast %add3A_1295 : i32 to vector<16xi32>
      %add3A_1297 = arith.addi %add3A_1296, %iota3A : vector<16xi32>
      %gather3A_1298 = tpu.vector_load_idx %arg14[%add3A_1297, %broadcast_in_dim3A_1294] : memref<768x128xf32, #tpu.memory_space<vmem>>[vector<16xi32>, vector<16xi32>], vector<16xf32>,
      %slice3A_1299 = vector.extract_strided_slice %get3A_1026 {offsets = [4], sizes = [1], strides = [1]} : vector<16xi32> to vector<1xi32>
      %squeeze3A_1300 = vector.extract %slice3A_1299[0] : i32 from vector<1xi32>
      %and3A_1301 = arith.constant 127 : i32
      %and3A_1302 = arith.andi %squeeze3A_1300, %and3A_1301 : i32
      %broadcast_in_dim3A_1303 = vector.broadcast %and3A_1302 : i32 to vector<16xi32>
      %add3A_1304 = arith.constant 224 : i32
      %add3A_1305 = vector.broadcast %add3A_1304 : i32 to vector<16xi32>
      %add3A_1306 = arith.addi %add3A_1305, %iota3A : vector<16xi32>
      %gather3A_1307 = tpu.vector_load_idx %arg14[%add3A_1306, %broadcast_in_dim3A_1303] : memref<768x128xf32, #tpu.memory_space<vmem>>[vector<16xi32>, vector<16xi32>], vector<16xf32>,
      %mul3A_1308 = arith.mulf %gather3A_1289, %gather3A_1298 : vector<16xf32>
      %mul3A_1309 = arith.mulf %mul3A_1308, %gather3A_1307 : vector<16xf32>
      %eq3A_1310 = arith.constant 4 : i32
      %eq3A_1311 = vector.broadcast %eq3A_1310 : i32 to vector<16xi32>
      %eq3A_1312 = arith.cmpi eq, %iota3A, %eq3A_1311 : vector<16xi32>
      %reduce_sum3A_1313 = arith.constant true
      %reduce_sum3A_1314 = vector.broadcast %reduce_sum3A_1313 : i1 to vector<16xi1>
      %reduce_sum3A_1315 = tpu.scan <sum>, %mul3A_1309 masked %reduce_sum3A_1314 : vector<16xf32>, vector<16xi1> -> vector<16xf32>
      %reduce_sum3A_1316 = vector.extract %reduce_sum3A_1315[15] : f32 from vector<16xf32>
      %broadcast_in_dim3A_1317 = vector.broadcast %reduce_sum3A_1316 : f32 to vector<16xf32>
      %select_n3A_1318 = arith.select %eq3A_1312, %broadcast_in_dim3A_1317, %select_n3A_1260 : vector<16xi1>, vector<16xf32>
      %mul3A_1319 = arith.mulf %gather3A_1289, %gather3A_1289 : vector<16xf32>
      %add3A_1320 = arith.addf %add3A_1266, %mul3A_1319 : vector<16xf32>
      %mul3A_1321 = arith.mulf %gather3A_1298, %gather3A_1298 : vector<16xf32>
      %add3A_1322 = arith.addf %add3A_1320, %mul3A_1321 : vector<16xf32>
      %mul3A_1323 = arith.mulf %gather3A_1307, %gather3A_1307 : vector<16xf32>
      %add3A_1324 = arith.addf %add3A_1322, %mul3A_1323 : vector<16xf32>
      %lt3A_1325 = arith.constant 31 : i32
      %lt3A_1326 = arith.cmpi slt, %scan3A_1012, %lt3A_1325 : i32
      %convert_element_type3A_1327 = arith.extui %lt3A_1326 : i1 to i32
      %cond3A_1328 = arith.constant 0 : i32
      %cond3A_1329 = arith.cmpi ne, %convert_element_type3A_1327, %cond3A_1328 : i32
      scf.if %cond3A_1329 {
        %slice3A_1970 = vector.extract_strided_slice %get3A_1037 {offsets = [4], sizes = [1], strides = [1]} : vector<16xi32> to vector<1xi32>
        %squeeze3A_1971 = vector.extract %slice3A_1970[0] : i32 from vector<1xi32>
        %shift_right_logical3A_1972 = arith.constant 7 : i32
        %shift_right_logical3A_1973 = arith.shrui %squeeze3A_1971, %shift_right_logical3A_1972 : i32
        %shift_left3A_1974 = arith.constant 7 : i32
        %shift_left3A_1975 = arith.shli %shift_right_logical3A_1973, %shift_left3A_1974 : i32
        %multiple_of3A_1976 = tpu.assume_multiple %shift_left3A_1975, 128 : i32
        %dma_start3A_1977 = arith.constant 4 : i32
        %dma_start3A_1978 = arith.constant 192 : i32
        %dma_start3A_1979 = arith.constant 0 : i32
        %dma_start3A_1980 = tpu.memref_slice %arg14[%dma_start3A_1978, %dma_start3A_1979] : memref<768x128xf32, #tpu.memory_space<vmem>> -> memref<16x128xf32, #tpu.memory_space<vmem>>
        %dma_start3A_1981 = arith.constant 0 : i32
        %dma_start3A_1982 = tpu.memref_slice %arg6[%dma_start3A_1981, %multiple_of3A_1976] : memref<16x1000000xf32, #tpu.memory_space<hbm>> -> memref<16x128xf32, #tpu.memory_space<hbm>>
        %dma_start3A_1983 = tpu.memref_slice %arg17[%dma_start3A_1977] : memref<16x!tpu.dma_semaphore, #tpu.memory_space<semaphore_mem>> -> memref<1x!tpu.dma_semaphore, #tpu.memory_space<semaphore_mem>>
        %dma_start3A_1984 = tpu.memref_squeeze %dma_start3A_1983 : memref<1x!tpu.dma_semaphore, #tpu.memory_space<semaphore_mem>> -> memref<!tpu.dma_semaphore, #tpu.memory_space<semaphore_mem>>
        %dma_start3A_1985 = arith.constant 192 : i32
        %dma_start3A_1986 = arith.constant 0 : i32
        %dma_start3A_1987 = tpu.memref_slice %arg14[%dma_start3A_1985, %dma_start3A_1986] : memref<768x128xf32, #tpu.memory_space<vmem>> -> memref<16x128xf32, #tpu.memory_space<vmem>>
        %dma_start3A_1988 = arith.constant 0 : i32
        %dma_start3A_1989 = tpu.memref_slice %arg6[%dma_start3A_1988, %multiple_of3A_1976] : memref<16x1000000xf32, #tpu.memory_space<hbm>> -> memref<16x128xf32, #tpu.memory_space<hbm>>
        tpu.enqueue_dma source(%dma_start3A_1989 : memref<16x128xf32, #tpu.memory_space<hbm>>) target(%dma_start3A_1987 : memref<16x128xf32, #tpu.memory_space<vmem>>) target_semaphore(%dma_start3A_1984 : memref<!tpu.dma_semaphore, #tpu.memory_space<semaphore_mem>>)
        %slice3A_1990 = vector.extract_strided_slice %get3A_1041 {offsets = [4], sizes = [1], strides = [1]} : vector<16xi32> to vector<1xi32>
        %squeeze3A_1991 = vector.extract %slice3A_1990[0] : i32 from vector<1xi32>
        %shift_right_logical3A_1992 = arith.constant 7 : i32
        %shift_right_logical3A_1993 = arith.shrui %squeeze3A_1991, %shift_right_logical3A_1992 : i32
        %shift_left3A_1994 = arith.constant 7 : i32
        %shift_left3A_1995 = arith.shli %shift_right_logical3A_1993, %shift_left3A_1994 : i32
        %multiple_of3A_1996 = tpu.assume_multiple %shift_left3A_1995, 128 : i32
        %dma_start3A_1997 = arith.constant 4 : i32
        %dma_start3A_1998 = arith.constant 208 : i32
        %dma_start3A_1999 = arith.constant 0 : i32
        %dma_start3A_2000 = tpu.memref_slice %arg14[%dma_start3A_1998, %dma_start3A_1999] : memref<768x128xf32, #tpu.memory_space<vmem>> -> memref<16x128xf32, #tpu.memory_space<vmem>>
        %dma_start3A_2001 = arith.constant 0 : i32
        %dma_start3A_2002 = tpu.memref_slice %arg7[%dma_start3A_2001, %multiple_of3A_1996] : memref<16x1000000xf32, #tpu.memory_space<hbm>> -> memref<16x128xf32, #tpu.memory_space<hbm>>
        %dma_start3A_2003 = tpu.memref_slice %arg17[%dma_start3A_1997] : memref<16x!tpu.dma_semaphore, #tpu.memory_space<semaphore_mem>> -> memref<1x!tpu.dma_semaphore, #tpu.memory_space<semaphore_mem>>
        %dma_start3A_2004 = tpu.memref_squeeze %dma_start3A_2003 : memref<1x!tpu.dma_semaphore, #tpu.memory_space<semaphore_mem>> -> memref<!tpu.dma_semaphore, #tpu.memory_space<semaphore_mem>>
        %dma_start3A_2005 = arith.constant 208 : i32
        %dma_start3A_2006 = arith.constant 0 : i32
        %dma_start3A_2007 = tpu.memref_slice %arg14[%dma_start3A_2005, %dma_start3A_2006] : memref<768x128xf32, #tpu.memory_space<vmem>> -> memref<16x128xf32, #tpu.memory_space<vmem>>
        %dma_start3A_2008 = arith.constant 0 : i32
        %dma_start3A_2009 = tpu.memref_slice %arg7[%dma_start3A_2008, %multiple_of3A_1996] : memref<16x1000000xf32, #tpu.memory_space<hbm>> -> memref<16x128xf32, #tpu.memory_space<hbm>>
        tpu.enqueue_dma source(%dma_start3A_2009 : memref<16x128xf32, #tpu.memory_space<hbm>>) target(%dma_start3A_2007 : memref<16x128xf32, #tpu.memory_space<vmem>>) target_semaphore(%dma_start3A_2004 : memref<!tpu.dma_semaphore, #tpu.memory_space<semaphore_mem>>)
        %slice3A_2010 = vector.extract_strided_slice %get3A_1045 {offsets = [4], sizes = [1], strides = [1]} : vector<16xi32> to vector<1xi32>
        %squeeze3A_2011 = vector.extract %slice3A_2010[0] : i32 from vector<1xi32>
        %shift_right_logical3A_2012 = arith.constant 7 : i32
        %shift_right_logical3A_2013 = arith.shrui %squeeze3A_2011, %shift_right_logical3A_2012 : i32
        %shift_left3A_2014 = arith.constant 7 : i32
        %shift_left3A_2015 = arith.shli %shift_right_logical3A_2013, %shift_left3A_2014 : i32
        %multiple_of3A_2016 = tpu.assume_multiple %shift_left3A_2015, 128 : i32
        %dma_start3A_2017 = arith.constant 4 : i32
        %dma_start3A_2018 = arith.constant 224 : i32
        %dma_start3A_2019 = arith.constant 0 : i32
        %dma_start3A_2020 = tpu.memref_slice %arg14[%dma_start3A_2018, %dma_start3A_2019] : memref<768x128xf32, #tpu.memory_space<vmem>> -> memref<16x128xf32, #tpu.memory_space<vmem>>
        %dma_start3A_2021 = arith.constant 0 : i32
        %dma_start3A_2022 = tpu.memref_slice %arg8[%dma_start3A_2021, %multiple_of3A_2016] : memref<16x1000000xf32, #tpu.memory_space<hbm>> -> memref<16x128xf32, #tpu.memory_space<hbm>>
        %dma_start3A_2023 = tpu.memref_slice %arg17[%dma_start3A_2017] : memref<16x!tpu.dma_semaphore, #tpu.memory_space<semaphore_mem>> -> memref<1x!tpu.dma_semaphore, #tpu.memory_space<semaphore_mem>>
        %dma_start3A_2024 = tpu.memref_squeeze %dma_start3A_2023 : memref<1x!tpu.dma_semaphore, #tpu.memory_space<semaphore_mem>> -> memref<!tpu.dma_semaphore, #tpu.memory_space<semaphore_mem>>
        %dma_start3A_2025 = arith.constant 224 : i32
        %dma_start3A_2026 = arith.constant 0 : i32
        %dma_start3A_2027 = tpu.memref_slice %arg14[%dma_start3A_2025, %dma_start3A_2026] : memref<768x128xf32, #tpu.memory_space<vmem>> -> memref<16x128xf32, #tpu.memory_space<vmem>>
        %dma_start3A_2028 = arith.constant 0 : i32
        %dma_start3A_2029 = tpu.memref_slice %arg8[%dma_start3A_2028, %multiple_of3A_2016] : memref<16x1000000xf32, #tpu.memory_space<hbm>> -> memref<16x128xf32, #tpu.memory_space<hbm>>
        tpu.enqueue_dma source(%dma_start3A_2029 : memref<16x128xf32, #tpu.memory_space<hbm>>) target(%dma_start3A_2027 : memref<16x128xf32, #tpu.memory_space<vmem>>) target_semaphore(%dma_start3A_2024 : memref<!tpu.dma_semaphore, #tpu.memory_space<semaphore_mem>>)
      } else {
      }
      %dma_wait3A_1330 = arith.constant 5 : i32
      %dma_wait3A_1331 = arith.constant 240 : i32
      %dma_wait3A_1332 = arith.constant 0 : i32
      %dma_wait3A_1333 = tpu.memref_slice %arg14[%dma_wait3A_1331, %dma_wait3A_1332] : memref<768x128xf32, #tpu.memory_space<vmem>> -> memref<48x128xf32, #tpu.memory_space<vmem>>
      %dma_wait3A_1334 = tpu.memref_slice %arg17[%dma_wait3A_1330] : memref<16x!tpu.dma_semaphore, #tpu.memory_space<semaphore_mem>> -> memref<1x!tpu.dma_semaphore, #tpu.memory_space<semaphore_mem>>
      %dma_wait3A_1335 = tpu.memref_squeeze %dma_wait3A_1334 : memref<1x!tpu.dma_semaphore, #tpu.memory_space<semaphore_mem>> -> memref<!tpu.dma_semaphore, #tpu.memory_space<semaphore_mem>>
      %dma_wait3A_1336 = arith.constant 240 : i32
      %dma_wait3A_1337 = arith.constant 0 : i32
      %dma_wait3A_1338 = tpu.memref_slice %arg14[%dma_wait3A_1336, %dma_wait3A_1337] : memref<768x128xf32, #tpu.memory_space<vmem>> -> memref<48x128xf32, #tpu.memory_space<vmem>>
      tpu.wait_dma2 semaphore(%dma_wait3A_1335 : memref<!tpu.dma_semaphore, #tpu.memory_space<semaphore_mem>>) src(%arg16 : memref<48x128xf32, #tpu.memory_space<hbm>>) dst(%dma_wait3A_1338 : memref<48x128xf32, #tpu.memory_space<vmem>>)
      %slice3A_1339 = vector.extract_strided_slice %get3A_1018 {offsets = [5], sizes = [1], strides = [1]} : vector<16xi32> to vector<1xi32>
      %squeeze3A_1340 = vector.extract %slice3A_1339[0] : i32 from vector<1xi32>
      %and3A_1341 = arith.constant 127 : i32
      %and3A_1342 = arith.andi %squeeze3A_1340, %and3A_1341 : i32
      %broadcast_in_dim3A_1343 = vector.broadcast %and3A_1342 : i32 to vector<16xi32>
      %add3A_1344 = arith.constant 240 : i32
      %add3A_1345 = vector.broadcast %add3A_1344 : i32 to vector<16xi32>
      %add3A_1346 = arith.addi %add3A_1345, %iota3A : vector<16xi32>
      %gather3A_1347 = tpu.vector_load_idx %arg14[%add3A_1346, %broadcast_in_dim3A_1343] : memref<768x128xf32, #tpu.memory_space<vmem>>[vector<16xi32>, vector<16xi32>], vector<16xf32>,
      %slice3A_1348 = vector.extract_strided_slice %get3A_1022 {offsets = [5], sizes = [1], strides = [1]} : vector<16xi32> to vector<1xi32>
      %squeeze3A_1349 = vector.extract %slice3A_1348[0] : i32 from vector<1xi32>
      %and3A_1350 = arith.constant 127 : i32
      %and3A_1351 = arith.andi %squeeze3A_1349, %and3A_1350 : i32
      %broadcast_in_dim3A_1352 = vector.broadcast %and3A_1351 : i32 to vector<16xi32>
      %add3A_1353 = arith.constant 256 : i32
      %add3A_1354 = vector.broadcast %add3A_1353 : i32 to vector<16xi32>
      %add3A_1355 = arith.addi %add3A_1354, %iota3A : vector<16xi32>
      %gather3A_1356 = tpu.vector_load_idx %arg14[%add3A_1355, %broadcast_in_dim3A_1352] : memref<768x128xf32, #tpu.memory_space<vmem>>[vector<16xi32>, vector<16xi32>], vector<16xf32>,
      %slice3A_1357 = vector.extract_strided_slice %get3A_1026 {offsets = [5], sizes = [1], strides = [1]} : vector<16xi32> to vector<1xi32>
      %squeeze3A_1358 = vector.extract %slice3A_1357[0] : i32 from vector<1xi32>
      %and3A_1359 = arith.constant 127 : i32
      %and3A_1360 = arith.andi %squeeze3A_1358, %and3A_1359 : i32
      %broadcast_in_dim3A_1361 = vector.broadcast %and3A_1360 : i32 to vector<16xi32>
      %add3A_1362 = arith.constant 272 : i32
      %add3A_1363 = vector.broadcast %add3A_1362 : i32 to vector<16xi32>
      %add3A_1364 = arith.addi %add3A_1363, %iota3A : vector<16xi32>
      %gather3A_1365 = tpu.vector_load_idx %arg14[%add3A_1364, %broadcast_in_dim3A_1361] : memref<768x128xf32, #tpu.memory_space<vmem>>[vector<16xi32>, vector<16xi32>], vector<16xf32>,
      %mul3A_1366 = arith.mulf %gather3A_1347, %gather3A_1356 : vector<16xf32>
      %mul3A_1367 = arith.mulf %mul3A_1366, %gather3A_1365 : vector<16xf32>
      %eq3A_1368 = arith.constant 5 : i32
      %eq3A_1369 = vector.broadcast %eq3A_1368 : i32 to vector<16xi32>
      %eq3A_1370 = arith.cmpi eq, %iota3A, %eq3A_1369 : vector<16xi32>
      %reduce_sum3A_1371 = arith.constant true
      %reduce_sum3A_1372 = vector.broadcast %reduce_sum3A_1371 : i1 to vector<16xi1>
      %reduce_sum3A_1373 = tpu.scan <sum>, %mul3A_1367 masked %reduce_sum3A_1372 : vector<16xf32>, vector<16xi1> -> vector<16xf32>
      %reduce_sum3A_1374 = vector.extract %reduce_sum3A_1373[15] : f32 from vector<16xf32>
      %broadcast_in_dim3A_1375 = vector.broadcast %reduce_sum3A_1374 : f32 to vector<16xf32>
      %select_n3A_1376 = arith.select %eq3A_1370, %broadcast_in_dim3A_1375, %select_n3A_1318 : vector<16xi1>, vector<16xf32>
      %mul3A_1377 = arith.mulf %gather3A_1347, %gather3A_1347 : vector<16xf32>
      %add3A_1378 = arith.addf %add3A_1324, %mul3A_1377 : vector<16xf32>
      %mul3A_1379 = arith.mulf %gather3A_1356, %gather3A_1356 : vector<16xf32>
      %add3A_1380 = arith.addf %add3A_1378, %mul3A_1379 : vector<16xf32>
      %mul3A_1381 = arith.mulf %gather3A_1365, %gather3A_1365 : vector<16xf32>
      %add3A_1382 = arith.addf %add3A_1380, %mul3A_1381 : vector<16xf32>
      %lt3A_1383 = arith.constant 31 : i32
      %lt3A_1384 = arith.cmpi slt, %scan3A_1012, %lt3A_1383 : i32
      %convert_element_type3A_1385 = arith.extui %lt3A_1384 : i1 to i32
      %cond3A_1386 = arith.constant 0 : i32
      %cond3A_1387 = arith.cmpi ne, %convert_element_type3A_1385, %cond3A_1386 : i32
      scf.if %cond3A_1387 {
        %slice3A_1970 = vector.extract_strided_slice %get3A_1037 {offsets = [5], sizes = [1], strides = [1]} : vector<16xi32> to vector<1xi32>
        %squeeze3A_1971 = vector.extract %slice3A_1970[0] : i32 from vector<1xi32>
        %shift_right_logical3A_1972 = arith.constant 7 : i32
        %shift_right_logical3A_1973 = arith.shrui %squeeze3A_1971, %shift_right_logical3A_1972 : i32
        %shift_left3A_1974 = arith.constant 7 : i32
        %shift_left3A_1975 = arith.shli %shift_right_logical3A_1973, %shift_left3A_1974 : i32
        %multiple_of3A_1976 = tpu.assume_multiple %shift_left3A_1975, 128 : i32
        %dma_start3A_1977 = arith.constant 5 : i32
        %dma_start3A_1978 = arith.constant 240 : i32
        %dma_start3A_1979 = arith.constant 0 : i32
        %dma_start3A_1980 = tpu.memref_slice %arg14[%dma_start3A_1978, %dma_start3A_1979] : memref<768x128xf32, #tpu.memory_space<vmem>> -> memref<16x128xf32, #tpu.memory_space<vmem>>
        %dma_start3A_1981 = arith.constant 0 : i32
        %dma_start3A_1982 = tpu.memref_slice %arg6[%dma_start3A_1981, %multiple_of3A_1976] : memref<16x1000000xf32, #tpu.memory_space<hbm>> -> memref<16x128xf32, #tpu.memory_space<hbm>>
        %dma_start3A_1983 = tpu.memref_slice %arg17[%dma_start3A_1977] : memref<16x!tpu.dma_semaphore, #tpu.memory_space<semaphore_mem>> -> memref<1x!tpu.dma_semaphore, #tpu.memory_space<semaphore_mem>>
        %dma_start3A_1984 = tpu.memref_squeeze %dma_start3A_1983 : memref<1x!tpu.dma_semaphore, #tpu.memory_space<semaphore_mem>> -> memref<!tpu.dma_semaphore, #tpu.memory_space<semaphore_mem>>
        %dma_start3A_1985 = arith.constant 240 : i32
        %dma_start3A_1986 = arith.constant 0 : i32
        %dma_start3A_1987 = tpu.memref_slice %arg14[%dma_start3A_1985, %dma_start3A_1986] : memref<768x128xf32, #tpu.memory_space<vmem>> -> memref<16x128xf32, #tpu.memory_space<vmem>>
        %dma_start3A_1988 = arith.constant 0 : i32
        %dma_start3A_1989 = tpu.memref_slice %arg6[%dma_start3A_1988, %multiple_of3A_1976] : memref<16x1000000xf32, #tpu.memory_space<hbm>> -> memref<16x128xf32, #tpu.memory_space<hbm>>
        tpu.enqueue_dma source(%dma_start3A_1989 : memref<16x128xf32, #tpu.memory_space<hbm>>) target(%dma_start3A_1987 : memref<16x128xf32, #tpu.memory_space<vmem>>) target_semaphore(%dma_start3A_1984 : memref<!tpu.dma_semaphore, #tpu.memory_space<semaphore_mem>>)
        %slice3A_1990 = vector.extract_strided_slice %get3A_1041 {offsets = [5], sizes = [1], strides = [1]} : vector<16xi32> to vector<1xi32>
        %squeeze3A_1991 = vector.extract %slice3A_1990[0] : i32 from vector<1xi32>
        %shift_right_logical3A_1992 = arith.constant 7 : i32
        %shift_right_logical3A_1993 = arith.shrui %squeeze3A_1991, %shift_right_logical3A_1992 : i32
        %shift_left3A_1994 = arith.constant 7 : i32
        %shift_left3A_1995 = arith.shli %shift_right_logical3A_1993, %shift_left3A_1994 : i32
        %multiple_of3A_1996 = tpu.assume_multiple %shift_left3A_1995, 128 : i32
        %dma_start3A_1997 = arith.constant 5 : i32
        %dma_start3A_1998 = arith.constant 256 : i32
        %dma_start3A_1999 = arith.constant 0 : i32
        %dma_start3A_2000 = tpu.memref_slice %arg14[%dma_start3A_1998, %dma_start3A_1999] : memref<768x128xf32, #tpu.memory_space<vmem>> -> memref<16x128xf32, #tpu.memory_space<vmem>>
        %dma_start3A_2001 = arith.constant 0 : i32
        %dma_start3A_2002 = tpu.memref_slice %arg7[%dma_start3A_2001, %multiple_of3A_1996] : memref<16x1000000xf32, #tpu.memory_space<hbm>> -> memref<16x128xf32, #tpu.memory_space<hbm>>
        %dma_start3A_2003 = tpu.memref_slice %arg17[%dma_start3A_1997] : memref<16x!tpu.dma_semaphore, #tpu.memory_space<semaphore_mem>> -> memref<1x!tpu.dma_semaphore, #tpu.memory_space<semaphore_mem>>
        %dma_start3A_2004 = tpu.memref_squeeze %dma_start3A_2003 : memref<1x!tpu.dma_semaphore, #tpu.memory_space<semaphore_mem>> -> memref<!tpu.dma_semaphore, #tpu.memory_space<semaphore_mem>>
        %dma_start3A_2005 = arith.constant 256 : i32
        %dma_start3A_2006 = arith.constant 0 : i32
        %dma_start3A_2007 = tpu.memref_slice %arg14[%dma_start3A_2005, %dma_start3A_2006] : memref<768x128xf32, #tpu.memory_space<vmem>> -> memref<16x128xf32, #tpu.memory_space<vmem>>
        %dma_start3A_2008 = arith.constant 0 : i32
        %dma_start3A_2009 = tpu.memref_slice %arg7[%dma_start3A_2008, %multiple_of3A_1996] : memref<16x1000000xf32, #tpu.memory_space<hbm>> -> memref<16x128xf32, #tpu.memory_space<hbm>>
        tpu.enqueue_dma source(%dma_start3A_2009 : memref<16x128xf32, #tpu.memory_space<hbm>>) target(%dma_start3A_2007 : memref<16x128xf32, #tpu.memory_space<vmem>>) target_semaphore(%dma_start3A_2004 : memref<!tpu.dma_semaphore, #tpu.memory_space<semaphore_mem>>)
        %slice3A_2010 = vector.extract_strided_slice %get3A_1045 {offsets = [5], sizes = [1], strides = [1]} : vector<16xi32> to vector<1xi32>
        %squeeze3A_2011 = vector.extract %slice3A_2010[0] : i32 from vector<1xi32>
        %shift_right_logical3A_2012 = arith.constant 7 : i32
        %shift_right_logical3A_2013 = arith.shrui %squeeze3A_2011, %shift_right_logical3A_2012 : i32
        %shift_left3A_2014 = arith.constant 7 : i32
        %shift_left3A_2015 = arith.shli %shift_right_logical3A_2013, %shift_left3A_2014 : i32
        %multiple_of3A_2016 = tpu.assume_multiple %shift_left3A_2015, 128 : i32
        %dma_start3A_2017 = arith.constant 5 : i32
        %dma_start3A_2018 = arith.constant 272 : i32
        %dma_start3A_2019 = arith.constant 0 : i32
        %dma_start3A_2020 = tpu.memref_slice %arg14[%dma_start3A_2018, %dma_start3A_2019] : memref<768x128xf32, #tpu.memory_space<vmem>> -> memref<16x128xf32, #tpu.memory_space<vmem>>
        %dma_start3A_2021 = arith.constant 0 : i32
        %dma_start3A_2022 = tpu.memref_slice %arg8[%dma_start3A_2021, %multiple_of3A_2016] : memref<16x1000000xf32, #tpu.memory_space<hbm>> -> memref<16x128xf32, #tpu.memory_space<hbm>>
        %dma_start3A_2023 = tpu.memref_slice %arg17[%dma_start3A_2017] : memref<16x!tpu.dma_semaphore, #tpu.memory_space<semaphore_mem>> -> memref<1x!tpu.dma_semaphore, #tpu.memory_space<semaphore_mem>>
        %dma_start3A_2024 = tpu.memref_squeeze %dma_start3A_2023 : memref<1x!tpu.dma_semaphore, #tpu.memory_space<semaphore_mem>> -> memref<!tpu.dma_semaphore, #tpu.memory_space<semaphore_mem>>
        %dma_start3A_2025 = arith.constant 272 : i32
        %dma_start3A_2026 = arith.constant 0 : i32
        %dma_start3A_2027 = tpu.memref_slice %arg14[%dma_start3A_2025, %dma_start3A_2026] : memref<768x128xf32, #tpu.memory_space<vmem>> -> memref<16x128xf32, #tpu.memory_space<vmem>>
        %dma_start3A_2028 = arith.constant 0 : i32
        %dma_start3A_2029 = tpu.memref_slice %arg8[%dma_start3A_2028, %multiple_of3A_2016] : memref<16x1000000xf32, #tpu.memory_space<hbm>> -> memref<16x128xf32, #tpu.memory_space<hbm>>
        tpu.enqueue_dma source(%dma_start3A_2029 : memref<16x128xf32, #tpu.memory_space<hbm>>) target(%dma_start3A_2027 : memref<16x128xf32, #tpu.memory_space<vmem>>) target_semaphore(%dma_start3A_2024 : memref<!tpu.dma_semaphore, #tpu.memory_space<semaphore_mem>>)
      } else {
      }
      %dma_wait3A_1388 = arith.constant 6 : i32
      %dma_wait3A_1389 = arith.constant 288 : i32
      %dma_wait3A_1390 = arith.constant 0 : i32
      %dma_wait3A_1391 = tpu.memref_slice %arg14[%dma_wait3A_1389, %dma_wait3A_1390] : memref<768x128xf32, #tpu.memory_space<vmem>> -> memref<48x128xf32, #tpu.memory_space<vmem>>
      %dma_wait3A_1392 = tpu.memref_slice %arg17[%dma_wait3A_1388] : memref<16x!tpu.dma_semaphore, #tpu.memory_space<semaphore_mem>> -> memref<1x!tpu.dma_semaphore, #tpu.memory_space<semaphore_mem>>
      %dma_wait3A_1393 = tpu.memref_squeeze %dma_wait3A_1392 : memref<1x!tpu.dma_semaphore, #tpu.memory_space<semaphore_mem>> -> memref<!tpu.dma_semaphore, #tpu.memory_space<semaphore_mem>>
      %dma_wait3A_1394 = arith.constant 288 : i32
      %dma_wait3A_1395 = arith.constant 0 : i32
      %dma_wait3A_1396 = tpu.memref_slice %arg14[%dma_wait3A_1394, %dma_wait3A_1395] : memref<768x128xf32, #tpu.memory_space<vmem>> -> memref<48x128xf32, #tpu.memory_space<vmem>>
      tpu.wait_dma2 semaphore(%dma_wait3A_1393 : memref<!tpu.dma_semaphore, #tpu.memory_space<semaphore_mem>>) src(%arg16 : memref<48x128xf32, #tpu.memory_space<hbm>>) dst(%dma_wait3A_1396 : memref<48x128xf32, #tpu.memory_space<vmem>>)
      %slice3A_1397 = vector.extract_strided_slice %get3A_1018 {offsets = [6], sizes = [1], strides = [1]} : vector<16xi32> to vector<1xi32>
      %squeeze3A_1398 = vector.extract %slice3A_1397[0] : i32 from vector<1xi32>
      %and3A_1399 = arith.constant 127 : i32
      %and3A_1400 = arith.andi %squeeze3A_1398, %and3A_1399 : i32
      %broadcast_in_dim3A_1401 = vector.broadcast %and3A_1400 : i32 to vector<16xi32>
      %add3A_1402 = arith.constant 288 : i32
      %add3A_1403 = vector.broadcast %add3A_1402 : i32 to vector<16xi32>
      %add3A_1404 = arith.addi %add3A_1403, %iota3A : vector<16xi32>
      %gather3A_1405 = tpu.vector_load_idx %arg14[%add3A_1404, %broadcast_in_dim3A_1401] : memref<768x128xf32, #tpu.memory_space<vmem>>[vector<16xi32>, vector<16xi32>], vector<16xf32>,
      %slice3A_1406 = vector.extract_strided_slice %get3A_1022 {offsets = [6], sizes = [1], strides = [1]} : vector<16xi32> to vector<1xi32>
      %squeeze3A_1407 = vector.extract %slice3A_1406[0] : i32 from vector<1xi32>
      %and3A_1408 = arith.constant 127 : i32
      %and3A_1409 = arith.andi %squeeze3A_1407, %and3A_1408 : i32
      %broadcast_in_dim3A_1410 = vector.broadcast %and3A_1409 : i32 to vector<16xi32>
      %add3A_1411 = arith.constant 304 : i32
      %add3A_1412 = vector.broadcast %add3A_1411 : i32 to vector<16xi32>
      %add3A_1413 = arith.addi %add3A_1412, %iota3A : vector<16xi32>
      %gather3A_1414 = tpu.vector_load_idx %arg14[%add3A_1413, %broadcast_in_dim3A_1410] : memref<768x128xf32, #tpu.memory_space<vmem>>[vector<16xi32>, vector<16xi32>], vector<16xf32>,
      %slice3A_1415 = vector.extract_strided_slice %get3A_1026 {offsets = [6], sizes = [1], strides = [1]} : vector<16xi32> to vector<1xi32>
      %squeeze3A_1416 = vector.extract %slice3A_1415[0] : i32 from vector<1xi32>
      %and3A_1417 = arith.constant 127 : i32
      %and3A_1418 = arith.andi %squeeze3A_1416, %and3A_1417 : i32
      %broadcast_in_dim3A_1419 = vector.broadcast %and3A_1418 : i32 to vector<16xi32>
      %add3A_1420 = arith.constant 320 : i32
      %add3A_1421 = vector.broadcast %add3A_1420 : i32 to vector<16xi32>
      %add3A_1422 = arith.addi %add3A_1421, %iota3A : vector<16xi32>
      %gather3A_1423 = tpu.vector_load_idx %arg14[%add3A_1422, %broadcast_in_dim3A_1419] : memref<768x128xf32, #tpu.memory_space<vmem>>[vector<16xi32>, vector<16xi32>], vector<16xf32>,
      %mul3A_1424 = arith.mulf %gather3A_1405, %gather3A_1414 : vector<16xf32>
      %mul3A_1425 = arith.mulf %mul3A_1424, %gather3A_1423 : vector<16xf32>
      %eq3A_1426 = arith.constant 6 : i32
      %eq3A_1427 = vector.broadcast %eq3A_1426 : i32 to vector<16xi32>
      %eq3A_1428 = arith.cmpi eq, %iota3A, %eq3A_1427 : vector<16xi32>
      %reduce_sum3A_1429 = arith.constant true
      %reduce_sum3A_1430 = vector.broadcast %reduce_sum3A_1429 : i1 to vector<16xi1>
      %reduce_sum3A_1431 = tpu.scan <sum>, %mul3A_1425 masked %reduce_sum3A_1430 : vector<16xf32>, vector<16xi1> -> vector<16xf32>
      %reduce_sum3A_1432 = vector.extract %reduce_sum3A_1431[15] : f32 from vector<16xf32>
      %broadcast_in_dim3A_1433 = vector.broadcast %reduce_sum3A_1432 : f32 to vector<16xf32>
      %select_n3A_1434 = arith.select %eq3A_1428, %broadcast_in_dim3A_1433, %select_n3A_1376 : vector<16xi1>, vector<16xf32>
      %mul3A_1435 = arith.mulf %gather3A_1405, %gather3A_1405 : vector<16xf32>
      %add3A_1436 = arith.addf %add3A_1382, %mul3A_1435 : vector<16xf32>
      %mul3A_1437 = arith.mulf %gather3A_1414, %gather3A_1414 : vector<16xf32>
      %add3A_1438 = arith.addf %add3A_1436, %mul3A_1437 : vector<16xf32>
      %mul3A_1439 = arith.mulf %gather3A_1423, %gather3A_1423 : vector<16xf32>
      %add3A_1440 = arith.addf %add3A_1438, %mul3A_1439 : vector<16xf32>
      %lt3A_1441 = arith.constant 31 : i32
      %lt3A_1442 = arith.cmpi slt, %scan3A_1012, %lt3A_1441 : i32
      %convert_element_type3A_1443 = arith.extui %lt3A_1442 : i1 to i32
      %cond3A_1444 = arith.constant 0 : i32
      %cond3A_1445 = arith.cmpi ne, %convert_element_type3A_1443, %cond3A_1444 : i32
      scf.if %cond3A_1445 {
        %slice3A_1970 = vector.extract_strided_slice %get3A_1037 {offsets = [6], sizes = [1], strides = [1]} : vector<16xi32> to vector<1xi32>
        %squeeze3A_1971 = vector.extract %slice3A_1970[0] : i32 from vector<1xi32>
        %shift_right_logical3A_1972 = arith.constant 7 : i32
        %shift_right_logical3A_1973 = arith.shrui %squeeze3A_1971, %shift_right_logical3A_1972 : i32
        %shift_left3A_1974 = arith.constant 7 : i32
        %shift_left3A_1975 = arith.shli %shift_right_logical3A_1973, %shift_left3A_1974 : i32
        %multiple_of3A_1976 = tpu.assume_multiple %shift_left3A_1975, 128 : i32
        %dma_start3A_1977 = arith.constant 6 : i32
        %dma_start3A_1978 = arith.constant 288 : i32
        %dma_start3A_1979 = arith.constant 0 : i32
        %dma_start3A_1980 = tpu.memref_slice %arg14[%dma_start3A_1978, %dma_start3A_1979] : memref<768x128xf32, #tpu.memory_space<vmem>> -> memref<16x128xf32, #tpu.memory_space<vmem>>
        %dma_start3A_1981 = arith.constant 0 : i32
        %dma_start3A_1982 = tpu.memref_slice %arg6[%dma_start3A_1981, %multiple_of3A_1976] : memref<16x1000000xf32, #tpu.memory_space<hbm>> -> memref<16x128xf32, #tpu.memory_space<hbm>>
        %dma_start3A_1983 = tpu.memref_slice %arg17[%dma_start3A_1977] : memref<16x!tpu.dma_semaphore, #tpu.memory_space<semaphore_mem>> -> memref<1x!tpu.dma_semaphore, #tpu.memory_space<semaphore_mem>>
        %dma_start3A_1984 = tpu.memref_squeeze %dma_start3A_1983 : memref<1x!tpu.dma_semaphore, #tpu.memory_space<semaphore_mem>> -> memref<!tpu.dma_semaphore, #tpu.memory_space<semaphore_mem>>
        %dma_start3A_1985 = arith.constant 288 : i32
        %dma_start3A_1986 = arith.constant 0 : i32
        %dma_start3A_1987 = tpu.memref_slice %arg14[%dma_start3A_1985, %dma_start3A_1986] : memref<768x128xf32, #tpu.memory_space<vmem>> -> memref<16x128xf32, #tpu.memory_space<vmem>>
        %dma_start3A_1988 = arith.constant 0 : i32
        %dma_start3A_1989 = tpu.memref_slice %arg6[%dma_start3A_1988, %multiple_of3A_1976] : memref<16x1000000xf32, #tpu.memory_space<hbm>> -> memref<16x128xf32, #tpu.memory_space<hbm>>
        tpu.enqueue_dma source(%dma_start3A_1989 : memref<16x128xf32, #tpu.memory_space<hbm>>) target(%dma_start3A_1987 : memref<16x128xf32, #tpu.memory_space<vmem>>) target_semaphore(%dma_start3A_1984 : memref<!tpu.dma_semaphore, #tpu.memory_space<semaphore_mem>>)
        %slice3A_1990 = vector.extract_strided_slice %get3A_1041 {offsets = [6], sizes = [1], strides = [1]} : vector<16xi32> to vector<1xi32>
        %squeeze3A_1991 = vector.extract %slice3A_1990[0] : i32 from vector<1xi32>
        %shift_right_logical3A_1992 = arith.constant 7 : i32
        %shift_right_logical3A_1993 = arith.shrui %squeeze3A_1991, %shift_right_logical3A_1992 : i32
        %shift_left3A_1994 = arith.constant 7 : i32
        %shift_left3A_1995 = arith.shli %shift_right_logical3A_1993, %shift_left3A_1994 : i32
        %multiple_of3A_1996 = tpu.assume_multiple %shift_left3A_1995, 128 : i32
        %dma_start3A_1997 = arith.constant 6 : i32
        %dma_start3A_1998 = arith.constant 304 : i32
        %dma_start3A_1999 = arith.constant 0 : i32
        %dma_start3A_2000 = tpu.memref_slice %arg14[%dma_start3A_1998, %dma_start3A_1999] : memref<768x128xf32, #tpu.memory_space<vmem>> -> memref<16x128xf32, #tpu.memory_space<vmem>>
        %dma_start3A_2001 = arith.constant 0 : i32
        %dma_start3A_2002 = tpu.memref_slice %arg7[%dma_start3A_2001, %multiple_of3A_1996] : memref<16x1000000xf32, #tpu.memory_space<hbm>> -> memref<16x128xf32, #tpu.memory_space<hbm>>
        %dma_start3A_2003 = tpu.memref_slice %arg17[%dma_start3A_1997] : memref<16x!tpu.dma_semaphore, #tpu.memory_space<semaphore_mem>> -> memref<1x!tpu.dma_semaphore, #tpu.memory_space<semaphore_mem>>
        %dma_start3A_2004 = tpu.memref_squeeze %dma_start3A_2003 : memref<1x!tpu.dma_semaphore, #tpu.memory_space<semaphore_mem>> -> memref<!tpu.dma_semaphore, #tpu.memory_space<semaphore_mem>>
        %dma_start3A_2005 = arith.constant 304 : i32
        %dma_start3A_2006 = arith.constant 0 : i32
        %dma_start3A_2007 = tpu.memref_slice %arg14[%dma_start3A_2005, %dma_start3A_2006] : memref<768x128xf32, #tpu.memory_space<vmem>> -> memref<16x128xf32, #tpu.memory_space<vmem>>
        %dma_start3A_2008 = arith.constant 0 : i32
        %dma_start3A_2009 = tpu.memref_slice %arg7[%dma_start3A_2008, %multiple_of3A_1996] : memref<16x1000000xf32, #tpu.memory_space<hbm>> -> memref<16x128xf32, #tpu.memory_space<hbm>>
        tpu.enqueue_dma source(%dma_start3A_2009 : memref<16x128xf32, #tpu.memory_space<hbm>>) target(%dma_start3A_2007 : memref<16x128xf32, #tpu.memory_space<vmem>>) target_semaphore(%dma_start3A_2004 : memref<!tpu.dma_semaphore, #tpu.memory_space<semaphore_mem>>)
        %slice3A_2010 = vector.extract_strided_slice %get3A_1045 {offsets = [6], sizes = [1], strides = [1]} : vector<16xi32> to vector<1xi32>
        %squeeze3A_2011 = vector.extract %slice3A_2010[0] : i32 from vector<1xi32>
        %shift_right_logical3A_2012 = arith.constant 7 : i32
        %shift_right_logical3A_2013 = arith.shrui %squeeze3A_2011, %shift_right_logical3A_2012 : i32
        %shift_left3A_2014 = arith.constant 7 : i32
        %shift_left3A_2015 = arith.shli %shift_right_logical3A_2013, %shift_left3A_2014 : i32
        %multiple_of3A_2016 = tpu.assume_multiple %shift_left3A_2015, 128 : i32
        %dma_start3A_2017 = arith.constant 6 : i32
        %dma_start3A_2018 = arith.constant 320 : i32
        %dma_start3A_2019 = arith.constant 0 : i32
        %dma_start3A_2020 = tpu.memref_slice %arg14[%dma_start3A_2018, %dma_start3A_2019] : memref<768x128xf32, #tpu.memory_space<vmem>> -> memref<16x128xf32, #tpu.memory_space<vmem>>
        %dma_start3A_2021 = arith.constant 0 : i32
        %dma_start3A_2022 = tpu.memref_slice %arg8[%dma_start3A_2021, %multiple_of3A_2016] : memref<16x1000000xf32, #tpu.memory_space<hbm>> -> memref<16x128xf32, #tpu.memory_space<hbm>>
        %dma_start3A_2023 = tpu.memref_slice %arg17[%dma_start3A_2017] : memref<16x!tpu.dma_semaphore, #tpu.memory_space<semaphore_mem>> -> memref<1x!tpu.dma_semaphore, #tpu.memory_space<semaphore_mem>>
        %dma_start3A_2024 = tpu.memref_squeeze %dma_start3A_2023 : memref<1x!tpu.dma_semaphore, #tpu.memory_space<semaphore_mem>> -> memref<!tpu.dma_semaphore, #tpu.memory_space<semaphore_mem>>
        %dma_start3A_2025 = arith.constant 320 : i32
        %dma_start3A_2026 = arith.constant 0 : i32
        %dma_start3A_2027 = tpu.memref_slice %arg14[%dma_start3A_2025, %dma_start3A_2026] : memref<768x128xf32, #tpu.memory_space<vmem>> -> memref<16x128xf32, #tpu.memory_space<vmem>>
        %dma_start3A_2028 = arith.constant 0 : i32
        %dma_start3A_2029 = tpu.memref_slice %arg8[%dma_start3A_2028, %multiple_of3A_2016] : memref<16x1000000xf32, #tpu.memory_space<hbm>> -> memref<16x128xf32, #tpu.memory_space<hbm>>
        tpu.enqueue_dma source(%dma_start3A_2029 : memref<16x128xf32, #tpu.memory_space<hbm>>) target(%dma_start3A_2027 : memref<16x128xf32, #tpu.memory_space<vmem>>) target_semaphore(%dma_start3A_2024 : memref<!tpu.dma_semaphore, #tpu.memory_space<semaphore_mem>>)
      } else {
      }
      %dma_wait3A_1446 = arith.constant 7 : i32
      %dma_wait3A_1447 = arith.constant 336 : i32
      %dma_wait3A_1448 = arith.constant 0 : i32
      %dma_wait3A_1449 = tpu.memref_slice %arg14[%dma_wait3A_1447, %dma_wait3A_1448] : memref<768x128xf32, #tpu.memory_space<vmem>> -> memref<48x128xf32, #tpu.memory_space<vmem>>
      %dma_wait3A_1450 = tpu.memref_slice %arg17[%dma_wait3A_1446] : memref<16x!tpu.dma_semaphore, #tpu.memory_space<semaphore_mem>> -> memref<1x!tpu.dma_semaphore, #tpu.memory_space<semaphore_mem>>
      %dma_wait3A_1451 = tpu.memref_squeeze %dma_wait3A_1450 : memref<1x!tpu.dma_semaphore, #tpu.memory_space<semaphore_mem>> -> memref<!tpu.dma_semaphore, #tpu.memory_space<semaphore_mem>>
      %dma_wait3A_1452 = arith.constant 336 : i32
      %dma_wait3A_1453 = arith.constant 0 : i32
      %dma_wait3A_1454 = tpu.memref_slice %arg14[%dma_wait3A_1452, %dma_wait3A_1453] : memref<768x128xf32, #tpu.memory_space<vmem>> -> memref<48x128xf32, #tpu.memory_space<vmem>>
      tpu.wait_dma2 semaphore(%dma_wait3A_1451 : memref<!tpu.dma_semaphore, #tpu.memory_space<semaphore_mem>>) src(%arg16 : memref<48x128xf32, #tpu.memory_space<hbm>>) dst(%dma_wait3A_1454 : memref<48x128xf32, #tpu.memory_space<vmem>>)
      %slice3A_1455 = vector.extract_strided_slice %get3A_1018 {offsets = [7], sizes = [1], strides = [1]} : vector<16xi32> to vector<1xi32>
      %squeeze3A_1456 = vector.extract %slice3A_1455[0] : i32 from vector<1xi32>
      %and3A_1457 = arith.constant 127 : i32
      %and3A_1458 = arith.andi %squeeze3A_1456, %and3A_1457 : i32
      %broadcast_in_dim3A_1459 = vector.broadcast %and3A_1458 : i32 to vector<16xi32>
      %add3A_1460 = arith.constant 336 : i32
      %add3A_1461 = vector.broadcast %add3A_1460 : i32 to vector<16xi32>
      %add3A_1462 = arith.addi %add3A_1461, %iota3A : vector<16xi32>
      %gather3A_1463 = tpu.vector_load_idx %arg14[%add3A_1462, %broadcast_in_dim3A_1459] : memref<768x128xf32, #tpu.memory_space<vmem>>[vector<16xi32>, vector<16xi32>], vector<16xf32>,
      %slice3A_1464 = vector.extract_strided_slice %get3A_1022 {offsets = [7], sizes = [1], strides = [1]} : vector<16xi32> to vector<1xi32>
      %squeeze3A_1465 = vector.extract %slice3A_1464[0] : i32 from vector<1xi32>
      %and3A_1466 = arith.constant 127 : i32
      %and3A_1467 = arith.andi %squeeze3A_1465, %and3A_1466 : i32
      %broadcast_in_dim3A_1468 = vector.broadcast %and3A_1467 : i32 to vector<16xi32>
      %add3A_1469 = arith.constant 352 : i32
      %add3A_1470 = vector.broadcast %add3A_1469 : i32 to vector<16xi32>
      %add3A_1471 = arith.addi %add3A_1470, %iota3A : vector<16xi32>
      %gather3A_1472 = tpu.vector_load_idx %arg14[%add3A_1471, %broadcast_in_dim3A_1468] : memref<768x128xf32, #tpu.memory_space<vmem>>[vector<16xi32>, vector<16xi32>], vector<16xf32>,
      %slice3A_1473 = vector.extract_strided_slice %get3A_1026 {offsets = [7], sizes = [1], strides = [1]} : vector<16xi32> to vector<1xi32>
      %squeeze3A_1474 = vector.extract %slice3A_1473[0] : i32 from vector<1xi32>
      %and3A_1475 = arith.constant 127 : i32
      %and3A_1476 = arith.andi %squeeze3A_1474, %and3A_1475 : i32
      %broadcast_in_dim3A_1477 = vector.broadcast %and3A_1476 : i32 to vector<16xi32>
      %add3A_1478 = arith.constant 368 : i32
      %add3A_1479 = vector.broadcast %add3A_1478 : i32 to vector<16xi32>
      %add3A_1480 = arith.addi %add3A_1479, %iota3A : vector<16xi32>
      %gather3A_1481 = tpu.vector_load_idx %arg14[%add3A_1480, %broadcast_in_dim3A_1477] : memref<768x128xf32, #tpu.memory_space<vmem>>[vector<16xi32>, vector<16xi32>], vector<16xf32>,
      %mul3A_1482 = arith.mulf %gather3A_1463, %gather3A_1472 : vector<16xf32>
      %mul3A_1483 = arith.mulf %mul3A_1482, %gather3A_1481 : vector<16xf32>
      %eq3A_1484 = arith.constant 7 : i32
      %eq3A_1485 = vector.broadcast %eq3A_1484 : i32 to vector<16xi32>
      %eq3A_1486 = arith.cmpi eq, %iota3A, %eq3A_1485 : vector<16xi32>
      %reduce_sum3A_1487 = arith.constant true
      %reduce_sum3A_1488 = vector.broadcast %reduce_sum3A_1487 : i1 to vector<16xi1>
      %reduce_sum3A_1489 = tpu.scan <sum>, %mul3A_1483 masked %reduce_sum3A_1488 : vector<16xf32>, vector<16xi1> -> vector<16xf32>
      %reduce_sum3A_1490 = vector.extract %reduce_sum3A_1489[15] : f32 from vector<16xf32>
      %broadcast_in_dim3A_1491 = vector.broadcast %reduce_sum3A_1490 : f32 to vector<16xf32>
      %select_n3A_1492 = arith.select %eq3A_1486, %broadcast_in_dim3A_1491, %select_n3A_1434 : vector<16xi1>, vector<16xf32>
      %mul3A_1493 = arith.mulf %gather3A_1463, %gather3A_1463 : vector<16xf32>
      %add3A_1494 = arith.addf %add3A_1440, %mul3A_1493 : vector<16xf32>
      %mul3A_1495 = arith.mulf %gather3A_1472, %gather3A_1472 : vector<16xf32>
      %add3A_1496 = arith.addf %add3A_1494, %mul3A_1495 : vector<16xf32>
      %mul3A_1497 = arith.mulf %gather3A_1481, %gather3A_1481 : vector<16xf32>
      %add3A_1498 = arith.addf %add3A_1496, %mul3A_1497 : vector<16xf32>
      %lt3A_1499 = arith.constant 31 : i32
      %lt3A_1500 = arith.cmpi slt, %scan3A_1012, %lt3A_1499 : i32
      %convert_element_type3A_1501 = arith.extui %lt3A_1500 : i1 to i32
      %cond3A_1502 = arith.constant 0 : i32
      %cond3A_1503 = arith.cmpi ne, %convert_element_type3A_1501, %cond3A_1502 : i32
      scf.if %cond3A_1503 {
        %slice3A_1970 = vector.extract_strided_slice %get3A_1037 {offsets = [7], sizes = [1], strides = [1]} : vector<16xi32> to vector<1xi32>
        %squeeze3A_1971 = vector.extract %slice3A_1970[0] : i32 from vector<1xi32>
        %shift_right_logical3A_1972 = arith.constant 7 : i32
        %shift_right_logical3A_1973 = arith.shrui %squeeze3A_1971, %shift_right_logical3A_1972 : i32
        %shift_left3A_1974 = arith.constant 7 : i32
        %shift_left3A_1975 = arith.shli %shift_right_logical3A_1973, %shift_left3A_1974 : i32
        %multiple_of3A_1976 = tpu.assume_multiple %shift_left3A_1975, 128 : i32
        %dma_start3A_1977 = arith.constant 7 : i32
        %dma_start3A_1978 = arith.constant 336 : i32
        %dma_start3A_1979 = arith.constant 0 : i32
        %dma_start3A_1980 = tpu.memref_slice %arg14[%dma_start3A_1978, %dma_start3A_1979] : memref<768x128xf32, #tpu.memory_space<vmem>> -> memref<16x128xf32, #tpu.memory_space<vmem>>
        %dma_start3A_1981 = arith.constant 0 : i32
        %dma_start3A_1982 = tpu.memref_slice %arg6[%dma_start3A_1981, %multiple_of3A_1976] : memref<16x1000000xf32, #tpu.memory_space<hbm>> -> memref<16x128xf32, #tpu.memory_space<hbm>>
        %dma_start3A_1983 = tpu.memref_slice %arg17[%dma_start3A_1977] : memref<16x!tpu.dma_semaphore, #tpu.memory_space<semaphore_mem>> -> memref<1x!tpu.dma_semaphore, #tpu.memory_space<semaphore_mem>>
        %dma_start3A_1984 = tpu.memref_squeeze %dma_start3A_1983 : memref<1x!tpu.dma_semaphore, #tpu.memory_space<semaphore_mem>> -> memref<!tpu.dma_semaphore, #tpu.memory_space<semaphore_mem>>
        %dma_start3A_1985 = arith.constant 336 : i32
        %dma_start3A_1986 = arith.constant 0 : i32
        %dma_start3A_1987 = tpu.memref_slice %arg14[%dma_start3A_1985, %dma_start3A_1986] : memref<768x128xf32, #tpu.memory_space<vmem>> -> memref<16x128xf32, #tpu.memory_space<vmem>>
        %dma_start3A_1988 = arith.constant 0 : i32
        %dma_start3A_1989 = tpu.memref_slice %arg6[%dma_start3A_1988, %multiple_of3A_1976] : memref<16x1000000xf32, #tpu.memory_space<hbm>> -> memref<16x128xf32, #tpu.memory_space<hbm>>
        tpu.enqueue_dma source(%dma_start3A_1989 : memref<16x128xf32, #tpu.memory_space<hbm>>) target(%dma_start3A_1987 : memref<16x128xf32, #tpu.memory_space<vmem>>) target_semaphore(%dma_start3A_1984 : memref<!tpu.dma_semaphore, #tpu.memory_space<semaphore_mem>>)
        %slice3A_1990 = vector.extract_strided_slice %get3A_1041 {offsets = [7], sizes = [1], strides = [1]} : vector<16xi32> to vector<1xi32>
        %squeeze3A_1991 = vector.extract %slice3A_1990[0] : i32 from vector<1xi32>
        %shift_right_logical3A_1992 = arith.constant 7 : i32
        %shift_right_logical3A_1993 = arith.shrui %squeeze3A_1991, %shift_right_logical3A_1992 : i32
        %shift_left3A_1994 = arith.constant 7 : i32
        %shift_left3A_1995 = arith.shli %shift_right_logical3A_1993, %shift_left3A_1994 : i32
        %multiple_of3A_1996 = tpu.assume_multiple %shift_left3A_1995, 128 : i32
        %dma_start3A_1997 = arith.constant 7 : i32
        %dma_start3A_1998 = arith.constant 352 : i32
        %dma_start3A_1999 = arith.constant 0 : i32
        %dma_start3A_2000 = tpu.memref_slice %arg14[%dma_start3A_1998, %dma_start3A_1999] : memref<768x128xf32, #tpu.memory_space<vmem>> -> memref<16x128xf32, #tpu.memory_space<vmem>>
        %dma_start3A_2001 = arith.constant 0 : i32
        %dma_start3A_2002 = tpu.memref_slice %arg7[%dma_start3A_2001, %multiple_of3A_1996] : memref<16x1000000xf32, #tpu.memory_space<hbm>> -> memref<16x128xf32, #tpu.memory_space<hbm>>
        %dma_start3A_2003 = tpu.memref_slice %arg17[%dma_start3A_1997] : memref<16x!tpu.dma_semaphore, #tpu.memory_space<semaphore_mem>> -> memref<1x!tpu.dma_semaphore, #tpu.memory_space<semaphore_mem>>
        %dma_start3A_2004 = tpu.memref_squeeze %dma_start3A_2003 : memref<1x!tpu.dma_semaphore, #tpu.memory_space<semaphore_mem>> -> memref<!tpu.dma_semaphore, #tpu.memory_space<semaphore_mem>>
        %dma_start3A_2005 = arith.constant 352 : i32
        %dma_start3A_2006 = arith.constant 0 : i32
        %dma_start3A_2007 = tpu.memref_slice %arg14[%dma_start3A_2005, %dma_start3A_2006] : memref<768x128xf32, #tpu.memory_space<vmem>> -> memref<16x128xf32, #tpu.memory_space<vmem>>
        %dma_start3A_2008 = arith.constant 0 : i32
        %dma_start3A_2009 = tpu.memref_slice %arg7[%dma_start3A_2008, %multiple_of3A_1996] : memref<16x1000000xf32, #tpu.memory_space<hbm>> -> memref<16x128xf32, #tpu.memory_space<hbm>>
        tpu.enqueue_dma source(%dma_start3A_2009 : memref<16x128xf32, #tpu.memory_space<hbm>>) target(%dma_start3A_2007 : memref<16x128xf32, #tpu.memory_space<vmem>>) target_semaphore(%dma_start3A_2004 : memref<!tpu.dma_semaphore, #tpu.memory_space<semaphore_mem>>)
        %slice3A_2010 = vector.extract_strided_slice %get3A_1045 {offsets = [7], sizes = [1], strides = [1]} : vector<16xi32> to vector<1xi32>
        %squeeze3A_2011 = vector.extract %slice3A_2010[0] : i32 from vector<1xi32>
        %shift_right_logical3A_2012 = arith.constant 7 : i32
        %shift_right_logical3A_2013 = arith.shrui %squeeze3A_2011, %shift_right_logical3A_2012 : i32
        %shift_left3A_2014 = arith.constant 7 : i32
        %shift_left3A_2015 = arith.shli %shift_right_logical3A_2013, %shift_left3A_2014 : i32
        %multiple_of3A_2016 = tpu.assume_multiple %shift_left3A_2015, 128 : i32
        %dma_start3A_2017 = arith.constant 7 : i32
        %dma_start3A_2018 = arith.constant 368 : i32
        %dma_start3A_2019 = arith.constant 0 : i32
        %dma_start3A_2020 = tpu.memref_slice %arg14[%dma_start3A_2018, %dma_start3A_2019] : memref<768x128xf32, #tpu.memory_space<vmem>> -> memref<16x128xf32, #tpu.memory_space<vmem>>
        %dma_start3A_2021 = arith.constant 0 : i32
        %dma_start3A_2022 = tpu.memref_slice %arg8[%dma_start3A_2021, %multiple_of3A_2016] : memref<16x1000000xf32, #tpu.memory_space<hbm>> -> memref<16x128xf32, #tpu.memory_space<hbm>>
        %dma_start3A_2023 = tpu.memref_slice %arg17[%dma_start3A_2017] : memref<16x!tpu.dma_semaphore, #tpu.memory_space<semaphore_mem>> -> memref<1x!tpu.dma_semaphore, #tpu.memory_space<semaphore_mem>>
        %dma_start3A_2024 = tpu.memref_squeeze %dma_start3A_2023 : memref<1x!tpu.dma_semaphore, #tpu.memory_space<semaphore_mem>> -> memref<!tpu.dma_semaphore, #tpu.memory_space<semaphore_mem>>
        %dma_start3A_2025 = arith.constant 368 : i32
        %dma_start3A_2026 = arith.constant 0 : i32
        %dma_start3A_2027 = tpu.memref_slice %arg14[%dma_start3A_2025, %dma_start3A_2026] : memref<768x128xf32, #tpu.memory_space<vmem>> -> memref<16x128xf32, #tpu.memory_space<vmem>>
        %dma_start3A_2028 = arith.constant 0 : i32
        %dma_start3A_2029 = tpu.memref_slice %arg8[%dma_start3A_2028, %multiple_of3A_2016] : memref<16x1000000xf32, #tpu.memory_space<hbm>> -> memref<16x128xf32, #tpu.memory_space<hbm>>
        tpu.enqueue_dma source(%dma_start3A_2029 : memref<16x128xf32, #tpu.memory_space<hbm>>) target(%dma_start3A_2027 : memref<16x128xf32, #tpu.memory_space<vmem>>) target_semaphore(%dma_start3A_2024 : memref<!tpu.dma_semaphore, #tpu.memory_space<semaphore_mem>>)
      } else {
      }
      %dma_wait3A_1504 = arith.constant 8 : i32
      %dma_wait3A_1505 = arith.constant 384 : i32
      %dma_wait3A_1506 = arith.constant 0 : i32
      %dma_wait3A_1507 = tpu.memref_slice %arg14[%dma_wait3A_1505, %dma_wait3A_1506] : memref<768x128xf32, #tpu.memory_space<vmem>> -> memref<48x128xf32, #tpu.memory_space<vmem>>
      %dma_wait3A_1508 = tpu.memref_slice %arg17[%dma_wait3A_1504] : memref<16x!tpu.dma_semaphore, #tpu.memory_space<semaphore_mem>> -> memref<1x!tpu.dma_semaphore, #tpu.memory_space<semaphore_mem>>
      %dma_wait3A_1509 = tpu.memref_squeeze %dma_wait3A_1508 : memref<1x!tpu.dma_semaphore, #tpu.memory_space<semaphore_mem>> -> memref<!tpu.dma_semaphore, #tpu.memory_space<semaphore_mem>>
      %dma_wait3A_1510 = arith.constant 384 : i32
      %dma_wait3A_1511 = arith.constant 0 : i32
      %dma_wait3A_1512 = tpu.memref_slice %arg14[%dma_wait3A_1510, %dma_wait3A_1511] : memref<768x128xf32, #tpu.memory_space<vmem>> -> memref<48x128xf32, #tpu.memory_space<vmem>>
      tpu.wait_dma2 semaphore(%dma_wait3A_1509 : memref<!tpu.dma_semaphore, #tpu.memory_space<semaphore_mem>>) src(%arg16 : memref<48x128xf32, #tpu.memory_space<hbm>>) dst(%dma_wait3A_1512 : memref<48x128xf32, #tpu.memory_space<vmem>>)
      %slice3A_1513 = vector.extract_strided_slice %get3A_1018 {offsets = [8], sizes = [1], strides = [1]} : vector<16xi32> to vector<1xi32>
      %squeeze3A_1514 = vector.extract %slice3A_1513[0] : i32 from vector<1xi32>
      %and3A_1515 = arith.constant 127 : i32
      %and3A_1516 = arith.andi %squeeze3A_1514, %and3A_1515 : i32
      %broadcast_in_dim3A_1517 = vector.broadcast %and3A_1516 : i32 to vector<16xi32>
      %add3A_1518 = arith.constant 384 : i32
      %add3A_1519 = vector.broadcast %add3A_1518 : i32 to vector<16xi32>
      %add3A_1520 = arith.addi %add3A_1519, %iota3A : vector<16xi32>
      %gather3A_1521 = tpu.vector_load_idx %arg14[%add3A_1520, %broadcast_in_dim3A_1517] : memref<768x128xf32, #tpu.memory_space<vmem>>[vector<16xi32>, vector<16xi32>], vector<16xf32>,
      %slice3A_1522 = vector.extract_strided_slice %get3A_1022 {offsets = [8], sizes = [1], strides = [1]} : vector<16xi32> to vector<1xi32>
      %squeeze3A_1523 = vector.extract %slice3A_1522[0] : i32 from vector<1xi32>
      %and3A_1524 = arith.constant 127 : i32
      %and3A_1525 = arith.andi %squeeze3A_1523, %and3A_1524 : i32
      %broadcast_in_dim3A_1526 = vector.broadcast %and3A_1525 : i32 to vector<16xi32>
      %add3A_1527 = arith.constant 400 : i32
      %add3A_1528 = vector.broadcast %add3A_1527 : i32 to vector<16xi32>
      %add3A_1529 = arith.addi %add3A_1528, %iota3A : vector<16xi32>
      %gather3A_1530 = tpu.vector_load_idx %arg14[%add3A_1529, %broadcast_in_dim3A_1526] : memref<768x128xf32, #tpu.memory_space<vmem>>[vector<16xi32>, vector<16xi32>], vector<16xf32>,
      %slice3A_1531 = vector.extract_strided_slice %get3A_1026 {offsets = [8], sizes = [1], strides = [1]} : vector<16xi32> to vector<1xi32>
      %squeeze3A_1532 = vector.extract %slice3A_1531[0] : i32 from vector<1xi32>
      %and3A_1533 = arith.constant 127 : i32
      %and3A_1534 = arith.andi %squeeze3A_1532, %and3A_1533 : i32
      %broadcast_in_dim3A_1535 = vector.broadcast %and3A_1534 : i32 to vector<16xi32>
      %add3A_1536 = arith.constant 416 : i32
      %add3A_1537 = vector.broadcast %add3A_1536 : i32 to vector<16xi32>
      %add3A_1538 = arith.addi %add3A_1537, %iota3A : vector<16xi32>
      %gather3A_1539 = tpu.vector_load_idx %arg14[%add3A_1538, %broadcast_in_dim3A_1535] : memref<768x128xf32, #tpu.memory_space<vmem>>[vector<16xi32>, vector<16xi32>], vector<16xf32>,
      %mul3A_1540 = arith.mulf %gather3A_1521, %gather3A_1530 : vector<16xf32>
      %mul3A_1541 = arith.mulf %mul3A_1540, %gather3A_1539 : vector<16xf32>
      %eq3A_1542 = arith.constant 8 : i32
      %eq3A_1543 = vector.broadcast %eq3A_1542 : i32 to vector<16xi32>
      %eq3A_1544 = arith.cmpi eq, %iota3A, %eq3A_1543 : vector<16xi32>
      %reduce_sum3A_1545 = arith.constant true
      %reduce_sum3A_1546 = vector.broadcast %reduce_sum3A_1545 : i1 to vector<16xi1>
      %reduce_sum3A_1547 = tpu.scan <sum>, %mul3A_1541 masked %reduce_sum3A_1546 : vector<16xf32>, vector<16xi1> -> vector<16xf32>
      %reduce_sum3A_1548 = vector.extract %reduce_sum3A_1547[15] : f32 from vector<16xf32>
      %broadcast_in_dim3A_1549 = vector.broadcast %reduce_sum3A_1548 : f32 to vector<16xf32>
      %select_n3A_1550 = arith.select %eq3A_1544, %broadcast_in_dim3A_1549, %select_n3A_1492 : vector<16xi1>, vector<16xf32>
      %mul3A_1551 = arith.mulf %gather3A_1521, %gather3A_1521 : vector<16xf32>
      %add3A_1552 = arith.addf %add3A_1498, %mul3A_1551 : vector<16xf32>
      %mul3A_1553 = arith.mulf %gather3A_1530, %gather3A_1530 : vector<16xf32>
      %add3A_1554 = arith.addf %add3A_1552, %mul3A_1553 : vector<16xf32>
      %mul3A_1555 = arith.mulf %gather3A_1539, %gather3A_1539 : vector<16xf32>
      %add3A_1556 = arith.addf %add3A_1554, %mul3A_1555 : vector<16xf32>
      %lt3A_1557 = arith.constant 31 : i32
      %lt3A_1558 = arith.cmpi slt, %scan3A_1012, %lt3A_1557 : i32
      %convert_element_type3A_1559 = arith.extui %lt3A_1558 : i1 to i32
      %cond3A_1560 = arith.constant 0 : i32
      %cond3A_1561 = arith.cmpi ne, %convert_element_type3A_1559, %cond3A_1560 : i32
      scf.if %cond3A_1561 {
        %slice3A_1970 = vector.extract_strided_slice %get3A_1037 {offsets = [8], sizes = [1], strides = [1]} : vector<16xi32> to vector<1xi32>
        %squeeze3A_1971 = vector.extract %slice3A_1970[0] : i32 from vector<1xi32>
        %shift_right_logical3A_1972 = arith.constant 7 : i32
        %shift_right_logical3A_1973 = arith.shrui %squeeze3A_1971, %shift_right_logical3A_1972 : i32
        %shift_left3A_1974 = arith.constant 7 : i32
        %shift_left3A_1975 = arith.shli %shift_right_logical3A_1973, %shift_left3A_1974 : i32
        %multiple_of3A_1976 = tpu.assume_multiple %shift_left3A_1975, 128 : i32
        %dma_start3A_1977 = arith.constant 8 : i32
        %dma_start3A_1978 = arith.constant 384 : i32
        %dma_start3A_1979 = arith.constant 0 : i32
        %dma_start3A_1980 = tpu.memref_slice %arg14[%dma_start3A_1978, %dma_start3A_1979] : memref<768x128xf32, #tpu.memory_space<vmem>> -> memref<16x128xf32, #tpu.memory_space<vmem>>
        %dma_start3A_1981 = arith.constant 0 : i32
        %dma_start3A_1982 = tpu.memref_slice %arg6[%dma_start3A_1981, %multiple_of3A_1976] : memref<16x1000000xf32, #tpu.memory_space<hbm>> -> memref<16x128xf32, #tpu.memory_space<hbm>>
        %dma_start3A_1983 = tpu.memref_slice %arg17[%dma_start3A_1977] : memref<16x!tpu.dma_semaphore, #tpu.memory_space<semaphore_mem>> -> memref<1x!tpu.dma_semaphore, #tpu.memory_space<semaphore_mem>>
        %dma_start3A_1984 = tpu.memref_squeeze %dma_start3A_1983 : memref<1x!tpu.dma_semaphore, #tpu.memory_space<semaphore_mem>> -> memref<!tpu.dma_semaphore, #tpu.memory_space<semaphore_mem>>
        %dma_start3A_1985 = arith.constant 384 : i32
        %dma_start3A_1986 = arith.constant 0 : i32
        %dma_start3A_1987 = tpu.memref_slice %arg14[%dma_start3A_1985, %dma_start3A_1986] : memref<768x128xf32, #tpu.memory_space<vmem>> -> memref<16x128xf32, #tpu.memory_space<vmem>>
        %dma_start3A_1988 = arith.constant 0 : i32
        %dma_start3A_1989 = tpu.memref_slice %arg6[%dma_start3A_1988, %multiple_of3A_1976] : memref<16x1000000xf32, #tpu.memory_space<hbm>> -> memref<16x128xf32, #tpu.memory_space<hbm>>
        tpu.enqueue_dma source(%dma_start3A_1989 : memref<16x128xf32, #tpu.memory_space<hbm>>) target(%dma_start3A_1987 : memref<16x128xf32, #tpu.memory_space<vmem>>) target_semaphore(%dma_start3A_1984 : memref<!tpu.dma_semaphore, #tpu.memory_space<semaphore_mem>>)
        %slice3A_1990 = vector.extract_strided_slice %get3A_1041 {offsets = [8], sizes = [1], strides = [1]} : vector<16xi32> to vector<1xi32>
        %squeeze3A_1991 = vector.extract %slice3A_1990[0] : i32 from vector<1xi32>
        %shift_right_logical3A_1992 = arith.constant 7 : i32
        %shift_right_logical3A_1993 = arith.shrui %squeeze3A_1991, %shift_right_logical3A_1992 : i32
        %shift_left3A_1994 = arith.constant 7 : i32
        %shift_left3A_1995 = arith.shli %shift_right_logical3A_1993, %shift_left3A_1994 : i32
        %multiple_of3A_1996 = tpu.assume_multiple %shift_left3A_1995, 128 : i32
        %dma_start3A_1997 = arith.constant 8 : i32
        %dma_start3A_1998 = arith.constant 400 : i32
        %dma_start3A_1999 = arith.constant 0 : i32
        %dma_start3A_2000 = tpu.memref_slice %arg14[%dma_start3A_1998, %dma_start3A_1999] : memref<768x128xf32, #tpu.memory_space<vmem>> -> memref<16x128xf32, #tpu.memory_space<vmem>>
        %dma_start3A_2001 = arith.constant 0 : i32
        %dma_start3A_2002 = tpu.memref_slice %arg7[%dma_start3A_2001, %multiple_of3A_1996] : memref<16x1000000xf32, #tpu.memory_space<hbm>> -> memref<16x128xf32, #tpu.memory_space<hbm>>
        %dma_start3A_2003 = tpu.memref_slice %arg17[%dma_start3A_1997] : memref<16x!tpu.dma_semaphore, #tpu.memory_space<semaphore_mem>> -> memref<1x!tpu.dma_semaphore, #tpu.memory_space<semaphore_mem>>
        %dma_start3A_2004 = tpu.memref_squeeze %dma_start3A_2003 : memref<1x!tpu.dma_semaphore, #tpu.memory_space<semaphore_mem>> -> memref<!tpu.dma_semaphore, #tpu.memory_space<semaphore_mem>>
        %dma_start3A_2005 = arith.constant 400 : i32
        %dma_start3A_2006 = arith.constant 0 : i32
        %dma_start3A_2007 = tpu.memref_slice %arg14[%dma_start3A_2005, %dma_start3A_2006] : memref<768x128xf32, #tpu.memory_space<vmem>> -> memref<16x128xf32, #tpu.memory_space<vmem>>
        %dma_start3A_2008 = arith.constant 0 : i32
        %dma_start3A_2009 = tpu.memref_slice %arg7[%dma_start3A_2008, %multiple_of3A_1996] : memref<16x1000000xf32, #tpu.memory_space<hbm>> -> memref<16x128xf32, #tpu.memory_space<hbm>>
        tpu.enqueue_dma source(%dma_start3A_2009 : memref<16x128xf32, #tpu.memory_space<hbm>>) target(%dma_start3A_2007 : memref<16x128xf32, #tpu.memory_space<vmem>>) target_semaphore(%dma_start3A_2004 : memref<!tpu.dma_semaphore, #tpu.memory_space<semaphore_mem>>)
        %slice3A_2010 = vector.extract_strided_slice %get3A_1045 {offsets = [8], sizes = [1], strides = [1]} : vector<16xi32> to vector<1xi32>
        %squeeze3A_2011 = vector.extract %slice3A_2010[0] : i32 from vector<1xi32>
        %shift_right_logical3A_2012 = arith.constant 7 : i32
        %shift_right_logical3A_2013 = arith.shrui %squeeze3A_2011, %shift_right_logical3A_2012 : i32
        %shift_left3A_2014 = arith.constant 7 : i32
        %shift_left3A_2015 = arith.shli %shift_right_logical3A_2013, %shift_left3A_2014 : i32
        %multiple_of3A_2016 = tpu.assume_multiple %shift_left3A_2015, 128 : i32
        %dma_start3A_2017 = arith.constant 8 : i32
        %dma_start3A_2018 = arith.constant 416 : i32
        %dma_start3A_2019 = arith.constant 0 : i32
        %dma_start3A_2020 = tpu.memref_slice %arg14[%dma_start3A_2018, %dma_start3A_2019] : memref<768x128xf32, #tpu.memory_space<vmem>> -> memref<16x128xf32, #tpu.memory_space<vmem>>
        %dma_start3A_2021 = arith.constant 0 : i32
        %dma_start3A_2022 = tpu.memref_slice %arg8[%dma_start3A_2021, %multiple_of3A_2016] : memref<16x1000000xf32, #tpu.memory_space<hbm>> -> memref<16x128xf32, #tpu.memory_space<hbm>>
        %dma_start3A_2023 = tpu.memref_slice %arg17[%dma_start3A_2017] : memref<16x!tpu.dma_semaphore, #tpu.memory_space<semaphore_mem>> -> memref<1x!tpu.dma_semaphore, #tpu.memory_space<semaphore_mem>>
        %dma_start3A_2024 = tpu.memref_squeeze %dma_start3A_2023 : memref<1x!tpu.dma_semaphore, #tpu.memory_space<semaphore_mem>> -> memref<!tpu.dma_semaphore, #tpu.memory_space<semaphore_mem>>
        %dma_start3A_2025 = arith.constant 416 : i32
        %dma_start3A_2026 = arith.constant 0 : i32
        %dma_start3A_2027 = tpu.memref_slice %arg14[%dma_start3A_2025, %dma_start3A_2026] : memref<768x128xf32, #tpu.memory_space<vmem>> -> memref<16x128xf32, #tpu.memory_space<vmem>>
        %dma_start3A_2028 = arith.constant 0 : i32
        %dma_start3A_2029 = tpu.memref_slice %arg8[%dma_start3A_2028, %multiple_of3A_2016] : memref<16x1000000xf32, #tpu.memory_space<hbm>> -> memref<16x128xf32, #tpu.memory_space<hbm>>
        tpu.enqueue_dma source(%dma_start3A_2029 : memref<16x128xf32, #tpu.memory_space<hbm>>) target(%dma_start3A_2027 : memref<16x128xf32, #tpu.memory_space<vmem>>) target_semaphore(%dma_start3A_2024 : memref<!tpu.dma_semaphore, #tpu.memory_space<semaphore_mem>>)
      } else {
      }
      %dma_wait3A_1562 = arith.constant 9 : i32
      %dma_wait3A_1563 = arith.constant 432 : i32
      %dma_wait3A_1564 = arith.constant 0 : i32
      %dma_wait3A_1565 = tpu.memref_slice %arg14[%dma_wait3A_1563, %dma_wait3A_1564] : memref<768x128xf32, #tpu.memory_space<vmem>> -> memref<48x128xf32, #tpu.memory_space<vmem>>
      %dma_wait3A_1566 = tpu.memref_slice %arg17[%dma_wait3A_1562] : memref<16x!tpu.dma_semaphore, #tpu.memory_space<semaphore_mem>> -> memref<1x!tpu.dma_semaphore, #tpu.memory_space<semaphore_mem>>
      %dma_wait3A_1567 = tpu.memref_squeeze %dma_wait3A_1566 : memref<1x!tpu.dma_semaphore, #tpu.memory_space<semaphore_mem>> -> memref<!tpu.dma_semaphore, #tpu.memory_space<semaphore_mem>>
      %dma_wait3A_1568 = arith.constant 432 : i32
      %dma_wait3A_1569 = arith.constant 0 : i32
      %dma_wait3A_1570 = tpu.memref_slice %arg14[%dma_wait3A_1568, %dma_wait3A_1569] : memref<768x128xf32, #tpu.memory_space<vmem>> -> memref<48x128xf32, #tpu.memory_space<vmem>>
      tpu.wait_dma2 semaphore(%dma_wait3A_1567 : memref<!tpu.dma_semaphore, #tpu.memory_space<semaphore_mem>>) src(%arg16 : memref<48x128xf32, #tpu.memory_space<hbm>>) dst(%dma_wait3A_1570 : memref<48x128xf32, #tpu.memory_space<vmem>>)
      %slice3A_1571 = vector.extract_strided_slice %get3A_1018 {offsets = [9], sizes = [1], strides = [1]} : vector<16xi32> to vector<1xi32>
      %squeeze3A_1572 = vector.extract %slice3A_1571[0] : i32 from vector<1xi32>
      %and3A_1573 = arith.constant 127 : i32
      %and3A_1574 = arith.andi %squeeze3A_1572, %and3A_1573 : i32
      %broadcast_in_dim3A_1575 = vector.broadcast %and3A_1574 : i32 to vector<16xi32>
      %add3A_1576 = arith.constant 432 : i32
      %add3A_1577 = vector.broadcast %add3A_1576 : i32 to vector<16xi32>
      %add3A_1578 = arith.addi %add3A_1577, %iota3A : vector<16xi32>
      %gather3A_1579 = tpu.vector_load_idx %arg14[%add3A_1578, %broadcast_in_dim3A_1575] : memref<768x128xf32, #tpu.memory_space<vmem>>[vector<16xi32>, vector<16xi32>], vector<16xf32>,
      %slice3A_1580 = vector.extract_strided_slice %get3A_1022 {offsets = [9], sizes = [1], strides = [1]} : vector<16xi32> to vector<1xi32>
      %squeeze3A_1581 = vector.extract %slice3A_1580[0] : i32 from vector<1xi32>
      %and3A_1582 = arith.constant 127 : i32
      %and3A_1583 = arith.andi %squeeze3A_1581, %and3A_1582 : i32
      %broadcast_in_dim3A_1584 = vector.broadcast %and3A_1583 : i32 to vector<16xi32>
      %add3A_1585 = arith.constant 448 : i32
      %add3A_1586 = vector.broadcast %add3A_1585 : i32 to vector<16xi32>
      %add3A_1587 = arith.addi %add3A_1586, %iota3A : vector<16xi32>
      %gather3A_1588 = tpu.vector_load_idx %arg14[%add3A_1587, %broadcast_in_dim3A_1584] : memref<768x128xf32, #tpu.memory_space<vmem>>[vector<16xi32>, vector<16xi32>], vector<16xf32>,
      %slice3A_1589 = vector.extract_strided_slice %get3A_1026 {offsets = [9], sizes = [1], strides = [1]} : vector<16xi32> to vector<1xi32>
      %squeeze3A_1590 = vector.extract %slice3A_1589[0] : i32 from vector<1xi32>
      %and3A_1591 = arith.constant 127 : i32
      %and3A_1592 = arith.andi %squeeze3A_1590, %and3A_1591 : i32
      %broadcast_in_dim3A_1593 = vector.broadcast %and3A_1592 : i32 to vector<16xi32>
      %add3A_1594 = arith.constant 464 : i32
      %add3A_1595 = vector.broadcast %add3A_1594 : i32 to vector<16xi32>
      %add3A_1596 = arith.addi %add3A_1595, %iota3A : vector<16xi32>
      %gather3A_1597 = tpu.vector_load_idx %arg14[%add3A_1596, %broadcast_in_dim3A_1593] : memref<768x128xf32, #tpu.memory_space<vmem>>[vector<16xi32>, vector<16xi32>], vector<16xf32>,
      %mul3A_1598 = arith.mulf %gather3A_1579, %gather3A_1588 : vector<16xf32>
      %mul3A_1599 = arith.mulf %mul3A_1598, %gather3A_1597 : vector<16xf32>
      %eq3A_1600 = arith.constant 9 : i32
      %eq3A_1601 = vector.broadcast %eq3A_1600 : i32 to vector<16xi32>
      %eq3A_1602 = arith.cmpi eq, %iota3A, %eq3A_1601 : vector<16xi32>
      %reduce_sum3A_1603 = arith.constant true
      %reduce_sum3A_1604 = vector.broadcast %reduce_sum3A_1603 : i1 to vector<16xi1>
      %reduce_sum3A_1605 = tpu.scan <sum>, %mul3A_1599 masked %reduce_sum3A_1604 : vector<16xf32>, vector<16xi1> -> vector<16xf32>
      %reduce_sum3A_1606 = vector.extract %reduce_sum3A_1605[15] : f32 from vector<16xf32>
      %broadcast_in_dim3A_1607 = vector.broadcast %reduce_sum3A_1606 : f32 to vector<16xf32>
      %select_n3A_1608 = arith.select %eq3A_1602, %broadcast_in_dim3A_1607, %select_n3A_1550 : vector<16xi1>, vector<16xf32>
      %mul3A_1609 = arith.mulf %gather3A_1579, %gather3A_1579 : vector<16xf32>
      %add3A_1610 = arith.addf %add3A_1556, %mul3A_1609 : vector<16xf32>
      %mul3A_1611 = arith.mulf %gather3A_1588, %gather3A_1588 : vector<16xf32>
      %add3A_1612 = arith.addf %add3A_1610, %mul3A_1611 : vector<16xf32>
      %mul3A_1613 = arith.mulf %gather3A_1597, %gather3A_1597 : vector<16xf32>
      %add3A_1614 = arith.addf %add3A_1612, %mul3A_1613 : vector<16xf32>
      %lt3A_1615 = arith.constant 31 : i32
      %lt3A_1616 = arith.cmpi slt, %scan3A_1012, %lt3A_1615 : i32
      %convert_element_type3A_1617 = arith.extui %lt3A_1616 : i1 to i32
      %cond3A_1618 = arith.constant 0 : i32
      %cond3A_1619 = arith.cmpi ne, %convert_element_type3A_1617, %cond3A_1618 : i32
      scf.if %cond3A_1619 {
        %slice3A_1970 = vector.extract_strided_slice %get3A_1037 {offsets = [9], sizes = [1], strides = [1]} : vector<16xi32> to vector<1xi32>
        %squeeze3A_1971 = vector.extract %slice3A_1970[0] : i32 from vector<1xi32>
        %shift_right_logical3A_1972 = arith.constant 7 : i32
        %shift_right_logical3A_1973 = arith.shrui %squeeze3A_1971, %shift_right_logical3A_1972 : i32
        %shift_left3A_1974 = arith.constant 7 : i32
        %shift_left3A_1975 = arith.shli %shift_right_logical3A_1973, %shift_left3A_1974 : i32
        %multiple_of3A_1976 = tpu.assume_multiple %shift_left3A_1975, 128 : i32
        %dma_start3A_1977 = arith.constant 9 : i32
        %dma_start3A_1978 = arith.constant 432 : i32
        %dma_start3A_1979 = arith.constant 0 : i32
        %dma_start3A_1980 = tpu.memref_slice %arg14[%dma_start3A_1978, %dma_start3A_1979] : memref<768x128xf32, #tpu.memory_space<vmem>> -> memref<16x128xf32, #tpu.memory_space<vmem>>
        %dma_start3A_1981 = arith.constant 0 : i32
        %dma_start3A_1982 = tpu.memref_slice %arg6[%dma_start3A_1981, %multiple_of3A_1976] : memref<16x1000000xf32, #tpu.memory_space<hbm>> -> memref<16x128xf32, #tpu.memory_space<hbm>>
        %dma_start3A_1983 = tpu.memref_slice %arg17[%dma_start3A_1977] : memref<16x!tpu.dma_semaphore, #tpu.memory_space<semaphore_mem>> -> memref<1x!tpu.dma_semaphore, #tpu.memory_space<semaphore_mem>>
        %dma_start3A_1984 = tpu.memref_squeeze %dma_start3A_1983 : memref<1x!tpu.dma_semaphore, #tpu.memory_space<semaphore_mem>> -> memref<!tpu.dma_semaphore, #tpu.memory_space<semaphore_mem>>
        %dma_start3A_1985 = arith.constant 432 : i32
        %dma_start3A_1986 = arith.constant 0 : i32
        %dma_start3A_1987 = tpu.memref_slice %arg14[%dma_start3A_1985, %dma_start3A_1986] : memref<768x128xf32, #tpu.memory_space<vmem>> -> memref<16x128xf32, #tpu.memory_space<vmem>>
        %dma_start3A_1988 = arith.constant 0 : i32
        %dma_start3A_1989 = tpu.memref_slice %arg6[%dma_start3A_1988, %multiple_of3A_1976] : memref<16x1000000xf32, #tpu.memory_space<hbm>> -> memref<16x128xf32, #tpu.memory_space<hbm>>
        tpu.enqueue_dma source(%dma_start3A_1989 : memref<16x128xf32, #tpu.memory_space<hbm>>) target(%dma_start3A_1987 : memref<16x128xf32, #tpu.memory_space<vmem>>) target_semaphore(%dma_start3A_1984 : memref<!tpu.dma_semaphore, #tpu.memory_space<semaphore_mem>>)
        %slice3A_1990 = vector.extract_strided_slice %get3A_1041 {offsets = [9], sizes = [1], strides = [1]} : vector<16xi32> to vector<1xi32>
        %squeeze3A_1991 = vector.extract %slice3A_1990[0] : i32 from vector<1xi32>
        %shift_right_logical3A_1992 = arith.constant 7 : i32
        %shift_right_logical3A_1993 = arith.shrui %squeeze3A_1991, %shift_right_logical3A_1992 : i32
        %shift_left3A_1994 = arith.constant 7 : i32
        %shift_left3A_1995 = arith.shli %shift_right_logical3A_1993, %shift_left3A_1994 : i32
        %multiple_of3A_1996 = tpu.assume_multiple %shift_left3A_1995, 128 : i32
        %dma_start3A_1997 = arith.constant 9 : i32
        %dma_start3A_1998 = arith.constant 448 : i32
        %dma_start3A_1999 = arith.constant 0 : i32
        %dma_start3A_2000 = tpu.memref_slice %arg14[%dma_start3A_1998, %dma_start3A_1999] : memref<768x128xf32, #tpu.memory_space<vmem>> -> memref<16x128xf32, #tpu.memory_space<vmem>>
        %dma_start3A_2001 = arith.constant 0 : i32
        %dma_start3A_2002 = tpu.memref_slice %arg7[%dma_start3A_2001, %multiple_of3A_1996] : memref<16x1000000xf32, #tpu.memory_space<hbm>> -> memref<16x128xf32, #tpu.memory_space<hbm>>
        %dma_start3A_2003 = tpu.memref_slice %arg17[%dma_start3A_1997] : memref<16x!tpu.dma_semaphore, #tpu.memory_space<semaphore_mem>> -> memref<1x!tpu.dma_semaphore, #tpu.memory_space<semaphore_mem>>
        %dma_start3A_2004 = tpu.memref_squeeze %dma_start3A_2003 : memref<1x!tpu.dma_semaphore, #tpu.memory_space<semaphore_mem>> -> memref<!tpu.dma_semaphore, #tpu.memory_space<semaphore_mem>>
        %dma_start3A_2005 = arith.constant 448 : i32
        %dma_start3A_2006 = arith.constant 0 : i32
        %dma_start3A_2007 = tpu.memref_slice %arg14[%dma_start3A_2005, %dma_start3A_2006] : memref<768x128xf32, #tpu.memory_space<vmem>> -> memref<16x128xf32, #tpu.memory_space<vmem>>
        %dma_start3A_2008 = arith.constant 0 : i32
        %dma_start3A_2009 = tpu.memref_slice %arg7[%dma_start3A_2008, %multiple_of3A_1996] : memref<16x1000000xf32, #tpu.memory_space<hbm>> -> memref<16x128xf32, #tpu.memory_space<hbm>>
        tpu.enqueue_dma source(%dma_start3A_2009 : memref<16x128xf32, #tpu.memory_space<hbm>>) target(%dma_start3A_2007 : memref<16x128xf32, #tpu.memory_space<vmem>>) target_semaphore(%dma_start3A_2004 : memref<!tpu.dma_semaphore, #tpu.memory_space<semaphore_mem>>)
        %slice3A_2010 = vector.extract_strided_slice %get3A_1045 {offsets = [9], sizes = [1], strides = [1]} : vector<16xi32> to vector<1xi32>
        %squeeze3A_2011 = vector.extract %slice3A_2010[0] : i32 from vector<1xi32>
        %shift_right_logical3A_2012 = arith.constant 7 : i32
        %shift_right_logical3A_2013 = arith.shrui %squeeze3A_2011, %shift_right_logical3A_2012 : i32
        %shift_left3A_2014 = arith.constant 7 : i32
        %shift_left3A_2015 = arith.shli %shift_right_logical3A_2013, %shift_left3A_2014 : i32
        %multiple_of3A_2016 = tpu.assume_multiple %shift_left3A_2015, 128 : i32
        %dma_start3A_2017 = arith.constant 9 : i32
        %dma_start3A_2018 = arith.constant 464 : i32
        %dma_start3A_2019 = arith.constant 0 : i32
        %dma_start3A_2020 = tpu.memref_slice %arg14[%dma_start3A_2018, %dma_start3A_2019] : memref<768x128xf32, #tpu.memory_space<vmem>> -> memref<16x128xf32, #tpu.memory_space<vmem>>
        %dma_start3A_2021 = arith.constant 0 : i32
        %dma_start3A_2022 = tpu.memref_slice %arg8[%dma_start3A_2021, %multiple_of3A_2016] : memref<16x1000000xf32, #tpu.memory_space<hbm>> -> memref<16x128xf32, #tpu.memory_space<hbm>>
        %dma_start3A_2023 = tpu.memref_slice %arg17[%dma_start3A_2017] : memref<16x!tpu.dma_semaphore, #tpu.memory_space<semaphore_mem>> -> memref<1x!tpu.dma_semaphore, #tpu.memory_space<semaphore_mem>>
        %dma_start3A_2024 = tpu.memref_squeeze %dma_start3A_2023 : memref<1x!tpu.dma_semaphore, #tpu.memory_space<semaphore_mem>> -> memref<!tpu.dma_semaphore, #tpu.memory_space<semaphore_mem>>
        %dma_start3A_2025 = arith.constant 464 : i32
        %dma_start3A_2026 = arith.constant 0 : i32
        %dma_start3A_2027 = tpu.memref_slice %arg14[%dma_start3A_2025, %dma_start3A_2026] : memref<768x128xf32, #tpu.memory_space<vmem>> -> memref<16x128xf32, #tpu.memory_space<vmem>>
        %dma_start3A_2028 = arith.constant 0 : i32
        %dma_start3A_2029 = tpu.memref_slice %arg8[%dma_start3A_2028, %multiple_of3A_2016] : memref<16x1000000xf32, #tpu.memory_space<hbm>> -> memref<16x128xf32, #tpu.memory_space<hbm>>
        tpu.enqueue_dma source(%dma_start3A_2029 : memref<16x128xf32, #tpu.memory_space<hbm>>) target(%dma_start3A_2027 : memref<16x128xf32, #tpu.memory_space<vmem>>) target_semaphore(%dma_start3A_2024 : memref<!tpu.dma_semaphore, #tpu.memory_space<semaphore_mem>>)
      } else {
      }
      %dma_wait3A_1620 = arith.constant 10 : i32
      %dma_wait3A_1621 = arith.constant 480 : i32
      %dma_wait3A_1622 = arith.constant 0 : i32
      %dma_wait3A_1623 = tpu.memref_slice %arg14[%dma_wait3A_1621, %dma_wait3A_1622] : memref<768x128xf32, #tpu.memory_space<vmem>> -> memref<48x128xf32, #tpu.memory_space<vmem>>
      %dma_wait3A_1624 = tpu.memref_slice %arg17[%dma_wait3A_1620] : memref<16x!tpu.dma_semaphore, #tpu.memory_space<semaphore_mem>> -> memref<1x!tpu.dma_semaphore, #tpu.memory_space<semaphore_mem>>
      %dma_wait3A_1625 = tpu.memref_squeeze %dma_wait3A_1624 : memref<1x!tpu.dma_semaphore, #tpu.memory_space<semaphore_mem>> -> memref<!tpu.dma_semaphore, #tpu.memory_space<semaphore_mem>>
      %dma_wait3A_1626 = arith.constant 480 : i32
      %dma_wait3A_1627 = arith.constant 0 : i32
      %dma_wait3A_1628 = tpu.memref_slice %arg14[%dma_wait3A_1626, %dma_wait3A_1627] : memref<768x128xf32, #tpu.memory_space<vmem>> -> memref<48x128xf32, #tpu.memory_space<vmem>>
      tpu.wait_dma2 semaphore(%dma_wait3A_1625 : memref<!tpu.dma_semaphore, #tpu.memory_space<semaphore_mem>>) src(%arg16 : memref<48x128xf32, #tpu.memory_space<hbm>>) dst(%dma_wait3A_1628 : memref<48x128xf32, #tpu.memory_space<vmem>>)
      %slice3A_1629 = vector.extract_strided_slice %get3A_1018 {offsets = [10], sizes = [1], strides = [1]} : vector<16xi32> to vector<1xi32>
      %squeeze3A_1630 = vector.extract %slice3A_1629[0] : i32 from vector<1xi32>
      %and3A_1631 = arith.constant 127 : i32
      %and3A_1632 = arith.andi %squeeze3A_1630, %and3A_1631 : i32
      %broadcast_in_dim3A_1633 = vector.broadcast %and3A_1632 : i32 to vector<16xi32>
      %add3A_1634 = arith.constant 480 : i32
      %add3A_1635 = vector.broadcast %add3A_1634 : i32 to vector<16xi32>
      %add3A_1636 = arith.addi %add3A_1635, %iota3A : vector<16xi32>
      %gather3A_1637 = tpu.vector_load_idx %arg14[%add3A_1636, %broadcast_in_dim3A_1633] : memref<768x128xf32, #tpu.memory_space<vmem>>[vector<16xi32>, vector<16xi32>], vector<16xf32>,
      %slice3A_1638 = vector.extract_strided_slice %get3A_1022 {offsets = [10], sizes = [1], strides = [1]} : vector<16xi32> to vector<1xi32>
      %squeeze3A_1639 = vector.extract %slice3A_1638[0] : i32 from vector<1xi32>
      %and3A_1640 = arith.constant 127 : i32
      %and3A_1641 = arith.andi %squeeze3A_1639, %and3A_1640 : i32
      %broadcast_in_dim3A_1642 = vector.broadcast %and3A_1641 : i32 to vector<16xi32>
      %add3A_1643 = arith.constant 496 : i32
      %add3A_1644 = vector.broadcast %add3A_1643 : i32 to vector<16xi32>
      %add3A_1645 = arith.addi %add3A_1644, %iota3A : vector<16xi32>
      %gather3A_1646 = tpu.vector_load_idx %arg14[%add3A_1645, %broadcast_in_dim3A_1642] : memref<768x128xf32, #tpu.memory_space<vmem>>[vector<16xi32>, vector<16xi32>], vector<16xf32>,
      %slice3A_1647 = vector.extract_strided_slice %get3A_1026 {offsets = [10], sizes = [1], strides = [1]} : vector<16xi32> to vector<1xi32>
      %squeeze3A_1648 = vector.extract %slice3A_1647[0] : i32 from vector<1xi32>
      %and3A_1649 = arith.constant 127 : i32
      %and3A_1650 = arith.andi %squeeze3A_1648, %and3A_1649 : i32
      %broadcast_in_dim3A_1651 = vector.broadcast %and3A_1650 : i32 to vector<16xi32>
      %add3A_1652 = arith.constant 512 : i32
      %add3A_1653 = vector.broadcast %add3A_1652 : i32 to vector<16xi32>
      %add3A_1654 = arith.addi %add3A_1653, %iota3A : vector<16xi32>
      %gather3A_1655 = tpu.vector_load_idx %arg14[%add3A_1654, %broadcast_in_dim3A_1651] : memref<768x128xf32, #tpu.memory_space<vmem>>[vector<16xi32>, vector<16xi32>], vector<16xf32>,
      %mul3A_1656 = arith.mulf %gather3A_1637, %gather3A_1646 : vector<16xf32>
      %mul3A_1657 = arith.mulf %mul3A_1656, %gather3A_1655 : vector<16xf32>
      %eq3A_1658 = arith.constant 10 : i32
      %eq3A_1659 = vector.broadcast %eq3A_1658 : i32 to vector<16xi32>
      %eq3A_1660 = arith.cmpi eq, %iota3A, %eq3A_1659 : vector<16xi32>
      %reduce_sum3A_1661 = arith.constant true
      %reduce_sum3A_1662 = vector.broadcast %reduce_sum3A_1661 : i1 to vector<16xi1>
      %reduce_sum3A_1663 = tpu.scan <sum>, %mul3A_1657 masked %reduce_sum3A_1662 : vector<16xf32>, vector<16xi1> -> vector<16xf32>
      %reduce_sum3A_1664 = vector.extract %reduce_sum3A_1663[15] : f32 from vector<16xf32>
      %broadcast_in_dim3A_1665 = vector.broadcast %reduce_sum3A_1664 : f32 to vector<16xf32>
      %select_n3A_1666 = arith.select %eq3A_1660, %broadcast_in_dim3A_1665, %select_n3A_1608 : vector<16xi1>, vector<16xf32>
      %mul3A_1667 = arith.mulf %gather3A_1637, %gather3A_1637 : vector<16xf32>
      %add3A_1668 = arith.addf %add3A_1614, %mul3A_1667 : vector<16xf32>
      %mul3A_1669 = arith.mulf %gather3A_1646, %gather3A_1646 : vector<16xf32>
      %add3A_1670 = arith.addf %add3A_1668, %mul3A_1669 : vector<16xf32>
      %mul3A_1671 = arith.mulf %gather3A_1655, %gather3A_1655 : vector<16xf32>
      %add3A_1672 = arith.addf %add3A_1670, %mul3A_1671 : vector<16xf32>
      %lt3A_1673 = arith.constant 31 : i32
      %lt3A_1674 = arith.cmpi slt, %scan3A_1012, %lt3A_1673 : i32
      %convert_element_type3A_1675 = arith.extui %lt3A_1674 : i1 to i32
      %cond3A_1676 = arith.constant 0 : i32
      %cond3A_1677 = arith.cmpi ne, %convert_element_type3A_1675, %cond3A_1676 : i32
      scf.if %cond3A_1677 {
        %slice3A_1970 = vector.extract_strided_slice %get3A_1037 {offsets = [10], sizes = [1], strides = [1]} : vector<16xi32> to vector<1xi32>
        %squeeze3A_1971 = vector.extract %slice3A_1970[0] : i32 from vector<1xi32>
        %shift_right_logical3A_1972 = arith.constant 7 : i32
        %shift_right_logical3A_1973 = arith.shrui %squeeze3A_1971, %shift_right_logical3A_1972 : i32
        %shift_left3A_1974 = arith.constant 7 : i32
        %shift_left3A_1975 = arith.shli %shift_right_logical3A_1973, %shift_left3A_1974 : i32
        %multiple_of3A_1976 = tpu.assume_multiple %shift_left3A_1975, 128 : i32
        %dma_start3A_1977 = arith.constant 10 : i32
        %dma_start3A_1978 = arith.constant 480 : i32
        %dma_start3A_1979 = arith.constant 0 : i32
        %dma_start3A_1980 = tpu.memref_slice %arg14[%dma_start3A_1978, %dma_start3A_1979] : memref<768x128xf32, #tpu.memory_space<vmem>> -> memref<16x128xf32, #tpu.memory_space<vmem>>
        %dma_start3A_1981 = arith.constant 0 : i32
        %dma_start3A_1982 = tpu.memref_slice %arg6[%dma_start3A_1981, %multiple_of3A_1976] : memref<16x1000000xf32, #tpu.memory_space<hbm>> -> memref<16x128xf32, #tpu.memory_space<hbm>>
        %dma_start3A_1983 = tpu.memref_slice %arg17[%dma_start3A_1977] : memref<16x!tpu.dma_semaphore, #tpu.memory_space<semaphore_mem>> -> memref<1x!tpu.dma_semaphore, #tpu.memory_space<semaphore_mem>>
        %dma_start3A_1984 = tpu.memref_squeeze %dma_start3A_1983 : memref<1x!tpu.dma_semaphore, #tpu.memory_space<semaphore_mem>> -> memref<!tpu.dma_semaphore, #tpu.memory_space<semaphore_mem>>
        %dma_start3A_1985 = arith.constant 480 : i32
        %dma_start3A_1986 = arith.constant 0 : i32
        %dma_start3A_1987 = tpu.memref_slice %arg14[%dma_start3A_1985, %dma_start3A_1986] : memref<768x128xf32, #tpu.memory_space<vmem>> -> memref<16x128xf32, #tpu.memory_space<vmem>>
        %dma_start3A_1988 = arith.constant 0 : i32
        %dma_start3A_1989 = tpu.memref_slice %arg6[%dma_start3A_1988, %multiple_of3A_1976] : memref<16x1000000xf32, #tpu.memory_space<hbm>> -> memref<16x128xf32, #tpu.memory_space<hbm>>
        tpu.enqueue_dma source(%dma_start3A_1989 : memref<16x128xf32, #tpu.memory_space<hbm>>) target(%dma_start3A_1987 : memref<16x128xf32, #tpu.memory_space<vmem>>) target_semaphore(%dma_start3A_1984 : memref<!tpu.dma_semaphore, #tpu.memory_space<semaphore_mem>>)
        %slice3A_1990 = vector.extract_strided_slice %get3A_1041 {offsets = [10], sizes = [1], strides = [1]} : vector<16xi32> to vector<1xi32>
        %squeeze3A_1991 = vector.extract %slice3A_1990[0] : i32 from vector<1xi32>
        %shift_right_logical3A_1992 = arith.constant 7 : i32
        %shift_right_logical3A_1993 = arith.shrui %squeeze3A_1991, %shift_right_logical3A_1992 : i32
        %shift_left3A_1994 = arith.constant 7 : i32
        %shift_left3A_1995 = arith.shli %shift_right_logical3A_1993, %shift_left3A_1994 : i32
        %multiple_of3A_1996 = tpu.assume_multiple %shift_left3A_1995, 128 : i32
        %dma_start3A_1997 = arith.constant 10 : i32
        %dma_start3A_1998 = arith.constant 496 : i32
        %dma_start3A_1999 = arith.constant 0 : i32
        %dma_start3A_2000 = tpu.memref_slice %arg14[%dma_start3A_1998, %dma_start3A_1999] : memref<768x128xf32, #tpu.memory_space<vmem>> -> memref<16x128xf32, #tpu.memory_space<vmem>>
        %dma_start3A_2001 = arith.constant 0 : i32
        %dma_start3A_2002 = tpu.memref_slice %arg7[%dma_start3A_2001, %multiple_of3A_1996] : memref<16x1000000xf32, #tpu.memory_space<hbm>> -> memref<16x128xf32, #tpu.memory_space<hbm>>
        %dma_start3A_2003 = tpu.memref_slice %arg17[%dma_start3A_1997] : memref<16x!tpu.dma_semaphore, #tpu.memory_space<semaphore_mem>> -> memref<1x!tpu.dma_semaphore, #tpu.memory_space<semaphore_mem>>
        %dma_start3A_2004 = tpu.memref_squeeze %dma_start3A_2003 : memref<1x!tpu.dma_semaphore, #tpu.memory_space<semaphore_mem>> -> memref<!tpu.dma_semaphore, #tpu.memory_space<semaphore_mem>>
        %dma_start3A_2005 = arith.constant 496 : i32
        %dma_start3A_2006 = arith.constant 0 : i32
        %dma_start3A_2007 = tpu.memref_slice %arg14[%dma_start3A_2005, %dma_start3A_2006] : memref<768x128xf32, #tpu.memory_space<vmem>> -> memref<16x128xf32, #tpu.memory_space<vmem>>
        %dma_start3A_2008 = arith.constant 0 : i32
        %dma_start3A_2009 = tpu.memref_slice %arg7[%dma_start3A_2008, %multiple_of3A_1996] : memref<16x1000000xf32, #tpu.memory_space<hbm>> -> memref<16x128xf32, #tpu.memory_space<hbm>>
        tpu.enqueue_dma source(%dma_start3A_2009 : memref<16x128xf32, #tpu.memory_space<hbm>>) target(%dma_start3A_2007 : memref<16x128xf32, #tpu.memory_space<vmem>>) target_semaphore(%dma_start3A_2004 : memref<!tpu.dma_semaphore, #tpu.memory_space<semaphore_mem>>)
        %slice3A_2010 = vector.extract_strided_slice %get3A_1045 {offsets = [10], sizes = [1], strides = [1]} : vector<16xi32> to vector<1xi32>
        %squeeze3A_2011 = vector.extract %slice3A_2010[0] : i32 from vector<1xi32>
        %shift_right_logical3A_2012 = arith.constant 7 : i32
        %shift_right_logical3A_2013 = arith.shrui %squeeze3A_2011, %shift_right_logical3A_2012 : i32
        %shift_left3A_2014 = arith.constant 7 : i32
        %shift_left3A_2015 = arith.shli %shift_right_logical3A_2013, %shift_left3A_2014 : i32
        %multiple_of3A_2016 = tpu.assume_multiple %shift_left3A_2015, 128 : i32
        %dma_start3A_2017 = arith.constant 10 : i32
        %dma_start3A_2018 = arith.constant 512 : i32
        %dma_start3A_2019 = arith.constant 0 : i32
        %dma_start3A_2020 = tpu.memref_slice %arg14[%dma_start3A_2018, %dma_start3A_2019] : memref<768x128xf32, #tpu.memory_space<vmem>> -> memref<16x128xf32, #tpu.memory_space<vmem>>
        %dma_start3A_2021 = arith.constant 0 : i32
        %dma_start3A_2022 = tpu.memref_slice %arg8[%dma_start3A_2021, %multiple_of3A_2016] : memref<16x1000000xf32, #tpu.memory_space<hbm>> -> memref<16x128xf32, #tpu.memory_space<hbm>>
        %dma_start3A_2023 = tpu.memref_slice %arg17[%dma_start3A_2017] : memref<16x!tpu.dma_semaphore, #tpu.memory_space<semaphore_mem>> -> memref<1x!tpu.dma_semaphore, #tpu.memory_space<semaphore_mem>>
        %dma_start3A_2024 = tpu.memref_squeeze %dma_start3A_2023 : memref<1x!tpu.dma_semaphore, #tpu.memory_space<semaphore_mem>> -> memref<!tpu.dma_semaphore, #tpu.memory_space<semaphore_mem>>
        %dma_start3A_2025 = arith.constant 512 : i32
        %dma_start3A_2026 = arith.constant 0 : i32
        %dma_start3A_2027 = tpu.memref_slice %arg14[%dma_start3A_2025, %dma_start3A_2026] : memref<768x128xf32, #tpu.memory_space<vmem>> -> memref<16x128xf32, #tpu.memory_space<vmem>>
        %dma_start3A_2028 = arith.constant 0 : i32
        %dma_start3A_2029 = tpu.memref_slice %arg8[%dma_start3A_2028, %multiple_of3A_2016] : memref<16x1000000xf32, #tpu.memory_space<hbm>> -> memref<16x128xf32, #tpu.memory_space<hbm>>
        tpu.enqueue_dma source(%dma_start3A_2029 : memref<16x128xf32, #tpu.memory_space<hbm>>) target(%dma_start3A_2027 : memref<16x128xf32, #tpu.memory_space<vmem>>) target_semaphore(%dma_start3A_2024 : memref<!tpu.dma_semaphore, #tpu.memory_space<semaphore_mem>>)
      } else {
      }
      %dma_wait3A_1678 = arith.constant 11 : i32
      %dma_wait3A_1679 = arith.constant 528 : i32
      %dma_wait3A_1680 = arith.constant 0 : i32
      %dma_wait3A_1681 = tpu.memref_slice %arg14[%dma_wait3A_1679, %dma_wait3A_1680] : memref<768x128xf32, #tpu.memory_space<vmem>> -> memref<48x128xf32, #tpu.memory_space<vmem>>
      %dma_wait3A_1682 = tpu.memref_slice %arg17[%dma_wait3A_1678] : memref<16x!tpu.dma_semaphore, #tpu.memory_space<semaphore_mem>> -> memref<1x!tpu.dma_semaphore, #tpu.memory_space<semaphore_mem>>
      %dma_wait3A_1683 = tpu.memref_squeeze %dma_wait3A_1682 : memref<1x!tpu.dma_semaphore, #tpu.memory_space<semaphore_mem>> -> memref<!tpu.dma_semaphore, #tpu.memory_space<semaphore_mem>>
      %dma_wait3A_1684 = arith.constant 528 : i32
      %dma_wait3A_1685 = arith.constant 0 : i32
      %dma_wait3A_1686 = tpu.memref_slice %arg14[%dma_wait3A_1684, %dma_wait3A_1685] : memref<768x128xf32, #tpu.memory_space<vmem>> -> memref<48x128xf32, #tpu.memory_space<vmem>>
      tpu.wait_dma2 semaphore(%dma_wait3A_1683 : memref<!tpu.dma_semaphore, #tpu.memory_space<semaphore_mem>>) src(%arg16 : memref<48x128xf32, #tpu.memory_space<hbm>>) dst(%dma_wait3A_1686 : memref<48x128xf32, #tpu.memory_space<vmem>>)
      %slice3A_1687 = vector.extract_strided_slice %get3A_1018 {offsets = [11], sizes = [1], strides = [1]} : vector<16xi32> to vector<1xi32>
      %squeeze3A_1688 = vector.extract %slice3A_1687[0] : i32 from vector<1xi32>
      %and3A_1689 = arith.constant 127 : i32
      %and3A_1690 = arith.andi %squeeze3A_1688, %and3A_1689 : i32
      %broadcast_in_dim3A_1691 = vector.broadcast %and3A_1690 : i32 to vector<16xi32>
      %add3A_1692 = arith.constant 528 : i32
      %add3A_1693 = vector.broadcast %add3A_1692 : i32 to vector<16xi32>
      %add3A_1694 = arith.addi %add3A_1693, %iota3A : vector<16xi32>
      %gather3A_1695 = tpu.vector_load_idx %arg14[%add3A_1694, %broadcast_in_dim3A_1691] : memref<768x128xf32, #tpu.memory_space<vmem>>[vector<16xi32>, vector<16xi32>], vector<16xf32>,
      %slice3A_1696 = vector.extract_strided_slice %get3A_1022 {offsets = [11], sizes = [1], strides = [1]} : vector<16xi32> to vector<1xi32>
      %squeeze3A_1697 = vector.extract %slice3A_1696[0] : i32 from vector<1xi32>
      %and3A_1698 = arith.constant 127 : i32
      %and3A_1699 = arith.andi %squeeze3A_1697, %and3A_1698 : i32
      %broadcast_in_dim3A_1700 = vector.broadcast %and3A_1699 : i32 to vector<16xi32>
      %add3A_1701 = arith.constant 544 : i32
      %add3A_1702 = vector.broadcast %add3A_1701 : i32 to vector<16xi32>
      %add3A_1703 = arith.addi %add3A_1702, %iota3A : vector<16xi32>
      %gather3A_1704 = tpu.vector_load_idx %arg14[%add3A_1703, %broadcast_in_dim3A_1700] : memref<768x128xf32, #tpu.memory_space<vmem>>[vector<16xi32>, vector<16xi32>], vector<16xf32>,
      %slice3A_1705 = vector.extract_strided_slice %get3A_1026 {offsets = [11], sizes = [1], strides = [1]} : vector<16xi32> to vector<1xi32>
      %squeeze3A_1706 = vector.extract %slice3A_1705[0] : i32 from vector<1xi32>
      %and3A_1707 = arith.constant 127 : i32
      %and3A_1708 = arith.andi %squeeze3A_1706, %and3A_1707 : i32
      %broadcast_in_dim3A_1709 = vector.broadcast %and3A_1708 : i32 to vector<16xi32>
      %add3A_1710 = arith.constant 560 : i32
      %add3A_1711 = vector.broadcast %add3A_1710 : i32 to vector<16xi32>
      %add3A_1712 = arith.addi %add3A_1711, %iota3A : vector<16xi32>
      %gather3A_1713 = tpu.vector_load_idx %arg14[%add3A_1712, %broadcast_in_dim3A_1709] : memref<768x128xf32, #tpu.memory_space<vmem>>[vector<16xi32>, vector<16xi32>], vector<16xf32>,
      %mul3A_1714 = arith.mulf %gather3A_1695, %gather3A_1704 : vector<16xf32>
      %mul3A_1715 = arith.mulf %mul3A_1714, %gather3A_1713 : vector<16xf32>
      %eq3A_1716 = arith.constant 11 : i32
      %eq3A_1717 = vector.broadcast %eq3A_1716 : i32 to vector<16xi32>
      %eq3A_1718 = arith.cmpi eq, %iota3A, %eq3A_1717 : vector<16xi32>
      %reduce_sum3A_1719 = arith.constant true
      %reduce_sum3A_1720 = vector.broadcast %reduce_sum3A_1719 : i1 to vector<16xi1>
      %reduce_sum3A_1721 = tpu.scan <sum>, %mul3A_1715 masked %reduce_sum3A_1720 : vector<16xf32>, vector<16xi1> -> vector<16xf32>
      %reduce_sum3A_1722 = vector.extract %reduce_sum3A_1721[15] : f32 from vector<16xf32>
      %broadcast_in_dim3A_1723 = vector.broadcast %reduce_sum3A_1722 : f32 to vector<16xf32>
      %select_n3A_1724 = arith.select %eq3A_1718, %broadcast_in_dim3A_1723, %select_n3A_1666 : vector<16xi1>, vector<16xf32>
      %mul3A_1725 = arith.mulf %gather3A_1695, %gather3A_1695 : vector<16xf32>
      %add3A_1726 = arith.addf %add3A_1672, %mul3A_1725 : vector<16xf32>
      %mul3A_1727 = arith.mulf %gather3A_1704, %gather3A_1704 : vector<16xf32>
      %add3A_1728 = arith.addf %add3A_1726, %mul3A_1727 : vector<16xf32>
      %mul3A_1729 = arith.mulf %gather3A_1713, %gather3A_1713 : vector<16xf32>
      %add3A_1730 = arith.addf %add3A_1728, %mul3A_1729 : vector<16xf32>
      %lt3A_1731 = arith.constant 31 : i32
      %lt3A_1732 = arith.cmpi slt, %scan3A_1012, %lt3A_1731 : i32
      %convert_element_type3A_1733 = arith.extui %lt3A_1732 : i1 to i32
      %cond3A_1734 = arith.constant 0 : i32
      %cond3A_1735 = arith.cmpi ne, %convert_element_type3A_1733, %cond3A_1734 : i32
      scf.if %cond3A_1735 {
        %slice3A_1970 = vector.extract_strided_slice %get3A_1037 {offsets = [11], sizes = [1], strides = [1]} : vector<16xi32> to vector<1xi32>
        %squeeze3A_1971 = vector.extract %slice3A_1970[0] : i32 from vector<1xi32>
        %shift_right_logical3A_1972 = arith.constant 7 : i32
        %shift_right_logical3A_1973 = arith.shrui %squeeze3A_1971, %shift_right_logical3A_1972 : i32
        %shift_left3A_1974 = arith.constant 7 : i32
        %shift_left3A_1975 = arith.shli %shift_right_logical3A_1973, %shift_left3A_1974 : i32
        %multiple_of3A_1976 = tpu.assume_multiple %shift_left3A_1975, 128 : i32
        %dma_start3A_1977 = arith.constant 11 : i32
        %dma_start3A_1978 = arith.constant 528 : i32
        %dma_start3A_1979 = arith.constant 0 : i32
        %dma_start3A_1980 = tpu.memref_slice %arg14[%dma_start3A_1978, %dma_start3A_1979] : memref<768x128xf32, #tpu.memory_space<vmem>> -> memref<16x128xf32, #tpu.memory_space<vmem>>
        %dma_start3A_1981 = arith.constant 0 : i32
        %dma_start3A_1982 = tpu.memref_slice %arg6[%dma_start3A_1981, %multiple_of3A_1976] : memref<16x1000000xf32, #tpu.memory_space<hbm>> -> memref<16x128xf32, #tpu.memory_space<hbm>>
        %dma_start3A_1983 = tpu.memref_slice %arg17[%dma_start3A_1977] : memref<16x!tpu.dma_semaphore, #tpu.memory_space<semaphore_mem>> -> memref<1x!tpu.dma_semaphore, #tpu.memory_space<semaphore_mem>>
        %dma_start3A_1984 = tpu.memref_squeeze %dma_start3A_1983 : memref<1x!tpu.dma_semaphore, #tpu.memory_space<semaphore_mem>> -> memref<!tpu.dma_semaphore, #tpu.memory_space<semaphore_mem>>
        %dma_start3A_1985 = arith.constant 528 : i32
        %dma_start3A_1986 = arith.constant 0 : i32
        %dma_start3A_1987 = tpu.memref_slice %arg14[%dma_start3A_1985, %dma_start3A_1986] : memref<768x128xf32, #tpu.memory_space<vmem>> -> memref<16x128xf32, #tpu.memory_space<vmem>>
        %dma_start3A_1988 = arith.constant 0 : i32
        %dma_start3A_1989 = tpu.memref_slice %arg6[%dma_start3A_1988, %multiple_of3A_1976] : memref<16x1000000xf32, #tpu.memory_space<hbm>> -> memref<16x128xf32, #tpu.memory_space<hbm>>
        tpu.enqueue_dma source(%dma_start3A_1989 : memref<16x128xf32, #tpu.memory_space<hbm>>) target(%dma_start3A_1987 : memref<16x128xf32, #tpu.memory_space<vmem>>) target_semaphore(%dma_start3A_1984 : memref<!tpu.dma_semaphore, #tpu.memory_space<semaphore_mem>>)
        %slice3A_1990 = vector.extract_strided_slice %get3A_1041 {offsets = [11], sizes = [1], strides = [1]} : vector<16xi32> to vector<1xi32>
        %squeeze3A_1991 = vector.extract %slice3A_1990[0] : i32 from vector<1xi32>
        %shift_right_logical3A_1992 = arith.constant 7 : i32
        %shift_right_logical3A_1993 = arith.shrui %squeeze3A_1991, %shift_right_logical3A_1992 : i32
        %shift_left3A_1994 = arith.constant 7 : i32
        %shift_left3A_1995 = arith.shli %shift_right_logical3A_1993, %shift_left3A_1994 : i32
        %multiple_of3A_1996 = tpu.assume_multiple %shift_left3A_1995, 128 : i32
        %dma_start3A_1997 = arith.constant 11 : i32
        %dma_start3A_1998 = arith.constant 544 : i32
        %dma_start3A_1999 = arith.constant 0 : i32
        %dma_start3A_2000 = tpu.memref_slice %arg14[%dma_start3A_1998, %dma_start3A_1999] : memref<768x128xf32, #tpu.memory_space<vmem>> -> memref<16x128xf32, #tpu.memory_space<vmem>>
        %dma_start3A_2001 = arith.constant 0 : i32
        %dma_start3A_2002 = tpu.memref_slice %arg7[%dma_start3A_2001, %multiple_of3A_1996] : memref<16x1000000xf32, #tpu.memory_space<hbm>> -> memref<16x128xf32, #tpu.memory_space<hbm>>
        %dma_start3A_2003 = tpu.memref_slice %arg17[%dma_start3A_1997] : memref<16x!tpu.dma_semaphore, #tpu.memory_space<semaphore_mem>> -> memref<1x!tpu.dma_semaphore, #tpu.memory_space<semaphore_mem>>
        %dma_start3A_2004 = tpu.memref_squeeze %dma_start3A_2003 : memref<1x!tpu.dma_semaphore, #tpu.memory_space<semaphore_mem>> -> memref<!tpu.dma_semaphore, #tpu.memory_space<semaphore_mem>>
        %dma_start3A_2005 = arith.constant 544 : i32
        %dma_start3A_2006 = arith.constant 0 : i32
        %dma_start3A_2007 = tpu.memref_slice %arg14[%dma_start3A_2005, %dma_start3A_2006] : memref<768x128xf32, #tpu.memory_space<vmem>> -> memref<16x128xf32, #tpu.memory_space<vmem>>
        %dma_start3A_2008 = arith.constant 0 : i32
        %dma_start3A_2009 = tpu.memref_slice %arg7[%dma_start3A_2008, %multiple_of3A_1996] : memref<16x1000000xf32, #tpu.memory_space<hbm>> -> memref<16x128xf32, #tpu.memory_space<hbm>>
        tpu.enqueue_dma source(%dma_start3A_2009 : memref<16x128xf32, #tpu.memory_space<hbm>>) target(%dma_start3A_2007 : memref<16x128xf32, #tpu.memory_space<vmem>>) target_semaphore(%dma_start3A_2004 : memref<!tpu.dma_semaphore, #tpu.memory_space<semaphore_mem>>)
        %slice3A_2010 = vector.extract_strided_slice %get3A_1045 {offsets = [11], sizes = [1], strides = [1]} : vector<16xi32> to vector<1xi32>
        %squeeze3A_2011 = vector.extract %slice3A_2010[0] : i32 from vector<1xi32>
        %shift_right_logical3A_2012 = arith.constant 7 : i32
        %shift_right_logical3A_2013 = arith.shrui %squeeze3A_2011, %shift_right_logical3A_2012 : i32
        %shift_left3A_2014 = arith.constant 7 : i32
        %shift_left3A_2015 = arith.shli %shift_right_logical3A_2013, %shift_left3A_2014 : i32
        %multiple_of3A_2016 = tpu.assume_multiple %shift_left3A_2015, 128 : i32
        %dma_start3A_2017 = arith.constant 11 : i32
        %dma_start3A_2018 = arith.constant 560 : i32
        %dma_start3A_2019 = arith.constant 0 : i32
        %dma_start3A_2020 = tpu.memref_slice %arg14[%dma_start3A_2018, %dma_start3A_2019] : memref<768x128xf32, #tpu.memory_space<vmem>> -> memref<16x128xf32, #tpu.memory_space<vmem>>
        %dma_start3A_2021 = arith.constant 0 : i32
        %dma_start3A_2022 = tpu.memref_slice %arg8[%dma_start3A_2021, %multiple_of3A_2016] : memref<16x1000000xf32, #tpu.memory_space<hbm>> -> memref<16x128xf32, #tpu.memory_space<hbm>>
        %dma_start3A_2023 = tpu.memref_slice %arg17[%dma_start3A_2017] : memref<16x!tpu.dma_semaphore, #tpu.memory_space<semaphore_mem>> -> memref<1x!tpu.dma_semaphore, #tpu.memory_space<semaphore_mem>>
        %dma_start3A_2024 = tpu.memref_squeeze %dma_start3A_2023 : memref<1x!tpu.dma_semaphore, #tpu.memory_space<semaphore_mem>> -> memref<!tpu.dma_semaphore, #tpu.memory_space<semaphore_mem>>
        %dma_start3A_2025 = arith.constant 560 : i32
        %dma_start3A_2026 = arith.constant 0 : i32
        %dma_start3A_2027 = tpu.memref_slice %arg14[%dma_start3A_2025, %dma_start3A_2026] : memref<768x128xf32, #tpu.memory_space<vmem>> -> memref<16x128xf32, #tpu.memory_space<vmem>>
        %dma_start3A_2028 = arith.constant 0 : i32
        %dma_start3A_2029 = tpu.memref_slice %arg8[%dma_start3A_2028, %multiple_of3A_2016] : memref<16x1000000xf32, #tpu.memory_space<hbm>> -> memref<16x128xf32, #tpu.memory_space<hbm>>
        tpu.enqueue_dma source(%dma_start3A_2029 : memref<16x128xf32, #tpu.memory_space<hbm>>) target(%dma_start3A_2027 : memref<16x128xf32, #tpu.memory_space<vmem>>) target_semaphore(%dma_start3A_2024 : memref<!tpu.dma_semaphore, #tpu.memory_space<semaphore_mem>>)
      } else {
      }
      %dma_wait3A_1736 = arith.constant 12 : i32
      %dma_wait3A_1737 = arith.constant 576 : i32
      %dma_wait3A_1738 = arith.constant 0 : i32
      %dma_wait3A_1739 = tpu.memref_slice %arg14[%dma_wait3A_1737, %dma_wait3A_1738] : memref<768x128xf32, #tpu.memory_space<vmem>> -> memref<48x128xf32, #tpu.memory_space<vmem>>
      %dma_wait3A_1740 = tpu.memref_slice %arg17[%dma_wait3A_1736] : memref<16x!tpu.dma_semaphore, #tpu.memory_space<semaphore_mem>> -> memref<1x!tpu.dma_semaphore, #tpu.memory_space<semaphore_mem>>
      %dma_wait3A_1741 = tpu.memref_squeeze %dma_wait3A_1740 : memref<1x!tpu.dma_semaphore, #tpu.memory_space<semaphore_mem>> -> memref<!tpu.dma_semaphore, #tpu.memory_space<semaphore_mem>>
      %dma_wait3A_1742 = arith.constant 576 : i32
      %dma_wait3A_1743 = arith.constant 0 : i32
      %dma_wait3A_1744 = tpu.memref_slice %arg14[%dma_wait3A_1742, %dma_wait3A_1743] : memref<768x128xf32, #tpu.memory_space<vmem>> -> memref<48x128xf32, #tpu.memory_space<vmem>>
      tpu.wait_dma2 semaphore(%dma_wait3A_1741 : memref<!tpu.dma_semaphore, #tpu.memory_space<semaphore_mem>>) src(%arg16 : memref<48x128xf32, #tpu.memory_space<hbm>>) dst(%dma_wait3A_1744 : memref<48x128xf32, #tpu.memory_space<vmem>>)
      %slice3A_1745 = vector.extract_strided_slice %get3A_1018 {offsets = [12], sizes = [1], strides = [1]} : vector<16xi32> to vector<1xi32>
      %squeeze3A_1746 = vector.extract %slice3A_1745[0] : i32 from vector<1xi32>
      %and3A_1747 = arith.constant 127 : i32
      %and3A_1748 = arith.andi %squeeze3A_1746, %and3A_1747 : i32
      %broadcast_in_dim3A_1749 = vector.broadcast %and3A_1748 : i32 to vector<16xi32>
      %add3A_1750 = arith.constant 576 : i32
      %add3A_1751 = vector.broadcast %add3A_1750 : i32 to vector<16xi32>
      %add3A_1752 = arith.addi %add3A_1751, %iota3A : vector<16xi32>
      %gather3A_1753 = tpu.vector_load_idx %arg14[%add3A_1752, %broadcast_in_dim3A_1749] : memref<768x128xf32, #tpu.memory_space<vmem>>[vector<16xi32>, vector<16xi32>], vector<16xf32>,
      %slice3A_1754 = vector.extract_strided_slice %get3A_1022 {offsets = [12], sizes = [1], strides = [1]} : vector<16xi32> to vector<1xi32>
      %squeeze3A_1755 = vector.extract %slice3A_1754[0] : i32 from vector<1xi32>
      %and3A_1756 = arith.constant 127 : i32
      %and3A_1757 = arith.andi %squeeze3A_1755, %and3A_1756 : i32
      %broadcast_in_dim3A_1758 = vector.broadcast %and3A_1757 : i32 to vector<16xi32>
      %add3A_1759 = arith.constant 592 : i32
      %add3A_1760 = vector.broadcast %add3A_1759 : i32 to vector<16xi32>
      %add3A_1761 = arith.addi %add3A_1760, %iota3A : vector<16xi32>
      %gather3A_1762 = tpu.vector_load_idx %arg14[%add3A_1761, %broadcast_in_dim3A_1758] : memref<768x128xf32, #tpu.memory_space<vmem>>[vector<16xi32>, vector<16xi32>], vector<16xf32>,
      %slice3A_1763 = vector.extract_strided_slice %get3A_1026 {offsets = [12], sizes = [1], strides = [1]} : vector<16xi32> to vector<1xi32>
      %squeeze3A_1764 = vector.extract %slice3A_1763[0] : i32 from vector<1xi32>
      %and3A_1765 = arith.constant 127 : i32
      %and3A_1766 = arith.andi %squeeze3A_1764, %and3A_1765 : i32
      %broadcast_in_dim3A_1767 = vector.broadcast %and3A_1766 : i32 to vector<16xi32>
      %add3A_1768 = arith.constant 608 : i32
      %add3A_1769 = vector.broadcast %add3A_1768 : i32 to vector<16xi32>
      %add3A_1770 = arith.addi %add3A_1769, %iota3A : vector<16xi32>
      %gather3A_1771 = tpu.vector_load_idx %arg14[%add3A_1770, %broadcast_in_dim3A_1767] : memref<768x128xf32, #tpu.memory_space<vmem>>[vector<16xi32>, vector<16xi32>], vector<16xf32>,
      %mul3A_1772 = arith.mulf %gather3A_1753, %gather3A_1762 : vector<16xf32>
      %mul3A_1773 = arith.mulf %mul3A_1772, %gather3A_1771 : vector<16xf32>
      %eq3A_1774 = arith.constant 12 : i32
      %eq3A_1775 = vector.broadcast %eq3A_1774 : i32 to vector<16xi32>
      %eq3A_1776 = arith.cmpi eq, %iota3A, %eq3A_1775 : vector<16xi32>
      %reduce_sum3A_1777 = arith.constant true
      %reduce_sum3A_1778 = vector.broadcast %reduce_sum3A_1777 : i1 to vector<16xi1>
      %reduce_sum3A_1779 = tpu.scan <sum>, %mul3A_1773 masked %reduce_sum3A_1778 : vector<16xf32>, vector<16xi1> -> vector<16xf32>
      %reduce_sum3A_1780 = vector.extract %reduce_sum3A_1779[15] : f32 from vector<16xf32>
      %broadcast_in_dim3A_1781 = vector.broadcast %reduce_sum3A_1780 : f32 to vector<16xf32>
      %select_n3A_1782 = arith.select %eq3A_1776, %broadcast_in_dim3A_1781, %select_n3A_1724 : vector<16xi1>, vector<16xf32>
      %mul3A_1783 = arith.mulf %gather3A_1753, %gather3A_1753 : vector<16xf32>
      %add3A_1784 = arith.addf %add3A_1730, %mul3A_1783 : vector<16xf32>
      %mul3A_1785 = arith.mulf %gather3A_1762, %gather3A_1762 : vector<16xf32>
      %add3A_1786 = arith.addf %add3A_1784, %mul3A_1785 : vector<16xf32>
      %mul3A_1787 = arith.mulf %gather3A_1771, %gather3A_1771 : vector<16xf32>
      %add3A_1788 = arith.addf %add3A_1786, %mul3A_1787 : vector<16xf32>
      %lt3A_1789 = arith.constant 31 : i32
      %lt3A_1790 = arith.cmpi slt, %scan3A_1012, %lt3A_1789 : i32
      %convert_element_type3A_1791 = arith.extui %lt3A_1790 : i1 to i32
      %cond3A_1792 = arith.constant 0 : i32
      %cond3A_1793 = arith.cmpi ne, %convert_element_type3A_1791, %cond3A_1792 : i32
      scf.if %cond3A_1793 {
        %slice3A_1970 = vector.extract_strided_slice %get3A_1037 {offsets = [12], sizes = [1], strides = [1]} : vector<16xi32> to vector<1xi32>
        %squeeze3A_1971 = vector.extract %slice3A_1970[0] : i32 from vector<1xi32>
        %shift_right_logical3A_1972 = arith.constant 7 : i32
        %shift_right_logical3A_1973 = arith.shrui %squeeze3A_1971, %shift_right_logical3A_1972 : i32
        %shift_left3A_1974 = arith.constant 7 : i32
        %shift_left3A_1975 = arith.shli %shift_right_logical3A_1973, %shift_left3A_1974 : i32
        %multiple_of3A_1976 = tpu.assume_multiple %shift_left3A_1975, 128 : i32
        %dma_start3A_1977 = arith.constant 12 : i32
        %dma_start3A_1978 = arith.constant 576 : i32
        %dma_start3A_1979 = arith.constant 0 : i32
        %dma_start3A_1980 = tpu.memref_slice %arg14[%dma_start3A_1978, %dma_start3A_1979] : memref<768x128xf32, #tpu.memory_space<vmem>> -> memref<16x128xf32, #tpu.memory_space<vmem>>
        %dma_start3A_1981 = arith.constant 0 : i32
        %dma_start3A_1982 = tpu.memref_slice %arg6[%dma_start3A_1981, %multiple_of3A_1976] : memref<16x1000000xf32, #tpu.memory_space<hbm>> -> memref<16x128xf32, #tpu.memory_space<hbm>>
        %dma_start3A_1983 = tpu.memref_slice %arg17[%dma_start3A_1977] : memref<16x!tpu.dma_semaphore, #tpu.memory_space<semaphore_mem>> -> memref<1x!tpu.dma_semaphore, #tpu.memory_space<semaphore_mem>>
        %dma_start3A_1984 = tpu.memref_squeeze %dma_start3A_1983 : memref<1x!tpu.dma_semaphore, #tpu.memory_space<semaphore_mem>> -> memref<!tpu.dma_semaphore, #tpu.memory_space<semaphore_mem>>
        %dma_start3A_1985 = arith.constant 576 : i32
        %dma_start3A_1986 = arith.constant 0 : i32
        %dma_start3A_1987 = tpu.memref_slice %arg14[%dma_start3A_1985, %dma_start3A_1986] : memref<768x128xf32, #tpu.memory_space<vmem>> -> memref<16x128xf32, #tpu.memory_space<vmem>>
        %dma_start3A_1988 = arith.constant 0 : i32
        %dma_start3A_1989 = tpu.memref_slice %arg6[%dma_start3A_1988, %multiple_of3A_1976] : memref<16x1000000xf32, #tpu.memory_space<hbm>> -> memref<16x128xf32, #tpu.memory_space<hbm>>
        tpu.enqueue_dma source(%dma_start3A_1989 : memref<16x128xf32, #tpu.memory_space<hbm>>) target(%dma_start3A_1987 : memref<16x128xf32, #tpu.memory_space<vmem>>) target_semaphore(%dma_start3A_1984 : memref<!tpu.dma_semaphore, #tpu.memory_space<semaphore_mem>>)
        %slice3A_1990 = vector.extract_strided_slice %get3A_1041 {offsets = [12], sizes = [1], strides = [1]} : vector<16xi32> to vector<1xi32>
        %squeeze3A_1991 = vector.extract %slice3A_1990[0] : i32 from vector<1xi32>
        %shift_right_logical3A_1992 = arith.constant 7 : i32
        %shift_right_logical3A_1993 = arith.shrui %squeeze3A_1991, %shift_right_logical3A_1992 : i32
        %shift_left3A_1994 = arith.constant 7 : i32
        %shift_left3A_1995 = arith.shli %shift_right_logical3A_1993, %shift_left3A_1994 : i32
        %multiple_of3A_1996 = tpu.assume_multiple %shift_left3A_1995, 128 : i32
        %dma_start3A_1997 = arith.constant 12 : i32
        %dma_start3A_1998 = arith.constant 592 : i32
        %dma_start3A_1999 = arith.constant 0 : i32
        %dma_start3A_2000 = tpu.memref_slice %arg14[%dma_start3A_1998, %dma_start3A_1999] : memref<768x128xf32, #tpu.memory_space<vmem>> -> memref<16x128xf32, #tpu.memory_space<vmem>>
        %dma_start3A_2001 = arith.constant 0 : i32
        %dma_start3A_2002 = tpu.memref_slice %arg7[%dma_start3A_2001, %multiple_of3A_1996] : memref<16x1000000xf32, #tpu.memory_space<hbm>> -> memref<16x128xf32, #tpu.memory_space<hbm>>
        %dma_start3A_2003 = tpu.memref_slice %arg17[%dma_start3A_1997] : memref<16x!tpu.dma_semaphore, #tpu.memory_space<semaphore_mem>> -> memref<1x!tpu.dma_semaphore, #tpu.memory_space<semaphore_mem>>
        %dma_start3A_2004 = tpu.memref_squeeze %dma_start3A_2003 : memref<1x!tpu.dma_semaphore, #tpu.memory_space<semaphore_mem>> -> memref<!tpu.dma_semaphore, #tpu.memory_space<semaphore_mem>>
        %dma_start3A_2005 = arith.constant 592 : i32
        %dma_start3A_2006 = arith.constant 0 : i32
        %dma_start3A_2007 = tpu.memref_slice %arg14[%dma_start3A_2005, %dma_start3A_2006] : memref<768x128xf32, #tpu.memory_space<vmem>> -> memref<16x128xf32, #tpu.memory_space<vmem>>
        %dma_start3A_2008 = arith.constant 0 : i32
        %dma_start3A_2009 = tpu.memref_slice %arg7[%dma_start3A_2008, %multiple_of3A_1996] : memref<16x1000000xf32, #tpu.memory_space<hbm>> -> memref<16x128xf32, #tpu.memory_space<hbm>>
        tpu.enqueue_dma source(%dma_start3A_2009 : memref<16x128xf32, #tpu.memory_space<hbm>>) target(%dma_start3A_2007 : memref<16x128xf32, #tpu.memory_space<vmem>>) target_semaphore(%dma_start3A_2004 : memref<!tpu.dma_semaphore, #tpu.memory_space<semaphore_mem>>)
        %slice3A_2010 = vector.extract_strided_slice %get3A_1045 {offsets = [12], sizes = [1], strides = [1]} : vector<16xi32> to vector<1xi32>
        %squeeze3A_2011 = vector.extract %slice3A_2010[0] : i32 from vector<1xi32>
        %shift_right_logical3A_2012 = arith.constant 7 : i32
        %shift_right_logical3A_2013 = arith.shrui %squeeze3A_2011, %shift_right_logical3A_2012 : i32
        %shift_left3A_2014 = arith.constant 7 : i32
        %shift_left3A_2015 = arith.shli %shift_right_logical3A_2013, %shift_left3A_2014 : i32
        %multiple_of3A_2016 = tpu.assume_multiple %shift_left3A_2015, 128 : i32
        %dma_start3A_2017 = arith.constant 12 : i32
        %dma_start3A_2018 = arith.constant 608 : i32
        %dma_start3A_2019 = arith.constant 0 : i32
        %dma_start3A_2020 = tpu.memref_slice %arg14[%dma_start3A_2018, %dma_start3A_2019] : memref<768x128xf32, #tpu.memory_space<vmem>> -> memref<16x128xf32, #tpu.memory_space<vmem>>
        %dma_start3A_2021 = arith.constant 0 : i32
        %dma_start3A_2022 = tpu.memref_slice %arg8[%dma_start3A_2021, %multiple_of3A_2016] : memref<16x1000000xf32, #tpu.memory_space<hbm>> -> memref<16x128xf32, #tpu.memory_space<hbm>>
        %dma_start3A_2023 = tpu.memref_slice %arg17[%dma_start3A_2017] : memref<16x!tpu.dma_semaphore, #tpu.memory_space<semaphore_mem>> -> memref<1x!tpu.dma_semaphore, #tpu.memory_space<semaphore_mem>>
        %dma_start3A_2024 = tpu.memref_squeeze %dma_start3A_2023 : memref<1x!tpu.dma_semaphore, #tpu.memory_space<semaphore_mem>> -> memref<!tpu.dma_semaphore, #tpu.memory_space<semaphore_mem>>
        %dma_start3A_2025 = arith.constant 608 : i32
        %dma_start3A_2026 = arith.constant 0 : i32
        %dma_start3A_2027 = tpu.memref_slice %arg14[%dma_start3A_2025, %dma_start3A_2026] : memref<768x128xf32, #tpu.memory_space<vmem>> -> memref<16x128xf32, #tpu.memory_space<vmem>>
        %dma_start3A_2028 = arith.constant 0 : i32
        %dma_start3A_2029 = tpu.memref_slice %arg8[%dma_start3A_2028, %multiple_of3A_2016] : memref<16x1000000xf32, #tpu.memory_space<hbm>> -> memref<16x128xf32, #tpu.memory_space<hbm>>
        tpu.enqueue_dma source(%dma_start3A_2029 : memref<16x128xf32, #tpu.memory_space<hbm>>) target(%dma_start3A_2027 : memref<16x128xf32, #tpu.memory_space<vmem>>) target_semaphore(%dma_start3A_2024 : memref<!tpu.dma_semaphore, #tpu.memory_space<semaphore_mem>>)
      } else {
      }
      %dma_wait3A_1794 = arith.constant 13 : i32
      %dma_wait3A_1795 = arith.constant 624 : i32
      %dma_wait3A_1796 = arith.constant 0 : i32
      %dma_wait3A_1797 = tpu.memref_slice %arg14[%dma_wait3A_1795, %dma_wait3A_1796] : memref<768x128xf32, #tpu.memory_space<vmem>> -> memref<48x128xf32, #tpu.memory_space<vmem>>
      %dma_wait3A_1798 = tpu.memref_slice %arg17[%dma_wait3A_1794] : memref<16x!tpu.dma_semaphore, #tpu.memory_space<semaphore_mem>> -> memref<1x!tpu.dma_semaphore, #tpu.memory_space<semaphore_mem>>
      %dma_wait3A_1799 = tpu.memref_squeeze %dma_wait3A_1798 : memref<1x!tpu.dma_semaphore, #tpu.memory_space<semaphore_mem>> -> memref<!tpu.dma_semaphore, #tpu.memory_space<semaphore_mem>>
      %dma_wait3A_1800 = arith.constant 624 : i32
      %dma_wait3A_1801 = arith.constant 0 : i32
      %dma_wait3A_1802 = tpu.memref_slice %arg14[%dma_wait3A_1800, %dma_wait3A_1801] : memref<768x128xf32, #tpu.memory_space<vmem>> -> memref<48x128xf32, #tpu.memory_space<vmem>>
      tpu.wait_dma2 semaphore(%dma_wait3A_1799 : memref<!tpu.dma_semaphore, #tpu.memory_space<semaphore_mem>>) src(%arg16 : memref<48x128xf32, #tpu.memory_space<hbm>>) dst(%dma_wait3A_1802 : memref<48x128xf32, #tpu.memory_space<vmem>>)
      %slice3A_1803 = vector.extract_strided_slice %get3A_1018 {offsets = [13], sizes = [1], strides = [1]} : vector<16xi32> to vector<1xi32>
      %squeeze3A_1804 = vector.extract %slice3A_1803[0] : i32 from vector<1xi32>
      %and3A_1805 = arith.constant 127 : i32
      %and3A_1806 = arith.andi %squeeze3A_1804, %and3A_1805 : i32
      %broadcast_in_dim3A_1807 = vector.broadcast %and3A_1806 : i32 to vector<16xi32>
      %add3A_1808 = arith.constant 624 : i32
      %add3A_1809 = vector.broadcast %add3A_1808 : i32 to vector<16xi32>
      %add3A_1810 = arith.addi %add3A_1809, %iota3A : vector<16xi32>
      %gather3A_1811 = tpu.vector_load_idx %arg14[%add3A_1810, %broadcast_in_dim3A_1807] : memref<768x128xf32, #tpu.memory_space<vmem>>[vector<16xi32>, vector<16xi32>], vector<16xf32>,
      %slice3A_1812 = vector.extract_strided_slice %get3A_1022 {offsets = [13], sizes = [1], strides = [1]} : vector<16xi32> to vector<1xi32>
      %squeeze3A_1813 = vector.extract %slice3A_1812[0] : i32 from vector<1xi32>
      %and3A_1814 = arith.constant 127 : i32
      %and3A_1815 = arith.andi %squeeze3A_1813, %and3A_1814 : i32
      %broadcast_in_dim3A_1816 = vector.broadcast %and3A_1815 : i32 to vector<16xi32>
      %add3A_1817 = arith.constant 640 : i32
      %add3A_1818 = vector.broadcast %add3A_1817 : i32 to vector<16xi32>
      %add3A_1819 = arith.addi %add3A_1818, %iota3A : vector<16xi32>
      %gather3A_1820 = tpu.vector_load_idx %arg14[%add3A_1819, %broadcast_in_dim3A_1816] : memref<768x128xf32, #tpu.memory_space<vmem>>[vector<16xi32>, vector<16xi32>], vector<16xf32>,
      %slice3A_1821 = vector.extract_strided_slice %get3A_1026 {offsets = [13], sizes = [1], strides = [1]} : vector<16xi32> to vector<1xi32>
      %squeeze3A_1822 = vector.extract %slice3A_1821[0] : i32 from vector<1xi32>
      %and3A_1823 = arith.constant 127 : i32
      %and3A_1824 = arith.andi %squeeze3A_1822, %and3A_1823 : i32
      %broadcast_in_dim3A_1825 = vector.broadcast %and3A_1824 : i32 to vector<16xi32>
      %add3A_1826 = arith.constant 656 : i32
      %add3A_1827 = vector.broadcast %add3A_1826 : i32 to vector<16xi32>
      %add3A_1828 = arith.addi %add3A_1827, %iota3A : vector<16xi32>
      %gather3A_1829 = tpu.vector_load_idx %arg14[%add3A_1828, %broadcast_in_dim3A_1825] : memref<768x128xf32, #tpu.memory_space<vmem>>[vector<16xi32>, vector<16xi32>], vector<16xf32>,
      %mul3A_1830 = arith.mulf %gather3A_1811, %gather3A_1820 : vector<16xf32>
      %mul3A_1831 = arith.mulf %mul3A_1830, %gather3A_1829 : vector<16xf32>
      %eq3A_1832 = arith.constant 13 : i32
      %eq3A_1833 = vector.broadcast %eq3A_1832 : i32 to vector<16xi32>
      %eq3A_1834 = arith.cmpi eq, %iota3A, %eq3A_1833 : vector<16xi32>
      %reduce_sum3A_1835 = arith.constant true
      %reduce_sum3A_1836 = vector.broadcast %reduce_sum3A_1835 : i1 to vector<16xi1>
      %reduce_sum3A_1837 = tpu.scan <sum>, %mul3A_1831 masked %reduce_sum3A_1836 : vector<16xf32>, vector<16xi1> -> vector<16xf32>
      %reduce_sum3A_1838 = vector.extract %reduce_sum3A_1837[15] : f32 from vector<16xf32>
      %broadcast_in_dim3A_1839 = vector.broadcast %reduce_sum3A_1838 : f32 to vector<16xf32>
      %select_n3A_1840 = arith.select %eq3A_1834, %broadcast_in_dim3A_1839, %select_n3A_1782 : vector<16xi1>, vector<16xf32>
      %mul3A_1841 = arith.mulf %gather3A_1811, %gather3A_1811 : vector<16xf32>
      %add3A_1842 = arith.addf %add3A_1788, %mul3A_1841 : vector<16xf32>
      %mul3A_1843 = arith.mulf %gather3A_1820, %gather3A_1820 : vector<16xf32>
      %add3A_1844 = arith.addf %add3A_1842, %mul3A_1843 : vector<16xf32>
      %mul3A_1845 = arith.mulf %gather3A_1829, %gather3A_1829 : vector<16xf32>
      %add3A_1846 = arith.addf %add3A_1844, %mul3A_1845 : vector<16xf32>
      %lt3A_1847 = arith.constant 31 : i32
      %lt3A_1848 = arith.cmpi slt, %scan3A_1012, %lt3A_1847 : i32
      %convert_element_type3A_1849 = arith.extui %lt3A_1848 : i1 to i32
      %cond3A_1850 = arith.constant 0 : i32
      %cond3A_1851 = arith.cmpi ne, %convert_element_type3A_1849, %cond3A_1850 : i32
      scf.if %cond3A_1851 {
        %slice3A_1970 = vector.extract_strided_slice %get3A_1037 {offsets = [13], sizes = [1], strides = [1]} : vector<16xi32> to vector<1xi32>
        %squeeze3A_1971 = vector.extract %slice3A_1970[0] : i32 from vector<1xi32>
        %shift_right_logical3A_1972 = arith.constant 7 : i32
        %shift_right_logical3A_1973 = arith.shrui %squeeze3A_1971, %shift_right_logical3A_1972 : i32
        %shift_left3A_1974 = arith.constant 7 : i32
        %shift_left3A_1975 = arith.shli %shift_right_logical3A_1973, %shift_left3A_1974 : i32
        %multiple_of3A_1976 = tpu.assume_multiple %shift_left3A_1975, 128 : i32
        %dma_start3A_1977 = arith.constant 13 : i32
        %dma_start3A_1978 = arith.constant 624 : i32
        %dma_start3A_1979 = arith.constant 0 : i32
        %dma_start3A_1980 = tpu.memref_slice %arg14[%dma_start3A_1978, %dma_start3A_1979] : memref<768x128xf32, #tpu.memory_space<vmem>> -> memref<16x128xf32, #tpu.memory_space<vmem>>
        %dma_start3A_1981 = arith.constant 0 : i32
        %dma_start3A_1982 = tpu.memref_slice %arg6[%dma_start3A_1981, %multiple_of3A_1976] : memref<16x1000000xf32, #tpu.memory_space<hbm>> -> memref<16x128xf32, #tpu.memory_space<hbm>>
        %dma_start3A_1983 = tpu.memref_slice %arg17[%dma_start3A_1977] : memref<16x!tpu.dma_semaphore, #tpu.memory_space<semaphore_mem>> -> memref<1x!tpu.dma_semaphore, #tpu.memory_space<semaphore_mem>>
        %dma_start3A_1984 = tpu.memref_squeeze %dma_start3A_1983 : memref<1x!tpu.dma_semaphore, #tpu.memory_space<semaphore_mem>> -> memref<!tpu.dma_semaphore, #tpu.memory_space<semaphore_mem>>
        %dma_start3A_1985 = arith.constant 624 : i32
        %dma_start3A_1986 = arith.constant 0 : i32
        %dma_start3A_1987 = tpu.memref_slice %arg14[%dma_start3A_1985, %dma_start3A_1986] : memref<768x128xf32, #tpu.memory_space<vmem>> -> memref<16x128xf32, #tpu.memory_space<vmem>>
        %dma_start3A_1988 = arith.constant 0 : i32
        %dma_start3A_1989 = tpu.memref_slice %arg6[%dma_start3A_1988, %multiple_of3A_1976] : memref<16x1000000xf32, #tpu.memory_space<hbm>> -> memref<16x128xf32, #tpu.memory_space<hbm>>
        tpu.enqueue_dma source(%dma_start3A_1989 : memref<16x128xf32, #tpu.memory_space<hbm>>) target(%dma_start3A_1987 : memref<16x128xf32, #tpu.memory_space<vmem>>) target_semaphore(%dma_start3A_1984 : memref<!tpu.dma_semaphore, #tpu.memory_space<semaphore_mem>>)
        %slice3A_1990 = vector.extract_strided_slice %get3A_1041 {offsets = [13], sizes = [1], strides = [1]} : vector<16xi32> to vector<1xi32>
        %squeeze3A_1991 = vector.extract %slice3A_1990[0] : i32 from vector<1xi32>
        %shift_right_logical3A_1992 = arith.constant 7 : i32
        %shift_right_logical3A_1993 = arith.shrui %squeeze3A_1991, %shift_right_logical3A_1992 : i32
        %shift_left3A_1994 = arith.constant 7 : i32
        %shift_left3A_1995 = arith.shli %shift_right_logical3A_1993, %shift_left3A_1994 : i32
        %multiple_of3A_1996 = tpu.assume_multiple %shift_left3A_1995, 128 : i32
        %dma_start3A_1997 = arith.constant 13 : i32
        %dma_start3A_1998 = arith.constant 640 : i32
        %dma_start3A_1999 = arith.constant 0 : i32
        %dma_start3A_2000 = tpu.memref_slice %arg14[%dma_start3A_1998, %dma_start3A_1999] : memref<768x128xf32, #tpu.memory_space<vmem>> -> memref<16x128xf32, #tpu.memory_space<vmem>>
        %dma_start3A_2001 = arith.constant 0 : i32
        %dma_start3A_2002 = tpu.memref_slice %arg7[%dma_start3A_2001, %multiple_of3A_1996] : memref<16x1000000xf32, #tpu.memory_space<hbm>> -> memref<16x128xf32, #tpu.memory_space<hbm>>
        %dma_start3A_2003 = tpu.memref_slice %arg17[%dma_start3A_1997] : memref<16x!tpu.dma_semaphore, #tpu.memory_space<semaphore_mem>> -> memref<1x!tpu.dma_semaphore, #tpu.memory_space<semaphore_mem>>
        %dma_start3A_2004 = tpu.memref_squeeze %dma_start3A_2003 : memref<1x!tpu.dma_semaphore, #tpu.memory_space<semaphore_mem>> -> memref<!tpu.dma_semaphore, #tpu.memory_space<semaphore_mem>>
        %dma_start3A_2005 = arith.constant 640 : i32
        %dma_start3A_2006 = arith.constant 0 : i32
        %dma_start3A_2007 = tpu.memref_slice %arg14[%dma_start3A_2005, %dma_start3A_2006] : memref<768x128xf32, #tpu.memory_space<vmem>> -> memref<16x128xf32, #tpu.memory_space<vmem>>
        %dma_start3A_2008 = arith.constant 0 : i32
        %dma_start3A_2009 = tpu.memref_slice %arg7[%dma_start3A_2008, %multiple_of3A_1996] : memref<16x1000000xf32, #tpu.memory_space<hbm>> -> memref<16x128xf32, #tpu.memory_space<hbm>>
        tpu.enqueue_dma source(%dma_start3A_2009 : memref<16x128xf32, #tpu.memory_space<hbm>>) target(%dma_start3A_2007 : memref<16x128xf32, #tpu.memory_space<vmem>>) target_semaphore(%dma_start3A_2004 : memref<!tpu.dma_semaphore, #tpu.memory_space<semaphore_mem>>)
        %slice3A_2010 = vector.extract_strided_slice %get3A_1045 {offsets = [13], sizes = [1], strides = [1]} : vector<16xi32> to vector<1xi32>
        %squeeze3A_2011 = vector.extract %slice3A_2010[0] : i32 from vector<1xi32>
        %shift_right_logical3A_2012 = arith.constant 7 : i32
        %shift_right_logical3A_2013 = arith.shrui %squeeze3A_2011, %shift_right_logical3A_2012 : i32
        %shift_left3A_2014 = arith.constant 7 : i32
        %shift_left3A_2015 = arith.shli %shift_right_logical3A_2013, %shift_left3A_2014 : i32
        %multiple_of3A_2016 = tpu.assume_multiple %shift_left3A_2015, 128 : i32
        %dma_start3A_2017 = arith.constant 13 : i32
        %dma_start3A_2018 = arith.constant 656 : i32
        %dma_start3A_2019 = arith.constant 0 : i32
        %dma_start3A_2020 = tpu.memref_slice %arg14[%dma_start3A_2018, %dma_start3A_2019] : memref<768x128xf32, #tpu.memory_space<vmem>> -> memref<16x128xf32, #tpu.memory_space<vmem>>
        %dma_start3A_2021 = arith.constant 0 : i32
        %dma_start3A_2022 = tpu.memref_slice %arg8[%dma_start3A_2021, %multiple_of3A_2016] : memref<16x1000000xf32, #tpu.memory_space<hbm>> -> memref<16x128xf32, #tpu.memory_space<hbm>>
        %dma_start3A_2023 = tpu.memref_slice %arg17[%dma_start3A_2017] : memref<16x!tpu.dma_semaphore, #tpu.memory_space<semaphore_mem>> -> memref<1x!tpu.dma_semaphore, #tpu.memory_space<semaphore_mem>>
        %dma_start3A_2024 = tpu.memref_squeeze %dma_start3A_2023 : memref<1x!tpu.dma_semaphore, #tpu.memory_space<semaphore_mem>> -> memref<!tpu.dma_semaphore, #tpu.memory_space<semaphore_mem>>
        %dma_start3A_2025 = arith.constant 656 : i32
        %dma_start3A_2026 = arith.constant 0 : i32
        %dma_start3A_2027 = tpu.memref_slice %arg14[%dma_start3A_2025, %dma_start3A_2026] : memref<768x128xf32, #tpu.memory_space<vmem>> -> memref<16x128xf32, #tpu.memory_space<vmem>>
        %dma_start3A_2028 = arith.constant 0 : i32
        %dma_start3A_2029 = tpu.memref_slice %arg8[%dma_start3A_2028, %multiple_of3A_2016] : memref<16x1000000xf32, #tpu.memory_space<hbm>> -> memref<16x128xf32, #tpu.memory_space<hbm>>
        tpu.enqueue_dma source(%dma_start3A_2029 : memref<16x128xf32, #tpu.memory_space<hbm>>) target(%dma_start3A_2027 : memref<16x128xf32, #tpu.memory_space<vmem>>) target_semaphore(%dma_start3A_2024 : memref<!tpu.dma_semaphore, #tpu.memory_space<semaphore_mem>>)
      } else {
      }
      %dma_wait3A_1852 = arith.constant 14 : i32
      %dma_wait3A_1853 = arith.constant 672 : i32
      %dma_wait3A_1854 = arith.constant 0 : i32
      %dma_wait3A_1855 = tpu.memref_slice %arg14[%dma_wait3A_1853, %dma_wait3A_1854] : memref<768x128xf32, #tpu.memory_space<vmem>> -> memref<48x128xf32, #tpu.memory_space<vmem>>
      %dma_wait3A_1856 = tpu.memref_slice %arg17[%dma_wait3A_1852] : memref<16x!tpu.dma_semaphore, #tpu.memory_space<semaphore_mem>> -> memref<1x!tpu.dma_semaphore, #tpu.memory_space<semaphore_mem>>
      %dma_wait3A_1857 = tpu.memref_squeeze %dma_wait3A_1856 : memref<1x!tpu.dma_semaphore, #tpu.memory_space<semaphore_mem>> -> memref<!tpu.dma_semaphore, #tpu.memory_space<semaphore_mem>>
      %dma_wait3A_1858 = arith.constant 672 : i32
      %dma_wait3A_1859 = arith.constant 0 : i32
      %dma_wait3A_1860 = tpu.memref_slice %arg14[%dma_wait3A_1858, %dma_wait3A_1859] : memref<768x128xf32, #tpu.memory_space<vmem>> -> memref<48x128xf32, #tpu.memory_space<vmem>>
      tpu.wait_dma2 semaphore(%dma_wait3A_1857 : memref<!tpu.dma_semaphore, #tpu.memory_space<semaphore_mem>>) src(%arg16 : memref<48x128xf32, #tpu.memory_space<hbm>>) dst(%dma_wait3A_1860 : memref<48x128xf32, #tpu.memory_space<vmem>>)
      %slice3A_1861 = vector.extract_strided_slice %get3A_1018 {offsets = [14], sizes = [1], strides = [1]} : vector<16xi32> to vector<1xi32>
      %squeeze3A_1862 = vector.extract %slice3A_1861[0] : i32 from vector<1xi32>
      %and3A_1863 = arith.constant 127 : i32
      %and3A_1864 = arith.andi %squeeze3A_1862, %and3A_1863 : i32
      %broadcast_in_dim3A_1865 = vector.broadcast %and3A_1864 : i32 to vector<16xi32>
      %add3A_1866 = arith.constant 672 : i32
      %add3A_1867 = vector.broadcast %add3A_1866 : i32 to vector<16xi32>
      %add3A_1868 = arith.addi %add3A_1867, %iota3A : vector<16xi32>
      %gather3A_1869 = tpu.vector_load_idx %arg14[%add3A_1868, %broadcast_in_dim3A_1865] : memref<768x128xf32, #tpu.memory_space<vmem>>[vector<16xi32>, vector<16xi32>], vector<16xf32>,
      %slice3A_1870 = vector.extract_strided_slice %get3A_1022 {offsets = [14], sizes = [1], strides = [1]} : vector<16xi32> to vector<1xi32>
      %squeeze3A_1871 = vector.extract %slice3A_1870[0] : i32 from vector<1xi32>
      %and3A_1872 = arith.constant 127 : i32
      %and3A_1873 = arith.andi %squeeze3A_1871, %and3A_1872 : i32
      %broadcast_in_dim3A_1874 = vector.broadcast %and3A_1873 : i32 to vector<16xi32>
      %add3A_1875 = arith.constant 688 : i32
      %add3A_1876 = vector.broadcast %add3A_1875 : i32 to vector<16xi32>
      %add3A_1877 = arith.addi %add3A_1876, %iota3A : vector<16xi32>
      %gather3A_1878 = tpu.vector_load_idx %arg14[%add3A_1877, %broadcast_in_dim3A_1874] : memref<768x128xf32, #tpu.memory_space<vmem>>[vector<16xi32>, vector<16xi32>], vector<16xf32>,
      %slice3A_1879 = vector.extract_strided_slice %get3A_1026 {offsets = [14], sizes = [1], strides = [1]} : vector<16xi32> to vector<1xi32>
      %squeeze3A_1880 = vector.extract %slice3A_1879[0] : i32 from vector<1xi32>
      %and3A_1881 = arith.constant 127 : i32
      %and3A_1882 = arith.andi %squeeze3A_1880, %and3A_1881 : i32
      %broadcast_in_dim3A_1883 = vector.broadcast %and3A_1882 : i32 to vector<16xi32>
      %add3A_1884 = arith.constant 704 : i32
      %add3A_1885 = vector.broadcast %add3A_1884 : i32 to vector<16xi32>
      %add3A_1886 = arith.addi %add3A_1885, %iota3A : vector<16xi32>
      %gather3A_1887 = tpu.vector_load_idx %arg14[%add3A_1886, %broadcast_in_dim3A_1883] : memref<768x128xf32, #tpu.memory_space<vmem>>[vector<16xi32>, vector<16xi32>], vector<16xf32>,
      %mul3A_1888 = arith.mulf %gather3A_1869, %gather3A_1878 : vector<16xf32>
      %mul3A_1889 = arith.mulf %mul3A_1888, %gather3A_1887 : vector<16xf32>
      %eq3A_1890 = arith.constant 14 : i32
      %eq3A_1891 = vector.broadcast %eq3A_1890 : i32 to vector<16xi32>
      %eq3A_1892 = arith.cmpi eq, %iota3A, %eq3A_1891 : vector<16xi32>
      %reduce_sum3A_1893 = arith.constant true
      %reduce_sum3A_1894 = vector.broadcast %reduce_sum3A_1893 : i1 to vector<16xi1>
      %reduce_sum3A_1895 = tpu.scan <sum>, %mul3A_1889 masked %reduce_sum3A_1894 : vector<16xf32>, vector<16xi1> -> vector<16xf32>
      %reduce_sum3A_1896 = vector.extract %reduce_sum3A_1895[15] : f32 from vector<16xf32>
      %broadcast_in_dim3A_1897 = vector.broadcast %reduce_sum3A_1896 : f32 to vector<16xf32>
      %select_n3A_1898 = arith.select %eq3A_1892, %broadcast_in_dim3A_1897, %select_n3A_1840 : vector<16xi1>, vector<16xf32>
      %mul3A_1899 = arith.mulf %gather3A_1869, %gather3A_1869 : vector<16xf32>
      %add3A_1900 = arith.addf %add3A_1846, %mul3A_1899 : vector<16xf32>
      %mul3A_1901 = arith.mulf %gather3A_1878, %gather3A_1878 : vector<16xf32>
      %add3A_1902 = arith.addf %add3A_1900, %mul3A_1901 : vector<16xf32>
      %mul3A_1903 = arith.mulf %gather3A_1887, %gather3A_1887 : vector<16xf32>
      %add3A_1904 = arith.addf %add3A_1902, %mul3A_1903 : vector<16xf32>
      %lt3A_1905 = arith.constant 31 : i32
      %lt3A_1906 = arith.cmpi slt, %scan3A_1012, %lt3A_1905 : i32
      %convert_element_type3A_1907 = arith.extui %lt3A_1906 : i1 to i32
      %cond3A_1908 = arith.constant 0 : i32
      %cond3A_1909 = arith.cmpi ne, %convert_element_type3A_1907, %cond3A_1908 : i32
      scf.if %cond3A_1909 {
        %slice3A_1970 = vector.extract_strided_slice %get3A_1037 {offsets = [14], sizes = [1], strides = [1]} : vector<16xi32> to vector<1xi32>
        %squeeze3A_1971 = vector.extract %slice3A_1970[0] : i32 from vector<1xi32>
        %shift_right_logical3A_1972 = arith.constant 7 : i32
        %shift_right_logical3A_1973 = arith.shrui %squeeze3A_1971, %shift_right_logical3A_1972 : i32
        %shift_left3A_1974 = arith.constant 7 : i32
        %shift_left3A_1975 = arith.shli %shift_right_logical3A_1973, %shift_left3A_1974 : i32
        %multiple_of3A_1976 = tpu.assume_multiple %shift_left3A_1975, 128 : i32
        %dma_start3A_1977 = arith.constant 14 : i32
        %dma_start3A_1978 = arith.constant 672 : i32
        %dma_start3A_1979 = arith.constant 0 : i32
        %dma_start3A_1980 = tpu.memref_slice %arg14[%dma_start3A_1978, %dma_start3A_1979] : memref<768x128xf32, #tpu.memory_space<vmem>> -> memref<16x128xf32, #tpu.memory_space<vmem>>
        %dma_start3A_1981 = arith.constant 0 : i32
        %dma_start3A_1982 = tpu.memref_slice %arg6[%dma_start3A_1981, %multiple_of3A_1976] : memref<16x1000000xf32, #tpu.memory_space<hbm>> -> memref<16x128xf32, #tpu.memory_space<hbm>>
        %dma_start3A_1983 = tpu.memref_slice %arg17[%dma_start3A_1977] : memref<16x!tpu.dma_semaphore, #tpu.memory_space<semaphore_mem>> -> memref<1x!tpu.dma_semaphore, #tpu.memory_space<semaphore_mem>>
        %dma_start3A_1984 = tpu.memref_squeeze %dma_start3A_1983 : memref<1x!tpu.dma_semaphore, #tpu.memory_space<semaphore_mem>> -> memref<!tpu.dma_semaphore, #tpu.memory_space<semaphore_mem>>
        %dma_start3A_1985 = arith.constant 672 : i32
        %dma_start3A_1986 = arith.constant 0 : i32
        %dma_start3A_1987 = tpu.memref_slice %arg14[%dma_start3A_1985, %dma_start3A_1986] : memref<768x128xf32, #tpu.memory_space<vmem>> -> memref<16x128xf32, #tpu.memory_space<vmem>>
        %dma_start3A_1988 = arith.constant 0 : i32
        %dma_start3A_1989 = tpu.memref_slice %arg6[%dma_start3A_1988, %multiple_of3A_1976] : memref<16x1000000xf32, #tpu.memory_space<hbm>> -> memref<16x128xf32, #tpu.memory_space<hbm>>
        tpu.enqueue_dma source(%dma_start3A_1989 : memref<16x128xf32, #tpu.memory_space<hbm>>) target(%dma_start3A_1987 : memref<16x128xf32, #tpu.memory_space<vmem>>) target_semaphore(%dma_start3A_1984 : memref<!tpu.dma_semaphore, #tpu.memory_space<semaphore_mem>>)
        %slice3A_1990 = vector.extract_strided_slice %get3A_1041 {offsets = [14], sizes = [1], strides = [1]} : vector<16xi32> to vector<1xi32>
        %squeeze3A_1991 = vector.extract %slice3A_1990[0] : i32 from vector<1xi32>
        %shift_right_logical3A_1992 = arith.constant 7 : i32
        %shift_right_logical3A_1993 = arith.shrui %squeeze3A_1991, %shift_right_logical3A_1992 : i32
        %shift_left3A_1994 = arith.constant 7 : i32
        %shift_left3A_1995 = arith.shli %shift_right_logical3A_1993, %shift_left3A_1994 : i32
        %multiple_of3A_1996 = tpu.assume_multiple %shift_left3A_1995, 128 : i32
        %dma_start3A_1997 = arith.constant 14 : i32
        %dma_start3A_1998 = arith.constant 688 : i32
        %dma_start3A_1999 = arith.constant 0 : i32
        %dma_start3A_2000 = tpu.memref_slice %arg14[%dma_start3A_1998, %dma_start3A_1999] : memref<768x128xf32, #tpu.memory_space<vmem>> -> memref<16x128xf32, #tpu.memory_space<vmem>>
        %dma_start3A_2001 = arith.constant 0 : i32
        %dma_start3A_2002 = tpu.memref_slice %arg7[%dma_start3A_2001, %multiple_of3A_1996] : memref<16x1000000xf32, #tpu.memory_space<hbm>> -> memref<16x128xf32, #tpu.memory_space<hbm>>
        %dma_start3A_2003 = tpu.memref_slice %arg17[%dma_start3A_1997] : memref<16x!tpu.dma_semaphore, #tpu.memory_space<semaphore_mem>> -> memref<1x!tpu.dma_semaphore, #tpu.memory_space<semaphore_mem>>
        %dma_start3A_2004 = tpu.memref_squeeze %dma_start3A_2003 : memref<1x!tpu.dma_semaphore, #tpu.memory_space<semaphore_mem>> -> memref<!tpu.dma_semaphore, #tpu.memory_space<semaphore_mem>>
        %dma_start3A_2005 = arith.constant 688 : i32
        %dma_start3A_2006 = arith.constant 0 : i32
        %dma_start3A_2007 = tpu.memref_slice %arg14[%dma_start3A_2005, %dma_start3A_2006] : memref<768x128xf32, #tpu.memory_space<vmem>> -> memref<16x128xf32, #tpu.memory_space<vmem>>
        %dma_start3A_2008 = arith.constant 0 : i32
        %dma_start3A_2009 = tpu.memref_slice %arg7[%dma_start3A_2008, %multiple_of3A_1996] : memref<16x1000000xf32, #tpu.memory_space<hbm>> -> memref<16x128xf32, #tpu.memory_space<hbm>>
        tpu.enqueue_dma source(%dma_start3A_2009 : memref<16x128xf32, #tpu.memory_space<hbm>>) target(%dma_start3A_2007 : memref<16x128xf32, #tpu.memory_space<vmem>>) target_semaphore(%dma_start3A_2004 : memref<!tpu.dma_semaphore, #tpu.memory_space<semaphore_mem>>)
        %slice3A_2010 = vector.extract_strided_slice %get3A_1045 {offsets = [14], sizes = [1], strides = [1]} : vector<16xi32> to vector<1xi32>
        %squeeze3A_2011 = vector.extract %slice3A_2010[0] : i32 from vector<1xi32>
        %shift_right_logical3A_2012 = arith.constant 7 : i32
        %shift_right_logical3A_2013 = arith.shrui %squeeze3A_2011, %shift_right_logical3A_2012 : i32
        %shift_left3A_2014 = arith.constant 7 : i32
        %shift_left3A_2015 = arith.shli %shift_right_logical3A_2013, %shift_left3A_2014 : i32
        %multiple_of3A_2016 = tpu.assume_multiple %shift_left3A_2015, 128 : i32
        %dma_start3A_2017 = arith.constant 14 : i32
        %dma_start3A_2018 = arith.constant 704 : i32
        %dma_start3A_2019 = arith.constant 0 : i32
        %dma_start3A_2020 = tpu.memref_slice %arg14[%dma_start3A_2018, %dma_start3A_2019] : memref<768x128xf32, #tpu.memory_space<vmem>> -> memref<16x128xf32, #tpu.memory_space<vmem>>
        %dma_start3A_2021 = arith.constant 0 : i32
        %dma_start3A_2022 = tpu.memref_slice %arg8[%dma_start3A_2021, %multiple_of3A_2016] : memref<16x1000000xf32, #tpu.memory_space<hbm>> -> memref<16x128xf32, #tpu.memory_space<hbm>>
        %dma_start3A_2023 = tpu.memref_slice %arg17[%dma_start3A_2017] : memref<16x!tpu.dma_semaphore, #tpu.memory_space<semaphore_mem>> -> memref<1x!tpu.dma_semaphore, #tpu.memory_space<semaphore_mem>>
        %dma_start3A_2024 = tpu.memref_squeeze %dma_start3A_2023 : memref<1x!tpu.dma_semaphore, #tpu.memory_space<semaphore_mem>> -> memref<!tpu.dma_semaphore, #tpu.memory_space<semaphore_mem>>
        %dma_start3A_2025 = arith.constant 704 : i32
        %dma_start3A_2026 = arith.constant 0 : i32
        %dma_start3A_2027 = tpu.memref_slice %arg14[%dma_start3A_2025, %dma_start3A_2026] : memref<768x128xf32, #tpu.memory_space<vmem>> -> memref<16x128xf32, #tpu.memory_space<vmem>>
        %dma_start3A_2028 = arith.constant 0 : i32
        %dma_start3A_2029 = tpu.memref_slice %arg8[%dma_start3A_2028, %multiple_of3A_2016] : memref<16x1000000xf32, #tpu.memory_space<hbm>> -> memref<16x128xf32, #tpu.memory_space<hbm>>
        tpu.enqueue_dma source(%dma_start3A_2029 : memref<16x128xf32, #tpu.memory_space<hbm>>) target(%dma_start3A_2027 : memref<16x128xf32, #tpu.memory_space<vmem>>) target_semaphore(%dma_start3A_2024 : memref<!tpu.dma_semaphore, #tpu.memory_space<semaphore_mem>>)
      } else {
      }
      %dma_wait3A_1910 = arith.constant 15 : i32
      %dma_wait3A_1911 = arith.constant 720 : i32
      %dma_wait3A_1912 = arith.constant 0 : i32
      %dma_wait3A_1913 = tpu.memref_slice %arg14[%dma_wait3A_1911, %dma_wait3A_1912] : memref<768x128xf32, #tpu.memory_space<vmem>> -> memref<48x128xf32, #tpu.memory_space<vmem>>
      %dma_wait3A_1914 = tpu.memref_slice %arg17[%dma_wait3A_1910] : memref<16x!tpu.dma_semaphore, #tpu.memory_space<semaphore_mem>> -> memref<1x!tpu.dma_semaphore, #tpu.memory_space<semaphore_mem>>
      %dma_wait3A_1915 = tpu.memref_squeeze %dma_wait3A_1914 : memref<1x!tpu.dma_semaphore, #tpu.memory_space<semaphore_mem>> -> memref<!tpu.dma_semaphore, #tpu.memory_space<semaphore_mem>>
      %dma_wait3A_1916 = arith.constant 720 : i32
      %dma_wait3A_1917 = arith.constant 0 : i32
      %dma_wait3A_1918 = tpu.memref_slice %arg14[%dma_wait3A_1916, %dma_wait3A_1917] : memref<768x128xf32, #tpu.memory_space<vmem>> -> memref<48x128xf32, #tpu.memory_space<vmem>>
      tpu.wait_dma2 semaphore(%dma_wait3A_1915 : memref<!tpu.dma_semaphore, #tpu.memory_space<semaphore_mem>>) src(%arg16 : memref<48x128xf32, #tpu.memory_space<hbm>>) dst(%dma_wait3A_1918 : memref<48x128xf32, #tpu.memory_space<vmem>>)
      %slice3A_1919 = vector.extract_strided_slice %get3A_1018 {offsets = [15], sizes = [1], strides = [1]} : vector<16xi32> to vector<1xi32>
      %squeeze3A_1920 = vector.extract %slice3A_1919[0] : i32 from vector<1xi32>
      %and3A_1921 = arith.constant 127 : i32
      %and3A_1922 = arith.andi %squeeze3A_1920, %and3A_1921 : i32
      %broadcast_in_dim3A_1923 = vector.broadcast %and3A_1922 : i32 to vector<16xi32>
      %add3A_1924 = arith.constant 720 : i32
      %add3A_1925 = vector.broadcast %add3A_1924 : i32 to vector<16xi32>
      %add3A_1926 = arith.addi %add3A_1925, %iota3A : vector<16xi32>
      %gather3A_1927 = tpu.vector_load_idx %arg14[%add3A_1926, %broadcast_in_dim3A_1923] : memref<768x128xf32, #tpu.memory_space<vmem>>[vector<16xi32>, vector<16xi32>], vector<16xf32>,
      %slice3A_1928 = vector.extract_strided_slice %get3A_1022 {offsets = [15], sizes = [1], strides = [1]} : vector<16xi32> to vector<1xi32>
      %squeeze3A_1929 = vector.extract %slice3A_1928[0] : i32 from vector<1xi32>
      %and3A_1930 = arith.constant 127 : i32
      %and3A_1931 = arith.andi %squeeze3A_1929, %and3A_1930 : i32
      %broadcast_in_dim3A_1932 = vector.broadcast %and3A_1931 : i32 to vector<16xi32>
      %add3A_1933 = arith.constant 736 : i32
      %add3A_1934 = vector.broadcast %add3A_1933 : i32 to vector<16xi32>
      %add3A_1935 = arith.addi %add3A_1934, %iota3A : vector<16xi32>
      %gather3A_1936 = tpu.vector_load_idx %arg14[%add3A_1935, %broadcast_in_dim3A_1932] : memref<768x128xf32, #tpu.memory_space<vmem>>[vector<16xi32>, vector<16xi32>], vector<16xf32>,
      %slice3A_1937 = vector.extract_strided_slice %get3A_1026 {offsets = [15], sizes = [1], strides = [1]} : vector<16xi32> to vector<1xi32>
      %squeeze3A_1938 = vector.extract %slice3A_1937[0] : i32 from vector<1xi32>
      %and3A_1939 = arith.constant 127 : i32
      %and3A_1940 = arith.andi %squeeze3A_1938, %and3A_1939 : i32
      %broadcast_in_dim3A_1941 = vector.broadcast %and3A_1940 : i32 to vector<16xi32>
      %add3A_1942 = arith.constant 752 : i32
      %add3A_1943 = vector.broadcast %add3A_1942 : i32 to vector<16xi32>
      %add3A_1944 = arith.addi %add3A_1943, %iota3A : vector<16xi32>
      %gather3A_1945 = tpu.vector_load_idx %arg14[%add3A_1944, %broadcast_in_dim3A_1941] : memref<768x128xf32, #tpu.memory_space<vmem>>[vector<16xi32>, vector<16xi32>], vector<16xf32>,
      %mul3A_1946 = arith.mulf %gather3A_1927, %gather3A_1936 : vector<16xf32>
      %mul3A_1947 = arith.mulf %mul3A_1946, %gather3A_1945 : vector<16xf32>
      %eq3A_1948 = arith.constant 15 : i32
      %eq3A_1949 = vector.broadcast %eq3A_1948 : i32 to vector<16xi32>
      %eq3A_1950 = arith.cmpi eq, %iota3A, %eq3A_1949 : vector<16xi32>
      %reduce_sum3A_1951 = arith.constant true
      %reduce_sum3A_1952 = vector.broadcast %reduce_sum3A_1951 : i1 to vector<16xi1>
      %reduce_sum3A_1953 = tpu.scan <sum>, %mul3A_1947 masked %reduce_sum3A_1952 : vector<16xf32>, vector<16xi1> -> vector<16xf32>
      %reduce_sum3A_1954 = vector.extract %reduce_sum3A_1953[15] : f32 from vector<16xf32>
      %broadcast_in_dim3A_1955 = vector.broadcast %reduce_sum3A_1954 : f32 to vector<16xf32>
      %select_n3A_1956 = arith.select %eq3A_1950, %broadcast_in_dim3A_1955, %select_n3A_1898 : vector<16xi1>, vector<16xf32>
      %mul3A_1957 = arith.mulf %gather3A_1927, %gather3A_1927 : vector<16xf32>
      %add3A_1958 = arith.addf %add3A_1904, %mul3A_1957 : vector<16xf32>
      %mul3A_1959 = arith.mulf %gather3A_1936, %gather3A_1936 : vector<16xf32>
      %add3A_1960 = arith.addf %add3A_1958, %mul3A_1959 : vector<16xf32>
      %mul3A_1961 = arith.mulf %gather3A_1945, %gather3A_1945 : vector<16xf32>
      %add3A_1962 = arith.addf %add3A_1960, %mul3A_1961 : vector<16xf32>
      %lt3A_1963 = arith.constant 31 : i32
      %lt3A_1964 = arith.cmpi slt, %scan3A_1012, %lt3A_1963 : i32
      %convert_element_type3A_1965 = arith.extui %lt3A_1964 : i1 to i32
      %cond3A_1966 = arith.constant 0 : i32
      %cond3A_1967 = arith.cmpi ne, %convert_element_type3A_1965, %cond3A_1966 : i32
      scf.if %cond3A_1967 {
        %slice3A_1970 = vector.extract_strided_slice %get3A_1037 {offsets = [15], sizes = [1], strides = [1]} : vector<16xi32> to vector<1xi32>
        %squeeze3A_1971 = vector.extract %slice3A_1970[0] : i32 from vector<1xi32>
        %shift_right_logical3A_1972 = arith.constant 7 : i32
        %shift_right_logical3A_1973 = arith.shrui %squeeze3A_1971, %shift_right_logical3A_1972 : i32
        %shift_left3A_1974 = arith.constant 7 : i32
        %shift_left3A_1975 = arith.shli %shift_right_logical3A_1973, %shift_left3A_1974 : i32
        %multiple_of3A_1976 = tpu.assume_multiple %shift_left3A_1975, 128 : i32
        %dma_start3A_1977 = arith.constant 15 : i32
        %dma_start3A_1978 = arith.constant 720 : i32
        %dma_start3A_1979 = arith.constant 0 : i32
        %dma_start3A_1980 = tpu.memref_slice %arg14[%dma_start3A_1978, %dma_start3A_1979] : memref<768x128xf32, #tpu.memory_space<vmem>> -> memref<16x128xf32, #tpu.memory_space<vmem>>
        %dma_start3A_1981 = arith.constant 0 : i32
        %dma_start3A_1982 = tpu.memref_slice %arg6[%dma_start3A_1981, %multiple_of3A_1976] : memref<16x1000000xf32, #tpu.memory_space<hbm>> -> memref<16x128xf32, #tpu.memory_space<hbm>>
        %dma_start3A_1983 = tpu.memref_slice %arg17[%dma_start3A_1977] : memref<16x!tpu.dma_semaphore, #tpu.memory_space<semaphore_mem>> -> memref<1x!tpu.dma_semaphore, #tpu.memory_space<semaphore_mem>>
        %dma_start3A_1984 = tpu.memref_squeeze %dma_start3A_1983 : memref<1x!tpu.dma_semaphore, #tpu.memory_space<semaphore_mem>> -> memref<!tpu.dma_semaphore, #tpu.memory_space<semaphore_mem>>
        %dma_start3A_1985 = arith.constant 720 : i32
        %dma_start3A_1986 = arith.constant 0 : i32
        %dma_start3A_1987 = tpu.memref_slice %arg14[%dma_start3A_1985, %dma_start3A_1986] : memref<768x128xf32, #tpu.memory_space<vmem>> -> memref<16x128xf32, #tpu.memory_space<vmem>>
        %dma_start3A_1988 = arith.constant 0 : i32
        %dma_start3A_1989 = tpu.memref_slice %arg6[%dma_start3A_1988, %multiple_of3A_1976] : memref<16x1000000xf32, #tpu.memory_space<hbm>> -> memref<16x128xf32, #tpu.memory_space<hbm>>
        tpu.enqueue_dma source(%dma_start3A_1989 : memref<16x128xf32, #tpu.memory_space<hbm>>) target(%dma_start3A_1987 : memref<16x128xf32, #tpu.memory_space<vmem>>) target_semaphore(%dma_start3A_1984 : memref<!tpu.dma_semaphore, #tpu.memory_space<semaphore_mem>>)
        %slice3A_1990 = vector.extract_strided_slice %get3A_1041 {offsets = [15], sizes = [1], strides = [1]} : vector<16xi32> to vector<1xi32>
        %squeeze3A_1991 = vector.extract %slice3A_1990[0] : i32 from vector<1xi32>
        %shift_right_logical3A_1992 = arith.constant 7 : i32
        %shift_right_logical3A_1993 = arith.shrui %squeeze3A_1991, %shift_right_logical3A_1992 : i32
        %shift_left3A_1994 = arith.constant 7 : i32
        %shift_left3A_1995 = arith.shli %shift_right_logical3A_1993, %shift_left3A_1994 : i32
        %multiple_of3A_1996 = tpu.assume_multiple %shift_left3A_1995, 128 : i32
        %dma_start3A_1997 = arith.constant 15 : i32
        %dma_start3A_1998 = arith.constant 736 : i32
        %dma_start3A_1999 = arith.constant 0 : i32
        %dma_start3A_2000 = tpu.memref_slice %arg14[%dma_start3A_1998, %dma_start3A_1999] : memref<768x128xf32, #tpu.memory_space<vmem>> -> memref<16x128xf32, #tpu.memory_space<vmem>>
        %dma_start3A_2001 = arith.constant 0 : i32
        %dma_start3A_2002 = tpu.memref_slice %arg7[%dma_start3A_2001, %multiple_of3A_1996] : memref<16x1000000xf32, #tpu.memory_space<hbm>> -> memref<16x128xf32, #tpu.memory_space<hbm>>
        %dma_start3A_2003 = tpu.memref_slice %arg17[%dma_start3A_1997] : memref<16x!tpu.dma_semaphore, #tpu.memory_space<semaphore_mem>> -> memref<1x!tpu.dma_semaphore, #tpu.memory_space<semaphore_mem>>
        %dma_start3A_2004 = tpu.memref_squeeze %dma_start3A_2003 : memref<1x!tpu.dma_semaphore, #tpu.memory_space<semaphore_mem>> -> memref<!tpu.dma_semaphore, #tpu.memory_space<semaphore_mem>>
        %dma_start3A_2005 = arith.constant 736 : i32
        %dma_start3A_2006 = arith.constant 0 : i32
        %dma_start3A_2007 = tpu.memref_slice %arg14[%dma_start3A_2005, %dma_start3A_2006] : memref<768x128xf32, #tpu.memory_space<vmem>> -> memref<16x128xf32, #tpu.memory_space<vmem>>
        %dma_start3A_2008 = arith.constant 0 : i32
        %dma_start3A_2009 = tpu.memref_slice %arg7[%dma_start3A_2008, %multiple_of3A_1996] : memref<16x1000000xf32, #tpu.memory_space<hbm>> -> memref<16x128xf32, #tpu.memory_space<hbm>>
        tpu.enqueue_dma source(%dma_start3A_2009 : memref<16x128xf32, #tpu.memory_space<hbm>>) target(%dma_start3A_2007 : memref<16x128xf32, #tpu.memory_space<vmem>>) target_semaphore(%dma_start3A_2004 : memref<!tpu.dma_semaphore, #tpu.memory_space<semaphore_mem>>)
        %slice3A_2010 = vector.extract_strided_slice %get3A_1045 {offsets = [15], sizes = [1], strides = [1]} : vector<16xi32> to vector<1xi32>
        %squeeze3A_2011 = vector.extract %slice3A_2010[0] : i32 from vector<1xi32>
        %shift_right_logical3A_2012 = arith.constant 7 : i32
        %shift_right_logical3A_2013 = arith.shrui %squeeze3A_2011, %shift_right_logical3A_2012 : i32
        %shift_left3A_2014 = arith.constant 7 : i32
        %shift_left3A_2015 = arith.shli %shift_right_logical3A_2013, %shift_left3A_2014 : i32
        %multiple_of3A_2016 = tpu.assume_multiple %shift_left3A_2015, 128 : i32
        %dma_start3A_2017 = arith.constant 15 : i32
        %dma_start3A_2018 = arith.constant 752 : i32
        %dma_start3A_2019 = arith.constant 0 : i32
        %dma_start3A_2020 = tpu.memref_slice %arg14[%dma_start3A_2018, %dma_start3A_2019] : memref<768x128xf32, #tpu.memory_space<vmem>> -> memref<16x128xf32, #tpu.memory_space<vmem>>
        %dma_start3A_2021 = arith.constant 0 : i32
        %dma_start3A_2022 = tpu.memref_slice %arg8[%dma_start3A_2021, %multiple_of3A_2016] : memref<16x1000000xf32, #tpu.memory_space<hbm>> -> memref<16x128xf32, #tpu.memory_space<hbm>>
        %dma_start3A_2023 = tpu.memref_slice %arg17[%dma_start3A_2017] : memref<16x!tpu.dma_semaphore, #tpu.memory_space<semaphore_mem>> -> memref<1x!tpu.dma_semaphore, #tpu.memory_space<semaphore_mem>>
        %dma_start3A_2024 = tpu.memref_squeeze %dma_start3A_2023 : memref<1x!tpu.dma_semaphore, #tpu.memory_space<semaphore_mem>> -> memref<!tpu.dma_semaphore, #tpu.memory_space<semaphore_mem>>
        %dma_start3A_2025 = arith.constant 752 : i32
        %dma_start3A_2026 = arith.constant 0 : i32
        %dma_start3A_2027 = tpu.memref_slice %arg14[%dma_start3A_2025, %dma_start3A_2026] : memref<768x128xf32, #tpu.memory_space<vmem>> -> memref<16x128xf32, #tpu.memory_space<vmem>>
        %dma_start3A_2028 = arith.constant 0 : i32
        %dma_start3A_2029 = tpu.memref_slice %arg8[%dma_start3A_2028, %multiple_of3A_2016] : memref<16x1000000xf32, #tpu.memory_space<hbm>> -> memref<16x128xf32, #tpu.memory_space<hbm>>
        tpu.enqueue_dma source(%dma_start3A_2029 : memref<16x128xf32, #tpu.memory_space<hbm>>) target(%dma_start3A_2027 : memref<16x128xf32, #tpu.memory_space<vmem>>) target_semaphore(%dma_start3A_2024 : memref<!tpu.dma_semaphore, #tpu.memory_space<semaphore_mem>>)
      } else {
      }
      %sub3A = arith.subf %select_n3A_1956, %get3A_1030 : vector<16xf32>
      %mul3A_1968 = arith.mulf %sub3A, %sub3A : vector<16xf32>
      %add3A_1969 = arith.addf %scan3A_1013, %mul3A_1968 : vector<16xf32>
      scf.yield %add3A_1969, %add3A_1962 : vector<16xf32>, vector<16xf32>
    }
    %scan3A_1006 = arith.constant 32 : i32
    %mul3A_1007 = arith.constant 0.00999999977 : f32
    %mul3A_1008 = vector.broadcast %mul3A_1007 : f32 to vector<16xf32>
    %mul3A_1009 = arith.mulf %mul3A_1008, %scan3A_1005#1 : vector<16xf32>
    %add3A_1010 = arith.addf %mul3A_1009, %scan3A_1005#0 : vector<16xf32>
    %swap3A = arith.constant 0 : index
    %swap3A_1011 = tpu.vector_load %arg15[%swap3A] {strides = array<i32>} : memref<16xf32, #tpu.memory_space<vmem>>, vector<16xf32>,
    tpu.vector_store %arg15[%swap3A], %add3A_1010 {strides = array<i32>} : memref<16xf32, #tpu.memory_space<vmem>>, vector<16xf32>,
    "tpu.region"() ({
      %run_scoped3A = tpu.sem_alloc : memref<!tpu.dma_semaphore, #tpu.memory_space<semaphore_mem>>
      %dma_start3A_1012 = arith.constant 0 : i32
      %dma_start3A_1013 = tpu.memref_slice %arg9[%add3A, %dma_start3A_1012] : memref<32x16xf32, #tpu.memory_space<hbm>> -> memref<1x16xf32, #tpu.memory_space<hbm>>
      %dma_start3A_1014 = tpu.memref_squeeze %dma_start3A_1013 : memref<1x16xf32, #tpu.memory_space<hbm>> -> memref<16xf32, #tpu.memory_space<hbm>>
      %dma_start3A_1015 = arith.constant 0 : i32
      %dma_start3A_1016 = tpu.memref_slice %arg9[%add3A, %dma_start3A_1015] : memref<32x16xf32, #tpu.memory_space<hbm>> -> memref<1x16xf32, #tpu.memory_space<hbm>>
      %dma_start3A_1017 = tpu.memref_squeeze %dma_start3A_1016 : memref<1x16xf32, #tpu.memory_space<hbm>> -> memref<16xf32, #tpu.memory_space<hbm>>
      tpu.enqueue_dma source(%arg15 : memref<16xf32, #tpu.memory_space<vmem>>) target(%dma_start3A_1017 : memref<16xf32, #tpu.memory_space<hbm>>) target_semaphore(%run_scoped3A : memref<!tpu.dma_semaphore, #tpu.memory_space<semaphore_mem>>)
      %dma_wait3A_1018 = arith.constant 0 : i32
      %dma_wait3A_1019 = tpu.memref_slice %arg9[%add3A, %dma_wait3A_1018] : memref<32x16xf32, #tpu.memory_space<hbm>> -> memref<1x16xf32, #tpu.memory_space<hbm>>
      %dma_wait3A_1020 = tpu.memref_squeeze %dma_wait3A_1019 : memref<1x16xf32, #tpu.memory_space<hbm>> -> memref<16xf32, #tpu.memory_space<hbm>>
      %dma_wait3A_1021 = arith.constant 0 : i32
      %dma_wait3A_1022 = tpu.memref_slice %arg9[%add3A, %dma_wait3A_1021] : memref<32x16xf32, #tpu.memory_space<hbm>> -> memref<1x16xf32, #tpu.memory_space<hbm>>
      %dma_wait3A_1023 = tpu.memref_squeeze %dma_wait3A_1022 : memref<1x16xf32, #tpu.memory_space<hbm>> -> memref<16xf32, #tpu.memory_space<hbm>>
      tpu.wait_dma2 semaphore(%run_scoped3A : memref<!tpu.dma_semaphore, #tpu.memory_space<semaphore_mem>>) src(%arg15 : memref<16xf32, #tpu.memory_space<vmem>>) dst(%dma_wait3A_1023 : memref<16xf32, #tpu.memory_space<hbm>>)
      tpu.yield
    }) : () -> ()
    return
  }
}

</mosaic_0001>

<sc_bundles>
// kernel: _partials.3.cloned.1.call-start
scs
__scs_entry_jumppad:
0x0: {  	(pc) =	sbr.rel $0x88, $3  }
0x1: {  	(tag) =	ssettag $0x0;
	lr =	simm.s32 $0x1  }
0x2: {  	[smem:$0x3F9A] =	sst lr;
	_ =	strace $0xD0000000  }
0x3: {  	_ = 	snop  }
0x4: {  	_ = 	snop  }
0x5: {  	_ = 	snop  }
0x6: {  	_ = 	snop  }
0x7: {  	_ = 	snop  }
__scs_overlays_trampoline_lowered:
0x8: {  	[smem:$0x3FA9] =	sst s0  }
0x9: {  	[smem:$0x3FAA] =	sst s1  }
0xa: {  	[smem:$0x3FAB] =	sst s2  }
0xb: {  	[smem:$0x3FAC] =	sst s3  }
0xc: {  	[smem:$0x3FAD] =	sst s4  }
0xd: {  	[smem:$0x3FAE] =	sst s5  }
0xe: {  	[smem:$0x3FAF] =	sst s6  }
0xf: {  	[smem:$0x3FB0] =	sst s7  }
0x10: {  	[smem:$0x3FB1] =	sst s8  }
0x11: {  	[smem:$0x3FB2] =	sst s9;
	s0 =	simm.s32 @!p0 $0x0  }
0x12: {  	s1 =	sld [smem:$0x3F98];
	s0 =	simm.s32 @p0 $0x1  }
0x13: {  	[smem:$0x3FB3] =	sst s0;
	s0 =	simm.s32 @!p1 $0x0  }
0x14: {  	s2 =	sld [smem:$0x3F97];
	s0 =	simm.s32 @p1 $0x1  }
0x15: {  	[smem:$0x3FB4] =	sst s0;
	s0 =	simm.s32 @!p2 $0x0  }
0x16: {  	s3 =	sld [smem:$0x3FDB];
	s0 =	simm.s32 @p2 $0x1  }
0x17: {  	s4 =	simm.s32 $0x1BF5;
	[smem:$0x3FB6] =	sst s0  }
0x18: {  	s0 =	sld [smem:$0x3F99];
	_ =	swait.ge [sflag:s4], $0x0  }
0x19: {  	s7 =	sld [smem:$0x3F9A]  }
0x1a: {  	s8 =	sadd.s32 $0xFFFFE003, lr  }
0x1b: {  	s9 =	sadd.s32 $0xFFFFFEF7, lr;
	s5 =	simm.s32 $0xFFFFFFFF;
	p2 =	slt.u32 s8, $0xFFFFF086  }
0x1c: {  	p1 =	slt.u32 s9, $0xF7A;
	s5 =	simm.s32 @!p2 $0x0  }
0x1d: {  	s5 =	simm.s32 @p1 $0x1;
	p0 =	seq.s32 s7, s2  }
0x1e: {  	s7 =	smul.u32 @!p0 $0xF7A, s2;
	p2 =	seq.s32 @!p0 s5, $0x0  }
0x1f: {  	s9 =	smul.u32 $0xF7A, s1;
	s8 =	simm.s32 @!p0 $0x1BF5;
	p2 =	por !p2, p0  }
0x20: {  	[sflag:s8] =	ssyncset.s32 @!p0 $0xFFFFF086;
	s6 =	sadd.s32 @!p0 s3, s7;
	s7 =	simm.s32 @!p0 $0x108  }
0x21: {  	s3 =	sadd.s32 s3, s9;
	s6 =	sadd.s32 @!p0 $0x88, s6;
	s7 =	simm.s32 @p2 $0x1082  }
0x22: {  	[simem:s7], [sflag:s8] =	dma.local @!p0 [hbm:s6], $0xF7A  }
0x23: {  	s9 =	sor.u32 $0xD0000000, s2;
	s6 =	simm.s32 $0x108;
	_ =	swait.ge @!p0 [sflag:s8], $0x0  }
0x24: {  	s3 =	sadd.s32 $0x88, s3;
	s6 =	simm.s32 @!p1 $0x1082;
	[sflag:s4] =	ssyncset.s32 $0xFFFFF086  }
0x25: {  	[simem:s6], [sflag:s4] =	dma.local [hbm:s3], $0xF7A  }
0x26: {  	[smem:$0x3F9A] =	sst s1;
	(tag) =	ssettag s2;
	_ =	strace s9  }
0x27: {  	s1 =	sld [smem:$0x3FAA]  }
0x28: {  	s2 =	sld [smem:$0x3FAB]  }
0x29: {  	s4 =	sld [smem:$0x3FAD]  }
0x2a: {  	p0 =	seq.s32 s5, $0x0;
	s5 =	sld [smem:$0x3FAE]  }
0x2b: {  	s6 =	sld [smem:$0x3FAF]  }
0x2c: {  	s7 =	sld [smem:$0x3FB0]  }
0x2d: {  	s3 =	simm.s32 $0x108;
	s8 =	sld [smem:$0x3FB1]  }
0x2e: {  	s3 =	simm.s32 @!p0 $0x1082;
	s9 =	sld [smem:$0x3FB2]  }
0x2f: {  	lr =	sadd.s32 s0, s3;
	s0 =	sld [smem:$0x3FA9]  }
0x30: {  	s3 =	sld [smem:$0x3FAC]  }
0x31: {  	[smem:$0x3FB5] =	sst s10  }
0x32: {  	s10 =	sld [smem:$0x3FB3];
	_ =	sdelay $0x3  }
0x33: {  	p0 =	seq.s32 s10, $0x1;
	s10 =	sld [smem:$0x3FB5];
	_ =	sdelay $0x3  }
0x34: {  	[smem:$0x3FB5] =	sst s10  }
0x35: {  	s10 =	sld [smem:$0x3FB4];
	_ =	sdelay $0x3  }
0x36: {  	p1 =	seq.s32 s10, $0x1;
	s10 =	sld [smem:$0x3FB5];
	_ =	sdelay $0x3  }
0x37: {  	[smem:$0x3FB5] =	sst s10  }
0x38: {  	s10 =	sld [smem:$0x3FB6]  }
0x39: {  	_ = 	snop;
	(pc) =	sbr.ind lr, $3  }
0x3a: {  	_ = 	snop  }
0x3b: {  	_ = 	snop  }
0x3c: {  	p2 =	seq.s32 s10, $0x1;
	s10 =	sld [smem:$0x3FB5]  }
0x3d: {  	_ =	shalt  }
0x3e: {  	_ =	shalt  }
0x3f: {  	_ =	shalt  }
0x40: {  	_ =	shalt  }
0x41: {  	_ =	shalt  }
0x42: {  	_ =	shalt  }
0x43: {  	_ =	shalt  }
0x44: {  	_ =	shalt  }
0x45: {  	_ =	shalt  }
0x46: {  	_ =	shalt  }
0x47: {  	_ =	shalt  }
0x48: {  	_ =	shalt  }
0x49: {  	_ =	shalt  }
0x4a: {  	_ =	shalt  }
0x4b: {  	_ =	shalt  }
0x4c: {  	_ =	shalt  }
0x4d: {  	_ =	shalt  }
0x4e: {  	_ =	shalt  }
0x4f: {  	_ =	shalt  }
0x50: {  	_ =	shalt  }
0x51: {  	_ =	shalt  }
0x52: {  	_ =	shalt  }
0x53: {  	_ =	shalt  }
0x54: {  	_ =	shalt  }
0x55: {  	_ =	shalt  }
0x56: {  	_ =	shalt  }
0x57: {  	_ =	shalt  }
0x58: {  	_ =	shalt  }
0x59: {  	_ =	shalt  }
0x5a: {  	_ =	shalt  }
0x5b: {  	_ =	shalt  }
0x5c: {  	_ =	shalt  }
0x5d: {  	_ =	shalt  }
0x5e: {  	_ =	shalt  }
0x5f: {  	_ =	shalt  }
0x60: {  	_ =	shalt  }
0x61: {  	_ =	shalt  }
0x62: {  	_ =	shalt  }
0x63: {  	_ =	shalt  }
0x64: {  	_ =	shalt  }
0x65: {  	_ =	shalt  }
0x66: {  	_ =	shalt  }
0x67: {  	_ =	shalt  }
0x68: {  	_ =	shalt  }
0x69: {  	_ =	shalt  }
0x6a: {  	_ =	shalt  }
0x6b: {  	_ =	shalt  }
0x6c: {  	_ =	shalt  }
0x6d: {  	_ =	shalt  }
0x6e: {  	_ =	shalt  }
0x6f: {  	_ =	shalt  }
0x70: {  	_ =	shalt  }
0x71: {  	_ =	shalt  }
0x72: {  	_ =	shalt  }
0x73: {  	_ =	shalt  }
0x74: {  	_ =	shalt  }
0x75: {  	_ =	shalt  }
0x76: {  	_ =	shalt  }
0x77: {  	_ =	shalt  }
0x78: {  	_ =	shalt  }
0x79: {  	_ =	shalt  }
0x7a: {  	_ =	shalt  }
0x7b: {  	_ =	shalt  }
0x7c: {  	_ =	shalt  }
0x7d: {  	_ =	shalt  }
0x7e: {  	_ =	shalt  }
0x7f: {  	_ =	shalt  }
0x80: {  	_ =	shalt  }
0x81: {  	_ =	shalt  }
0x82: {  	_ =	shalt  }
0x83: {  	_ =	shalt  }
0x84: {  	_ =	shalt  }
0x85: {  	_ =	shalt  }
0x86: {  	_ =	shalt  }
0x87: {  	_ =	shalt  }
.Lfunc_end0:
.L_simem_size_0:
called_computation_lowered:
.L_overlay_start_0:
0x88: {  	s2 =	sld [smem:$0x3FD9]  }
0x89: {  	s3 =	sld [smem:$0x3FFE];
	_ =	sdelay $0x1  }
0x8a: {  	s1 =	srdreg.scid  }
0x8b: {  	s0 =	sand.u32 $0x1, s1  }
0x8c: {  	s17 =	sshll.u32 s0, $0xA;
	s2 =	sadd.s32 s3, s2  }
0x8d: {  	s2 =	sadd.s32 s2, s17  }
0x8e: {  	[smem:$0x3FC1] =	sst s2  }
0x8f: {  	_ = 	snop  }
0x90: {  	s2 =	sld [smem:$0x3FC9]  }
0x91: {  	s18 =	sld [smem:$0x3FC8]  }
0x92: {  	s4 =	sld [smem:$0x3FC7]  }
0x93: {  	s5 =	sld [smem:$0x3FC6]  }
0x94: {  	s6 =	sld [smem:$0x3FC5]  }
0x95: {  	s7 =	sld [smem:$0x3FC4]  }
0x96: {  	s8 =	sld [smem:$0x3FC3];
	(tm) =	ssettm $0x1  }
0x97: {  	s9 =	sld [smem:$0x3FFB];
	_ =	sdelay $0x3  }
0x98: {  	_ =	strace s9  }
0x99: {  	s9 =	sld [smem:$0x3FFC];
	_ =	sdelay $0x3  }
0x9a: {  	_ =	strace s9  }
0x9b: {  	s9 =	sld [smem:$0x3FFD];
	_ =	sdelay $0x3  }
0x9c: {  	_ =	strace s9  }
0x9d: {  	_ =	strace $0x8FFFFFFF  }
0x9e: {  	s19 =	sld [smem:$0x3FDB];
	_ =	sdelay $0x1  }
0x9f: {  	s10 =	simm.s32 $_scs_section_size  }
0xa0: {  	s11 =	simm.s32 $_size__tile_overlayer_lowered;
	s12 =	simm.s32 $_tile_overlayer_lowered  }
0xa1: {  	s22 =	simm.s32 $0x1BFF;
	s21 =	sshll.u32 s12, $0x1;
	s9 =	sadd.s32 s10, s19  }
0xa2: {  	s13 =	simm.s32 $0x0;
	s20 =	sshll.u32 s11, $0x1;
	s11 =	sadd.s32 s21, s9  }
0xa3: {  	[timem:s13], [sflag:s22] =	dma.local [hbm:s11], s20  }
0xa4: {  	_ =	swait.ge [sflag:s22], s20  }
0xa5: {  	s10 =	ssub.s32 $0x0, s20;
	[sflag:s22] =	ssyncset.done $0x0  }
0xa6: {  	[sflag:s22] =	ssyncadd.s32 s10;
	_ =	sdelay $0x1  }
0xa7: {  	s23 =	simm.s32 $0x1B8B  }
0xa8: {  	_ =	swait.ge [sflag:s23], $0x1  }
0xa9: {  	[sflag:s23] =	ssyncset.done $0x0  }
0xaa: {  	s25 =	simm.s32 $0x1B8E;
	s24 =	sld [smem:$0x3FFE];
	[sflag:s23] =	ssyncadd.s32 $0xFFFFFFFF  }
0xab: {  	s26 =	simm.s32 $execute0_lowered;
	[smem:$0x3FD2] =	sst s25  }
0xac: {  	s11 =	sshll.u32 s26, $0x1;
	_ =	strace $0x80000046;
	[dreg:$0x1] =	wrdreg $0xFFFFFFFF  }
0xad: {  	s28 =	simm.s32 $_size_execute0_lowered;
	s9 =	sadd.s32 s9, s11;
	[dreg:$0x0] =	wrdreg $0x0  }
0xae: {  	s11 =	sshll.u32 s28, $0x1;
	[dreg:$0x2] =	wrdreg s9  }
0xaf: {  	[dreg:$0x3] =	wrdreg s11  }
0xb0: {  	[dreg:$0x4] =	wrdreg $0xC0  }
0xb1: {  	_ =	task [dreg:s13], $0x5FFFF  }
0xb2: {  	[dreg:$0x1] =	wrdreg $0xFFFFFFFF  }
0xb3: {  	[dreg:$0x0] =	wrdreg $0x60  }
0xb4: {  	[dreg:$0x2] =	wrdreg s2  }
0xb5: {  	[dreg:$0x3] =	wrdreg s18  }
0xb6: {  	[dreg:$0x4] =	wrdreg s4  }
0xb7: {  	[dreg:$0x5] =	wrdreg s5  }
0xb8: {  	[dreg:$0x6] =	wrdreg s6  }
0xb9: {  	[dreg:$0x7] =	wrdreg s7  }
0xba: {  	[dreg:$0x8] =	wrdreg s8  }
0xbb: {  	[dreg:$0x9] =	wrdreg s24  }
0xbc: {  	[dreg:$0xa] =	wrdreg $0x9  }
0xbd: {  	_ =	task.clear_ibuf [dreg:s13], $0xBFFFF;
	_ =	strace $0x90000046  }
0xbe: {  	s29 =	simm.s32 $0x9;
	_ =	strace $0x80000048  }
0xbf: {  	_ =	swait.ge [sflag:s29], $0x1  }
0xc0: {  	[sflag:s29] =	ssyncadd.s32 $0xFFFFFFFF  }
0xc1: {  	_ =	strace $0x90000048  }
0xc2: {  	_ =	sfence  }
0xc3: {  	s30 =	sld [smem:$0x0];
	_ =	sdelay $0x2  }
0xc4: {  	s31 =	sshll.u32 s1, $0xD;
	s1 =	sshrl.u32 s1, $0x2  }
0xc5: {  	s3 =	sand.u32 $0x4000, s31;
	s1 =	sadd.s32 s1, s30  }
0xc6: {  	s0 =	sor.u32 s3, s0;
	s1 =	sshll.u32 s1, $0x11  }
0xc7: {  	s0 =	sor.u32 s1, s0  }
0xc8: {  	s0 =	sadd.s32 $0x8F2B, s0  }
0xc9: {  	[sflag:s0] =	ssyncadd.remote.s32 $0x1  }
0xca: {  	_ =	sfence.sel $0xFFFF  }
0xcb: {  	[dreg:$0x0] =	wrdreg $0xFFFFFFFF;
	(pc) =	sbr.abs _section_cstart, $3  }
0xcc: {  	[dreg:$0x1] =	wrdreg $0xFFFFFFFF  }
0xcd: {  	_ =	task.clear_ibuf [dreg:s13], $0x2FFFF;
	_ =	strace $0x9FFFFFFF  }
0xce: {  	(tm) =	ssettm $0x7FFFFFFF  }
0xcf: {  	_ =	shalt  }
tec
execute0_lowered:
.L_overlay_start_1:
0x0: {  	(tag) =	ssettag $0x1  }
0x1: {  	s0 =	rddreg [dreg:$0x0]  }
0x2: {  	s3 =	rddreg [dreg:$0x1]  }
0x3: {  	s5 =	rddreg [dreg:$0x2]  }
0x4: {  	s6 =	rddreg [dreg:$0x3]  }
0x5: {  	s1 =	rddreg [dreg:$0x4]  }
0x6: {  	s2 =	rddreg [dreg:$0x5];
	v0 =	vlaneseq.u32  }
0x7: {  	s4 =	rddreg [dreg:$0x6];
	s18 =	simm.s32 $0x0;
	v0 =	vmul.u32 $0x80, v0  }
0x8: {  	[smem:$0x7FF] =	sst s18  }
0x9: {  	s7 =	rddreg [dreg:$0x7];
	_ =	strace $0x80000047;
	v1 =	vor.u32 $0x800, v0;
	[tilespmem:$0x1FFE0] =	vst v0  }
0xa: {  	v19 =	vor.u32 $0x1000, v0;
	[tilespmem:$0x1FD00] =	vst v1  }
0xb: {  	v20 =	vor.u32 $0x1800, v0;
	[tilespmem:$0x1FD10] =	vst v19  }
0xc: {  	v21 =	vor.u32 $0x2000, v0;
	[tilespmem:$0x1FD20] =	vst v20  }
0xd: {  	v22 =	vor.u32 $0x2800, v0;
	[tilespmem:$0x1FD30] =	vst v21  }
0xe: {  	v23 =	vor.u32 $0x3000, v0;
	[tilespmem:$0x1FD40] =	vst v22  }
0xf: {  	v24 =	vor.u32 $0x3800, v0;
	[tilespmem:$0x1FD50] =	vst v23  }
0x10: {  	v25 =	vor.u32 $0x4000, v0;
	[tilespmem:$0x1FD60] =	vst v24  }
0x11: {  	v26 =	vor.u32 $0x4800, v0;
	[tilespmem:$0x1FD70] =	vst v25  }
0x12: {  	v27 =	vor.u32 $0x5000, v0;
	[tilespmem:$0x1FD80] =	vst v26  }
0x13: {  	v28 =	vor.u32 $0x5800, v0;
	[tilespmem:$0x1FD90] =	vst v27  }
0x14: {  	v29 =	vor.u32 $0x6000, v0;
	[tilespmem:$0x1FDA0] =	vst v28  }
0x15: {  	v30 =	vor.u32 $0x6800, v0;
	[tilespmem:$0x1FDB0] =	vst v29  }
0x16: {  	v31 =	vor.u32 $0x7000, v0;
	[tilespmem:$0x1FDC0] =	vst v30  }
0x17: {  	v32 =	vor.u32 $0x7800, v0;
	[tilespmem:$0x1FDD0] =	vst v31  }
0x18: {  	v33 =	vor.u32 $0x8000, v0;
	[tilespmem:$0x1FDE0] =	vst v32  }
0x19: {  	v34 =	vor.u32 $0x8800, v0;
	[tilespmem:$0x1FDF0] =	vst v33  }
0x1a: {  	v35 =	vor.u32 $0x9000, v0;
	[tilespmem:$0x1FE00] =	vst v34  }
0x1b: {  	v36 =	vor.u32 $0x9800, v0;
	[tilespmem:$0x1FE10] =	vst v35  }
0x1c: {  	v37 =	vor.u32 $0xA000, v0;
	[tilespmem:$0x1FE20] =	vst v36  }
0x1d: {  	v38 =	vor.u32 $0xA800, v0;
	[tilespmem:$0x1FE30] =	vst v37  }
0x1e: {  	v39 =	vor.u32 $0xB000, v0;
	[tilespmem:$0x1FE40] =	vst v38  }
0x1f: {  	v40 =	vor.u32 $0xB800, v0;
	[tilespmem:$0x1FE50] =	vst v39  }
0x20: {  	v41 =	vor.u32 $0xC000, v0;
	[tilespmem:$0x1FE60] =	vst v40  }
0x21: {  	v42 =	vor.u32 $0xC800, v0;
	[tilespmem:$0x1FE70] =	vst v41  }
0x22: {  	v43 =	vor.u32 $0xD000, v0;
	[tilespmem:$0x1FE80] =	vst v42  }
0x23: {  	v44 =	vor.u32 $0xD800, v0;
	[tilespmem:$0x1FE90] =	vst v43  }
0x24: {  	v45 =	vor.u32 $0xE000, v0;
	[tilespmem:$0x1FEA0] =	vst v44  }
0x25: {  	v46 =	vor.u32 $0xE800, v0;
	[tilespmem:$0x1FEB0] =	vst v45  }
0x26: {  	v47 =	vor.u32 $0xF000, v0;
	[tilespmem:$0x1FEC0] =	vst v46  }
0x27: {  	v48 =	vor.u32 $0xF800, v0;
	[tilespmem:$0x1FED0] =	vst v47  }
0x28: {  	v49 =	vor.u32 $0x10000, v0;
	[tilespmem:$0x1FEE0] =	vst v48  }
0x29: {  	v50 =	vor.u32 $0x10800, v0;
	[tilespmem:$0x1FEF0] =	vst v49  }
0x2a: {  	s8 =	srdreg.scid;
	s9 =	stileid.u32;
	v51 =	vor.u32 $0x11000, v0;
	[tilespmem:$0x1FF00] =	vst v50  }
0x2b: {  	s12 =	simm.s32 $0x1;
	s13 =	simm.s32 $0x2;
	s14 =	simm.s32 $0x3;
	v52 =	vor.u32 $0x11800, v0;
	[tilespmem:$0x1FF10] =	vst v51  }
0x2c: {  	s15 =	simm.s32 $0x4;
	s16 =	simm.s32 $0x7A1400;
	s17 =	simm.s32 $0x800;
	v53 =	vor.u32 $0x12000, v0;
	[tilespmem:$0x1FF20] =	vst v52  }
0x2d: {  	s20 =	simm.s32 $0x5;
	s21 =	simm.s32 $0x6;
	s28 =	simm.s32 $0xC;
	v54 =	vor.u32 $0x12800, v0;
	[tilespmem:$0x1FF30] =	vst v53  }
0x2e: {  	s29 =	simm.s32 $0xD;
	s8 =	sand.u32 $0x1, s8;
	s9 =	sshll.u32 s9, $0x1;
	v55 =	vor.u32 $0x13000, v0;
	[tilespmem:$0x1FF40] =	vst v54  }
0x2f: {  	s30 =	simm.s32 $0xE;
	s31 =	simm.s32 $0xF;
	s9 =	sor.u32 s8, s9;
	v56 =	vor.u32 $0x13800, v0;
	[tilespmem:$0x1FF50] =	vst v55  }
0x30: {  	s8 =	ssub.s32 $0x2, s8;
	s10 =	sshll.u32 s9, $0x4;
	s9 =	sshll.u32 s9, $0x6;
	v57 =	vor.u32 $0x14000, v0;
	[tilespmem:$0x1FF60] =	vst v56  }
0x31: {  	s11 =	sshrl.u32 s8, $0x1;
	v58 =	vor.u32 $0x14800, v0;
	s7 =	sadd.s32 s10, s7;
	s0 =	sadd.s32 s0, s9;
	[tilespmem:$0x1FF70] =	vst v57  }
0x32: {  	vm0 =	vcmask $0x704;
	vm1 =	vcmask $0xB08;
	v59 =	vor.u32 $0x15000, v0;
	s8 =	ssub.s32 s8, s11;
	s22 =	sadd.s32 s3, s9;
	[tilespmem:$0x1FF80] =	vst v58;
	[dreg:$0x9] =	wrdreg s0  }
0x33: {  	vm2 =	vcmask $0xF0C;
	vm3 =	vcmask $0x1310;
	v60 =	vor.u32 $0x15800, v0;
	s23 =	sadd.s32 s5, s9;
	s24 =	sadd.s32 s6, s9;
	[tilespmem:$0x1FF90] =	vst v59;
	[dreg:$0xa] =	wrdreg s22  }
.Ltmp0:
0x34: {  	vm4 =	vcmask $0x1714;
	vm5 =	vcmask $0x1B18;
	v61 =	vor.u32 $0x16000, v0;
	[tilespmem:$0x1FFA0] =	vst v60;
	s6 =	simm.s32 $0x0;
	[dreg:$0xb] =	wrdreg s23;
	(pc) =	sbr.rel .LBB2_1-.Ltmp0, $4  }
0x35: {  	vm6 =	vcmask $0x1F1C;
	vm7 =	vcmask $0x2320;
	v62 =	vor.u32 $0x16800, v0;
	[tilespmem:$0x1FFB0] =	vst v61;
	[dreg:$0xc] =	wrdreg s24;
	s25 =	sadd.s32 $0x400, s7;
	s26 =	smax.u32 s8, $0x1  }
0x36: {  	vm8 =	vcmask $0x2724;
	vm9 =	vcmask $0x2B28;
	v63 =	vor.u32 $0x17000, v0;
	[tilespmem:$0x1FFC0] =	vst v62;
	s22 =	simm.s32 $0x7;
	s23 =	simm.s32 $0x8;
	s24 =	simm.s32 $0x9  }
0x37: {  	vm10 =	vcmask $0x2F2C;
	vm11 =	vcmask $0x3330;
	v0 =	vor.u32 $0x17800, v0;
	[tilespmem:$0x1FFD0] =	vst v63;
	s0 =	simm.s32 $0x10;
	s7 =	simm.s32 $0x400;
	[dreg:$0xd] =	wrdreg s25  }
0x38: {  	vm12 =	vcmask $0x3734;
	vm13 =	vcmask $0x3B38;
	vm14 =	vmmov $0x7fff;
	[tilespmem:$0x1FFF0] =	vst v0;
	[dreg:$0xe] =	wrdreg s26;
	s25 =	simm.s32 $0xA;
	s26 =	simm.s32 $0xB  }
.LBB2_3:
0x39: {  	v0 =	vsub.f32 v0, v56;
	_ =	sdelay $0x1  }
0x3a: {  	v0 =	vmul.f32 v0, v0;
	_ =	sdelay $0x1  }
0x3b: {  	v48 =	vadd.f32 v0, v48  }
.LBB2_5:
0x3c: {  	v0 =	vmul.f32 $9.999999770e-03, v58;
	_ =	sdelay $0x1  }
0x3d: {  	v0 =	vadd.f32 v0, v48  }
0x3e: {  	s18 =	simm.s32 $0x0  }
0x3f: {  	s3 =	rddreg [dreg:$0xd];
	s5 =	simm.s32 $0x18800;
	s11 =	simm.s32 $0x11;
	[tilespmem:$0x18800] =	vst v0  }
0x40: {  	[hbm4b:s3+s18] =	stream.linear.scatter [tilespmem:s5], [sflag:$0x11], $0x80, $0x38;
	[tilespmem:$0x18880] =	vst v63  }
0x41: {  	_ =	swait.ge [sflag:s11], $0x80  }
0x42: {  	s6 =	rddreg [dreg:$0xf]  }
0x43: {  	s19 =	rddreg [dreg:$0xe];
	s6 =	sadd.s32 $0x1, s6  }
0x44: {  	p0 =	sne.s32 s6, s19  }
.Ltmp1:
0x45: {  	_ = 	snop;
	(pc) =	sbr.rel @!p0 .LBB2_6-.Ltmp1, $3  }
0x46: {  	_ =	sdelay $0x1  }
0x47: {  	[sflag:s11] =	ssyncset.done $0x0  }
0x48: {  	[sflag:s11] =	ssyncadd.s32 $0xFFFFFF80  }
.LBB2_1:
0x49: {  	[dreg:$0xf] =	wrdreg s6  }
0x4a: {  	s3 =	rddreg [dreg:$0x9]  }
0x4b: {  	[tilespmem:s18], [sflag:$0x1] =	stream.linear.gather [hbm4b:s3+s18], $0x200, $0x38;
	[tilespmem:$0x18880] =	vst v63  }
0x4c: {  	s9 =	simm.s32 $0x200;
	s8 =	rddreg [dreg:$0xa]  }
0x4d: {  	[tilespmem:s9], [sflag:$0x2] =	stream.linear.gather [hbm4b:s8+s18], $0x200, $0x38;
	[tilespmem:$0x18880] =	vst v63  }
0x4e: {  	s10 =	rddreg [dreg:$0xb]  }
0x4f: {  	[tilespmem:s7], [sflag:$0x3] =	stream.linear.gather [hbm4b:s10+s18], $0x200, $0x38;
	[tilespmem:$0x18880] =	vst v63  }
0x50: {  	s11 =	rddreg [dreg:$0xc];
	s10 =	simm.s32 $0x600  }
0x51: {  	[tilespmem:s10], [sflag:$0x4] =	stream.linear.gather [hbm4b:s11+s18], $0x200, $0x38;
	[tilespmem:$0x18880] =	vst v63  }
0x52: {  	_ =	swait.ge [sflag:s12], $0x200  }
0x53: {  	[sflag:s12] =	ssyncset.done $0x0  }
0x54: {  	[sflag:s12] =	ssyncadd.s32 $0xFFFFFE00  }
0x55: {  	_ =	swait.ge [sflag:s13], $0x200  }
0x56: {  	[sflag:s13] =	ssyncset.done $0x0  }
0x57: {  	[sflag:s13] =	ssyncadd.s32 $0xFFFFFE00  }
0x58: {  	_ =	swait.ge [sflag:s14], $0x200  }
0x59: {  	[sflag:s14] =	ssyncset.done $0x0  }
0x5a: {  	[sflag:s14] =	ssyncadd.s32 $0xFFFFFE00  }
0x5b: {  	_ =	swait.ge [sflag:s15], $0x200  }
0x5c: {  	[sflag:s15] =	ssyncset.done $0x0  }
0x5d: {  	[sflag:s15] =	ssyncadd.s32 $0xFFFFFE00  }
0x5e: {  	v2 =	vld [tilespmem:$0x0]  }
0x5f: {  	v1 =	vld [tilespmem:$0x200];
	_ =	sdelay $0x3  }
0x60: {  	(v2sf) =	vpush v2, $0x0  }
0x61: {  	(v2sf) =	vpush v1, $0x0;
	_ =	sdelay $0x1  }
0x62: {  	v0 =	vld [tilespmem:$0x400];
	_ =	sdelay $0x4  }
0x63: {  	(v2sf) =	vpush v0, $0x0  }
0x64: {  	(v2sf) =	vpush v2, $0x1;
	_ =	sdelay $0x5  }
0x65: {  	s18 =	spop (v2sf);
	(v2sf) =	vpush v1, $0x1  }
0x66: {  	s19 =	spop (v2sf);
	(v2sf) =	vpush v0, $0x1  }
0x67: {  	s3 =	sand.u32 $0xFFFFF80, s18  }
0x68: {  	s3 =	sadd.s32 s1, s3  }
0x69: {  	[tilespmem:s17], [sflag:$0x1] =	stream.strided.gather [hbm4b:s3+s7], $0x800, s16, s7, $0x38;
	[tilespmem:$0x18880] =	vst v63  }
0x6a: {  	s3 =	sand.u32 $0xFFFFF80, s19  }
0x6b: {  	s5 =	simm.s32 $0x1000;
	s3 =	sadd.s32 s2, s3  }
0x6c: {  	(v2sf) =	vpush v2, $0x2;
	[tilespmem:s5], [sflag:$0x1] =	stream.strided.gather [hbm4b:s3+s7], $0x800, s16, s7, $0x38;
	[tilespmem:$0x18880] =	vst v63  }
0x6d: {  	s5 =	spop (v2sf)  }
0x6e: {  	s8 =	spop (v2sf);
	(v2sf) =	vpush v1, $0x2;
	_ =	sdelay $0x5  }
0x6f: {  	s18 =	spop (v2sf);
	(v2sf) =	vpush v0, $0x2  }
0x70: {  	s3 =	sand.u32 $0xFFFFF80, s5;
	s5 =	spop (v2sf);
	(v2sf) =	vpush v2, $0x3;
	_ =	sdelay $0x2  }
0x71: {  	s6 =	simm.s32 $0x1800;
	s3 =	sadd.s32 s4, s3  }
0x72: {  	[tilespmem:s6], [sflag:$0x1] =	stream.strided.gather [hbm4b:s3+s7], $0x800, s16, s7, $0x38;
	[tilespmem:$0x18880] =	vst v63  }
0x73: {  	s3 =	sand.u32 $0xFFFFF80, s8  }
0x74: {  	s11 =	simm.s32 $0x2000;
	s3 =	sadd.s32 s1, s3;
	s8 =	spop (v2sf);
	(v2sf) =	vpush v1, $0x3  }
0x75: {  	[tilespmem:s11], [sflag:$0x2] =	stream.strided.gather [hbm4b:s3+s7], $0x800, s16, s7, $0x38;
	[tilespmem:$0x18880] =	vst v63  }
0x76: {  	s3 =	sand.u32 $0xFFFFF80, s18;
	s18 =	spop (v2sf);
	(v2sf) =	vpush v0, $0x3  }
0x77: {  	s19 =	simm.s32 $0x2800;
	s3 =	sadd.s32 s2, s3  }
0x78: {  	[tilespmem:s19], [sflag:$0x2] =	stream.strided.gather [hbm4b:s3+s7], $0x800, s16, s7, $0x38;
	[tilespmem:$0x18880] =	vst v63  }
0x79: {  	s3 =	sand.u32 $0xFFFFF80, s5  }
0x7a: {  	s6 =	simm.s32 $0x3000;
	s3 =	sadd.s32 s4, s3  }
0x7b: {  	[tilespmem:s6], [sflag:$0x2] =	stream.strided.gather [hbm4b:s3+s7], $0x800, s16, s7, $0x38;
	[tilespmem:$0x18880] =	vst v63  }
0x7c: {  	s5 =	spop (v2sf);
	(v2sf) =	vpush v2, $0x4  }
0x7d: {  	s3 =	sand.u32 $0xFFFFF80, s8;
	s8 =	spop (v2sf);
	(v2sf) =	vpush v1, $0x4;
	_ =	sdelay $0x2  }
0x7e: {  	s11 =	simm.s32 $0x3800;
	s3 =	sadd.s32 s1, s3  }
0x7f: {  	[tilespmem:s11], [sflag:$0x3] =	stream.strided.gather [hbm4b:s3+s7], $0x800, s16, s7, $0x38;
	[tilespmem:$0x18880] =	vst v63  }
0x80: {  	s3 =	sand.u32 $0xFFFFF80, s18  }
0x81: {  	s19 =	simm.s32 $0x4000;
	s3 =	sadd.s32 s2, s3;
	s18 =	spop (v2sf);
	(v2sf) =	vpush v0, $0x4  }
0x82: {  	[tilespmem:s19], [sflag:$0x3] =	stream.strided.gather [hbm4b:s3+s7], $0x800, s16, s7, $0x38;
	[tilespmem:$0x18880] =	vst v63  }
0x83: {  	s3 =	sand.u32 $0xFFFFF80, s5;
	s5 =	spop (v2sf);
	(v2sf) =	vpush v2, $0x5  }
0x84: {  	s6 =	simm.s32 $0x4800;
	s3 =	sadd.s32 s4, s3  }
0x85: {  	[tilespmem:s6], [sflag:$0x3] =	stream.strided.gather [hbm4b:s3+s7], $0x800, s16, s7, $0x38;
	[tilespmem:$0x18880] =	vst v63  }
0x86: {  	s3 =	sand.u32 $0xFFFFF80, s8  }
0x87: {  	s11 =	simm.s32 $0x5000;
	s3 =	sadd.s32 s1, s3  }
0x88: {  	[tilespmem:s11], [sflag:$0x4] =	stream.strided.gather [hbm4b:s3+s7], $0x800, s16, s7, $0x38;
	[tilespmem:$0x18880] =	vst v63  }
0x89: {  	s8 =	spop (v2sf);
	(v2sf) =	vpush v1, $0x5  }
0x8a: {  	s3 =	sand.u32 $0xFFFFF80, s18;
	s18 =	spop (v2sf);
	(v2sf) =	vpush v0, $0x5;
	_ =	sdelay $0x2  }
0x8b: {  	s19 =	simm.s32 $0x5800;
	s3 =	sadd.s32 s2, s3  }
0x8c: {  	[tilespmem:s19], [sflag:$0x4] =	stream.strided.gather [hbm4b:s3+s7], $0x800, s16, s7, $0x38;
	[tilespmem:$0x18880] =	vst v63  }
0x8d: {  	s3 =	sand.u32 $0xFFFFF80, s5  }
0x8e: {  	s6 =	simm.s32 $0x6000;
	s3 =	sadd.s32 s4, s3;
	s5 =	spop (v2sf);
	(v2sf) =	vpush v2, $0x6  }
0x8f: {  	[tilespmem:s6], [sflag:$0x4] =	stream.strided.gather [hbm4b:s3+s7], $0x800, s16, s7, $0x38;
	[tilespmem:$0x18880] =	vst v63  }
0x90: {  	s3 =	sand.u32 $0xFFFFF80, s8;
	s8 =	spop (v2sf);
	(v2sf) =	vpush v1, $0x6  }
0x91: {  	s11 =	simm.s32 $0x6800;
	s3 =	sadd.s32 s1, s3  }
0x92: {  	[tilespmem:s11], [sflag:$0x5] =	stream.strided.gather [hbm4b:s3+s7], $0x800, s16, s7, $0x38;
	[tilespmem:$0x18880] =	vst v63  }
0x93: {  	s3 =	sand.u32 $0xFFFFF80, s18  }
0x94: {  	s19 =	simm.s32 $0x7000;
	s3 =	sadd.s32 s2, s3  }
0x95: {  	[tilespmem:s19], [sflag:$0x5] =	stream.strided.gather [hbm4b:s3+s7], $0x800, s16, s7, $0x38;
	[tilespmem:$0x18880] =	vst v63  }
0x96: {  	s18 =	spop (v2sf);
	(v2sf) =	vpush v0, $0x6  }
0x97: {  	s3 =	sand.u32 $0xFFFFF80, s5;
	s5 =	spop (v2sf);
	(v2sf) =	vpush v2, $0x7;
	_ =	sdelay $0x2  }
0x98: {  	s6 =	simm.s32 $0x7800;
	s3 =	sadd.s32 s4, s3  }
0x99: {  	[tilespmem:s6], [sflag:$0x5] =	stream.strided.gather [hbm4b:s3+s7], $0x800, s16, s7, $0x38;
	[tilespmem:$0x18880] =	vst v63  }
0x9a: {  	s3 =	sand.u32 $0xFFFFF80, s8  }
0x9b: {  	s11 =	simm.s32 $0x8000;
	s3 =	sadd.s32 s1, s3;
	s8 =	spop (v2sf);
	(v2sf) =	vpush v1, $0x7  }
0x9c: {  	[tilespmem:s11], [sflag:$0x6] =	stream.strided.gather [hbm4b:s3+s7], $0x800, s16, s7, $0x38;
	[tilespmem:$0x18880] =	vst v63  }
0x9d: {  	s3 =	sand.u32 $0xFFFFF80, s18;
	s18 =	spop (v2sf);
	(v2sf) =	vpush v0, $0x7  }
0x9e: {  	s19 =	simm.s32 $0x8800;
	s3 =	sadd.s32 s2, s3  }
0x9f: {  	[tilespmem:s19], [sflag:$0x6] =	stream.strided.gather [hbm4b:s3+s7], $0x800, s16, s7, $0x38;
	[tilespmem:$0x18880] =	vst v63  }
0xa0: {  	s3 =	sand.u32 $0xFFFFF80, s5  }
0xa1: {  	s6 =	simm.s32 $0x9000;
	s3 =	sadd.s32 s4, s3  }
0xa2: {  	[tilespmem:s6], [sflag:$0x6] =	stream.strided.gather [hbm4b:s3+s7], $0x800, s16, s7, $0x38;
	[tilespmem:$0x18880] =	vst v63  }
0xa3: {  	s5 =	spop (v2sf);
	(v2sf) =	vpush v2, $0x8  }
0xa4: {  	s3 =	sand.u32 $0xFFFFF80, s8;
	s8 =	spop (v2sf);
	(v2sf) =	vpush v1, $0x8;
	_ =	sdelay $0x2  }
0xa5: {  	s11 =	simm.s32 $0x9800;
	s3 =	sadd.s32 s1, s3  }
0xa6: {  	[tilespmem:s11], [sflag:$0x7] =	stream.strided.gather [hbm4b:s3+s7], $0x800, s16, s7, $0x38;
	[tilespmem:$0x18880] =	vst v63  }
0xa7: {  	s3 =	sand.u32 $0xFFFFF80, s18  }
0xa8: {  	s19 =	simm.s32 $0xA000;
	s3 =	sadd.s32 s2, s3;
	s18 =	spop (v2sf);
	(v2sf) =	vpush v0, $0x8  }
0xa9: {  	[tilespmem:s19], [sflag:$0x7] =	stream.strided.gather [hbm4b:s3+s7], $0x800, s16, s7, $0x38;
	[tilespmem:$0x18880] =	vst v63  }
0xaa: {  	s3 =	sand.u32 $0xFFFFF80, s5;
	s5 =	spop (v2sf);
	(v2sf) =	vpush v2, $0x9  }
0xab: {  	s6 =	simm.s32 $0xA800;
	s3 =	sadd.s32 s4, s3  }
0xac: {  	[tilespmem:s6], [sflag:$0x7] =	stream.strided.gather [hbm4b:s3+s7], $0x800, s16, s7, $0x38;
	[tilespmem:$0x18880] =	vst v63  }
0xad: {  	s3 =	sand.u32 $0xFFFFF80, s8  }
0xae: {  	s11 =	simm.s32 $0xB000;
	s3 =	sadd.s32 s1, s3  }
0xaf: {  	[tilespmem:s11], [sflag:$0x8] =	stream.strided.gather [hbm4b:s3+s7], $0x800, s16, s7, $0x38;
	[tilespmem:$0x18880] =	vst v63  }
0xb0: {  	s8 =	spop (v2sf);
	(v2sf) =	vpush v1, $0x9  }
0xb1: {  	s3 =	sand.u32 $0xFFFFF80, s18;
	s18 =	spop (v2sf);
	(v2sf) =	vpush v0, $0x9;
	_ =	sdelay $0x2  }
0xb2: {  	s19 =	simm.s32 $0xB800;
	s3 =	sadd.s32 s2, s3  }
0xb3: {  	[tilespmem:s19], [sflag:$0x8] =	stream.strided.gather [hbm4b:s3+s7], $0x800, s16, s7, $0x38;
	[tilespmem:$0x18880] =	vst v63  }
0xb4: {  	s3 =	sand.u32 $0xFFFFF80, s5  }
0xb5: {  	s6 =	simm.s32 $0xC000;
	s3 =	sadd.s32 s4, s3;
	s5 =	spop (v2sf);
	(v2sf) =	vpush v2, $0xA  }
0xb6: {  	[tilespmem:s6], [sflag:$0x8] =	stream.strided.gather [hbm4b:s3+s7], $0x800, s16, s7, $0x38;
	[tilespmem:$0x18880] =	vst v63  }
0xb7: {  	s3 =	sand.u32 $0xFFFFF80, s8;
	s8 =	spop (v2sf);
	(v2sf) =	vpush v1, $0xA  }
0xb8: {  	s11 =	simm.s32 $0xC800;
	s3 =	sadd.s32 s1, s3  }
0xb9: {  	[tilespmem:s11], [sflag:$0x9] =	stream.strided.gather [hbm4b:s3+s7], $0x800, s16, s7, $0x38;
	[tilespmem:$0x18880] =	vst v63  }
0xba: {  	s3 =	sand.u32 $0xFFFFF80, s18  }
0xbb: {  	s19 =	simm.s32 $0xD000;
	s3 =	sadd.s32 s2, s3  }
0xbc: {  	[tilespmem:s19], [sflag:$0x9] =	stream.strided.gather [hbm4b:s3+s7], $0x800, s16, s7, $0x38;
	[tilespmem:$0x18880] =	vst v63  }
0xbd: {  	s18 =	spop (v2sf);
	(v2sf) =	vpush v0, $0xA  }
0xbe: {  	s3 =	sand.u32 $0xFFFFF80, s5;
	s5 =	spop (v2sf);
	(v2sf) =	vpush v2, $0xB;
	_ =	sdelay $0x2  }
0xbf: {  	s6 =	simm.s32 $0xD800;
	s3 =	sadd.s32 s4, s3  }
0xc0: {  	[tilespmem:s6], [sflag:$0x9] =	stream.strided.gather [hbm4b:s3+s7], $0x800, s16, s7, $0x38;
	[tilespmem:$0x18880] =	vst v63  }
0xc1: {  	s3 =	sand.u32 $0xFFFFF80, s8  }
0xc2: {  	s11 =	simm.s32 $0xE000;
	s3 =	sadd.s32 s1, s3;
	s8 =	spop (v2sf);
	(v2sf) =	vpush v1, $0xB  }
0xc3: {  	[tilespmem:s11], [sflag:$0xA] =	stream.strided.gather [hbm4b:s3+s7], $0x800, s16, s7, $0x38;
	[tilespmem:$0x18880] =	vst v63  }
0xc4: {  	s3 =	sand.u32 $0xFFFFF80, s18;
	s18 =	spop (v2sf);
	(v2sf) =	vpush v0, $0xB  }
0xc5: {  	s19 =	simm.s32 $0xE800;
	s3 =	sadd.s32 s2, s3  }
0xc6: {  	[tilespmem:s19], [sflag:$0xA] =	stream.strided.gather [hbm4b:s3+s7], $0x800, s16, s7, $0x38;
	[tilespmem:$0x18880] =	vst v63  }
0xc7: {  	s3 =	sand.u32 $0xFFFFF80, s5  }
0xc8: {  	s6 =	simm.s32 $0xF000;
	s3 =	sadd.s32 s4, s3  }
0xc9: {  	[tilespmem:s6], [sflag:$0xA] =	stream.strided.gather [hbm4b:s3+s7], $0x800, s16, s7, $0x38;
	[tilespmem:$0x18880] =	vst v63  }
0xca: {  	s3 =	sand.u32 $0xFFFFF80, s8;
	s5 =	spop (v2sf);
	(v2sf) =	vpush v2, $0xC  }
0xcb: {  	s11 =	simm.s32 $0xF800;
	s3 =	sadd.s32 s1, s3;
	s8 =	spop (v2sf);
	(v2sf) =	vpush v1, $0xC  }
0xcc: {  	[tilespmem:s11], [sflag:$0xB] =	stream.strided.gather [hbm4b:s3+s7], $0x800, s16, s7, $0x38;
	[tilespmem:$0x18880] =	vst v63  }
0xcd: {  	s3 =	sand.u32 $0xFFFFF80, s18  }
0xce: {  	s19 =	simm.s32 $0x10000;
	s3 =	sadd.s32 s2, s3  }
0xcf: {  	[tilespmem:s19], [sflag:$0xB] =	stream.strided.gather [hbm4b:s3+s7], $0x800, s16, s7, $0x38;
	[tilespmem:$0x18880] =	vst v63  }
0xd0: {  	s3 =	sand.u32 $0xFFFFF80, s5  }
0xd1: {  	s6 =	simm.s32 $0x10800;
	s3 =	sadd.s32 s4, s3;
	s18 =	spop (v2sf);
	(v2sf) =	vpush v0, $0xC  }
0xd2: {  	[tilespmem:s6], [sflag:$0xB] =	stream.strided.gather [hbm4b:s3+s7], $0x800, s16, s7, $0x38;
	[tilespmem:$0x18880] =	vst v63  }
0xd3: {  	s3 =	sand.u32 $0xFFFFF80, s8;
	s5 =	spop (v2sf);
	(v2sf) =	vpush v2, $0xD  }
0xd4: {  	s11 =	simm.s32 $0x11000;
	s3 =	sadd.s32 s1, s3  }
0xd5: {  	[tilespmem:s11], [sflag:$0xC] =	stream.strided.gather [hbm4b:s3+s7], $0x800, s16, s7, $0x38;
	[tilespmem:$0x18880] =	vst v63  }
0xd6: {  	s3 =	sand.u32 $0xFFFFF80, s18  }
0xd7: {  	s19 =	simm.s32 $0x11800;
	s3 =	sadd.s32 s2, s3  }
0xd8: {  	[tilespmem:s19], [sflag:$0xC] =	stream.strided.gather [hbm4b:s3+s7], $0x800, s16, s7, $0x38;
	[tilespmem:$0x18880] =	vst v63  }
0xd9: {  	s3 =	sand.u32 $0xFFFFF80, s5;
	s8 =	spop (v2sf);
	(v2sf) =	vpush v1, $0xD  }
0xda: {  	s6 =	simm.s32 $0x12000;
	s3 =	sadd.s32 s4, s3;
	s18 =	spop (v2sf);
	(v2sf) =	vpush v0, $0xD  }
0xdb: {  	[tilespmem:s6], [sflag:$0xC] =	stream.strided.gather [hbm4b:s3+s7], $0x800, s16, s7, $0x38;
	[tilespmem:$0x18880] =	vst v63  }
0xdc: {  	s3 =	sand.u32 $0xFFFFF80, s8;
	(v2sf) =	vpush v2, $0xE  }
0xdd: {  	s11 =	simm.s32 $0x12800;
	s3 =	sadd.s32 s1, s3  }
0xde: {  	[tilespmem:s11], [sflag:$0xD] =	stream.strided.gather [hbm4b:s3+s7], $0x800, s16, s7, $0x38;
	[tilespmem:$0x18880] =	vst v63  }
0xdf: {  	s3 =	sand.u32 $0xFFFFF80, s18  }
0xe0: {  	s19 =	simm.s32 $0x13000;
	s5 =	spop (v2sf);
	s3 =	sadd.s32 s2, s3  }
0xe1: {  	(v2sf) =	vpush v1, $0xE;
	[tilespmem:s19], [sflag:$0xD] =	stream.strided.gather [hbm4b:s3+s7], $0x800, s16, s7, $0x38;
	[tilespmem:$0x18880] =	vst v63  }
0xe2: {  	s3 =	sand.u32 $0xFFFFF80, s5;
	s8 =	spop (v2sf);
	(v2sf) =	vpush v0, $0xE  }
0xe3: {  	s6 =	simm.s32 $0x13800;
	s3 =	sadd.s32 s4, s3  }
0xe4: {  	[tilespmem:s6], [sflag:$0xD] =	stream.strided.gather [hbm4b:s3+s7], $0x800, s16, s7, $0x38;
	[tilespmem:$0x18880] =	vst v63  }
0xe5: {  	s3 =	sand.u32 $0xFFFFF80, s8  }
0xe6: {  	s11 =	simm.s32 $0x14000;
	s3 =	sadd.s32 s1, s3  }
0xe7: {  	[tilespmem:s11], [sflag:$0xE] =	stream.strided.gather [hbm4b:s3+s7], $0x800, s16, s7, $0x38;
	[tilespmem:$0x18880] =	vst v63  }
0xe8: {  	s18 =	spop (v2sf);
	(v2sf) =	vpush v2, $0xF  }
0xe9: {  	s6 =	spop (v2sf);
	(v2sf) =	vpush v1, $0xF  }
0xea: {  	s3 =	sand.u32 $0xFFFFF80, s18  }
0xeb: {  	s19 =	simm.s32 $0x14800;
	s3 =	sadd.s32 s2, s3;
	s11 =	spop (v2sf)  }
0xec: {  	(v2sf) =	vpush v0, $0xF;
	[tilespmem:s19], [sflag:$0xE] =	stream.strided.gather [hbm4b:s3+s7], $0x800, s16, s7, $0x38;
	[tilespmem:$0x18880] =	vst v63  }
0xed: {  	s3 =	sand.u32 $0xFFFFF80, s6  }
0xee: {  	s8 =	simm.s32 $0x15000;
	s3 =	sadd.s32 s4, s3  }
0xef: {  	[tilespmem:s8], [sflag:$0xE] =	stream.strided.gather [hbm4b:s3+s7], $0x800, s16, s7, $0x38;
	[tilespmem:$0x18880] =	vst v63  }
0xf0: {  	s18 =	spop (v2sf);
	s19 =	simm.s32 $0x15800;
	s3 =	sand.u32 $0xFFFFF80, s11  }
0xf1: {  	s6 =	sand.u32 $0xFFFFF80, s18;
	s3 =	sadd.s32 s1, s3;
	s8 =	spop (v2sf)  }
0xf2: {  	[tilespmem:s19], [sflag:$0xF] =	stream.strided.gather [hbm4b:s3+s7], $0x800, s16, s7, $0x38;
	[tilespmem:$0x18880] =	vst v63  }
0xf3: {  	s11 =	simm.s32 $0x16000;
	s3 =	sadd.s32 s2, s6;
	s18 =	sand.u32 $0xFFFFF80, s8  }
0xf4: {  	[tilespmem:s11], [sflag:$0xF] =	stream.strided.gather [hbm4b:s3+s7], $0x800, s16, s7, $0x38;
	[tilespmem:$0x18880] =	vst v63  }
0xf5: {  	s8 =	simm.s32 $0x16800;
	s3 =	sadd.s32 s4, s18  }
0xf6: {  	[tilespmem:s8], [sflag:$0xF] =	stream.strided.gather [hbm4b:s3+s7], $0x800, s16, s7, $0x38;
	[tilespmem:$0x18880] =	vst v63  }
0xf7: {  	s19 =	spop (v2sf)  }
0xf8: {  	s11 =	sand.u32 $0xFFFFF80, s19;
	s18 =	spop (v2sf)  }
0xf9: {  	s19 =	simm.s32 $0x17000;
	s3 =	sadd.s32 s1, s11;
	s8 =	sand.u32 $0xFFFFF80, s18  }
0xfa: {  	[tilespmem:s19], [sflag:$0x10] =	stream.strided.gather [hbm4b:s3+s7], $0x800, s16, s7, $0x38;
	[tilespmem:$0x18880] =	vst v63  }
0xfb: {  	s11 =	simm.s32 $0x17800;
	s18 =	spop (v2sf);
	s3 =	sadd.s32 s2, s8  }
0xfc: {  	[tilespmem:s11], [sflag:$0x10] =	stream.strided.gather [hbm4b:s3+s7], $0x800, s16, s7, $0x38;
	[tilespmem:$0x18880] =	vst v63  }
0xfd: {  	s5 =	simm.s32 $0x0;
	s6 =	simm.s32 $0x400;
	s3 =	sand.u32 $0xFFFFF80, s18  }
0xfe: {  	s19 =	simm.s32 $0x18000;
	s11 =	simm.s32 $0xFFFFFFE0;
	s3 =	sadd.s32 s4, s3  }
0xff: {  	v48 =	vimm.f32 $0.0e+00;
	v58 =	vimm.f32 $0.0e+00;
	[tilespmem:s19], [sflag:$0x10] =	stream.strided.gather [hbm4b:s3+s7], $0x800, s16, s7, $0x38;
	[tilespmem:$0x18880] =	vst v63  }
.LBB2_2:
0x100: {  	v55 =	vld [tilespmem:s5+$0x0]  }
0x101: {  	v54 =	vld [tilespmem:s9+$0x0];
	s3 =	sadd.s32 $0x21, s11  }
0x102: {  	v53 =	vld [tilespmem:s6+$0x0];
	s3 =	smin.u32 s3, $0x1F  }
0x103: {  	v56 =	vld [tilespmem:s10+$0x0];
	s3 =	sshll.u32 s3, $0x4  }
0x104: {  	v50 =	vld [tilespmem:s3+$0x0]  }
0x105: {  	v51 =	vld [tilespmem:s3+$0x200]  }
0x106: {  	v52 =	vld [tilespmem:s3+$0x400];
	_ =	swait.ge [sflag:s12], $0x1800  }
0x107: {  	(v2sf) =	vpush v55, $0x0  }
0x108: {  	(v2sf) =	vpush v54, $0x0;
	_ =	sdelay $0x1  }
0x109: {  	(v2sf) =	vpush v53, $0x0;
	_ =	sdelay $0x8  }
0x10a: {  	v0 =	vld [tilespmem:$0x1FFE0]  }
0x10b: {  	v1 =	vld [tilespmem:$0x1FD00];
	_ =	sdelay $0x1  }
0x10c: {  	p0 =	seq.s32 s11, $0xFFFFFFFF;
	v2 =	vld [tilespmem:$0x1FD10];
	s19 =	spop (v2sf)  }
0x10d: {  	(v2sf) =	vpush @!p0 v50, $0x0;
	s3 =	sand.u32 $0x7F, s19;
	s8 =	spop (v2sf)  }
0x10e: {  	v0 =	vor.u32 s3, v0;
	s8 =	sand.u32 $0x7F, s8  }
0x10f: {  	s18 =	spop (v2sf);
	v1 =	vor.u32 s8, v1  }
0x110: {  	s3 =	sand.u32 $0x7F, s18  }
0x111: {  	[sflag:s12] =	ssyncset.done $0x0;
	(v2sf) =	vpush @!p0 v51, $0x0;
	v2 =	vor.u32 s3, v2  }
0x112: {  	[sflag:s12] =	ssyncadd.s32 $0xFFFFE800  }
0x113: {  	v63 =	vld.idx.msk [tilespmem:v0+s17+$0x0], $0xffff  }
0x114: {  	v62 =	vld.idx.msk [tilespmem:v1+s17+$0x0], $0xffff  }
0x115: {  	(v2sf) =	vpush @!p0 v52, $0x0  }
0x116: {  	v61 =	vld.idx.msk [tilespmem:v2+s17+$0x0], $0xffff;
	_ =	sdelay $0x2  }
0x117: {  	v0 =	vmul.f32 v62, v63;
	_ =	sdelay $0x1  }
0x118: {  	v0 =	vmul.f32 v61, v0  }
0x119: {  	s3 =	spop @!p0 (v2sf)  }
0x11a: {  	s19 =	simm.s32 @!p0 $0x800;
	s3 =	sand.u32 @!p0 $0xFFFFF80, s3;
	(xrf2) =	vadd.scan.msk.f32 $0xffff, v0  }
0x11b: {  	s8 =	simm.s32 @!p0 $0x400;
	s18 =	sadd.s32 @!p0 s1, s3;
	s3 =	simm.s32 @!p0 $0x7A1400  }
0x11c: {  	[tilespmem:s19], [sflag:$0x1] =	stream.strided.gather @!p0 [hbm4b:s18+s8], $0x800, s3, s8, $0x38;
	[tilespmem:$0x18880] =	vst v63  }
0x11d: {  	s18 =	spop @!p0 (v2sf)  }
0x11e: {  	s18 =	sand.u32 @!p0 $0xFFFFF80, s18  }
0x11f: {  	s19 =	simm.s32 @!p0 $0x1000;
	s18 =	sadd.s32 @!p0 s2, s18  }
0x120: {  	[tilespmem:s19], [sflag:$0x1] =	stream.strided.gather @!p0 [hbm4b:s18+s8], $0x800, s3, s8, $0x38;
	[tilespmem:$0x18880] =	vst v63  }
0x121: {  	s18 =	spop @!p0 (v2sf)  }
0x122: {  	s18 =	sand.u32 @!p0 $0xFFFFF80, s18  }
0x123: {  	s19 =	simm.s32 @!p0 $0x1800;
	s18 =	sadd.s32 @!p0 s4, s18  }
0x124: {  	[tilespmem:s19], [sflag:$0x1] =	stream.strided.gather @!p0 [hbm4b:s18+s8], $0x800, s3, s8, $0x38;
	v0, _, _ =	vpop (xrf2);
	[tilespmem:$0x18880] =	vst v63  }
0x125: {  	[tilespmem:$0x1FCF0] =	vst v0  }
0x126: {  	_ =	swait.ge [sflag:s13], $0x1800  }
0x127: {  	(v2sf) =	vpush v55, $0x1  }
0x128: {  	(v2sf) =	vpush v54, $0x1;
	_ =	sdelay $0x1  }
0x129: {  	(v2sf) =	vpush v53, $0x1;
	_ =	sdelay $0x8  }
0x12a: {  	v0 =	vld [tilespmem:$0x1FD20]  }
0x12b: {  	v1 =	vld [tilespmem:$0x1FD30];
	_ =	sdelay $0x1  }
0x12c: {  	v2 =	vld [tilespmem:$0x1FD40];
	s19 =	spop (v2sf)  }
0x12d: {  	(v2sf) =	vpush @!p0 v50, $0x1;
	s18 =	sand.u32 $0x7F, s19;
	s19 =	spop (v2sf)  }
0x12e: {  	v0 =	vor.u32 s18, v0;
	s19 =	sand.u32 $0x7F, s19  }
0x12f: {  	v1 =	vor.u32 s19, v1;
	s19 =	spop (v2sf)  }
0x130: {  	s18 =	sand.u32 $0x7F, s19  }
0x131: {  	[sflag:s13] =	ssyncset.done $0x0;
	(v2sf) =	vpush @!p0 v51, $0x1;
	v3 =	vor.u32 s18, v2  }
0x132: {  	[sflag:s13] =	ssyncadd.s32 $0xFFFFE800  }
0x133: {  	v4 =	vld.idx.msk [tilespmem:v0+s17+$0x0], $0xffff  }
0x134: {  	v2 =	vld.idx.msk [tilespmem:v1+s17+$0x0], $0xffff  }
0x135: {  	(v2sf) =	vpush @!p0 v52, $0x1  }
0x136: {  	v1 =	vld.idx.msk [tilespmem:v3+s17+$0x0], $0xffff;
	_ =	sdelay $0x2  }
0x137: {  	v0 =	vmul.f32 v2, v4;
	_ =	sdelay $0x1  }
0x138: {  	v0 =	vmul.f32 v1, v0  }
0x139: {  	s18 =	spop @!p0 (v2sf)  }
0x13a: {  	s18 =	sand.u32 @!p0 $0xFFFFF80, s18;
	(xrf2) =	vadd.scan.msk.f32 $0xffff, v0  }
0x13b: {  	s19 =	simm.s32 @!p0 $0x2000;
	s18 =	sadd.s32 @!p0 s1, s18  }
0x13c: {  	[tilespmem:s19], [sflag:$0x2] =	stream.strided.gather @!p0 [hbm4b:s18+s8], $0x800, s3, s8, $0x38;
	[tilespmem:$0x18880] =	vst v63  }
0x13d: {  	s18 =	spop @!p0 (v2sf)  }
0x13e: {  	s18 =	sand.u32 @!p0 $0xFFFFF80, s18  }
0x13f: {  	s19 =	simm.s32 @!p0 $0x2800;
	s18 =	sadd.s32 @!p0 s2, s18  }
0x140: {  	[tilespmem:s19], [sflag:$0x2] =	stream.strided.gather @!p0 [hbm4b:s18+s8], $0x800, s3, s8, $0x38;
	[tilespmem:$0x18880] =	vst v63  }
0x141: {  	s18 =	spop @!p0 (v2sf)  }
0x142: {  	s18 =	sand.u32 @!p0 $0xFFFFF80, s18  }
0x143: {  	s19 =	simm.s32 @!p0 $0x3000;
	s18 =	sadd.s32 @!p0 s4, s18  }
0x144: {  	[tilespmem:s19], [sflag:$0x2] =	stream.strided.gather @!p0 [hbm4b:s18+s8], $0x800, s3, s8, $0x38;
	v57, _, _ =	vpop (xrf2);
	[tilespmem:$0x18880] =	vst v63  }
0x145: {  	_ =	swait.ge [sflag:s14], $0x1800  }
0x146: {  	(v2sf) =	vpush v55, $0x2  }
0x147: {  	(v2sf) =	vpush v54, $0x2;
	_ =	sdelay $0x1  }
0x148: {  	(v2sf) =	vpush v53, $0x2;
	_ =	sdelay $0x8  }
0x149: {  	v0 =	vld [tilespmem:$0x1FD50]  }
0x14a: {  	v3 =	vld [tilespmem:$0x1FD60];
	_ =	sdelay $0x1  }
0x14b: {  	v5 =	vld [tilespmem:$0x1FD70];
	s19 =	spop (v2sf)  }
0x14c: {  	(v2sf) =	vpush @!p0 v50, $0x2;
	s18 =	sand.u32 $0x7F, s19;
	s19 =	spop (v2sf)  }
0x14d: {  	v0 =	vor.u32 s18, v0;
	s19 =	sand.u32 $0x7F, s19  }
0x14e: {  	v3 =	vor.u32 s19, v3;
	s19 =	spop (v2sf)  }
0x14f: {  	s18 =	sand.u32 $0x7F, s19  }
0x150: {  	[sflag:s14] =	ssyncset.done $0x0;
	(v2sf) =	vpush @!p0 v51, $0x2;
	v6 =	vor.u32 s18, v5  }
0x151: {  	[sflag:s14] =	ssyncadd.s32 $0xFFFFE800  }
0x152: {  	v7 =	vld.idx.msk [tilespmem:v0+s17+$0x0], $0xffff  }
0x153: {  	v5 =	vld.idx.msk [tilespmem:v3+s17+$0x0], $0xffff  }
0x154: {  	(v2sf) =	vpush @!p0 v52, $0x2  }
0x155: {  	v6 =	vld.idx.msk [tilespmem:v6+s17+$0x0], $0xffff;
	_ =	sdelay $0x2  }
0x156: {  	v0 =	vmul.f32 v5, v7;
	_ =	sdelay $0x1  }
0x157: {  	v0 =	vmul.f32 v6, v0  }
0x158: {  	s18 =	spop @!p0 (v2sf)  }
0x159: {  	s18 =	sand.u32 @!p0 $0xFFFFF80, s18;
	(xrf2) =	vadd.scan.msk.f32 $0xffff, v0  }
0x15a: {  	s19 =	simm.s32 @!p0 $0x3800;
	s18 =	sadd.s32 @!p0 s1, s18  }
0x15b: {  	[tilespmem:s19], [sflag:$0x3] =	stream.strided.gather @!p0 [hbm4b:s18+s8], $0x800, s3, s8, $0x38;
	[tilespmem:$0x18880] =	vst v63  }
0x15c: {  	s18 =	spop @!p0 (v2sf)  }
0x15d: {  	s18 =	sand.u32 @!p0 $0xFFFFF80, s18  }
0x15e: {  	s19 =	simm.s32 @!p0 $0x4000;
	s18 =	sadd.s32 @!p0 s2, s18  }
0x15f: {  	[tilespmem:s19], [sflag:$0x3] =	stream.strided.gather @!p0 [hbm4b:s18+s8], $0x800, s3, s8, $0x38;
	[tilespmem:$0x18880] =	vst v63  }
0x160: {  	s18 =	spop @!p0 (v2sf)  }
0x161: {  	s18 =	sand.u32 @!p0 $0xFFFFF80, s18  }
0x162: {  	s19 =	simm.s32 @!p0 $0x4800;
	s18 =	sadd.s32 @!p0 s4, s18  }
0x163: {  	[tilespmem:s19], [sflag:$0x3] =	stream.strided.gather @!p0 [hbm4b:s18+s8], $0x800, s3, s8, $0x38;
	v59, _, _ =	vpop (xrf2);
	[tilespmem:$0x18880] =	vst v63  }
0x164: {  	_ =	swait.ge [sflag:s15], $0x1800  }
0x165: {  	(v2sf) =	vpush v55, $0x3  }
0x166: {  	(v2sf) =	vpush v54, $0x3;
	_ =	sdelay $0x1  }
0x167: {  	(v2sf) =	vpush v53, $0x3;
	_ =	sdelay $0x8  }
0x168: {  	v0 =	vld [tilespmem:$0x1FD80]  }
0x169: {  	v3 =	vld [tilespmem:$0x1FD90];
	_ =	sdelay $0x1  }
0x16a: {  	v8 =	vld [tilespmem:$0x1FDA0];
	s19 =	spop (v2sf)  }
0x16b: {  	(v2sf) =	vpush @!p0 v50, $0x3;
	s18 =	sand.u32 $0x7F, s19;
	s19 =	spop (v2sf)  }
0x16c: {  	v0 =	vor.u32 s18, v0;
	s19 =	sand.u32 $0x7F, s19  }
0x16d: {  	v3 =	vor.u32 s19, v3;
	s19 =	spop (v2sf)  }
0x16e: {  	s18 =	sand.u32 $0x7F, s19  }
0x16f: {  	[sflag:s15] =	ssyncset.done $0x0;
	(v2sf) =	vpush @!p0 v51, $0x3;
	v8 =	vor.u32 s18, v8  }
0x170: {  	[sflag:s15] =	ssyncadd.s32 $0xFFFFE800  }
0x171: {  	v11 =	vld.idx.msk [tilespmem:v0+s17+$0x0], $0xffff  }
0x172: {  	v9 =	vld.idx.msk [tilespmem:v3+s17+$0x0], $0xffff  }
0x173: {  	(v2sf) =	vpush @!p0 v52, $0x3  }
0x174: {  	v10 =	vld.idx.msk [tilespmem:v8+s17+$0x0], $0xffff;
	_ =	sdelay $0x2  }
0x175: {  	v0 =	vmul.f32 v9, v11;
	_ =	sdelay $0x1  }
0x176: {  	v0 =	vmul.f32 v10, v0  }
0x177: {  	s18 =	spop @!p0 (v2sf)  }
0x178: {  	s18 =	sand.u32 @!p0 $0xFFFFF80, s18;
	(xrf2) =	vadd.scan.msk.f32 $0xffff, v0  }
0x179: {  	s19 =	simm.s32 @!p0 $0x5000;
	s18 =	sadd.s32 @!p0 s1, s18  }
0x17a: {  	[tilespmem:s19], [sflag:$0x4] =	stream.strided.gather @!p0 [hbm4b:s18+s8], $0x800, s3, s8, $0x38;
	[tilespmem:$0x18880] =	vst v63  }
0x17b: {  	s18 =	spop @!p0 (v2sf)  }
0x17c: {  	s18 =	sand.u32 @!p0 $0xFFFFF80, s18  }
0x17d: {  	s19 =	simm.s32 @!p0 $0x5800;
	s18 =	sadd.s32 @!p0 s2, s18  }
0x17e: {  	[tilespmem:s19], [sflag:$0x4] =	stream.strided.gather @!p0 [hbm4b:s18+s8], $0x800, s3, s8, $0x38;
	[tilespmem:$0x18880] =	vst v63  }
0x17f: {  	s18 =	spop @!p0 (v2sf)  }
0x180: {  	s18 =	sand.u32 @!p0 $0xFFFFF80, s18  }
0x181: {  	s19 =	simm.s32 @!p0 $0x6000;
	s18 =	sadd.s32 @!p0 s4, s18  }
0x182: {  	[tilespmem:s19], [sflag:$0x4] =	stream.strided.gather @!p0 [hbm4b:s18+s8], $0x800, s3, s8, $0x38;
	v60, _, _ =	vpop (xrf2);
	[tilespmem:$0x18880] =	vst v63  }
0x183: {  	_ =	swait.ge [sflag:s20], $0x1800  }
0x184: {  	(v2sf) =	vpush v55, $0x4  }
0x185: {  	(v2sf) =	vpush v54, $0x4;
	_ =	sdelay $0x1  }
0x186: {  	(v2sf) =	vpush v53, $0x4;
	_ =	sdelay $0x8  }
0x187: {  	v0 =	vld [tilespmem:$0x1FDB0]  }
0x188: {  	v3 =	vld [tilespmem:$0x1FDC0];
	_ =	sdelay $0x1  }
0x189: {  	v39 =	vld [tilespmem:$0x1FDD0];
	s19 =	spop (v2sf)  }
0x18a: {  	(v2sf) =	vpush @!p0 v50, $0x4;
	s18 =	sand.u32 $0x7F, s19;
	s19 =	spop (v2sf)  }
0x18b: {  	v0 =	vor.u32 s18, v0;
	s19 =	sand.u32 $0x7F, s19  }
0x18c: {  	v3 =	vor.u32 s19, v3;
	s19 =	spop (v2sf)  }
0x18d: {  	s18 =	sand.u32 $0x7F, s19  }
0x18e: {  	[sflag:s20] =	ssyncset.done $0x0;
	(v2sf) =	vpush @!p0 v51, $0x4;
	v8 =	vor.u32 s18, v39  }
0x18f: {  	[sflag:s20] =	ssyncadd.s32 $0xFFFFE800  }
0x190: {  	v15 =	vld.idx.msk [tilespmem:v0+s17+$0x0], $0xffff  }
0x191: {  	v14 =	vld.idx.msk [tilespmem:v3+s17+$0x0], $0xffff  }
0x192: {  	(v2sf) =	vpush @!p0 v52, $0x4  }
0x193: {  	v13 =	vld.idx.msk [tilespmem:v8+s17+$0x0], $0xffff;
	_ =	sdelay $0x2  }
0x194: {  	v0 =	vmul.f32 v14, v15;
	_ =	sdelay $0x1  }
0x195: {  	v0 =	vmul.f32 v13, v0  }
0x196: {  	s18 =	spop @!p0 (v2sf)  }
0x197: {  	s18 =	sand.u32 @!p0 $0xFFFFF80, s18;
	(xrf2) =	vadd.scan.msk.f32 $0xffff, v0  }
0x198: {  	s19 =	simm.s32 @!p0 $0x6800;
	s18 =	sadd.s32 @!p0 s1, s18  }
0x199: {  	[tilespmem:s19], [sflag:$0x5] =	stream.strided.gather @!p0 [hbm4b:s18+s8], $0x800, s3, s8, $0x38;
	[tilespmem:$0x18880] =	vst v63  }
0x19a: {  	s18 =	spop @!p0 (v2sf)  }
0x19b: {  	s18 =	sand.u32 @!p0 $0xFFFFF80, s18  }
0x19c: {  	s19 =	simm.s32 @!p0 $0x7000;
	s18 =	sadd.s32 @!p0 s2, s18  }
0x19d: {  	[tilespmem:s19], [sflag:$0x5] =	stream.strided.gather @!p0 [hbm4b:s18+s8], $0x800, s3, s8, $0x38;
	[tilespmem:$0x18880] =	vst v63  }
0x19e: {  	s18 =	spop @!p0 (v2sf)  }
0x19f: {  	s18 =	sand.u32 @!p0 $0xFFFFF80, s18  }
0x1a0: {  	s19 =	simm.s32 @!p0 $0x7800;
	s18 =	sadd.s32 @!p0 s4, s18  }
0x1a1: {  	[tilespmem:s19], [sflag:$0x5] =	stream.strided.gather @!p0 [hbm4b:s18+s8], $0x800, s3, s8, $0x38;
	v3, _, _ =	vpop (xrf2);
	[tilespmem:$0x18880] =	vst v63  }
0x1a2: {  	_ =	swait.ge [sflag:s21], $0x1800  }
0x1a3: {  	(v2sf) =	vpush v55, $0x5  }
0x1a4: {  	(v2sf) =	vpush v54, $0x5;
	_ =	sdelay $0x1  }
0x1a5: {  	(v2sf) =	vpush v53, $0x5;
	_ =	sdelay $0x8  }
0x1a6: {  	v0 =	vld [tilespmem:$0x1FDE0]  }
0x1a7: {  	v40 =	vld [tilespmem:$0x1FDF0];
	_ =	sdelay $0x1  }
0x1a8: {  	v12 =	vld [tilespmem:$0x1FE00];
	s19 =	spop (v2sf)  }
0x1a9: {  	(v2sf) =	vpush @!p0 v50, $0x5;
	s18 =	sand.u32 $0x7F, s19;
	s19 =	spop (v2sf)  }
0x1aa: {  	v0 =	vor.u32 s18, v0;
	s19 =	sand.u32 $0x7F, s19  }
0x1ab: {  	v8 =	vor.u32 s19, v40;
	s19 =	spop (v2sf)  }
0x1ac: {  	s18 =	sand.u32 $0x7F, s19  }
0x1ad: {  	[sflag:s21] =	ssyncset.done $0x0;
	(v2sf) =	vpush @!p0 v51, $0x5;
	v12 =	vor.u32 s18, v12  }
0x1ae: {  	[sflag:s21] =	ssyncadd.s32 $0xFFFFE800  }
0x1af: {  	v19 =	vld.idx.msk [tilespmem:v0+s17+$0x0], $0xffff  }
0x1b0: {  	v18 =	vld.idx.msk [tilespmem:v8+s17+$0x0], $0xffff  }
0x1b1: {  	(v2sf) =	vpush @!p0 v52, $0x5  }
0x1b2: {  	v17 =	vld.idx.msk [tilespmem:v12+s17+$0x0], $0xffff;
	_ =	sdelay $0x2  }
0x1b3: {  	v0 =	vmul.f32 v18, v19;
	_ =	sdelay $0x1  }
0x1b4: {  	v0 =	vmul.f32 v17, v0  }
0x1b5: {  	s18 =	spop @!p0 (v2sf)  }
0x1b6: {  	s18 =	sand.u32 @!p0 $0xFFFFF80, s18;
	(xrf2) =	vadd.scan.msk.f32 $0xffff, v0  }
0x1b7: {  	s19 =	simm.s32 @!p0 $0x8000;
	s18 =	sadd.s32 @!p0 s1, s18  }
0x1b8: {  	[tilespmem:s19], [sflag:$0x6] =	stream.strided.gather @!p0 [hbm4b:s18+s8], $0x800, s3, s8, $0x38;
	[tilespmem:$0x18880] =	vst v63  }
0x1b9: {  	s18 =	spop @!p0 (v2sf)  }
0x1ba: {  	s18 =	sand.u32 @!p0 $0xFFFFF80, s18  }
0x1bb: {  	s19 =	simm.s32 @!p0 $0x8800;
	s18 =	sadd.s32 @!p0 s2, s18  }
0x1bc: {  	[tilespmem:s19], [sflag:$0x6] =	stream.strided.gather @!p0 [hbm4b:s18+s8], $0x800, s3, s8, $0x38;
	[tilespmem:$0x18880] =	vst v63  }
0x1bd: {  	s18 =	spop @!p0 (v2sf)  }
0x1be: {  	s18 =	sand.u32 @!p0 $0xFFFFF80, s18  }
0x1bf: {  	s19 =	simm.s32 @!p0 $0x9000;
	s18 =	sadd.s32 @!p0 s4, s18  }
0x1c0: {  	[tilespmem:s19], [sflag:$0x6] =	stream.strided.gather @!p0 [hbm4b:s18+s8], $0x800, s3, s8, $0x38;
	v8, _, _ =	vpop (xrf2);
	[tilespmem:$0x18880] =	vst v63  }
0x1c1: {  	_ =	swait.ge [sflag:s22], $0x1800  }
0x1c2: {  	(v2sf) =	vpush v55, $0x6  }
0x1c3: {  	(v2sf) =	vpush v54, $0x6;
	_ =	sdelay $0x1  }
0x1c4: {  	(v2sf) =	vpush v53, $0x6;
	_ =	sdelay $0x8  }
0x1c5: {  	v0 =	vld [tilespmem:$0x1FE10]  }
0x1c6: {  	v41 =	vld [tilespmem:$0x1FE20];
	_ =	sdelay $0x1  }
0x1c7: {  	v16 =	vld [tilespmem:$0x1FE30];
	s19 =	spop (v2sf)  }
0x1c8: {  	(v2sf) =	vpush @!p0 v50, $0x6;
	s18 =	sand.u32 $0x7F, s19;
	s19 =	spop (v2sf)  }
0x1c9: {  	v0 =	vor.u32 s18, v0;
	s19 =	sand.u32 $0x7F, s19  }
0x1ca: {  	v12 =	vor.u32 s19, v41;
	s19 =	spop (v2sf)  }
0x1cb: {  	s18 =	sand.u32 $0x7F, s19  }
0x1cc: {  	[sflag:s22] =	ssyncset.done $0x0;
	(v2sf) =	vpush @!p0 v51, $0x6;
	v16 =	vor.u32 s18, v16  }
0x1cd: {  	[sflag:s22] =	ssyncadd.s32 $0xFFFFE800  }
0x1ce: {  	v23 =	vld.idx.msk [tilespmem:v0+s17+$0x0], $0xffff  }
0x1cf: {  	v21 =	vld.idx.msk [tilespmem:v12+s17+$0x0], $0xffff  }
0x1d0: {  	(v2sf) =	vpush @!p0 v52, $0x6  }
0x1d1: {  	v20 =	vld.idx.msk [tilespmem:v16+s17+$0x0], $0xffff;
	_ =	sdelay $0x2  }
0x1d2: {  	v0 =	vmul.f32 v21, v23;
	_ =	sdelay $0x1  }
0x1d3: {  	v0 =	vmul.f32 v20, v0  }
0x1d4: {  	s18 =	spop @!p0 (v2sf)  }
0x1d5: {  	s18 =	sand.u32 @!p0 $0xFFFFF80, s18;
	(xrf2) =	vadd.scan.msk.f32 $0xffff, v0  }
0x1d6: {  	s19 =	simm.s32 @!p0 $0x9800;
	s18 =	sadd.s32 @!p0 s1, s18  }
0x1d7: {  	[tilespmem:s19], [sflag:$0x7] =	stream.strided.gather @!p0 [hbm4b:s18+s8], $0x800, s3, s8, $0x38;
	[tilespmem:$0x18880] =	vst v63  }
0x1d8: {  	s18 =	spop @!p0 (v2sf)  }
0x1d9: {  	s18 =	sand.u32 @!p0 $0xFFFFF80, s18  }
0x1da: {  	s19 =	simm.s32 @!p0 $0xA000;
	s18 =	sadd.s32 @!p0 s2, s18  }
0x1db: {  	[tilespmem:s19], [sflag:$0x7] =	stream.strided.gather @!p0 [hbm4b:s18+s8], $0x800, s3, s8, $0x38;
	[tilespmem:$0x18880] =	vst v63  }
0x1dc: {  	s18 =	spop @!p0 (v2sf)  }
0x1dd: {  	s18 =	sand.u32 @!p0 $0xFFFFF80, s18  }
0x1de: {  	s19 =	simm.s32 @!p0 $0xA800;
	s18 =	sadd.s32 @!p0 s4, s18  }
0x1df: {  	[tilespmem:s19], [sflag:$0x7] =	stream.strided.gather @!p0 [hbm4b:s18+s8], $0x800, s3, s8, $0x38;
	v12, _, _ =	vpop (xrf2);
	[tilespmem:$0x18880] =	vst v63  }
0x1e0: {  	_ =	swait.ge [sflag:s23], $0x1800  }
0x1e1: {  	(v2sf) =	vpush v55, $0x7  }
0x1e2: {  	(v2sf) =	vpush v54, $0x7;
	_ =	sdelay $0x1  }
0x1e3: {  	(v2sf) =	vpush v53, $0x7;
	_ =	sdelay $0x8  }
0x1e4: {  	v0 =	vld [tilespmem:$0x1FE40]  }
0x1e5: {  	v42 =	vld [tilespmem:$0x1FE50];
	_ =	sdelay $0x1  }
0x1e6: {  	v22 =	vld [tilespmem:$0x1FE60];
	s19 =	spop (v2sf)  }
0x1e7: {  	(v2sf) =	vpush @!p0 v50, $0x7;
	s18 =	sand.u32 $0x7F, s19;
	s19 =	spop (v2sf)  }
0x1e8: {  	v0 =	vor.u32 s18, v0;
	s19 =	sand.u32 $0x7F, s19  }
0x1e9: {  	v16 =	vor.u32 s19, v42;
	s19 =	spop (v2sf)  }
0x1ea: {  	s18 =	sand.u32 $0x7F, s19  }
0x1eb: {  	[sflag:s23] =	ssyncset.done $0x0;
	(v2sf) =	vpush @!p0 v51, $0x7;
	v22 =	vor.u32 s18, v22  }
0x1ec: {  	[sflag:s23] =	ssyncadd.s32 $0xFFFFE800  }
0x1ed: {  	v26 =	vld.idx.msk [tilespmem:v0+s17+$0x0], $0xffff  }
0x1ee: {  	v25 =	vld.idx.msk [tilespmem:v16+s17+$0x0], $0xffff  }
0x1ef: {  	(v2sf) =	vpush @!p0 v52, $0x7  }
0x1f0: {  	v24 =	vld.idx.msk [tilespmem:v22+s17+$0x0], $0xffff;
	_ =	sdelay $0x2  }
0x1f1: {  	v0 =	vmul.f32 v25, v26;
	_ =	sdelay $0x1  }
0x1f2: {  	v0 =	vmul.f32 v24, v0  }
0x1f3: {  	s18 =	spop @!p0 (v2sf)  }
0x1f4: {  	s18 =	sand.u32 @!p0 $0xFFFFF80, s18;
	(xrf2) =	vadd.scan.msk.f32 $0xffff, v0  }
0x1f5: {  	s19 =	simm.s32 @!p0 $0xB000;
	s18 =	sadd.s32 @!p0 s1, s18  }
0x1f6: {  	[tilespmem:s19], [sflag:$0x8] =	stream.strided.gather @!p0 [hbm4b:s18+s8], $0x800, s3, s8, $0x38;
	[tilespmem:$0x18880] =	vst v63  }
0x1f7: {  	s18 =	spop @!p0 (v2sf)  }
0x1f8: {  	s18 =	sand.u32 @!p0 $0xFFFFF80, s18  }
0x1f9: {  	s19 =	simm.s32 @!p0 $0xB800;
	s18 =	sadd.s32 @!p0 s2, s18  }
0x1fa: {  	[tilespmem:s19], [sflag:$0x8] =	stream.strided.gather @!p0 [hbm4b:s18+s8], $0x800, s3, s8, $0x38;
	[tilespmem:$0x18880] =	vst v63  }
0x1fb: {  	s18 =	spop @!p0 (v2sf)  }
0x1fc: {  	s18 =	sand.u32 @!p0 $0xFFFFF80, s18  }
0x1fd: {  	s19 =	simm.s32 @!p0 $0xC000;
	s18 =	sadd.s32 @!p0 s4, s18  }
0x1fe: {  	[tilespmem:s19], [sflag:$0x8] =	stream.strided.gather @!p0 [hbm4b:s18+s8], $0x800, s3, s8, $0x38;
	v16, _, _ =	vpop (xrf2);
	[tilespmem:$0x18880] =	vst v63  }
0x1ff: {  	_ =	swait.ge [sflag:s24], $0x1800  }
0x200: {  	(v2sf) =	vpush v55, $0x8  }
0x201: {  	(v2sf) =	vpush v54, $0x8;
	_ =	sdelay $0x1  }
0x202: {  	(v2sf) =	vpush v53, $0x8;
	_ =	sdelay $0x8  }
0x203: {  	v0 =	vld [tilespmem:$0x1FE70]  }
0x204: {  	v43 =	vld [tilespmem:$0x1FE80];
	_ =	sdelay $0x1  }
0x205: {  	v27 =	vld [tilespmem:$0x1FE90];
	s19 =	spop (v2sf)  }
0x206: {  	(v2sf) =	vpush @!p0 v50, $0x8;
	s18 =	sand.u32 $0x7F, s19;
	s19 =	spop (v2sf)  }
0x207: {  	v0 =	vor.u32 s18, v0;
	s19 =	sand.u32 $0x7F, s19  }
0x208: {  	v22 =	vor.u32 s19, v43;
	s19 =	spop (v2sf)  }
0x209: {  	s18 =	sand.u32 $0x7F, s19  }
0x20a: {  	[sflag:s24] =	ssyncset.done $0x0;
	(v2sf) =	vpush @!p0 v51, $0x8;
	v27 =	vor.u32 s18, v27  }
0x20b: {  	[sflag:s24] =	ssyncadd.s32 $0xFFFFE800  }
0x20c: {  	v30 =	vld.idx.msk [tilespmem:v0+s17+$0x0], $0xffff  }
0x20d: {  	v29 =	vld.idx.msk [tilespmem:v22+s17+$0x0], $0xffff  }
0x20e: {  	(v2sf) =	vpush @!p0 v52, $0x8  }
0x20f: {  	v28 =	vld.idx.msk [tilespmem:v27+s17+$0x0], $0xffff;
	_ =	sdelay $0x2  }
0x210: {  	v0 =	vmul.f32 v29, v30;
	_ =	sdelay $0x1  }
0x211: {  	v0 =	vmul.f32 v28, v0  }
0x212: {  	s18 =	spop @!p0 (v2sf)  }
0x213: {  	s18 =	sand.u32 @!p0 $0xFFFFF80, s18;
	(xrf2) =	vadd.scan.msk.f32 $0xffff, v0  }
0x214: {  	s19 =	simm.s32 @!p0 $0xC800;
	s18 =	sadd.s32 @!p0 s1, s18  }
0x215: {  	[tilespmem:s19], [sflag:$0x9] =	stream.strided.gather @!p0 [hbm4b:s18+s8], $0x800, s3, s8, $0x38;
	[tilespmem:$0x18880] =	vst v63  }
0x216: {  	s18 =	spop @!p0 (v2sf)  }
0x217: {  	s18 =	sand.u32 @!p0 $0xFFFFF80, s18  }
0x218: {  	s19 =	simm.s32 @!p0 $0xD000;
	s18 =	sadd.s32 @!p0 s2, s18  }
0x219: {  	[tilespmem:s19], [sflag:$0x9] =	stream.strided.gather @!p0 [hbm4b:s18+s8], $0x800, s3, s8, $0x38;
	[tilespmem:$0x18880] =	vst v63  }
0x21a: {  	s18 =	spop @!p0 (v2sf)  }
0x21b: {  	s18 =	sand.u32 @!p0 $0xFFFFF80, s18  }
0x21c: {  	s19 =	simm.s32 @!p0 $0xD800;
	s18 =	sadd.s32 @!p0 s4, s18  }
0x21d: {  	[tilespmem:s19], [sflag:$0x9] =	stream.strided.gather @!p0 [hbm4b:s18+s8], $0x800, s3, s8, $0x38;
	v22, _, _ =	vpop (xrf2);
	[tilespmem:$0x18880] =	vst v63  }
0x21e: {  	_ =	swait.ge [sflag:s25], $0x1800  }
0x21f: {  	(v2sf) =	vpush v55, $0x9  }
0x220: {  	(v2sf) =	vpush v54, $0x9;
	_ =	sdelay $0x1  }
0x221: {  	(v2sf) =	vpush v53, $0x9;
	_ =	sdelay $0x8  }
0x222: {  	v0 =	vld [tilespmem:$0x1FEA0]  }
0x223: {  	v44 =	vld [tilespmem:$0x1FEB0];
	_ =	sdelay $0x1  }
0x224: {  	v31 =	vld [tilespmem:$0x1FEC0];
	s19 =	spop (v2sf)  }
0x225: {  	(v2sf) =	vpush @!p0 v50, $0x9;
	s18 =	sand.u32 $0x7F, s19;
	s19 =	spop (v2sf)  }
0x226: {  	v0 =	vor.u32 s18, v0;
	s19 =	sand.u32 $0x7F, s19  }
0x227: {  	v27 =	vor.u32 s19, v44;
	s19 =	spop (v2sf)  }
0x228: {  	s18 =	sand.u32 $0x7F, s19  }
0x229: {  	[sflag:s25] =	ssyncset.done $0x0;
	(v2sf) =	vpush @!p0 v51, $0x9;
	v31 =	vor.u32 s18, v31  }
0x22a: {  	[sflag:s25] =	ssyncadd.s32 $0xFFFFE800  }
0x22b: {  	v34 =	vld.idx.msk [tilespmem:v0+s17+$0x0], $0xffff  }
0x22c: {  	v32 =	vld.idx.msk [tilespmem:v27+s17+$0x0], $0xffff  }
0x22d: {  	(v2sf) =	vpush @!p0 v52, $0x9  }
0x22e: {  	v33 =	vld.idx.msk [tilespmem:v31+s17+$0x0], $0xffff;
	_ =	sdelay $0x2  }
0x22f: {  	v0 =	vmul.f32 v32, v34;
	_ =	sdelay $0x1  }
0x230: {  	v0 =	vmul.f32 v33, v0  }
0x231: {  	s18 =	spop @!p0 (v2sf)  }
0x232: {  	s18 =	sand.u32 @!p0 $0xFFFFF80, s18;
	(xrf2) =	vadd.scan.msk.f32 $0xffff, v0  }
0x233: {  	s19 =	simm.s32 @!p0 $0xE000;
	s18 =	sadd.s32 @!p0 s1, s18  }
0x234: {  	[tilespmem:s19], [sflag:$0xA] =	stream.strided.gather @!p0 [hbm4b:s18+s8], $0x800, s3, s8, $0x38;
	[tilespmem:$0x18880] =	vst v63  }
0x235: {  	s18 =	spop @!p0 (v2sf)  }
0x236: {  	s18 =	sand.u32 @!p0 $0xFFFFF80, s18  }
0x237: {  	s19 =	simm.s32 @!p0 $0xE800;
	s18 =	sadd.s32 @!p0 s2, s18  }
0x238: {  	[tilespmem:s19], [sflag:$0xA] =	stream.strided.gather @!p0 [hbm4b:s18+s8], $0x800, s3, s8, $0x38;
	[tilespmem:$0x18880] =	vst v63  }
0x239: {  	s18 =	spop @!p0 (v2sf)  }
0x23a: {  	s18 =	sand.u32 @!p0 $0xFFFFF80, s18  }
0x23b: {  	s19 =	simm.s32 @!p0 $0xF000;
	s18 =	sadd.s32 @!p0 s4, s18  }
0x23c: {  	[tilespmem:s19], [sflag:$0xA] =	stream.strided.gather @!p0 [hbm4b:s18+s8], $0x800, s3, s8, $0x38;
	v27, _, _ =	vpop (xrf2);
	[tilespmem:$0x18880] =	vst v63  }
0x23d: {  	_ =	swait.ge [sflag:s26], $0x1800  }
0x23e: {  	(v2sf) =	vpush v55, $0xA  }
0x23f: {  	(v2sf) =	vpush v54, $0xA;
	_ =	sdelay $0x1  }
0x240: {  	(v2sf) =	vpush v53, $0xA;
	_ =	sdelay $0x8  }
0x241: {  	v0 =	vld [tilespmem:$0x1FED0]  }
0x242: {  	v45 =	vld [tilespmem:$0x1FEE0];
	_ =	sdelay $0x1  }
0x243: {  	v35 =	vld [tilespmem:$0x1FEF0];
	s19 =	spop (v2sf)  }
0x244: {  	(v2sf) =	vpush @!p0 v50, $0xA;
	s18 =	sand.u32 $0x7F, s19;
	s19 =	spop (v2sf)  }
0x245: {  	v0 =	vor.u32 s18, v0;
	s19 =	sand.u32 $0x7F, s19  }
0x246: {  	v31 =	vor.u32 s19, v45;
	s19 =	spop (v2sf)  }
0x247: {  	s18 =	sand.u32 $0x7F, s19  }
0x248: {  	[sflag:s26] =	ssyncset.done $0x0;
	(v2sf) =	vpush @!p0 v51, $0xA;
	v35 =	vor.u32 s18, v35  }
0x249: {  	[sflag:s26] =	ssyncadd.s32 $0xFFFFE800  }
0x24a: {  	v38 =	vld.idx.msk [tilespmem:v0+s17+$0x0], $0xffff  }
0x24b: {  	v36 =	vld.idx.msk [tilespmem:v31+s17+$0x0], $0xffff  }
0x24c: {  	(v2sf) =	vpush @!p0 v52, $0xA  }
0x24d: {  	v37 =	vld.idx.msk [tilespmem:v35+s17+$0x0], $0xffff;
	_ =	sdelay $0x2  }
0x24e: {  	v0 =	vmul.f32 v36, v38;
	_ =	sdelay $0x1  }
0x24f: {  	v0 =	vmul.f32 v37, v0  }
0x250: {  	s18 =	spop @!p0 (v2sf)  }
0x251: {  	s18 =	sand.u32 @!p0 $0xFFFFF80, s18;
	(xrf2) =	vadd.scan.msk.f32 $0xffff, v0  }
0x252: {  	s19 =	simm.s32 @!p0 $0xF800;
	s18 =	sadd.s32 @!p0 s1, s18  }
0x253: {  	[tilespmem:s19], [sflag:$0xB] =	stream.strided.gather @!p0 [hbm4b:s18+s8], $0x800, s3, s8, $0x38;
	[tilespmem:$0x18880] =	vst v63  }
0x254: {  	s18 =	spop @!p0 (v2sf)  }
0x255: {  	s18 =	sand.u32 @!p0 $0xFFFFF80, s18  }
0x256: {  	s19 =	simm.s32 @!p0 $0x10000;
	s18 =	sadd.s32 @!p0 s2, s18  }
0x257: {  	[tilespmem:s19], [sflag:$0xB] =	stream.strided.gather @!p0 [hbm4b:s18+s8], $0x800, s3, s8, $0x38;
	[tilespmem:$0x18880] =	vst v63  }
0x258: {  	s18 =	spop @!p0 (v2sf)  }
0x259: {  	s18 =	sand.u32 @!p0 $0xFFFFF80, s18  }
0x25a: {  	s19 =	simm.s32 @!p0 $0x10800;
	s18 =	sadd.s32 @!p0 s4, s18  }
0x25b: {  	[tilespmem:s19], [sflag:$0xB] =	stream.strided.gather @!p0 [hbm4b:s18+s8], $0x800, s3, s8, $0x38;
	v31, _, _ =	vpop (xrf2);
	[tilespmem:$0x18880] =	vst v63  }
0x25c: {  	_ =	swait.ge [sflag:s28], $0x1800  }
0x25d: {  	(v2sf) =	vpush v55, $0xB  }
0x25e: {  	(v2sf) =	vpush v54, $0xB;
	_ =	sdelay $0x1  }
0x25f: {  	(v2sf) =	vpush v53, $0xB;
	_ =	sdelay $0x8  }
0x260: {  	v0 =	vld [tilespmem:$0x1FF00]  }
0x261: {  	v46 =	vld [tilespmem:$0x1FF10];
	_ =	sdelay $0x1  }
0x262: {  	v39 =	vld [tilespmem:$0x1FF20];
	s19 =	spop (v2sf)  }
0x263: {  	(v2sf) =	vpush @!p0 v50, $0xB;
	s18 =	sand.u32 $0x7F, s19;
	s19 =	spop (v2sf)  }
0x264: {  	v0 =	vor.u32 s18, v0;
	s19 =	sand.u32 $0x7F, s19  }
0x265: {  	v35 =	vor.u32 s19, v46;
	s19 =	spop (v2sf)  }
0x266: {  	s18 =	sand.u32 $0x7F, s19  }
0x267: {  	[sflag:s28] =	ssyncset.done $0x0;
	(v2sf) =	vpush @!p0 v51, $0xB;
	v39 =	vor.u32 s18, v39  }
0x268: {  	[sflag:s28] =	ssyncadd.s32 $0xFFFFE800  }
0x269: {  	v41 =	vld.idx.msk [tilespmem:v0+s17+$0x0], $0xffff  }
0x26a: {  	v40 =	vld.idx.msk [tilespmem:v35+s17+$0x0], $0xffff  }
0x26b: {  	(v2sf) =	vpush @!p0 v52, $0xB  }
0x26c: {  	v0 =	vld.idx.msk [tilespmem:v39+s17+$0x0], $0xffff;
	_ =	sdelay $0x2  }
0x26d: {  	v35 =	vmul.f32 v40, v41;
	_ =	sdelay $0x1  }
0x26e: {  	v35 =	vmul.f32 v0, v35  }
0x26f: {  	s18 =	spop @!p0 (v2sf)  }
0x270: {  	s18 =	sand.u32 @!p0 $0xFFFFF80, s18;
	(xrf2) =	vadd.scan.msk.f32 $0xffff, v35  }
0x271: {  	s19 =	simm.s32 @!p0 $0x11000;
	s18 =	sadd.s32 @!p0 s1, s18  }
0x272: {  	[tilespmem:s19], [sflag:$0xC] =	stream.strided.gather @!p0 [hbm4b:s18+s8], $0x800, s3, s8, $0x38;
	[tilespmem:$0x18880] =	vst v63  }
0x273: {  	s18 =	spop @!p0 (v2sf)  }
0x274: {  	s18 =	sand.u32 @!p0 $0xFFFFF80, s18  }
0x275: {  	s19 =	simm.s32 @!p0 $0x11800;
	s18 =	sadd.s32 @!p0 s2, s18  }
0x276: {  	[tilespmem:s19], [sflag:$0xC] =	stream.strided.gather @!p0 [hbm4b:s18+s8], $0x800, s3, s8, $0x38;
	[tilespmem:$0x18880] =	vst v63  }
0x277: {  	s18 =	spop @!p0 (v2sf)  }
0x278: {  	s18 =	sand.u32 @!p0 $0xFFFFF80, s18  }
0x279: {  	s19 =	simm.s32 @!p0 $0x12000;
	s18 =	sadd.s32 @!p0 s4, s18  }
0x27a: {  	[tilespmem:s19], [sflag:$0xC] =	stream.strided.gather @!p0 [hbm4b:s18+s8], $0x800, s3, s8, $0x38;
	v35, _, _ =	vpop (xrf2);
	[tilespmem:$0x18880] =	vst v63  }
0x27b: {  	_ =	swait.ge [sflag:s29], $0x1800  }
0x27c: {  	(v2sf) =	vpush v55, $0xC  }
0x27d: {  	(v2sf) =	vpush v54, $0xC;
	_ =	sdelay $0x1  }
0x27e: {  	(v2sf) =	vpush v53, $0xC;
	_ =	sdelay $0x8  }
0x27f: {  	v47 =	vld [tilespmem:$0x1FF30]  }
0x280: {  	v42 =	vld [tilespmem:$0x1FF40];
	_ =	sdelay $0x1  }
0x281: {  	v43 =	vld [tilespmem:$0x1FF50];
	s19 =	spop (v2sf)  }
0x282: {  	(v2sf) =	vpush @!p0 v50, $0xC;
	s18 =	sand.u32 $0x7F, s19;
	s19 =	spop (v2sf)  }
0x283: {  	v39 =	vor.u32 s18, v47;
	s19 =	sand.u32 $0x7F, s19  }
0x284: {  	v42 =	vor.u32 s19, v42;
	s19 =	spop (v2sf)  }
0x285: {  	s18 =	sand.u32 $0x7F, s19  }
0x286: {  	[sflag:s29] =	ssyncset.done $0x0;
	(v2sf) =	vpush @!p0 v51, $0xC;
	v45 =	vor.u32 s18, v43  }
0x287: {  	[sflag:s29] =	ssyncadd.s32 $0xFFFFE800  }
0x288: {  	v44 =	vld.idx.msk [tilespmem:v39+s17+$0x0], $0xffff  }
0x289: {  	v43 =	vld.idx.msk [tilespmem:v42+s17+$0x0], $0xffff  }
0x28a: {  	(v2sf) =	vpush @!p0 v52, $0xC  }
0x28b: {  	v42 =	vld.idx.msk [tilespmem:v45+s17+$0x0], $0xffff;
	_ =	sdelay $0x2  }
0x28c: {  	v39 =	vmul.f32 v43, v44;
	_ =	sdelay $0x1  }
0x28d: {  	v39 =	vmul.f32 v42, v39  }
0x28e: {  	s18 =	spop @!p0 (v2sf)  }
0x28f: {  	s18 =	sand.u32 @!p0 $0xFFFFF80, s18;
	(xrf2) =	vadd.scan.msk.f32 $0xffff, v39  }
0x290: {  	s19 =	simm.s32 @!p0 $0x12800;
	s18 =	sadd.s32 @!p0 s1, s18  }
0x291: {  	[tilespmem:s19], [sflag:$0xD] =	stream.strided.gather @!p0 [hbm4b:s18+s8], $0x800, s3, s8, $0x38;
	[tilespmem:$0x18880] =	vst v63  }
0x292: {  	s18 =	spop @!p0 (v2sf)  }
0x293: {  	s18 =	sand.u32 @!p0 $0xFFFFF80, s18  }
0x294: {  	s19 =	simm.s32 @!p0 $0x13000;
	s18 =	sadd.s32 @!p0 s2, s18  }
0x295: {  	[tilespmem:s19], [sflag:$0xD] =	stream.strided.gather @!p0 [hbm4b:s18+s8], $0x800, s3, s8, $0x38;
	[tilespmem:$0x18880] =	vst v63  }
0x296: {  	s18 =	spop @!p0 (v2sf)  }
0x297: {  	s18 =	sand.u32 @!p0 $0xFFFFF80, s18  }
0x298: {  	s19 =	simm.s32 @!p0 $0x13800;
	s18 =	sadd.s32 @!p0 s4, s18  }
0x299: {  	[tilespmem:s19], [sflag:$0xD] =	stream.strided.gather @!p0 [hbm4b:s18+s8], $0x800, s3, s8, $0x38;
	v39, _, _ =	vpop (xrf2);
	[tilespmem:$0x18880] =	vst v63  }
0x29a: {  	_ =	swait.ge [sflag:s30], $0x1800  }
0x29b: {  	(v2sf) =	vpush v55, $0xD  }
0x29c: {  	(v2sf) =	vpush v54, $0xD;
	_ =	sdelay $0x1  }
0x29d: {  	(v2sf) =	vpush v53, $0xD;
	_ =	sdelay $0x8  }
0x29e: {  	v49 =	vld [tilespmem:$0x1FF60]  }
0x29f: {  	v46 =	vld [tilespmem:$0x1FF70];
	_ =	sdelay $0x1  }
0x2a0: {  	v47 =	vld [tilespmem:$0x1FF80];
	s19 =	spop (v2sf)  }
0x2a1: {  	(v2sf) =	vpush @!p0 v50, $0xD;
	s18 =	sand.u32 $0x7F, s19;
	s19 =	spop (v2sf)  }
0x2a2: {  	v45 =	vor.u32 s18, v49;
	s19 =	sand.u32 $0x7F, s19  }
0x2a3: {  	v46 =	vor.u32 s19, v46;
	s19 =	spop (v2sf)  }
0x2a4: {  	s18 =	sand.u32 $0x7F, s19  }
0x2a5: {  	[sflag:s30] =	ssyncset.done $0x0;
	(v2sf) =	vpush @!p0 v51, $0xD;
	v49 =	vor.u32 s18, v47  }
0x2a6: {  	[sflag:s30] =	ssyncadd.s32 $0xFFFFE800  }
0x2a7: {  	v47 =	vld.idx.msk [tilespmem:v45+s17+$0x0], $0xffff  }
0x2a8: {  	v46 =	vld.idx.msk [tilespmem:v46+s17+$0x0], $0xffff  }
0x2a9: {  	(v2sf) =	vpush @!p0 v52, $0xD  }
0x2aa: {  	v45 =	vld.idx.msk [tilespmem:v49+s17+$0x0], $0xffff;
	_ =	sdelay $0x2  }
0x2ab: {  	v49 =	vmul.f32 v46, v47;
	_ =	sdelay $0x1  }
0x2ac: {  	v49 =	vmul.f32 v45, v49  }
0x2ad: {  	v63 =	vmul.f32 v63, v63;
	s18 =	spop @!p0 (v2sf)  }
0x2ae: {  	s18 =	sand.u32 @!p0 $0xFFFFF80, s18;
	(xrf2) =	vadd.scan.msk.f32 $0xffff, v49  }
0x2af: {  	s19 =	simm.s32 @!p0 $0x14000;
	s18 =	sadd.s32 @!p0 s1, s18;
	v49 =	vadd.f32 v63, v58;
	v63 =	vmul.f32 v62, v62  }
0x2b0: {  	[tilespmem:s19], [sflag:$0xE] =	stream.strided.gather @!p0 [hbm4b:s18+s8], $0x800, s3, s8, $0x38;
	[tilespmem:$0x18880] =	vst v63  }
0x2b1: {  	v61 =	vmul.f32 v61, v61;
	s18 =	spop @!p0 (v2sf);
	v49 =	vadd.f32 v63, v49  }
0x2b2: {  	s18 =	sand.u32 @!p0 $0xFFFFF80, s18  }
0x2b3: {  	v62 =	vmul.f32 v4, v4;
	s19 =	simm.s32 @!p0 $0x14800;
	s18 =	sadd.s32 @!p0 s2, s18;
	v49 =	vadd.f32 v61, v49  }
0x2b4: {  	[tilespmem:s19], [sflag:$0xE] =	stream.strided.gather @!p0 [hbm4b:s18+s8], $0x800, s3, s8, $0x38;
	[tilespmem:$0x18880] =	vst v63  }
0x2b5: {  	v2 =	vmul.f32 v2, v2;
	s18 =	spop @!p0 (v2sf);
	v49 =	vadd.f32 v62, v49  }
0x2b6: {  	s18 =	sand.u32 @!p0 $0xFFFFF80, s18  }
0x2b7: {  	v1 =	vmul.f32 v1, v1;
	s19 =	simm.s32 @!p0 $0x15000;
	s18 =	sadd.s32 @!p0 s4, s18;
	v2 =	vadd.f32 v2, v49  }
0x2b8: {  	[tilespmem:s19], [sflag:$0xE] =	stream.strided.gather @!p0 [hbm4b:s18+s8], $0x800, s3, s8, $0x38;
	v63, _, _ =	vpop (xrf2);
	[tilespmem:$0x18880] =	vst v63  }
0x2b9: {  	v1 =	vadd.f32 v1, v2;
	v2 =	vmul.f32 v7, v7;
	_ =	swait.ge [sflag:s31], $0x1800  }
0x2ba: {  	(v2sf) =	vpush v55, $0xE  }
0x2bb: {  	v1 =	vadd.f32 v2, v1;
	v2 =	vmul.f32 v5, v5;
	(v2sf) =	vpush v54, $0xE;
	_ =	sdelay $0x1  }
0x2bc: {  	(v2sf) =	vpush v53, $0xE;
	v1 =	vadd.f32 v2, v1;
	v2 =	vmul.f32 v6, v6;
	_ =	sdelay $0x1  }
0x2bd: {  	v1 =	vadd.f32 v2, v1;
	v2 =	vmul.f32 v11, v11;
	_ =	sdelay $0x1  }
0x2be: {  	v1 =	vadd.f32 v2, v1;
	v2 =	vmul.f32 v9, v9;
	_ =	sdelay $0x1  }
0x2bf: {  	v1 =	vadd.f32 v2, v1;
	v2 =	vmul.f32 v10, v10;
	_ =	sdelay $0x1  }
0x2c0: {  	v1 =	vadd.f32 v2, v1;
	v2 =	vmul.f32 v15, v15  }
0x2c1: {  	v11 =	vld [tilespmem:$0x1FF90]  }
0x2c2: {  	v1 =	vadd.f32 v2, v1;
	v2 =	vmul.f32 v14, v14;
	v14 =	vld [tilespmem:$0x1FFA0];
	_ =	sdelay $0x1  }
0x2c3: {  	v15 =	vld [tilespmem:$0x1FFB0];
	v1 =	vadd.f32 v2, v1;
	v2 =	vmul.f32 v13, v13;
	s19 =	spop (v2sf)  }
0x2c4: {  	(v2sf) =	vpush @!p0 v50, $0xE;
	s18 =	sand.u32 $0x7F, s19;
	s19 =	spop (v2sf)  }
0x2c5: {  	v1 =	vadd.f32 v2, v1;
	v2 =	vmul.f32 v19, v19;
	v5 =	vor.u32 s18, v11;
	s19 =	sand.u32 $0x7F, s19  }
0x2c6: {  	v6 =	vor.u32 s19, v14;
	s19 =	spop (v2sf)  }
0x2c7: {  	v1 =	vadd.f32 v2, v1;
	v2 =	vmul.f32 v18, v18;
	s18 =	sand.u32 $0x7F, s19  }
0x2c8: {  	[sflag:s31] =	ssyncset.done $0x0;
	(v2sf) =	vpush @!p0 v51, $0xE;
	v7 =	vor.u32 s18, v15  }
0x2c9: {  	[sflag:s31] =	ssyncadd.s32 $0xFFFFE800;
	v1 =	vadd.f32 v2, v1;
	v2 =	vmul.f32 v17, v17  }
0x2ca: {  	v5 =	vld.idx.msk [tilespmem:v5+s17+$0x0], $0xffff  }
0x2cb: {  	v1 =	vadd.f32 v2, v1;
	v2 =	vmul.f32 v23, v23;
	v6 =	vld.idx.msk [tilespmem:v6+s17+$0x0], $0xffff  }
0x2cc: {  	(v2sf) =	vpush @!p0 v52, $0xE  }
0x2cd: {  	v1 =	vadd.f32 v2, v1;
	v2 =	vmul.f32 v21, v21;
	v7 =	vld.idx.msk [tilespmem:v7+s17+$0x0], $0xffff;
	_ =	sdelay $0x1  }
0x2ce: {  	v1 =	vadd.f32 v2, v1;
	v2 =	vmul.f32 v20, v20  }
0x2cf: {  	v23 =	vmul.f32 v6, v5  }
0x2d0: {  	v1 =	vadd.f32 v2, v1;
	v2 =	vmul.f32 v26, v26  }
0x2d1: {  	v9 =	vmul.f32 v7, v23  }
0x2d2: {  	s18 =	spop @!p0 (v2sf);
	v1 =	vadd.f32 v2, v1;
	v2 =	vmul.f32 v25, v25  }
0x2d3: {  	s18 =	sand.u32 @!p0 $0xFFFFF80, s18;
	(xrf2) =	vadd.scan.msk.f32 $0xffff, v9  }
0x2d4: {  	s19 =	simm.s32 @!p0 $0x15800;
	s18 =	sadd.s32 @!p0 s1, s18;
	v1 =	vadd.f32 v2, v1;
	v2 =	vmul.f32 v24, v24  }
0x2d5: {  	[tilespmem:s19], [sflag:$0xF] =	stream.strided.gather @!p0 [hbm4b:s18+s8], $0x800, s3, s8, $0x38;
	[tilespmem:$0x18880] =	vst v63  }
0x2d6: {  	s18 =	spop @!p0 (v2sf);
	v1 =	vadd.f32 v2, v1;
	v2 =	vmul.f32 v30, v30  }
0x2d7: {  	s18 =	sand.u32 @!p0 $0xFFFFF80, s18  }
0x2d8: {  	s19 =	simm.s32 @!p0 $0x16000;
	s18 =	sadd.s32 @!p0 s2, s18;
	v1 =	vadd.f32 v2, v1;
	v2 =	vmul.f32 v29, v29  }
0x2d9: {  	[tilespmem:s19], [sflag:$0xF] =	stream.strided.gather @!p0 [hbm4b:s18+s8], $0x800, s3, s8, $0x38;
	[tilespmem:$0x18880] =	vst v63  }
0x2da: {  	s18 =	spop @!p0 (v2sf);
	v1 =	vadd.f32 v2, v1;
	v2 =	vmul.f32 v28, v28  }
0x2db: {  	s18 =	sand.u32 @!p0 $0xFFFFF80, s18  }
0x2dc: {  	s19 =	simm.s32 @!p0 $0x16800;
	s18 =	sadd.s32 @!p0 s4, s18;
	v1 =	vadd.f32 v2, v1;
	v2 =	vmul.f32 v34, v34  }
0x2dd: {  	[tilespmem:s19], [sflag:$0xF] =	stream.strided.gather @!p0 [hbm4b:s18+s8], $0x800, s3, s8, $0x38;
	v9, _, _ =	vpop (xrf2);
	[tilespmem:$0x18880] =	vst v63  }
0x2de: {  	v1 =	vadd.f32 v2, v1;
	v2 =	vmul.f32 v32, v32;
	_ =	swait.ge [sflag:s0], $0x1800  }
0x2df: {  	(v2sf) =	vpush v55, $0xF  }
0x2e0: {  	v1 =	vadd.f32 v2, v1;
	v2 =	vmul.f32 v33, v33;
	(v2sf) =	vpush v54, $0xF;
	_ =	sdelay $0x1  }
0x2e1: {  	(v2sf) =	vpush v53, $0xF;
	v1 =	vadd.f32 v2, v1;
	v2 =	vmul.f32 v38, v38;
	_ =	sdelay $0x1  }
0x2e2: {  	v1 =	vadd.f32 v2, v1;
	v2 =	vmul.f32 v36, v36;
	_ =	sdelay $0x1  }
0x2e3: {  	v1 =	vadd.f32 v2, v1;
	v2 =	vmul.f32 v37, v37;
	_ =	sdelay $0x1  }
0x2e4: {  	v1 =	vadd.f32 v2, v1;
	v2 =	vmul.f32 v41, v41;
	_ =	sdelay $0x1  }
0x2e5: {  	v1 =	vadd.f32 v2, v1;
	v2 =	vmul.f32 v40, v40  }
0x2e6: {  	v38 =	vld [tilespmem:$0x1FFC0]  }
0x2e7: {  	v1 =	vadd.f32 v2, v1;
	v2 =	vld [tilespmem:$0x1FFD0];
	_ =	sdelay $0x1  }
0x2e8: {  	v40 =	vld [tilespmem:$0x1FFF0];
	s18 =	spop (v2sf)  }
0x2e9: {  	v0 =	vmul.f32 v0, v0;
	v41 =	vld [tilespmem:$0x1FCF0];
	s19 =	spop (v2sf);
	s3 =	sand.u32 $0x7F, s18  }
0x2ea: {  	v10 =	vor.u32 s3, v38;
	s18 =	sand.u32 $0x7F, s19  }
0x2eb: {  	v0 =	vadd.f32 v0, v1;
	v1 =	vmul.f32 v44, v44;
	s19 =	spop (v2sf);
	v2 =	vor.u32 s18, v2  }
0x2ec: {  	s3 =	sand.u32 $0x7F, s19  }
0x2ed: {  	[sflag:s0] =	ssyncset.done $0x0;
	v0 =	vadd.f32 v1, v0;
	v1 =	vmul.f32 v43, v43;
	v11 =	vor.u32 s3, v40  }
0x2ee: {  	[sflag:s0] =	ssyncadd.s32 $0xFFFFE800;
	v13 =	vbroadcast v41, $0xF  }
0x2ef: {  	v43 =	vmul.f32 v42, v42;
	v0 =	vadd.f32 v1, v0;
	v1 =	vbroadcast v57, $0xF;
	v10 =	vld.idx.msk [tilespmem:v10+s17+$0x0], $0xffff  }
0x2f0: {  	v47 =	vmul.f32 v47, v47;
	v44 =	vbroadcast v59, $0xF;
	v2 =	vld.idx.msk [tilespmem:v2+s17+$0x0], $0xffff  }
0x2f1: {  	v49 =	vbroadcast v60, $0xF;
	v1 =	vsel vm0, v1, v13;
	v0 =	vadd.f32 v43, v0  }
0x2f2: {  	v3 =	vbroadcast v3, $0xF;
	v1 =	vsel vm1, v44, v1;
	v11 =	vld.idx.msk [tilespmem:v11+s17+$0x0], $0xffff  }
0x2f3: {  	v53 =	vmul.f32 v46, v46;
	v0 =	vadd.f32 v47, v0;
	v1 =	vsel vm2, v49, v1  }
0x2f4: {  	v8 =	vbroadcast v8, $0xF;
	v1 =	vsel vm3, v3, v1  }
0x2f5: {  	v3 =	vmul.f32 v45, v45;
	v0 =	vadd.f32 v53, v0;
	v54 =	vmul.f32 v2, v10  }
0x2f6: {  	v5 =	vmul.f32 v5, v5;
	v55 =	vbroadcast v12, $0xF;
	v1 =	vsel vm4, v8, v1  }
0x2f7: {  	v0 =	vadd.f32 v3, v0;
	v3 =	vbroadcast v16, $0xF;
	v57 =	vmul.f32 v11, v54  }
0x2f8: {  	v58 =	vbroadcast v22, $0xF;
	v1 =	vsel vm5, v55, v1  }
0x2f9: {  	v1 =	vsel vm6, v3, v1;
	v0 =	vadd.f32 v5, v0;
	v3 =	vmul.f32 v6, v6;
	(xrf2) =	vadd.scan.msk.f32 $0xffff, v57  }
0x2fa: {  	v59 =	vbroadcast v27, $0xF  }
0x2fb: {  	v1 =	vsel vm7, v58, v1;
	v0 =	vadd.f32 v3, v0;
	v3 =	vbroadcast v31, $0xF  }
0x2fc: {  	v61 =	vbroadcast v35, $0xF;
	v60 =	vmul.f32 v7, v7;
	v1 =	vsel vm8, v59, v1  }
0x2fd: {  	v62 =	vbroadcast v39, $0xF;
	v4 =	vbroadcast v63, $0xF;
	v1 =	vsel vm9, v3, v1  }
0x2fe: {  	v0 =	vadd.f32 v60, v0;
	v3 =	vmul.f32 v10, v10;
	v1 =	vsel vm10, v61, v1  }
0x2ff: {  	p0 =	sne.s32 s11, $0xFFFFFFFF;
	v1 =	vsel vm11, v62, v1  }
.Ltmp2:
0x300: {  	v2 =	vmul.f32 v2, v2;
	v0 =	vadd.f32 v3, v0;
	v1 =	vsel vm12, v4, v1;
	(pc) =	sbr.rel @!p0 .LBB2_3-.Ltmp2, $4  }
0x301: {  	v3 =	vbroadcast v9, $0xF  }
0x302: {  	v63 =	vmul.f32 v11, v11;
	v2 =	vadd.f32 v2, v0  }
0x303: {  	v0 =	vsel vm13, v3, v1;
	v1, _, _ =	vpop (xrf2)  }
0x304: {  	v58 =	vadd.f32 v63, v2;
	v0 =	vsel vm14, v0, v1  }
0x305: {  	(v2sf) =	vpush v50, $0xF;
	_ =	sdelay $0x1  }
0x306: {  	(v2sf) =	vpush v51, $0xF;
	_ =	sdelay $0x5  }
0x307: {  	(v2sf) =	vpush v52, $0xF;
	_ =	sdelay $0x6  }
0x308: {  	s3 =	spop (v2sf)  }
0x309: {  	s3 =	sand.u32 $0xFFFFF80, s3  }
0x30a: {  	s8 =	simm.s32 $0x17000;
	s18 =	spop (v2sf);
	s3 =	sadd.s32 s1, s3  }
0x30b: {  	[tilespmem:s8], [sflag:$0x10] =	stream.strided.gather [hbm4b:s3+s7], $0x800, s16, s7, $0x38;
	[tilespmem:$0x18880] =	vst v63  }
0x30c: {  	s11 =	sadd.s32 $0x1, s11;
	s3 =	sand.u32 $0xFFFFF80, s18  }
0x30d: {  	s19 =	simm.s32 $0x17800;
	p0 =	seq.s32 s11, $0x0;
	s3 =	sadd.s32 s2, s3  }
0x30e: {  	[tilespmem:s19], [sflag:$0x10] =	stream.strided.gather [hbm4b:s3+s7], $0x800, s16, s7, $0x38;
	[tilespmem:$0x18880] =	vst v63  }
.Ltmp3:
0x30f: {  	v0 =	vsub.f32 v0, v56;
	(pc) =	sbr.rel @!p0 .LBB2_2-.Ltmp3, $4  }
.Ltmp4:
0x310: {  	s5 =	sadd.s32 $0x10, s5;
	s18 =	spop (v2sf);
	(pc) =	sbr.rel @p0 .LBB2_5-.Ltmp4, $4  }
0x311: {  	s9 =	sadd.s32 $0x10, s9;
	s6 =	sadd.s32 $0x10, s6;
	v0 =	vmul.f32 v0, v0;
	s3 =	sand.u32 $0xFFFFF80, s18  }
0x312: {  	s10 =	sadd.s32 $0x10, s10;
	s19 =	simm.s32 $0x18000;
	s3 =	sadd.s32 s4, s3  }
0x313: {  	v48 =	vadd.f32 v0, v48;
	[tilespmem:s19], [sflag:$0x10] =	stream.strided.gather [hbm4b:s3+s7], $0x800, s16, s7, $0x38;
	[tilespmem:$0x18880] =	vst v63  }
0x314: {  	_ = 	snop  }
.LBB2_6:
0x315: {  	_ =	sfence.sel $0x180000  }
0x316: {  	[bflag:$0x0] =	sbarrier.arrive $0xFFFF  }
0x317: {  	_ =	strace $0x90000047  }
0x318: {  	s0 =	stileid.u32;
	[bflag:$0x2] =	sbarrier.arrive $0xFFFF  }
0x319: {  	p0 =	sne.s32 s0, $0x0;
	s0 =	rddreg [dreg:$0x8]  }
0x31a: {  	s0 =	sadd.s32 @!p0 $0x100000, s0  }
0x31b: {  	[sflag:s0] =	ssyncadd.tile.s32 @!p0 $0x1;
	_ =	shalt  }
.Lfunc_end2:
_tile_overlayer_lowered:
.L_overlay_start_2:
0x31c: {  	(tag) =	ssettag $0x2  }
0x31d: {  	s0 =	rddreg [dreg:$0x0];
	s2 =	stileid.u32  }
0x31e: {  	s1 =	rddreg [dreg:$0x1];
	p0 =	sne.s32 s2, $0x0  }
0x31f: {  	s3 =	rddreg [dreg:$0x2];
	[bflag:$0x3] =	sbarrier.arrive $0xFFFF;
	s2 =	simm.s32 @!p0 $0x1C11  }
0x320: {  	[timem:s3], [sflag:s2] =	dma.local @!p0 [hbm:s0], s1  }
0x321: {  	s0 =	simm.s32 @!p0 $0x11  }
0x322: {  	_ =	swait.ge @!p0 [sflag:s0], s1  }
0x323: {  	s1 =	ssub.s32 @!p0 $0x0, s1;
	[sflag:s0] =	ssyncset.done @!p0 $0x0  }
0x324: {  	[sflag:s0] =	ssyncadd.s32 @!p0 s1  }
0x325: {  	[bflag:$0x3] =	sbarrier.arrive $0xFFFF  }
0x326: {  	_ =	shalt  }

</sc_bundles>
